<compile_context>
chip_gen: v7x
topology: tpu7x:2x2x1
jax: 0.10.2.dev20260603
libtpu: 0.0.44.dev20260713+nightly
codegen_flags: <defaults>
</compile_context>

<pallas_src>
import functools

import jax
import jax.numpy as jnp
from jax import lax
from jax.experimental import pallas as pl
from jax.experimental.pallas import tpu as pltpu
from jax.experimental.pallas import tpu_sc as plsc

_B, _A, _D = 1024, 60, 5
_FA, _FB, _CONV = 128, 16, 128
_M = 64

_R = _B * _A
_NC, _NS, _L = 2, 16, 16
_NW = _NC * _NS
_RPW = _R // _NW
_CH = 80
_NCH = _RPW // _CH


def _sc_body(atoms_hbm, edges_t_hbm, out_hbm, eidx_v, idx_c, gbuf, sems):
    wid = lax.axis_index("s") * _NC + lax.axis_index("c")
    wbase = wid * _RPW

    for d in range(_D):
        pltpu.sync_copy(edges_t_hbm.at[pl.ds(d * _R + wbase, _RPW)], eidx_v.at[pl.ds(d * _RPW, _RPW)])

    def make_idx(q, par):
        for k in range(_CH // _L):
            i_vec = wbase + q * _CH + k * _L + lax.iota(jnp.int32, _L)
            mol = ((i_vec * 34953) >> 21) * _A
            for d in range(_D):
                e = eidx_v[pl.ds(d * _RPW + q * _CH + k * _L, _L)]
                idx_c[pl.ds((par * _D + d) * _CH + k * _L, _L)] = jnp.where(e >= 0, mol + e, i_vec)

    def fire(par):
        for d in range(_D):
            pltpu.async_copy(
                atoms_hbm.at[idx_c.at[pl.ds((par * _D + d) * _CH, _CH)]], gbuf.at[par, d], sems[par]
            )

    def drain(par):
        for d in range(_D):
            pltpu.make_async_copy(
                atoms_hbm.at[idx_c.at[pl.ds((par * _D + d) * _CH, _CH)]], gbuf.at[par, d], sems[par]
            ).wait()

    def process(q, par):
        drain(par)
        uf = 8
        nvec = _CH * _FA // _L

        def add_body(j, carry):
            for u in range(uf):
                jj = j * uf + u
                row = jj // (_FA // _L)
                sl = pl.ds((jj % (_FA // _L)) * _L, _L)
                s0 = gbuf[par, 0, row, sl] + gbuf[par, 1, row, sl]
                s1 = gbuf[par, 2, row, sl] + gbuf[par, 3, row, sl]
                gbuf[par, 0, row, sl] = s0 + s1 + gbuf[par, 4, row, sl]
            return carry

        lax.fori_loop(0, nvec // uf, add_body, None)
        pltpu.sync_copy(gbuf.at[par, 0], out_hbm.at[pl.ds(wbase + q * _CH, _CH)])

    make_idx(0, 0)
    fire(0)

    def pipe(qq, carry):
        for b in range(2):
            q = 2 * qq + b

            @pl.when(q + 1 < _NCH)
            def _fire_next():
                make_idx(q + 1, 1 - b)
                fire(1 - b)

            process(q, b)
        return carry

    lax.fori_loop(0, _NCH // 2, pipe, None)


@functools.partial(
    pl.kernel,
    mesh=plsc.VectorSubcoreMesh(core_axis_name="c", subcore_axis_name="s"),
    out_type=jax.ShapeDtypeStruct((_R, _FA), jnp.float32),
    scratch_types=[
        pltpu.VMEM((_D * _RPW,), jnp.int32),
        pltpu.VMEM((2 * _D * _CH,), jnp.int32),
        pltpu.VMEM((2, _D, _CH, _FA), jnp.float32),
        [pltpu.SemaphoreType.DMA, pltpu.SemaphoreType.DMA],
    ],
)
def _sc_gather(atoms_hbm, edges_t_hbm, out_hbm, eidx_v, idx_c, gbuf, sems):
    _sc_body(atoms_hbm, edges_t_hbm, out_hbm, eidx_v, idx_c, gbuf, sems)


def _tc_body(edges_ref, atoms_ref, g_ref, bonds_ref, wa_ref, wb_ref, bias_ref, out_ref):
    m = _M
    r = m * _A
    edges = edges_ref[...].reshape(r, _D)
    valid = edges >= 0
    deg = jnp.sum(valid.astype(jnp.float32), axis=1, keepdims=True)

    atoms = atoms_ref[...].reshape(r, _FA)
    g = g_ref[...] + (deg - float(_D - 1)) * atoms
    bonds = bonds_ref[...].reshape(r, _D * _FB)

    y = (
        jnp.dot(g.astype(jnp.bfloat16), wa_ref[...], preferred_element_type=jnp.float32)
        + jnp.dot(bonds.astype(jnp.bfloat16), wb_ref[...], preferred_element_type=jnp.float32)
        + bias_ref[...]
    )
    y = jnp.maximum(y, 0.0)

    out = jnp.zeros((r, _CONV), dtype=jnp.float32)
    for t in range(_D):
        sel = (deg == float(t + 1)).astype(jnp.float32)
        out = out + sel * y[:, t * _CONV : (t + 1) * _CONV]
    out_ref[...] = out.reshape(m, _A, _CONV)


@jax.jit
def kernel(atoms, bonds, edges, W, b):
    w_all = W.transpose(1, 0, 2).reshape(_FA + _FB, _D * _CONV)
    w_atom = w_all[:_FA].astype(jnp.bfloat16)
    w_bond = jnp.tile(w_all[_FA:], (_D, 1)).astype(jnp.bfloat16)
    bias = b.reshape(1, _D * _CONV)
    bonds_flat = bonds.reshape(_B, _A, _D * _FB)

    atoms_flat = atoms.reshape(_R, _FA)
    edges_t = edges.reshape(_R, _D).T.reshape(_D * _R)
    g = _sc_gather(atoms_flat, edges_t)

    grid = (_B // _M,)
    return pl.pallas_call(
        _tc_body,
        grid=grid,
        in_specs=[
            pl.BlockSpec((_M, _A, _D), lambda i: (i, 0, 0)),
            pl.BlockSpec((_M, _A, _FA), lambda i: (i, 0, 0)),
            pl.BlockSpec((_M * _A, _FA), lambda i: (i, 0)),
            pl.BlockSpec((_M, _A, _D * _FB), lambda i: (i, 0, 0)),
            pl.BlockSpec((_FA, _D * _CONV), lambda i: (0, 0)),
            pl.BlockSpec((_D * _FB, _D * _CONV), lambda i: (0, 0)),
            pl.BlockSpec((1, _D * _CONV), lambda i: (0, 0)),
        ],
        out_specs=pl.BlockSpec((_M, _A, _CONV), lambda i: (i, 0, 0)),
        out_shape=jax.ShapeDtypeStruct((_B, _A, _CONV), jnp.float32),
        compiler_params=pltpu.CompilerParams(
            dimension_semantics=("arbitrary",),
        ),
    )(edges, atoms, g, bonds_flat, w_atom, w_bond, bias)

# --- scband reference (transcript-rebuilt; emitter-appended) ---
"""Pipeline reference for scband-neural-graph-hidden-52072183497145 (READ-ONLY COPY).

The authoritative reference and input builder live on the scoring server;
editing this copy changes nothing except your own understanding.
"""

import jax, jax.numpy as jnp
import numpy as np

B, A, D = 1024, 60, 5
F_ATOM, F_BOND, CONV = 128, 16, 128


def setup_inputs(seed: int = 0) -> dict:
    key = jax.random.key(seed)
    k1, k2, k3, k4, k5 = jax.random.split(key, 5)
    atoms = jax.random.normal(k1, (B, A, F_ATOM), dtype=jnp.float32)
    bonds = jax.random.normal(k2, (B, A, D, F_BOND), dtype=jnp.float32)
    # -1 is the padding value for missing neighbours (as in the original layer)
    edges = jax.random.randint(k3, (B, A, D), -1, A).astype(jnp.int32)
    # one Dense(conv_width) per degree: stacked weights [D, F_in, CONV], biases [D, CONV]
    W = jax.random.normal(k4, (D, F_ATOM + F_BOND, CONV), dtype=jnp.float32) * 0.05
    b = jax.random.normal(k5, (D, CONV), dtype=jnp.float32) * 0.05
    return {"atoms": atoms, "bonds": bonds, "edges": edges, "W": W, "b": b}


def _neighbour_lookup(atoms, edges):
    # edges: [B, A, D] with -1 padding; shift so -1 -> 0 points at a zero row
    masked_edges = edges + 1
    masked_atoms = jnp.pad(atoms, ((0, 0), (1, 0), (0, 0)))  # zero row at index 0
    Bn, lookup_size, F = masked_atoms.shape
    offset = (jnp.arange(Bn, dtype=jnp.int32) * lookup_size).reshape(Bn, 1, 1)
    flat_atoms = masked_atoms.reshape(-1, F)
    flat_edges = (masked_edges + offset).reshape(Bn, -1)
    gathered = jnp.take(flat_atoms, flat_edges.astype(jnp.int32), axis=0)
    out = gathered.reshape(Bn, edges.shape[1], edges.shape[2], F)
    # include_self=True
    return jnp.concatenate([atoms[:, :, None, :], out], axis=2)


def _forward(atoms, bonds, W, b, edges):
    atom_degrees = jnp.sum((edges != -1).astype(jnp.float32), axis=-1, keepdims=True)
    neighbour_atom_features = _neighbour_lookup(atoms, edges)
    summed_atom_features = jnp.sum(neighbour_atom_features, axis=-2)
    summed_bond_features = jnp.sum(bonds, axis=-2)
    summed_features = jnp.concatenate([summed_atom_features, summed_bond_features], axis=-1)
    out = jnp.zeros((atoms.shape[0], atoms.shape[1], CONV), dtype=jnp.float32)
    for degree in range(D):
        atom_mask = (atom_degrees == (degree + 1)).astype(jnp.float32)
        new_unmasked = jax.nn.relu(summed_features @ W[degree] + b[degree])
        out = out + atom_mask * new_unmasked
    return out


def reference(atoms, bonds, edges, W, b):
    return _forward(atoms, bonds, W, b, edges)

if __name__ == "__main__":
    import jax
    _d = setup_inputs()
    print(jax.jit(kernel)(*tuple(_d.values())))

</pallas_src>

<mosaic_0001>
#map = affine_map<(d0, d1) -> (0, 0)>
#map1 = affine_map<(d0, d1) -> (0)>
module attributes {stable_mosaic.version = 14 : i64} {
  func.func @_sc_gather(%arg0: i32, %arg1: i32, %arg2: memref<61440x128xf32, #tpu.memory_space<hbm>>, %arg3: memref<307200xi32, #tpu.memory_space<hbm>>, %arg4: memref<61440x128xf32, #tpu.memory_space<hbm>>, %arg5: memref<9600xi32, #tpu.memory_space<vmem>>, %arg6: memref<800xi32, #tpu.memory_space<vmem>>, %arg7: memref<2x5x80x128xf32, #tpu.memory_space<vmem>>, %arg8: memref<!tpu.dma_semaphore, #tpu.memory_space<semaphore_mem>>, %arg9: memref<!tpu.dma_semaphore, #tpu.memory_space<semaphore_mem>>) attributes {dimension_semantics = [#tpu.dimension_semantics<core_parallel>, #tpu.dimension_semantics<subcore_parallel>], iteration_bounds = array<i64: 2, 16>, scalar_prefetch = 0 : i64, scratch_operands = 5 : i64, tpu.core_type = #tpu.core_type<sc_vector_subcore>, window_params = [{transform_indices = #map}, {transform_indices = #map1}, {transform_indices = #map}]} {
    %mul3A = arith.constant 2 : i32
    %mul3A_0 = arith.muli %arg1, %mul3A : i32
    %add3A = arith.addi %mul3A_0, %arg0 : i32
    %mul3A_1 = arith.constant 1920 : i32
    %mul3A_2 = arith.muli %add3A, %mul3A_1 : i32
    %add3A_3 = arith.constant 0 : i32
    %add3A_4 = arith.addi %add3A_3, %mul3A_2 : i32
    "tpu.region"() ({
      %run_scoped3A = tpu.sem_alloc : memref<!tpu.dma_semaphore, #tpu.memory_space<semaphore_mem>>
      %dma_start3A_445 = arith.constant 0 : i32
      %dma_start3A_446 = tpu.memref_slice %arg5[%dma_start3A_445] : memref<9600xi32, #tpu.memory_space<vmem>> -> memref<1920xi32, #tpu.memory_space<vmem>>
      %dma_start3A_447 = tpu.memref_slice %arg3[%add3A_4] : memref<307200xi32, #tpu.memory_space<hbm>> -> memref<1920xi32, #tpu.memory_space<hbm>>
      %dma_start3A_448 = arith.constant 0 : i32
      %dma_start3A_449 = tpu.memref_slice %arg5[%dma_start3A_448] : memref<9600xi32, #tpu.memory_space<vmem>> -> memref<1920xi32, #tpu.memory_space<vmem>>
      %dma_start3A_450 = tpu.memref_slice %arg3[%add3A_4] : memref<307200xi32, #tpu.memory_space<hbm>> -> memref<1920xi32, #tpu.memory_space<hbm>>
      tpu.enqueue_dma source(%dma_start3A_450 : memref<1920xi32, #tpu.memory_space<hbm>>) target(%dma_start3A_449 : memref<1920xi32, #tpu.memory_space<vmem>>) target_semaphore(%run_scoped3A : memref<!tpu.dma_semaphore, #tpu.memory_space<semaphore_mem>>)
      %dma_wait3A = arith.constant 0 : i32
      %dma_wait3A_451 = tpu.memref_slice %arg5[%dma_wait3A] : memref<9600xi32, #tpu.memory_space<vmem>> -> memref<1920xi32, #tpu.memory_space<vmem>>
      %dma_wait3A_452 = tpu.memref_slice %arg3[%add3A_4] : memref<307200xi32, #tpu.memory_space<hbm>> -> memref<1920xi32, #tpu.memory_space<hbm>>
      %dma_wait3A_453 = arith.constant 0 : i32
      %dma_wait3A_454 = tpu.memref_slice %arg5[%dma_wait3A_453] : memref<9600xi32, #tpu.memory_space<vmem>> -> memref<1920xi32, #tpu.memory_space<vmem>>
      %dma_wait3A_455 = tpu.memref_slice %arg3[%add3A_4] : memref<307200xi32, #tpu.memory_space<hbm>> -> memref<1920xi32, #tpu.memory_space<hbm>>
      tpu.wait_dma2 semaphore(%run_scoped3A : memref<!tpu.dma_semaphore, #tpu.memory_space<semaphore_mem>>) src(%dma_wait3A_455 : memref<1920xi32, #tpu.memory_space<hbm>>) dst(%dma_wait3A_454 : memref<1920xi32, #tpu.memory_space<vmem>>)
      tpu.yield
    }) : () -> ()
    %add3A_5 = arith.constant 61440 : i32
    %add3A_6 = arith.addi %add3A_5, %mul3A_2 : i32
    "tpu.region"() ({
      %run_scoped3A = tpu.sem_alloc : memref<!tpu.dma_semaphore, #tpu.memory_space<semaphore_mem>>
      %dma_start3A_445 = arith.constant 1920 : i32
      %dma_start3A_446 = tpu.memref_slice %arg5[%dma_start3A_445] : memref<9600xi32, #tpu.memory_space<vmem>> -> memref<1920xi32, #tpu.memory_space<vmem>>
      %dma_start3A_447 = tpu.memref_slice %arg3[%add3A_6] : memref<307200xi32, #tpu.memory_space<hbm>> -> memref<1920xi32, #tpu.memory_space<hbm>>
      %dma_start3A_448 = arith.constant 1920 : i32
      %dma_start3A_449 = tpu.memref_slice %arg5[%dma_start3A_448] : memref<9600xi32, #tpu.memory_space<vmem>> -> memref<1920xi32, #tpu.memory_space<vmem>>
      %dma_start3A_450 = tpu.memref_slice %arg3[%add3A_6] : memref<307200xi32, #tpu.memory_space<hbm>> -> memref<1920xi32, #tpu.memory_space<hbm>>
      tpu.enqueue_dma source(%dma_start3A_450 : memref<1920xi32, #tpu.memory_space<hbm>>) target(%dma_start3A_449 : memref<1920xi32, #tpu.memory_space<vmem>>) target_semaphore(%run_scoped3A : memref<!tpu.dma_semaphore, #tpu.memory_space<semaphore_mem>>)
      %dma_wait3A = arith.constant 1920 : i32
      %dma_wait3A_451 = tpu.memref_slice %arg5[%dma_wait3A] : memref<9600xi32, #tpu.memory_space<vmem>> -> memref<1920xi32, #tpu.memory_space<vmem>>
      %dma_wait3A_452 = tpu.memref_slice %arg3[%add3A_6] : memref<307200xi32, #tpu.memory_space<hbm>> -> memref<1920xi32, #tpu.memory_space<hbm>>
      %dma_wait3A_453 = arith.constant 1920 : i32
      %dma_wait3A_454 = tpu.memref_slice %arg5[%dma_wait3A_453] : memref<9600xi32, #tpu.memory_space<vmem>> -> memref<1920xi32, #tpu.memory_space<vmem>>
      %dma_wait3A_455 = tpu.memref_slice %arg3[%add3A_6] : memref<307200xi32, #tpu.memory_space<hbm>> -> memref<1920xi32, #tpu.memory_space<hbm>>
      tpu.wait_dma2 semaphore(%run_scoped3A : memref<!tpu.dma_semaphore, #tpu.memory_space<semaphore_mem>>) src(%dma_wait3A_455 : memref<1920xi32, #tpu.memory_space<hbm>>) dst(%dma_wait3A_454 : memref<1920xi32, #tpu.memory_space<vmem>>)
      tpu.yield
    }) : () -> ()
    %add3A_7 = arith.constant 122880 : i32
    %add3A_8 = arith.addi %add3A_7, %mul3A_2 : i32
    "tpu.region"() ({
      %run_scoped3A = tpu.sem_alloc : memref<!tpu.dma_semaphore, #tpu.memory_space<semaphore_mem>>
      %dma_start3A_445 = arith.constant 3840 : i32
      %dma_start3A_446 = tpu.memref_slice %arg5[%dma_start3A_445] : memref<9600xi32, #tpu.memory_space<vmem>> -> memref<1920xi32, #tpu.memory_space<vmem>>
      %dma_start3A_447 = tpu.memref_slice %arg3[%add3A_8] : memref<307200xi32, #tpu.memory_space<hbm>> -> memref<1920xi32, #tpu.memory_space<hbm>>
      %dma_start3A_448 = arith.constant 3840 : i32
      %dma_start3A_449 = tpu.memref_slice %arg5[%dma_start3A_448] : memref<9600xi32, #tpu.memory_space<vmem>> -> memref<1920xi32, #tpu.memory_space<vmem>>
      %dma_start3A_450 = tpu.memref_slice %arg3[%add3A_8] : memref<307200xi32, #tpu.memory_space<hbm>> -> memref<1920xi32, #tpu.memory_space<hbm>>
      tpu.enqueue_dma source(%dma_start3A_450 : memref<1920xi32, #tpu.memory_space<hbm>>) target(%dma_start3A_449 : memref<1920xi32, #tpu.memory_space<vmem>>) target_semaphore(%run_scoped3A : memref<!tpu.dma_semaphore, #tpu.memory_space<semaphore_mem>>)
      %dma_wait3A = arith.constant 3840 : i32
      %dma_wait3A_451 = tpu.memref_slice %arg5[%dma_wait3A] : memref<9600xi32, #tpu.memory_space<vmem>> -> memref<1920xi32, #tpu.memory_space<vmem>>
      %dma_wait3A_452 = tpu.memref_slice %arg3[%add3A_8] : memref<307200xi32, #tpu.memory_space<hbm>> -> memref<1920xi32, #tpu.memory_space<hbm>>
      %dma_wait3A_453 = arith.constant 3840 : i32
      %dma_wait3A_454 = tpu.memref_slice %arg5[%dma_wait3A_453] : memref<9600xi32, #tpu.memory_space<vmem>> -> memref<1920xi32, #tpu.memory_space<vmem>>
      %dma_wait3A_455 = tpu.memref_slice %arg3[%add3A_8] : memref<307200xi32, #tpu.memory_space<hbm>> -> memref<1920xi32, #tpu.memory_space<hbm>>
      tpu.wait_dma2 semaphore(%run_scoped3A : memref<!tpu.dma_semaphore, #tpu.memory_space<semaphore_mem>>) src(%dma_wait3A_455 : memref<1920xi32, #tpu.memory_space<hbm>>) dst(%dma_wait3A_454 : memref<1920xi32, #tpu.memory_space<vmem>>)
      tpu.yield
    }) : () -> ()
    %add3A_9 = arith.constant 184320 : i32
    %add3A_10 = arith.addi %add3A_9, %mul3A_2 : i32
    "tpu.region"() ({
      %run_scoped3A = tpu.sem_alloc : memref<!tpu.dma_semaphore, #tpu.memory_space<semaphore_mem>>
      %dma_start3A_445 = arith.constant 5760 : i32
      %dma_start3A_446 = tpu.memref_slice %arg5[%dma_start3A_445] : memref<9600xi32, #tpu.memory_space<vmem>> -> memref<1920xi32, #tpu.memory_space<vmem>>
      %dma_start3A_447 = tpu.memref_slice %arg3[%add3A_10] : memref<307200xi32, #tpu.memory_space<hbm>> -> memref<1920xi32, #tpu.memory_space<hbm>>
      %dma_start3A_448 = arith.constant 5760 : i32
      %dma_start3A_449 = tpu.memref_slice %arg5[%dma_start3A_448] : memref<9600xi32, #tpu.memory_space<vmem>> -> memref<1920xi32, #tpu.memory_space<vmem>>
      %dma_start3A_450 = tpu.memref_slice %arg3[%add3A_10] : memref<307200xi32, #tpu.memory_space<hbm>> -> memref<1920xi32, #tpu.memory_space<hbm>>
      tpu.enqueue_dma source(%dma_start3A_450 : memref<1920xi32, #tpu.memory_space<hbm>>) target(%dma_start3A_449 : memref<1920xi32, #tpu.memory_space<vmem>>) target_semaphore(%run_scoped3A : memref<!tpu.dma_semaphore, #tpu.memory_space<semaphore_mem>>)
      %dma_wait3A = arith.constant 5760 : i32
      %dma_wait3A_451 = tpu.memref_slice %arg5[%dma_wait3A] : memref<9600xi32, #tpu.memory_space<vmem>> -> memref<1920xi32, #tpu.memory_space<vmem>>
      %dma_wait3A_452 = tpu.memref_slice %arg3[%add3A_10] : memref<307200xi32, #tpu.memory_space<hbm>> -> memref<1920xi32, #tpu.memory_space<hbm>>
      %dma_wait3A_453 = arith.constant 5760 : i32
      %dma_wait3A_454 = tpu.memref_slice %arg5[%dma_wait3A_453] : memref<9600xi32, #tpu.memory_space<vmem>> -> memref<1920xi32, #tpu.memory_space<vmem>>
      %dma_wait3A_455 = tpu.memref_slice %arg3[%add3A_10] : memref<307200xi32, #tpu.memory_space<hbm>> -> memref<1920xi32, #tpu.memory_space<hbm>>
      tpu.wait_dma2 semaphore(%run_scoped3A : memref<!tpu.dma_semaphore, #tpu.memory_space<semaphore_mem>>) src(%dma_wait3A_455 : memref<1920xi32, #tpu.memory_space<hbm>>) dst(%dma_wait3A_454 : memref<1920xi32, #tpu.memory_space<vmem>>)
      tpu.yield
    }) : () -> ()
    %add3A_11 = arith.constant 245760 : i32
    %add3A_12 = arith.addi %add3A_11, %mul3A_2 : i32
    "tpu.region"() ({
      %run_scoped3A = tpu.sem_alloc : memref<!tpu.dma_semaphore, #tpu.memory_space<semaphore_mem>>
      %dma_start3A_445 = arith.constant 7680 : i32
      %dma_start3A_446 = tpu.memref_slice %arg5[%dma_start3A_445] : memref<9600xi32, #tpu.memory_space<vmem>> -> memref<1920xi32, #tpu.memory_space<vmem>>
      %dma_start3A_447 = tpu.memref_slice %arg3[%add3A_12] : memref<307200xi32, #tpu.memory_space<hbm>> -> memref<1920xi32, #tpu.memory_space<hbm>>
      %dma_start3A_448 = arith.constant 7680 : i32
      %dma_start3A_449 = tpu.memref_slice %arg5[%dma_start3A_448] : memref<9600xi32, #tpu.memory_space<vmem>> -> memref<1920xi32, #tpu.memory_space<vmem>>
      %dma_start3A_450 = tpu.memref_slice %arg3[%add3A_12] : memref<307200xi32, #tpu.memory_space<hbm>> -> memref<1920xi32, #tpu.memory_space<hbm>>
      tpu.enqueue_dma source(%dma_start3A_450 : memref<1920xi32, #tpu.memory_space<hbm>>) target(%dma_start3A_449 : memref<1920xi32, #tpu.memory_space<vmem>>) target_semaphore(%run_scoped3A : memref<!tpu.dma_semaphore, #tpu.memory_space<semaphore_mem>>)
      %dma_wait3A = arith.constant 7680 : i32
      %dma_wait3A_451 = tpu.memref_slice %arg5[%dma_wait3A] : memref<9600xi32, #tpu.memory_space<vmem>> -> memref<1920xi32, #tpu.memory_space<vmem>>
      %dma_wait3A_452 = tpu.memref_slice %arg3[%add3A_12] : memref<307200xi32, #tpu.memory_space<hbm>> -> memref<1920xi32, #tpu.memory_space<hbm>>
      %dma_wait3A_453 = arith.constant 7680 : i32
      %dma_wait3A_454 = tpu.memref_slice %arg5[%dma_wait3A_453] : memref<9600xi32, #tpu.memory_space<vmem>> -> memref<1920xi32, #tpu.memory_space<vmem>>
      %dma_wait3A_455 = tpu.memref_slice %arg3[%add3A_12] : memref<307200xi32, #tpu.memory_space<hbm>> -> memref<1920xi32, #tpu.memory_space<hbm>>
      tpu.wait_dma2 semaphore(%run_scoped3A : memref<!tpu.dma_semaphore, #tpu.memory_space<semaphore_mem>>) src(%dma_wait3A_455 : memref<1920xi32, #tpu.memory_space<hbm>>) dst(%dma_wait3A_454 : memref<1920xi32, #tpu.memory_space<vmem>>)
      tpu.yield
    }) : () -> ()
    %add3A_13 = arith.constant 0 : i32
    %add3A_14 = arith.addi %mul3A_2, %add3A_13 : i32
    %add3A_15 = arith.constant 0 : i32
    %add3A_16 = arith.addi %add3A_14, %add3A_15 : i32
    %iota3A = tpu.iota {dimensions = array<i32: 0>} : vector<16xi32>
    %add3A_17 = vector.broadcast %add3A_16 : i32 to vector<16xi32>
    %add3A_18 = arith.addi %add3A_17, %iota3A : vector<16xi32>
    %mul3A_19 = arith.constant 34953 : i32
    %mul3A_20 = vector.broadcast %mul3A_19 : i32 to vector<16xi32>
    %mul3A_21 = arith.muli %add3A_18, %mul3A_20 : vector<16xi32>
    %shift_right_arithmetic3A = arith.constant 21 : i32
    %shift_right_arithmetic3A_22 = vector.broadcast %shift_right_arithmetic3A : i32 to vector<16xi32>
    %shift_right_arithmetic3A_23 = arith.shrsi %mul3A_21, %shift_right_arithmetic3A_22 : vector<16xi32>
    %mul3A_24 = arith.constant 60 : i32
    %mul3A_25 = vector.broadcast %mul3A_24 : i32 to vector<16xi32>
    %mul3A_26 = arith.muli %shift_right_arithmetic3A_23, %mul3A_25 : vector<16xi32>
    %get3A = arith.constant 0 : index
    %get3A_27 = tpu.vector_load %arg5[%get3A] {strides = array<i32>} : memref<9600xi32, #tpu.memory_space<vmem>>, vector<16xi32>,
    %get3A_28 = vector.shape_cast %get3A_27 : vector<16xi32> to vector<16xi32>
    %ge3A = arith.constant 0 : i32
    %ge3A_29 = vector.broadcast %ge3A : i32 to vector<16xi32>
    %ge3A_30 = arith.cmpi sge, %get3A_28, %ge3A_29 : vector<16xi32>
    %add3A_31 = arith.addi %mul3A_26, %get3A_28 : vector<16xi32>
    %select_n3A = arith.select %ge3A_30, %add3A_31, %add3A_18 : vector<16xi1>, vector<16xi32>
    %swap3A = arith.constant 0 : index
    %swap3A_32 = tpu.vector_load %arg6[%swap3A] {strides = array<i32>} : memref<800xi32, #tpu.memory_space<vmem>>, vector<16xi32>,
    %swap3A_33 = vector.shape_cast %swap3A_32 : vector<16xi32> to vector<16xi32>
    %swap3A_34 = vector.shape_cast %select_n3A : vector<16xi32> to vector<16xi32>
    tpu.vector_store %arg6[%swap3A], %swap3A_34 {strides = array<i32>} : memref<800xi32, #tpu.memory_space<vmem>>, vector<16xi32>,
    %get3A_35 = arith.constant 1920 : index
    %get3A_36 = tpu.vector_load %arg5[%get3A_35] {strides = array<i32>} : memref<9600xi32, #tpu.memory_space<vmem>>, vector<16xi32>,
    %get3A_37 = vector.shape_cast %get3A_36 : vector<16xi32> to vector<16xi32>
    %ge3A_38 = arith.constant 0 : i32
    %ge3A_39 = vector.broadcast %ge3A_38 : i32 to vector<16xi32>
    %ge3A_40 = arith.cmpi sge, %get3A_37, %ge3A_39 : vector<16xi32>
    %add3A_41 = arith.addi %mul3A_26, %get3A_37 : vector<16xi32>
    %select_n3A_42 = arith.select %ge3A_40, %add3A_41, %add3A_18 : vector<16xi1>, vector<16xi32>
    %swap3A_43 = arith.constant 80 : index
    %swap3A_44 = tpu.vector_load %arg6[%swap3A_43] {strides = array<i32>} : memref<800xi32, #tpu.memory_space<vmem>>, vector<16xi32>,
    %swap3A_45 = vector.shape_cast %swap3A_44 : vector<16xi32> to vector<16xi32>
    %swap3A_46 = vector.shape_cast %select_n3A_42 : vector<16xi32> to vector<16xi32>
    tpu.vector_store %arg6[%swap3A_43], %swap3A_46 {strides = array<i32>} : memref<800xi32, #tpu.memory_space<vmem>>, vector<16xi32>,
    %get3A_47 = arith.constant 3840 : index
    %get3A_48 = tpu.vector_load %arg5[%get3A_47] {strides = array<i32>} : memref<9600xi32, #tpu.memory_space<vmem>>, vector<16xi32>,
    %get3A_49 = vector.shape_cast %get3A_48 : vector<16xi32> to vector<16xi32>
    %ge3A_50 = arith.constant 0 : i32
    %ge3A_51 = vector.broadcast %ge3A_50 : i32 to vector<16xi32>
    %ge3A_52 = arith.cmpi sge, %get3A_49, %ge3A_51 : vector<16xi32>
    %add3A_53 = arith.addi %mul3A_26, %get3A_49 : vector<16xi32>
    %select_n3A_54 = arith.select %ge3A_52, %add3A_53, %add3A_18 : vector<16xi1>, vector<16xi32>
    %swap3A_55 = arith.constant 160 : index
    %swap3A_56 = tpu.vector_load %arg6[%swap3A_55] {strides = array<i32>} : memref<800xi32, #tpu.memory_space<vmem>>, vector<16xi32>,
    %swap3A_57 = vector.shape_cast %swap3A_56 : vector<16xi32> to vector<16xi32>
    %swap3A_58 = vector.shape_cast %select_n3A_54 : vector<16xi32> to vector<16xi32>
    tpu.vector_store %arg6[%swap3A_55], %swap3A_58 {strides = array<i32>} : memref<800xi32, #tpu.memory_space<vmem>>, vector<16xi32>,
    %get3A_59 = arith.constant 5760 : index
    %get3A_60 = tpu.vector_load %arg5[%get3A_59] {strides = array<i32>} : memref<9600xi32, #tpu.memory_space<vmem>>, vector<16xi32>,
    %get3A_61 = vector.shape_cast %get3A_60 : vector<16xi32> to vector<16xi32>
    %ge3A_62 = arith.constant 0 : i32
    %ge3A_63 = vector.broadcast %ge3A_62 : i32 to vector<16xi32>
    %ge3A_64 = arith.cmpi sge, %get3A_61, %ge3A_63 : vector<16xi32>
    %add3A_65 = arith.addi %mul3A_26, %get3A_61 : vector<16xi32>
    %select_n3A_66 = arith.select %ge3A_64, %add3A_65, %add3A_18 : vector<16xi1>, vector<16xi32>
    %swap3A_67 = arith.constant 240 : index
    %swap3A_68 = tpu.vector_load %arg6[%swap3A_67] {strides = array<i32>} : memref<800xi32, #tpu.memory_space<vmem>>, vector<16xi32>,
    %swap3A_69 = vector.shape_cast %swap3A_68 : vector<16xi32> to vector<16xi32>
    %swap3A_70 = vector.shape_cast %select_n3A_66 : vector<16xi32> to vector<16xi32>
    tpu.vector_store %arg6[%swap3A_67], %swap3A_70 {strides = array<i32>} : memref<800xi32, #tpu.memory_space<vmem>>, vector<16xi32>,
    %get3A_71 = arith.constant 7680 : index
    %get3A_72 = tpu.vector_load %arg5[%get3A_71] {strides = array<i32>} : memref<9600xi32, #tpu.memory_space<vmem>>, vector<16xi32>,
    %get3A_73 = vector.shape_cast %get3A_72 : vector<16xi32> to vector<16xi32>
    %ge3A_74 = arith.constant 0 : i32
    %ge3A_75 = vector.broadcast %ge3A_74 : i32 to vector<16xi32>
    %ge3A_76 = arith.cmpi sge, %get3A_73, %ge3A_75 : vector<16xi32>
    %add3A_77 = arith.addi %mul3A_26, %get3A_73 : vector<16xi32>
    %select_n3A_78 = arith.select %ge3A_76, %add3A_77, %add3A_18 : vector<16xi1>, vector<16xi32>
    %swap3A_79 = arith.constant 320 : index
    %swap3A_80 = tpu.vector_load %arg6[%swap3A_79] {strides = array<i32>} : memref<800xi32, #tpu.memory_space<vmem>>, vector<16xi32>,
    %swap3A_81 = vector.shape_cast %swap3A_80 : vector<16xi32> to vector<16xi32>
    %swap3A_82 = vector.shape_cast %select_n3A_78 : vector<16xi32> to vector<16xi32>
    tpu.vector_store %arg6[%swap3A_79], %swap3A_82 {strides = array<i32>} : memref<800xi32, #tpu.memory_space<vmem>>, vector<16xi32>,
    %add3A_83 = arith.constant 0 : i32
    %add3A_84 = arith.addi %mul3A_2, %add3A_83 : i32
    %add3A_85 = arith.constant 16 : i32
    %add3A_86 = arith.addi %add3A_84, %add3A_85 : i32
    %iota3A_87 = tpu.iota {dimensions = array<i32: 0>} : vector<16xi32>
    %add3A_88 = vector.broadcast %add3A_86 : i32 to vector<16xi32>
    %add3A_89 = arith.addi %add3A_88, %iota3A_87 : vector<16xi32>
    %mul3A_90 = arith.constant 34953 : i32
    %mul3A_91 = vector.broadcast %mul3A_90 : i32 to vector<16xi32>
    %mul3A_92 = arith.muli %add3A_89, %mul3A_91 : vector<16xi32>
    %shift_right_arithmetic3A_93 = arith.constant 21 : i32
    %shift_right_arithmetic3A_94 = vector.broadcast %shift_right_arithmetic3A_93 : i32 to vector<16xi32>
    %shift_right_arithmetic3A_95 = arith.shrsi %mul3A_92, %shift_right_arithmetic3A_94 : vector<16xi32>
    %mul3A_96 = arith.constant 60 : i32
    %mul3A_97 = vector.broadcast %mul3A_96 : i32 to vector<16xi32>
    %mul3A_98 = arith.muli %shift_right_arithmetic3A_95, %mul3A_97 : vector<16xi32>
    %get3A_99 = arith.constant 16 : index
    %get3A_100 = tpu.vector_load %arg5[%get3A_99] {strides = array<i32>} : memref<9600xi32, #tpu.memory_space<vmem>>, vector<16xi32>,
    %get3A_101 = vector.shape_cast %get3A_100 : vector<16xi32> to vector<16xi32>
    %ge3A_102 = arith.constant 0 : i32
    %ge3A_103 = vector.broadcast %ge3A_102 : i32 to vector<16xi32>
    %ge3A_104 = arith.cmpi sge, %get3A_101, %ge3A_103 : vector<16xi32>
    %add3A_105 = arith.addi %mul3A_98, %get3A_101 : vector<16xi32>
    %select_n3A_106 = arith.select %ge3A_104, %add3A_105, %add3A_89 : vector<16xi1>, vector<16xi32>
    %swap3A_107 = arith.constant 16 : index
    %swap3A_108 = tpu.vector_load %arg6[%swap3A_107] {strides = array<i32>} : memref<800xi32, #tpu.memory_space<vmem>>, vector<16xi32>,
    %swap3A_109 = vector.shape_cast %swap3A_108 : vector<16xi32> to vector<16xi32>
    %swap3A_110 = vector.shape_cast %select_n3A_106 : vector<16xi32> to vector<16xi32>
    tpu.vector_store %arg6[%swap3A_107], %swap3A_110 {strides = array<i32>} : memref<800xi32, #tpu.memory_space<vmem>>, vector<16xi32>,
    %get3A_111 = arith.constant 1936 : index
    %get3A_112 = tpu.vector_load %arg5[%get3A_111] {strides = array<i32>} : memref<9600xi32, #tpu.memory_space<vmem>>, vector<16xi32>,
    %get3A_113 = vector.shape_cast %get3A_112 : vector<16xi32> to vector<16xi32>
    %ge3A_114 = arith.constant 0 : i32
    %ge3A_115 = vector.broadcast %ge3A_114 : i32 to vector<16xi32>
    %ge3A_116 = arith.cmpi sge, %get3A_113, %ge3A_115 : vector<16xi32>
    %add3A_117 = arith.addi %mul3A_98, %get3A_113 : vector<16xi32>
    %select_n3A_118 = arith.select %ge3A_116, %add3A_117, %add3A_89 : vector<16xi1>, vector<16xi32>
    %swap3A_119 = arith.constant 96 : index
    %swap3A_120 = tpu.vector_load %arg6[%swap3A_119] {strides = array<i32>} : memref<800xi32, #tpu.memory_space<vmem>>, vector<16xi32>,
    %swap3A_121 = vector.shape_cast %swap3A_120 : vector<16xi32> to vector<16xi32>
    %swap3A_122 = vector.shape_cast %select_n3A_118 : vector<16xi32> to vector<16xi32>
    tpu.vector_store %arg6[%swap3A_119], %swap3A_122 {strides = array<i32>} : memref<800xi32, #tpu.memory_space<vmem>>, vector<16xi32>,
    %get3A_123 = arith.constant 3856 : index
    %get3A_124 = tpu.vector_load %arg5[%get3A_123] {strides = array<i32>} : memref<9600xi32, #tpu.memory_space<vmem>>, vector<16xi32>,
    %get3A_125 = vector.shape_cast %get3A_124 : vector<16xi32> to vector<16xi32>
    %ge3A_126 = arith.constant 0 : i32
    %ge3A_127 = vector.broadcast %ge3A_126 : i32 to vector<16xi32>
    %ge3A_128 = arith.cmpi sge, %get3A_125, %ge3A_127 : vector<16xi32>
    %add3A_129 = arith.addi %mul3A_98, %get3A_125 : vector<16xi32>
    %select_n3A_130 = arith.select %ge3A_128, %add3A_129, %add3A_89 : vector<16xi1>, vector<16xi32>
    %swap3A_131 = arith.constant 176 : index
    %swap3A_132 = tpu.vector_load %arg6[%swap3A_131] {strides = array<i32>} : memref<800xi32, #tpu.memory_space<vmem>>, vector<16xi32>,
    %swap3A_133 = vector.shape_cast %swap3A_132 : vector<16xi32> to vector<16xi32>
    %swap3A_134 = vector.shape_cast %select_n3A_130 : vector<16xi32> to vector<16xi32>
    tpu.vector_store %arg6[%swap3A_131], %swap3A_134 {strides = array<i32>} : memref<800xi32, #tpu.memory_space<vmem>>, vector<16xi32>,
    %get3A_135 = arith.constant 5776 : index
    %get3A_136 = tpu.vector_load %arg5[%get3A_135] {strides = array<i32>} : memref<9600xi32, #tpu.memory_space<vmem>>, vector<16xi32>,
    %get3A_137 = vector.shape_cast %get3A_136 : vector<16xi32> to vector<16xi32>
    %ge3A_138 = arith.constant 0 : i32
    %ge3A_139 = vector.broadcast %ge3A_138 : i32 to vector<16xi32>
    %ge3A_140 = arith.cmpi sge, %get3A_137, %ge3A_139 : vector<16xi32>
    %add3A_141 = arith.addi %mul3A_98, %get3A_137 : vector<16xi32>
    %select_n3A_142 = arith.select %ge3A_140, %add3A_141, %add3A_89 : vector<16xi1>, vector<16xi32>
    %swap3A_143 = arith.constant 256 : index
    %swap3A_144 = tpu.vector_load %arg6[%swap3A_143] {strides = array<i32>} : memref<800xi32, #tpu.memory_space<vmem>>, vector<16xi32>,
    %swap3A_145 = vector.shape_cast %swap3A_144 : vector<16xi32> to vector<16xi32>
    %swap3A_146 = vector.shape_cast %select_n3A_142 : vector<16xi32> to vector<16xi32>
    tpu.vector_store %arg6[%swap3A_143], %swap3A_146 {strides = array<i32>} : memref<800xi32, #tpu.memory_space<vmem>>, vector<16xi32>,
    %get3A_147 = arith.constant 7696 : index
    %get3A_148 = tpu.vector_load %arg5[%get3A_147] {strides = array<i32>} : memref<9600xi32, #tpu.memory_space<vmem>>, vector<16xi32>,
    %get3A_149 = vector.shape_cast %get3A_148 : vector<16xi32> to vector<16xi32>
    %ge3A_150 = arith.constant 0 : i32
    %ge3A_151 = vector.broadcast %ge3A_150 : i32 to vector<16xi32>
    %ge3A_152 = arith.cmpi sge, %get3A_149, %ge3A_151 : vector<16xi32>
    %add3A_153 = arith.addi %mul3A_98, %get3A_149 : vector<16xi32>
    %select_n3A_154 = arith.select %ge3A_152, %add3A_153, %add3A_89 : vector<16xi1>, vector<16xi32>
    %swap3A_155 = arith.constant 336 : index
    %swap3A_156 = tpu.vector_load %arg6[%swap3A_155] {strides = array<i32>} : memref<800xi32, #tpu.memory_space<vmem>>, vector<16xi32>,
    %swap3A_157 = vector.shape_cast %swap3A_156 : vector<16xi32> to vector<16xi32>
    %swap3A_158 = vector.shape_cast %select_n3A_154 : vector<16xi32> to vector<16xi32>
    tpu.vector_store %arg6[%swap3A_155], %swap3A_158 {strides = array<i32>} : memref<800xi32, #tpu.memory_space<vmem>>, vector<16xi32>,
    %add3A_159 = arith.constant 0 : i32
    %add3A_160 = arith.addi %mul3A_2, %add3A_159 : i32
    %add3A_161 = arith.constant 32 : i32
    %add3A_162 = arith.addi %add3A_160, %add3A_161 : i32
    %iota3A_163 = tpu.iota {dimensions = array<i32: 0>} : vector<16xi32>
    %add3A_164 = vector.broadcast %add3A_162 : i32 to vector<16xi32>
    %add3A_165 = arith.addi %add3A_164, %iota3A_163 : vector<16xi32>
    %mul3A_166 = arith.constant 34953 : i32
    %mul3A_167 = vector.broadcast %mul3A_166 : i32 to vector<16xi32>
    %mul3A_168 = arith.muli %add3A_165, %mul3A_167 : vector<16xi32>
    %shift_right_arithmetic3A_169 = arith.constant 21 : i32
    %shift_right_arithmetic3A_170 = vector.broadcast %shift_right_arithmetic3A_169 : i32 to vector<16xi32>
    %shift_right_arithmetic3A_171 = arith.shrsi %mul3A_168, %shift_right_arithmetic3A_170 : vector<16xi32>
    %mul3A_172 = arith.constant 60 : i32
    %mul3A_173 = vector.broadcast %mul3A_172 : i32 to vector<16xi32>
    %mul3A_174 = arith.muli %shift_right_arithmetic3A_171, %mul3A_173 : vector<16xi32>
    %get3A_175 = arith.constant 32 : index
    %get3A_176 = tpu.vector_load %arg5[%get3A_175] {strides = array<i32>} : memref<9600xi32, #tpu.memory_space<vmem>>, vector<16xi32>,
    %get3A_177 = vector.shape_cast %get3A_176 : vector<16xi32> to vector<16xi32>
    %ge3A_178 = arith.constant 0 : i32
    %ge3A_179 = vector.broadcast %ge3A_178 : i32 to vector<16xi32>
    %ge3A_180 = arith.cmpi sge, %get3A_177, %ge3A_179 : vector<16xi32>
    %add3A_181 = arith.addi %mul3A_174, %get3A_177 : vector<16xi32>
    %select_n3A_182 = arith.select %ge3A_180, %add3A_181, %add3A_165 : vector<16xi1>, vector<16xi32>
    %swap3A_183 = arith.constant 32 : index
    %swap3A_184 = tpu.vector_load %arg6[%swap3A_183] {strides = array<i32>} : memref<800xi32, #tpu.memory_space<vmem>>, vector<16xi32>,
    %swap3A_185 = vector.shape_cast %swap3A_184 : vector<16xi32> to vector<16xi32>
    %swap3A_186 = vector.shape_cast %select_n3A_182 : vector<16xi32> to vector<16xi32>
    tpu.vector_store %arg6[%swap3A_183], %swap3A_186 {strides = array<i32>} : memref<800xi32, #tpu.memory_space<vmem>>, vector<16xi32>,
    %get3A_187 = arith.constant 1952 : index
    %get3A_188 = tpu.vector_load %arg5[%get3A_187] {strides = array<i32>} : memref<9600xi32, #tpu.memory_space<vmem>>, vector<16xi32>,
    %get3A_189 = vector.shape_cast %get3A_188 : vector<16xi32> to vector<16xi32>
    %ge3A_190 = arith.constant 0 : i32
    %ge3A_191 = vector.broadcast %ge3A_190 : i32 to vector<16xi32>
    %ge3A_192 = arith.cmpi sge, %get3A_189, %ge3A_191 : vector<16xi32>
    %add3A_193 = arith.addi %mul3A_174, %get3A_189 : vector<16xi32>
    %select_n3A_194 = arith.select %ge3A_192, %add3A_193, %add3A_165 : vector<16xi1>, vector<16xi32>
    %swap3A_195 = arith.constant 112 : index
    %swap3A_196 = tpu.vector_load %arg6[%swap3A_195] {strides = array<i32>} : memref<800xi32, #tpu.memory_space<vmem>>, vector<16xi32>,
    %swap3A_197 = vector.shape_cast %swap3A_196 : vector<16xi32> to vector<16xi32>
    %swap3A_198 = vector.shape_cast %select_n3A_194 : vector<16xi32> to vector<16xi32>
    tpu.vector_store %arg6[%swap3A_195], %swap3A_198 {strides = array<i32>} : memref<800xi32, #tpu.memory_space<vmem>>, vector<16xi32>,
    %get3A_199 = arith.constant 3872 : index
    %get3A_200 = tpu.vector_load %arg5[%get3A_199] {strides = array<i32>} : memref<9600xi32, #tpu.memory_space<vmem>>, vector<16xi32>,
    %get3A_201 = vector.shape_cast %get3A_200 : vector<16xi32> to vector<16xi32>
    %ge3A_202 = arith.constant 0 : i32
    %ge3A_203 = vector.broadcast %ge3A_202 : i32 to vector<16xi32>
    %ge3A_204 = arith.cmpi sge, %get3A_201, %ge3A_203 : vector<16xi32>
    %add3A_205 = arith.addi %mul3A_174, %get3A_201 : vector<16xi32>
    %select_n3A_206 = arith.select %ge3A_204, %add3A_205, %add3A_165 : vector<16xi1>, vector<16xi32>
    %swap3A_207 = arith.constant 192 : index
    %swap3A_208 = tpu.vector_load %arg6[%swap3A_207] {strides = array<i32>} : memref<800xi32, #tpu.memory_space<vmem>>, vector<16xi32>,
    %swap3A_209 = vector.shape_cast %swap3A_208 : vector<16xi32> to vector<16xi32>
    %swap3A_210 = vector.shape_cast %select_n3A_206 : vector<16xi32> to vector<16xi32>
    tpu.vector_store %arg6[%swap3A_207], %swap3A_210 {strides = array<i32>} : memref<800xi32, #tpu.memory_space<vmem>>, vector<16xi32>,
    %get3A_211 = arith.constant 5792 : index
    %get3A_212 = tpu.vector_load %arg5[%get3A_211] {strides = array<i32>} : memref<9600xi32, #tpu.memory_space<vmem>>, vector<16xi32>,
    %get3A_213 = vector.shape_cast %get3A_212 : vector<16xi32> to vector<16xi32>
    %ge3A_214 = arith.constant 0 : i32
    %ge3A_215 = vector.broadcast %ge3A_214 : i32 to vector<16xi32>
    %ge3A_216 = arith.cmpi sge, %get3A_213, %ge3A_215 : vector<16xi32>
    %add3A_217 = arith.addi %mul3A_174, %get3A_213 : vector<16xi32>
    %select_n3A_218 = arith.select %ge3A_216, %add3A_217, %add3A_165 : vector<16xi1>, vector<16xi32>
    %swap3A_219 = arith.constant 272 : index
    %swap3A_220 = tpu.vector_load %arg6[%swap3A_219] {strides = array<i32>} : memref<800xi32, #tpu.memory_space<vmem>>, vector<16xi32>,
    %swap3A_221 = vector.shape_cast %swap3A_220 : vector<16xi32> to vector<16xi32>
    %swap3A_222 = vector.shape_cast %select_n3A_218 : vector<16xi32> to vector<16xi32>
    tpu.vector_store %arg6[%swap3A_219], %swap3A_222 {strides = array<i32>} : memref<800xi32, #tpu.memory_space<vmem>>, vector<16xi32>,
    %get3A_223 = arith.constant 7712 : index
    %get3A_224 = tpu.vector_load %arg5[%get3A_223] {strides = array<i32>} : memref<9600xi32, #tpu.memory_space<vmem>>, vector<16xi32>,
    %get3A_225 = vector.shape_cast %get3A_224 : vector<16xi32> to vector<16xi32>
    %ge3A_226 = arith.constant 0 : i32
    %ge3A_227 = vector.broadcast %ge3A_226 : i32 to vector<16xi32>
    %ge3A_228 = arith.cmpi sge, %get3A_225, %ge3A_227 : vector<16xi32>
    %add3A_229 = arith.addi %mul3A_174, %get3A_225 : vector<16xi32>
    %select_n3A_230 = arith.select %ge3A_228, %add3A_229, %add3A_165 : vector<16xi1>, vector<16xi32>
    %swap3A_231 = arith.constant 352 : index
    %swap3A_232 = tpu.vector_load %arg6[%swap3A_231] {strides = array<i32>} : memref<800xi32, #tpu.memory_space<vmem>>, vector<16xi32>,
    %swap3A_233 = vector.shape_cast %swap3A_232 : vector<16xi32> to vector<16xi32>
    %swap3A_234 = vector.shape_cast %select_n3A_230 : vector<16xi32> to vector<16xi32>
    tpu.vector_store %arg6[%swap3A_231], %swap3A_234 {strides = array<i32>} : memref<800xi32, #tpu.memory_space<vmem>>, vector<16xi32>,
    %add3A_235 = arith.constant 0 : i32
    %add3A_236 = arith.addi %mul3A_2, %add3A_235 : i32
    %add3A_237 = arith.constant 48 : i32
    %add3A_238 = arith.addi %add3A_236, %add3A_237 : i32
    %iota3A_239 = tpu.iota {dimensions = array<i32: 0>} : vector<16xi32>
    %add3A_240 = vector.broadcast %add3A_238 : i32 to vector<16xi32>
    %add3A_241 = arith.addi %add3A_240, %iota3A_239 : vector<16xi32>
    %mul3A_242 = arith.constant 34953 : i32
    %mul3A_243 = vector.broadcast %mul3A_242 : i32 to vector<16xi32>
    %mul3A_244 = arith.muli %add3A_241, %mul3A_243 : vector<16xi32>
    %shift_right_arithmetic3A_245 = arith.constant 21 : i32
    %shift_right_arithmetic3A_246 = vector.broadcast %shift_right_arithmetic3A_245 : i32 to vector<16xi32>
    %shift_right_arithmetic3A_247 = arith.shrsi %mul3A_244, %shift_right_arithmetic3A_246 : vector<16xi32>
    %mul3A_248 = arith.constant 60 : i32
    %mul3A_249 = vector.broadcast %mul3A_248 : i32 to vector<16xi32>
    %mul3A_250 = arith.muli %shift_right_arithmetic3A_247, %mul3A_249 : vector<16xi32>
    %get3A_251 = arith.constant 48 : index
    %get3A_252 = tpu.vector_load %arg5[%get3A_251] {strides = array<i32>} : memref<9600xi32, #tpu.memory_space<vmem>>, vector<16xi32>,
    %get3A_253 = vector.shape_cast %get3A_252 : vector<16xi32> to vector<16xi32>
    %ge3A_254 = arith.constant 0 : i32
    %ge3A_255 = vector.broadcast %ge3A_254 : i32 to vector<16xi32>
    %ge3A_256 = arith.cmpi sge, %get3A_253, %ge3A_255 : vector<16xi32>
    %add3A_257 = arith.addi %mul3A_250, %get3A_253 : vector<16xi32>
    %select_n3A_258 = arith.select %ge3A_256, %add3A_257, %add3A_241 : vector<16xi1>, vector<16xi32>
    %swap3A_259 = arith.constant 48 : index
    %swap3A_260 = tpu.vector_load %arg6[%swap3A_259] {strides = array<i32>} : memref<800xi32, #tpu.memory_space<vmem>>, vector<16xi32>,
    %swap3A_261 = vector.shape_cast %swap3A_260 : vector<16xi32> to vector<16xi32>
    %swap3A_262 = vector.shape_cast %select_n3A_258 : vector<16xi32> to vector<16xi32>
    tpu.vector_store %arg6[%swap3A_259], %swap3A_262 {strides = array<i32>} : memref<800xi32, #tpu.memory_space<vmem>>, vector<16xi32>,
    %get3A_263 = arith.constant 1968 : index
    %get3A_264 = tpu.vector_load %arg5[%get3A_263] {strides = array<i32>} : memref<9600xi32, #tpu.memory_space<vmem>>, vector<16xi32>,
    %get3A_265 = vector.shape_cast %get3A_264 : vector<16xi32> to vector<16xi32>
    %ge3A_266 = arith.constant 0 : i32
    %ge3A_267 = vector.broadcast %ge3A_266 : i32 to vector<16xi32>
    %ge3A_268 = arith.cmpi sge, %get3A_265, %ge3A_267 : vector<16xi32>
    %add3A_269 = arith.addi %mul3A_250, %get3A_265 : vector<16xi32>
    %select_n3A_270 = arith.select %ge3A_268, %add3A_269, %add3A_241 : vector<16xi1>, vector<16xi32>
    %swap3A_271 = arith.constant 128 : index
    %swap3A_272 = tpu.vector_load %arg6[%swap3A_271] {strides = array<i32>} : memref<800xi32, #tpu.memory_space<vmem>>, vector<16xi32>,
    %swap3A_273 = vector.shape_cast %swap3A_272 : vector<16xi32> to vector<16xi32>
    %swap3A_274 = vector.shape_cast %select_n3A_270 : vector<16xi32> to vector<16xi32>
    tpu.vector_store %arg6[%swap3A_271], %swap3A_274 {strides = array<i32>} : memref<800xi32, #tpu.memory_space<vmem>>, vector<16xi32>,
    %get3A_275 = arith.constant 3888 : index
    %get3A_276 = tpu.vector_load %arg5[%get3A_275] {strides = array<i32>} : memref<9600xi32, #tpu.memory_space<vmem>>, vector<16xi32>,
    %get3A_277 = vector.shape_cast %get3A_276 : vector<16xi32> to vector<16xi32>
    %ge3A_278 = arith.constant 0 : i32
    %ge3A_279 = vector.broadcast %ge3A_278 : i32 to vector<16xi32>
    %ge3A_280 = arith.cmpi sge, %get3A_277, %ge3A_279 : vector<16xi32>
    %add3A_281 = arith.addi %mul3A_250, %get3A_277 : vector<16xi32>
    %select_n3A_282 = arith.select %ge3A_280, %add3A_281, %add3A_241 : vector<16xi1>, vector<16xi32>
    %swap3A_283 = arith.constant 208 : index
    %swap3A_284 = tpu.vector_load %arg6[%swap3A_283] {strides = array<i32>} : memref<800xi32, #tpu.memory_space<vmem>>, vector<16xi32>,
    %swap3A_285 = vector.shape_cast %swap3A_284 : vector<16xi32> to vector<16xi32>
    %swap3A_286 = vector.shape_cast %select_n3A_282 : vector<16xi32> to vector<16xi32>
    tpu.vector_store %arg6[%swap3A_283], %swap3A_286 {strides = array<i32>} : memref<800xi32, #tpu.memory_space<vmem>>, vector<16xi32>,
    %get3A_287 = arith.constant 5808 : index
    %get3A_288 = tpu.vector_load %arg5[%get3A_287] {strides = array<i32>} : memref<9600xi32, #tpu.memory_space<vmem>>, vector<16xi32>,
    %get3A_289 = vector.shape_cast %get3A_288 : vector<16xi32> to vector<16xi32>
    %ge3A_290 = arith.constant 0 : i32
    %ge3A_291 = vector.broadcast %ge3A_290 : i32 to vector<16xi32>
    %ge3A_292 = arith.cmpi sge, %get3A_289, %ge3A_291 : vector<16xi32>
    %add3A_293 = arith.addi %mul3A_250, %get3A_289 : vector<16xi32>
    %select_n3A_294 = arith.select %ge3A_292, %add3A_293, %add3A_241 : vector<16xi1>, vector<16xi32>
    %swap3A_295 = arith.constant 288 : index
    %swap3A_296 = tpu.vector_load %arg6[%swap3A_295] {strides = array<i32>} : memref<800xi32, #tpu.memory_space<vmem>>, vector<16xi32>,
    %swap3A_297 = vector.shape_cast %swap3A_296 : vector<16xi32> to vector<16xi32>
    %swap3A_298 = vector.shape_cast %select_n3A_294 : vector<16xi32> to vector<16xi32>
    tpu.vector_store %arg6[%swap3A_295], %swap3A_298 {strides = array<i32>} : memref<800xi32, #tpu.memory_space<vmem>>, vector<16xi32>,
    %get3A_299 = arith.constant 7728 : index
    %get3A_300 = tpu.vector_load %arg5[%get3A_299] {strides = array<i32>} : memref<9600xi32, #tpu.memory_space<vmem>>, vector<16xi32>,
    %get3A_301 = vector.shape_cast %get3A_300 : vector<16xi32> to vector<16xi32>
    %ge3A_302 = arith.constant 0 : i32
    %ge3A_303 = vector.broadcast %ge3A_302 : i32 to vector<16xi32>
    %ge3A_304 = arith.cmpi sge, %get3A_301, %ge3A_303 : vector<16xi32>
    %add3A_305 = arith.addi %mul3A_250, %get3A_301 : vector<16xi32>
    %select_n3A_306 = arith.select %ge3A_304, %add3A_305, %add3A_241 : vector<16xi1>, vector<16xi32>
    %swap3A_307 = arith.constant 368 : index
    %swap3A_308 = tpu.vector_load %arg6[%swap3A_307] {strides = array<i32>} : memref<800xi32, #tpu.memory_space<vmem>>, vector<16xi32>,
    %swap3A_309 = vector.shape_cast %swap3A_308 : vector<16xi32> to vector<16xi32>
    %swap3A_310 = vector.shape_cast %select_n3A_306 : vector<16xi32> to vector<16xi32>
    tpu.vector_store %arg6[%swap3A_307], %swap3A_310 {strides = array<i32>} : memref<800xi32, #tpu.memory_space<vmem>>, vector<16xi32>,
    %add3A_311 = arith.constant 0 : i32
    %add3A_312 = arith.addi %mul3A_2, %add3A_311 : i32
    %add3A_313 = arith.constant 64 : i32
    %add3A_314 = arith.addi %add3A_312, %add3A_313 : i32
    %iota3A_315 = tpu.iota {dimensions = array<i32: 0>} : vector<16xi32>
    %add3A_316 = vector.broadcast %add3A_314 : i32 to vector<16xi32>
    %add3A_317 = arith.addi %add3A_316, %iota3A_315 : vector<16xi32>
    %mul3A_318 = arith.constant 34953 : i32
    %mul3A_319 = vector.broadcast %mul3A_318 : i32 to vector<16xi32>
    %mul3A_320 = arith.muli %add3A_317, %mul3A_319 : vector<16xi32>
    %shift_right_arithmetic3A_321 = arith.constant 21 : i32
    %shift_right_arithmetic3A_322 = vector.broadcast %shift_right_arithmetic3A_321 : i32 to vector<16xi32>
    %shift_right_arithmetic3A_323 = arith.shrsi %mul3A_320, %shift_right_arithmetic3A_322 : vector<16xi32>
    %mul3A_324 = arith.constant 60 : i32
    %mul3A_325 = vector.broadcast %mul3A_324 : i32 to vector<16xi32>
    %mul3A_326 = arith.muli %shift_right_arithmetic3A_323, %mul3A_325 : vector<16xi32>
    %get3A_327 = arith.constant 64 : index
    %get3A_328 = tpu.vector_load %arg5[%get3A_327] {strides = array<i32>} : memref<9600xi32, #tpu.memory_space<vmem>>, vector<16xi32>,
    %get3A_329 = vector.shape_cast %get3A_328 : vector<16xi32> to vector<16xi32>
    %ge3A_330 = arith.constant 0 : i32
    %ge3A_331 = vector.broadcast %ge3A_330 : i32 to vector<16xi32>
    %ge3A_332 = arith.cmpi sge, %get3A_329, %ge3A_331 : vector<16xi32>
    %add3A_333 = arith.addi %mul3A_326, %get3A_329 : vector<16xi32>
    %select_n3A_334 = arith.select %ge3A_332, %add3A_333, %add3A_317 : vector<16xi1>, vector<16xi32>
    %swap3A_335 = arith.constant 64 : index
    %swap3A_336 = tpu.vector_load %arg6[%swap3A_335] {strides = array<i32>} : memref<800xi32, #tpu.memory_space<vmem>>, vector<16xi32>,
    %swap3A_337 = vector.shape_cast %swap3A_336 : vector<16xi32> to vector<16xi32>
    %swap3A_338 = vector.shape_cast %select_n3A_334 : vector<16xi32> to vector<16xi32>
    tpu.vector_store %arg6[%swap3A_335], %swap3A_338 {strides = array<i32>} : memref<800xi32, #tpu.memory_space<vmem>>, vector<16xi32>,
    %get3A_339 = arith.constant 1984 : index
    %get3A_340 = tpu.vector_load %arg5[%get3A_339] {strides = array<i32>} : memref<9600xi32, #tpu.memory_space<vmem>>, vector<16xi32>,
    %get3A_341 = vector.shape_cast %get3A_340 : vector<16xi32> to vector<16xi32>
    %ge3A_342 = arith.constant 0 : i32
    %ge3A_343 = vector.broadcast %ge3A_342 : i32 to vector<16xi32>
    %ge3A_344 = arith.cmpi sge, %get3A_341, %ge3A_343 : vector<16xi32>
    %add3A_345 = arith.addi %mul3A_326, %get3A_341 : vector<16xi32>
    %select_n3A_346 = arith.select %ge3A_344, %add3A_345, %add3A_317 : vector<16xi1>, vector<16xi32>
    %swap3A_347 = arith.constant 144 : index
    %swap3A_348 = tpu.vector_load %arg6[%swap3A_347] {strides = array<i32>} : memref<800xi32, #tpu.memory_space<vmem>>, vector<16xi32>,
    %swap3A_349 = vector.shape_cast %swap3A_348 : vector<16xi32> to vector<16xi32>
    %swap3A_350 = vector.shape_cast %select_n3A_346 : vector<16xi32> to vector<16xi32>
    tpu.vector_store %arg6[%swap3A_347], %swap3A_350 {strides = array<i32>} : memref<800xi32, #tpu.memory_space<vmem>>, vector<16xi32>,
    %get3A_351 = arith.constant 3904 : index
    %get3A_352 = tpu.vector_load %arg5[%get3A_351] {strides = array<i32>} : memref<9600xi32, #tpu.memory_space<vmem>>, vector<16xi32>,
    %get3A_353 = vector.shape_cast %get3A_352 : vector<16xi32> to vector<16xi32>
    %ge3A_354 = arith.constant 0 : i32
    %ge3A_355 = vector.broadcast %ge3A_354 : i32 to vector<16xi32>
    %ge3A_356 = arith.cmpi sge, %get3A_353, %ge3A_355 : vector<16xi32>
    %add3A_357 = arith.addi %mul3A_326, %get3A_353 : vector<16xi32>
    %select_n3A_358 = arith.select %ge3A_356, %add3A_357, %add3A_317 : vector<16xi1>, vector<16xi32>
    %swap3A_359 = arith.constant 224 : index
    %swap3A_360 = tpu.vector_load %arg6[%swap3A_359] {strides = array<i32>} : memref<800xi32, #tpu.memory_space<vmem>>, vector<16xi32>,
    %swap3A_361 = vector.shape_cast %swap3A_360 : vector<16xi32> to vector<16xi32>
    %swap3A_362 = vector.shape_cast %select_n3A_358 : vector<16xi32> to vector<16xi32>
    tpu.vector_store %arg6[%swap3A_359], %swap3A_362 {strides = array<i32>} : memref<800xi32, #tpu.memory_space<vmem>>, vector<16xi32>,
    %get3A_363 = arith.constant 5824 : index
    %get3A_364 = tpu.vector_load %arg5[%get3A_363] {strides = array<i32>} : memref<9600xi32, #tpu.memory_space<vmem>>, vector<16xi32>,
    %get3A_365 = vector.shape_cast %get3A_364 : vector<16xi32> to vector<16xi32>
    %ge3A_366 = arith.constant 0 : i32
    %ge3A_367 = vector.broadcast %ge3A_366 : i32 to vector<16xi32>
    %ge3A_368 = arith.cmpi sge, %get3A_365, %ge3A_367 : vector<16xi32>
    %add3A_369 = arith.addi %mul3A_326, %get3A_365 : vector<16xi32>
    %select_n3A_370 = arith.select %ge3A_368, %add3A_369, %add3A_317 : vector<16xi1>, vector<16xi32>
    %swap3A_371 = arith.constant 304 : index
    %swap3A_372 = tpu.vector_load %arg6[%swap3A_371] {strides = array<i32>} : memref<800xi32, #tpu.memory_space<vmem>>, vector<16xi32>,
    %swap3A_373 = vector.shape_cast %swap3A_372 : vector<16xi32> to vector<16xi32>
    %swap3A_374 = vector.shape_cast %select_n3A_370 : vector<16xi32> to vector<16xi32>
    tpu.vector_store %arg6[%swap3A_371], %swap3A_374 {strides = array<i32>} : memref<800xi32, #tpu.memory_space<vmem>>, vector<16xi32>,
    %get3A_375 = arith.constant 7744 : index
    %get3A_376 = tpu.vector_load %arg5[%get3A_375] {strides = array<i32>} : memref<9600xi32, #tpu.memory_space<vmem>>, vector<16xi32>,
    %get3A_377 = vector.shape_cast %get3A_376 : vector<16xi32> to vector<16xi32>
    %ge3A_378 = arith.constant 0 : i32
    %ge3A_379 = vector.broadcast %ge3A_378 : i32 to vector<16xi32>
    %ge3A_380 = arith.cmpi sge, %get3A_377, %ge3A_379 : vector<16xi32>
    %add3A_381 = arith.addi %mul3A_326, %get3A_377 : vector<16xi32>
    %select_n3A_382 = arith.select %ge3A_380, %add3A_381, %add3A_317 : vector<16xi1>, vector<16xi32>
    %swap3A_383 = arith.constant 384 : index
    %swap3A_384 = tpu.vector_load %arg6[%swap3A_383] {strides = array<i32>} : memref<800xi32, #tpu.memory_space<vmem>>, vector<16xi32>,
    %swap3A_385 = vector.shape_cast %swap3A_384 : vector<16xi32> to vector<16xi32>
    %swap3A_386 = vector.shape_cast %select_n3A_382 : vector<16xi32> to vector<16xi32>
    tpu.vector_store %arg6[%swap3A_383], %swap3A_386 {strides = array<i32>} : memref<800xi32, #tpu.memory_space<vmem>>, vector<16xi32>,
    %dma_start3A = arith.constant 0 : i32
    %dma_start3A_387 = arith.constant 0 : i32
    %dma_start3A_388 = arith.constant 0 : i32
    %dma_start3A_389 = arith.constant 0 : i32
    %dma_start3A_390 = tpu.memref_slice %arg7[%dma_start3A, %dma_start3A_387, %dma_start3A_388, %dma_start3A_389] : memref<2x5x80x128xf32, #tpu.memory_space<vmem>> -> memref<1x1x80x128xf32, #tpu.memory_space<vmem>>
    %dma_start3A_391 = tpu.memref_squeeze %dma_start3A_390 : memref<1x1x80x128xf32, #tpu.memory_space<vmem>> -> memref<80x128xf32, #tpu.memory_space<vmem>>
    %dma_start3A_392 = arith.constant 0 : i32
    %dma_start3A_393 = tpu.memref_slice %arg6[%dma_start3A_392] : memref<800xi32, #tpu.memory_space<vmem>> -> memref<80xi32, #tpu.memory_space<vmem>>
    %dma_start3A_394 = arith.constant 0 : i32
    %dma_start3A_395 = arith.constant 0 : i32
    %dma_start3A_396 = tpu.memref_slice %arg2[%dma_start3A_394, %dma_start3A_395] : memref<61440x128xf32, #tpu.memory_space<hbm>> -> memref<61440x128xf32, #tpu.memory_space<hbm>>
    tpu.enqueue_indirect_dma source(%dma_start3A_396 : memref<61440x128xf32, #tpu.memory_space<hbm>>) target(%dma_start3A_391 : memref<80x128xf32, #tpu.memory_space<vmem>>) offsets(%dma_start3A_393 : memref<80xi32, #tpu.memory_space<vmem>>) semaphore(%arg8 : memref<!tpu.dma_semaphore, #tpu.memory_space<semaphore_mem>>)
    %dma_start3A_397 = arith.constant 0 : i32
    %dma_start3A_398 = arith.constant 1 : i32
    %dma_start3A_399 = arith.constant 0 : i32
    %dma_start3A_400 = arith.constant 0 : i32
    %dma_start3A_401 = tpu.memref_slice %arg7[%dma_start3A_397, %dma_start3A_398, %dma_start3A_399, %dma_start3A_400] : memref<2x5x80x128xf32, #tpu.memory_space<vmem>> -> memref<1x1x80x128xf32, #tpu.memory_space<vmem>>
    %dma_start3A_402 = tpu.memref_squeeze %dma_start3A_401 : memref<1x1x80x128xf32, #tpu.memory_space<vmem>> -> memref<80x128xf32, #tpu.memory_space<vmem>>
    %dma_start3A_403 = arith.constant 80 : i32
    %dma_start3A_404 = tpu.memref_slice %arg6[%dma_start3A_403] : memref<800xi32, #tpu.memory_space<vmem>> -> memref<80xi32, #tpu.memory_space<vmem>>
    %dma_start3A_405 = arith.constant 0 : i32
    %dma_start3A_406 = arith.constant 0 : i32
    %dma_start3A_407 = tpu.memref_slice %arg2[%dma_start3A_405, %dma_start3A_406] : memref<61440x128xf32, #tpu.memory_space<hbm>> -> memref<61440x128xf32, #tpu.memory_space<hbm>>
    tpu.enqueue_indirect_dma source(%dma_start3A_407 : memref<61440x128xf32, #tpu.memory_space<hbm>>) target(%dma_start3A_402 : memref<80x128xf32, #tpu.memory_space<vmem>>) offsets(%dma_start3A_404 : memref<80xi32, #tpu.memory_space<vmem>>) semaphore(%arg8 : memref<!tpu.dma_semaphore, #tpu.memory_space<semaphore_mem>>)
    %dma_start3A_408 = arith.constant 0 : i32
    %dma_start3A_409 = arith.constant 2 : i32
    %dma_start3A_410 = arith.constant 0 : i32
    %dma_start3A_411 = arith.constant 0 : i32
    %dma_start3A_412 = tpu.memref_slice %arg7[%dma_start3A_408, %dma_start3A_409, %dma_start3A_410, %dma_start3A_411] : memref<2x5x80x128xf32, #tpu.memory_space<vmem>> -> memref<1x1x80x128xf32, #tpu.memory_space<vmem>>
    %dma_start3A_413 = tpu.memref_squeeze %dma_start3A_412 : memref<1x1x80x128xf32, #tpu.memory_space<vmem>> -> memref<80x128xf32, #tpu.memory_space<vmem>>
    %dma_start3A_414 = arith.constant 160 : i32
    %dma_start3A_415 = tpu.memref_slice %arg6[%dma_start3A_414] : memref<800xi32, #tpu.memory_space<vmem>> -> memref<80xi32, #tpu.memory_space<vmem>>
    %dma_start3A_416 = arith.constant 0 : i32
    %dma_start3A_417 = arith.constant 0 : i32
    %dma_start3A_418 = tpu.memref_slice %arg2[%dma_start3A_416, %dma_start3A_417] : memref<61440x128xf32, #tpu.memory_space<hbm>> -> memref<61440x128xf32, #tpu.memory_space<hbm>>
    tpu.enqueue_indirect_dma source(%dma_start3A_418 : memref<61440x128xf32, #tpu.memory_space<hbm>>) target(%dma_start3A_413 : memref<80x128xf32, #tpu.memory_space<vmem>>) offsets(%dma_start3A_415 : memref<80xi32, #tpu.memory_space<vmem>>) semaphore(%arg8 : memref<!tpu.dma_semaphore, #tpu.memory_space<semaphore_mem>>)
    %dma_start3A_419 = arith.constant 0 : i32
    %dma_start3A_420 = arith.constant 3 : i32
    %dma_start3A_421 = arith.constant 0 : i32
    %dma_start3A_422 = arith.constant 0 : i32
    %dma_start3A_423 = tpu.memref_slice %arg7[%dma_start3A_419, %dma_start3A_420, %dma_start3A_421, %dma_start3A_422] : memref<2x5x80x128xf32, #tpu.memory_space<vmem>> -> memref<1x1x80x128xf32, #tpu.memory_space<vmem>>
    %dma_start3A_424 = tpu.memref_squeeze %dma_start3A_423 : memref<1x1x80x128xf32, #tpu.memory_space<vmem>> -> memref<80x128xf32, #tpu.memory_space<vmem>>
    %dma_start3A_425 = arith.constant 240 : i32
    %dma_start3A_426 = tpu.memref_slice %arg6[%dma_start3A_425] : memref<800xi32, #tpu.memory_space<vmem>> -> memref<80xi32, #tpu.memory_space<vmem>>
    %dma_start3A_427 = arith.constant 0 : i32
    %dma_start3A_428 = arith.constant 0 : i32
    %dma_start3A_429 = tpu.memref_slice %arg2[%dma_start3A_427, %dma_start3A_428] : memref<61440x128xf32, #tpu.memory_space<hbm>> -> memref<61440x128xf32, #tpu.memory_space<hbm>>
    tpu.enqueue_indirect_dma source(%dma_start3A_429 : memref<61440x128xf32, #tpu.memory_space<hbm>>) target(%dma_start3A_424 : memref<80x128xf32, #tpu.memory_space<vmem>>) offsets(%dma_start3A_426 : memref<80xi32, #tpu.memory_space<vmem>>) semaphore(%arg8 : memref<!tpu.dma_semaphore, #tpu.memory_space<semaphore_mem>>)
    %dma_start3A_430 = arith.constant 0 : i32
    %dma_start3A_431 = arith.constant 4 : i32
    %dma_start3A_432 = arith.constant 0 : i32
    %dma_start3A_433 = arith.constant 0 : i32
    %dma_start3A_434 = tpu.memref_slice %arg7[%dma_start3A_430, %dma_start3A_431, %dma_start3A_432, %dma_start3A_433] : memref<2x5x80x128xf32, #tpu.memory_space<vmem>> -> memref<1x1x80x128xf32, #tpu.memory_space<vmem>>
    %dma_start3A_435 = tpu.memref_squeeze %dma_start3A_434 : memref<1x1x80x128xf32, #tpu.memory_space<vmem>> -> memref<80x128xf32, #tpu.memory_space<vmem>>
    %dma_start3A_436 = arith.constant 320 : i32
    %dma_start3A_437 = tpu.memref_slice %arg6[%dma_start3A_436] : memref<800xi32, #tpu.memory_space<vmem>> -> memref<80xi32, #tpu.memory_space<vmem>>
    %dma_start3A_438 = arith.constant 0 : i32
    %dma_start3A_439 = arith.constant 0 : i32
    %dma_start3A_440 = tpu.memref_slice %arg2[%dma_start3A_438, %dma_start3A_439] : memref<61440x128xf32, #tpu.memory_space<hbm>> -> memref<61440x128xf32, #tpu.memory_space<hbm>>
    tpu.enqueue_indirect_dma source(%dma_start3A_440 : memref<61440x128xf32, #tpu.memory_space<hbm>>) target(%dma_start3A_435 : memref<80x128xf32, #tpu.memory_space<vmem>>) offsets(%dma_start3A_437 : memref<80xi32, #tpu.memory_space<vmem>>) semaphore(%arg8 : memref<!tpu.dma_semaphore, #tpu.memory_space<semaphore_mem>>)
    %scan3A = arith.constant 0 : i32
    %scan3A_441 = arith.constant 12 : i32
    %scan3A_442 = arith.addi %scan3A, %scan3A_441 : i32
    %scan3A_443 = arith.constant 1 : i32
    scf.for %scan3A_445 = %scan3A to %scan3A_442 step %scan3A_443  : i32 {
      %mul3A_446 = arith.constant 2 : i32
      %mul3A_447 = arith.muli %mul3A_446, %scan3A_445 : i32
      %add3A_448 = arith.constant 0 : i32
      %add3A_449 = arith.addi %mul3A_447, %add3A_448 : i32
      %add3A_450 = arith.constant 1 : i32
      %add3A_451 = arith.addi %add3A_449, %add3A_450 : i32
      %lt3A = arith.constant 24 : i32
      %lt3A_452 = arith.cmpi slt, %add3A_451, %lt3A : i32
      %convert_element_type3A = arith.extui %lt3A_452 : i1 to i32
      %cond3A = arith.constant 0 : i32
      %cond3A_453 = arith.cmpi ne, %convert_element_type3A, %cond3A : i32
      scf.if %cond3A_453 {
        %add3A_593 = arith.constant 1 : i32
        %add3A_594 = arith.addi %add3A_449, %add3A_593 : i32
        %mul3A_595 = arith.constant 80 : i32
        %mul3A_596 = arith.muli %add3A_594, %mul3A_595 : i32
        %add3A_597 = arith.addi %mul3A_2, %mul3A_596 : i32
        %add3A_598 = arith.constant 0 : i32
        %add3A_599 = arith.addi %add3A_597, %add3A_598 : i32
        %iota3A_600 = tpu.iota {dimensions = array<i32: 0>} : vector<16xi32>
        %add3A_601 = vector.broadcast %add3A_599 : i32 to vector<16xi32>
        %add3A_602 = arith.addi %add3A_601, %iota3A_600 : vector<16xi32>
        %mul3A_603 = arith.constant 34953 : i32
        %mul3A_604 = vector.broadcast %mul3A_603 : i32 to vector<16xi32>
        %mul3A_605 = arith.muli %add3A_602, %mul3A_604 : vector<16xi32>
        %shift_right_arithmetic3A_606 = arith.constant 21 : i32
        %shift_right_arithmetic3A_607 = vector.broadcast %shift_right_arithmetic3A_606 : i32 to vector<16xi32>
        %shift_right_arithmetic3A_608 = arith.shrsi %mul3A_605, %shift_right_arithmetic3A_607 : vector<16xi32>
        %mul3A_609 = arith.constant 60 : i32
        %mul3A_610 = vector.broadcast %mul3A_609 : i32 to vector<16xi32>
        %mul3A_611 = arith.muli %shift_right_arithmetic3A_608, %mul3A_610 : vector<16xi32>
        %mul3A_612 = arith.constant 80 : i32
        %mul3A_613 = arith.muli %add3A_594, %mul3A_612 : i32
        %add3A_614 = arith.constant 0 : i32
        %add3A_615 = arith.addi %add3A_614, %mul3A_613 : i32
        %add3A_616 = arith.constant 0 : i32
        %add3A_617 = arith.addi %add3A_615, %add3A_616 : i32
        %get3A_618 = arith.index_cast %add3A_617 : i32 to index
        %get3A_619 = tpu.vector_load %arg5[%get3A_618] {strides = array<i32>} : memref<9600xi32, #tpu.memory_space<vmem>>, vector<16xi32>,
        %get3A_620 = vector.shape_cast %get3A_619 : vector<16xi32> to vector<16xi32>
        %ge3A_621 = arith.constant 0 : i32
        %ge3A_622 = vector.broadcast %ge3A_621 : i32 to vector<16xi32>
        %ge3A_623 = arith.cmpi sge, %get3A_620, %ge3A_622 : vector<16xi32>
        %add3A_624 = arith.addi %mul3A_611, %get3A_620 : vector<16xi32>
        %select_n3A_625 = arith.select %ge3A_623, %add3A_624, %add3A_602 : vector<16xi1>, vector<16xi32>
        %swap3A_626 = arith.constant 400 : index
        %swap3A_627 = tpu.vector_load %arg6[%swap3A_626] {strides = array<i32>} : memref<800xi32, #tpu.memory_space<vmem>>, vector<16xi32>,
        %swap3A_628 = vector.shape_cast %swap3A_627 : vector<16xi32> to vector<16xi32>
        %swap3A_629 = vector.shape_cast %select_n3A_625 : vector<16xi32> to vector<16xi32>
        tpu.vector_store %arg6[%swap3A_626], %swap3A_629 {strides = array<i32>} : memref<800xi32, #tpu.memory_space<vmem>>, vector<16xi32>,
        %mul3A_630 = arith.constant 80 : i32
        %mul3A_631 = arith.muli %add3A_594, %mul3A_630 : i32
        %add3A_632 = arith.constant 1920 : i32
        %add3A_633 = arith.addi %add3A_632, %mul3A_631 : i32
        %add3A_634 = arith.constant 0 : i32
        %add3A_635 = arith.addi %add3A_633, %add3A_634 : i32
        %get3A_636 = arith.index_cast %add3A_635 : i32 to index
        %get3A_637 = tpu.vector_load %arg5[%get3A_636] {strides = array<i32>} : memref<9600xi32, #tpu.memory_space<vmem>>, vector<16xi32>,
        %get3A_638 = vector.shape_cast %get3A_637 : vector<16xi32> to vector<16xi32>
        %ge3A_639 = arith.constant 0 : i32
        %ge3A_640 = vector.broadcast %ge3A_639 : i32 to vector<16xi32>
        %ge3A_641 = arith.cmpi sge, %get3A_638, %ge3A_640 : vector<16xi32>
        %add3A_642 = arith.addi %mul3A_611, %get3A_638 : vector<16xi32>
        %select_n3A_643 = arith.select %ge3A_641, %add3A_642, %add3A_602 : vector<16xi1>, vector<16xi32>
        %swap3A_644 = arith.constant 480 : index
        %swap3A_645 = tpu.vector_load %arg6[%swap3A_644] {strides = array<i32>} : memref<800xi32, #tpu.memory_space<vmem>>, vector<16xi32>,
        %swap3A_646 = vector.shape_cast %swap3A_645 : vector<16xi32> to vector<16xi32>
        %swap3A_647 = vector.shape_cast %select_n3A_643 : vector<16xi32> to vector<16xi32>
        tpu.vector_store %arg6[%swap3A_644], %swap3A_647 {strides = array<i32>} : memref<800xi32, #tpu.memory_space<vmem>>, vector<16xi32>,
        %mul3A_648 = arith.constant 80 : i32
        %mul3A_649 = arith.muli %add3A_594, %mul3A_648 : i32
        %add3A_650 = arith.constant 3840 : i32
        %add3A_651 = arith.addi %add3A_650, %mul3A_649 : i32
        %add3A_652 = arith.constant 0 : i32
        %add3A_653 = arith.addi %add3A_651, %add3A_652 : i32
        %get3A_654 = arith.index_cast %add3A_653 : i32 to index
        %get3A_655 = tpu.vector_load %arg5[%get3A_654] {strides = array<i32>} : memref<9600xi32, #tpu.memory_space<vmem>>, vector<16xi32>,
        %get3A_656 = vector.shape_cast %get3A_655 : vector<16xi32> to vector<16xi32>
        %ge3A_657 = arith.constant 0 : i32
        %ge3A_658 = vector.broadcast %ge3A_657 : i32 to vector<16xi32>
        %ge3A_659 = arith.cmpi sge, %get3A_656, %ge3A_658 : vector<16xi32>
        %add3A_660 = arith.addi %mul3A_611, %get3A_656 : vector<16xi32>
        %select_n3A_661 = arith.select %ge3A_659, %add3A_660, %add3A_602 : vector<16xi1>, vector<16xi32>
        %swap3A_662 = arith.constant 560 : index
        %swap3A_663 = tpu.vector_load %arg6[%swap3A_662] {strides = array<i32>} : memref<800xi32, #tpu.memory_space<vmem>>, vector<16xi32>,
        %swap3A_664 = vector.shape_cast %swap3A_663 : vector<16xi32> to vector<16xi32>
        %swap3A_665 = vector.shape_cast %select_n3A_661 : vector<16xi32> to vector<16xi32>
        tpu.vector_store %arg6[%swap3A_662], %swap3A_665 {strides = array<i32>} : memref<800xi32, #tpu.memory_space<vmem>>, vector<16xi32>,
        %mul3A_666 = arith.constant 80 : i32
        %mul3A_667 = arith.muli %add3A_594, %mul3A_666 : i32
        %add3A_668 = arith.constant 5760 : i32
        %add3A_669 = arith.addi %add3A_668, %mul3A_667 : i32
        %add3A_670 = arith.constant 0 : i32
        %add3A_671 = arith.addi %add3A_669, %add3A_670 : i32
        %get3A_672 = arith.index_cast %add3A_671 : i32 to index
        %get3A_673 = tpu.vector_load %arg5[%get3A_672] {strides = array<i32>} : memref<9600xi32, #tpu.memory_space<vmem>>, vector<16xi32>,
        %get3A_674 = vector.shape_cast %get3A_673 : vector<16xi32> to vector<16xi32>
        %ge3A_675 = arith.constant 0 : i32
        %ge3A_676 = vector.broadcast %ge3A_675 : i32 to vector<16xi32>
        %ge3A_677 = arith.cmpi sge, %get3A_674, %ge3A_676 : vector<16xi32>
        %add3A_678 = arith.addi %mul3A_611, %get3A_674 : vector<16xi32>
        %select_n3A_679 = arith.select %ge3A_677, %add3A_678, %add3A_602 : vector<16xi1>, vector<16xi32>
        %swap3A_680 = arith.constant 640 : index
        %swap3A_681 = tpu.vector_load %arg6[%swap3A_680] {strides = array<i32>} : memref<800xi32, #tpu.memory_space<vmem>>, vector<16xi32>,
        %swap3A_682 = vector.shape_cast %swap3A_681 : vector<16xi32> to vector<16xi32>
        %swap3A_683 = vector.shape_cast %select_n3A_679 : vector<16xi32> to vector<16xi32>
        tpu.vector_store %arg6[%swap3A_680], %swap3A_683 {strides = array<i32>} : memref<800xi32, #tpu.memory_space<vmem>>, vector<16xi32>,
        %mul3A_684 = arith.constant 80 : i32
        %mul3A_685 = arith.muli %add3A_594, %mul3A_684 : i32
        %add3A_686 = arith.constant 7680 : i32
        %add3A_687 = arith.addi %add3A_686, %mul3A_685 : i32
        %add3A_688 = arith.constant 0 : i32
        %add3A_689 = arith.addi %add3A_687, %add3A_688 : i32
        %get3A_690 = arith.index_cast %add3A_689 : i32 to index
        %get3A_691 = tpu.vector_load %arg5[%get3A_690] {strides = array<i32>} : memref<9600xi32, #tpu.memory_space<vmem>>, vector<16xi32>,
        %get3A_692 = vector.shape_cast %get3A_691 : vector<16xi32> to vector<16xi32>
        %ge3A_693 = arith.constant 0 : i32
        %ge3A_694 = vector.broadcast %ge3A_693 : i32 to vector<16xi32>
        %ge3A_695 = arith.cmpi sge, %get3A_692, %ge3A_694 : vector<16xi32>
        %add3A_696 = arith.addi %mul3A_611, %get3A_692 : vector<16xi32>
        %select_n3A_697 = arith.select %ge3A_695, %add3A_696, %add3A_602 : vector<16xi1>, vector<16xi32>
        %swap3A_698 = arith.constant 720 : index
        %swap3A_699 = tpu.vector_load %arg6[%swap3A_698] {strides = array<i32>} : memref<800xi32, #tpu.memory_space<vmem>>, vector<16xi32>,
        %swap3A_700 = vector.shape_cast %swap3A_699 : vector<16xi32> to vector<16xi32>
        %swap3A_701 = vector.shape_cast %select_n3A_697 : vector<16xi32> to vector<16xi32>
        tpu.vector_store %arg6[%swap3A_698], %swap3A_701 {strides = array<i32>} : memref<800xi32, #tpu.memory_space<vmem>>, vector<16xi32>,
        %mul3A_702 = arith.constant 80 : i32
        %mul3A_703 = arith.muli %add3A_594, %mul3A_702 : i32
        %add3A_704 = arith.addi %mul3A_2, %mul3A_703 : i32
        %add3A_705 = arith.constant 16 : i32
        %add3A_706 = arith.addi %add3A_704, %add3A_705 : i32
        %iota3A_707 = tpu.iota {dimensions = array<i32: 0>} : vector<16xi32>
        %add3A_708 = vector.broadcast %add3A_706 : i32 to vector<16xi32>
        %add3A_709 = arith.addi %add3A_708, %iota3A_707 : vector<16xi32>
        %mul3A_710 = arith.constant 34953 : i32
        %mul3A_711 = vector.broadcast %mul3A_710 : i32 to vector<16xi32>
        %mul3A_712 = arith.muli %add3A_709, %mul3A_711 : vector<16xi32>
        %shift_right_arithmetic3A_713 = arith.constant 21 : i32
        %shift_right_arithmetic3A_714 = vector.broadcast %shift_right_arithmetic3A_713 : i32 to vector<16xi32>
        %shift_right_arithmetic3A_715 = arith.shrsi %mul3A_712, %shift_right_arithmetic3A_714 : vector<16xi32>
        %mul3A_716 = arith.constant 60 : i32
        %mul3A_717 = vector.broadcast %mul3A_716 : i32 to vector<16xi32>
        %mul3A_718 = arith.muli %shift_right_arithmetic3A_715, %mul3A_717 : vector<16xi32>
        %mul3A_719 = arith.constant 80 : i32
        %mul3A_720 = arith.muli %add3A_594, %mul3A_719 : i32
        %add3A_721 = arith.constant 0 : i32
        %add3A_722 = arith.addi %add3A_721, %mul3A_720 : i32
        %add3A_723 = arith.constant 16 : i32
        %add3A_724 = arith.addi %add3A_722, %add3A_723 : i32
        %get3A_725 = arith.index_cast %add3A_724 : i32 to index
        %get3A_726 = tpu.vector_load %arg5[%get3A_725] {strides = array<i32>} : memref<9600xi32, #tpu.memory_space<vmem>>, vector<16xi32>,
        %get3A_727 = vector.shape_cast %get3A_726 : vector<16xi32> to vector<16xi32>
        %ge3A_728 = arith.constant 0 : i32
        %ge3A_729 = vector.broadcast %ge3A_728 : i32 to vector<16xi32>
        %ge3A_730 = arith.cmpi sge, %get3A_727, %ge3A_729 : vector<16xi32>
        %add3A_731 = arith.addi %mul3A_718, %get3A_727 : vector<16xi32>
        %select_n3A_732 = arith.select %ge3A_730, %add3A_731, %add3A_709 : vector<16xi1>, vector<16xi32>
        %swap3A_733 = arith.constant 416 : index
        %swap3A_734 = tpu.vector_load %arg6[%swap3A_733] {strides = array<i32>} : memref<800xi32, #tpu.memory_space<vmem>>, vector<16xi32>,
        %swap3A_735 = vector.shape_cast %swap3A_734 : vector<16xi32> to vector<16xi32>
        %swap3A_736 = vector.shape_cast %select_n3A_732 : vector<16xi32> to vector<16xi32>
        tpu.vector_store %arg6[%swap3A_733], %swap3A_736 {strides = array<i32>} : memref<800xi32, #tpu.memory_space<vmem>>, vector<16xi32>,
        %mul3A_737 = arith.constant 80 : i32
        %mul3A_738 = arith.muli %add3A_594, %mul3A_737 : i32
        %add3A_739 = arith.constant 1920 : i32
        %add3A_740 = arith.addi %add3A_739, %mul3A_738 : i32
        %add3A_741 = arith.constant 16 : i32
        %add3A_742 = arith.addi %add3A_740, %add3A_741 : i32
        %get3A_743 = arith.index_cast %add3A_742 : i32 to index
        %get3A_744 = tpu.vector_load %arg5[%get3A_743] {strides = array<i32>} : memref<9600xi32, #tpu.memory_space<vmem>>, vector<16xi32>,
        %get3A_745 = vector.shape_cast %get3A_744 : vector<16xi32> to vector<16xi32>
        %ge3A_746 = arith.constant 0 : i32
        %ge3A_747 = vector.broadcast %ge3A_746 : i32 to vector<16xi32>
        %ge3A_748 = arith.cmpi sge, %get3A_745, %ge3A_747 : vector<16xi32>
        %add3A_749 = arith.addi %mul3A_718, %get3A_745 : vector<16xi32>
        %select_n3A_750 = arith.select %ge3A_748, %add3A_749, %add3A_709 : vector<16xi1>, vector<16xi32>
        %swap3A_751 = arith.constant 496 : index
        %swap3A_752 = tpu.vector_load %arg6[%swap3A_751] {strides = array<i32>} : memref<800xi32, #tpu.memory_space<vmem>>, vector<16xi32>,
        %swap3A_753 = vector.shape_cast %swap3A_752 : vector<16xi32> to vector<16xi32>
        %swap3A_754 = vector.shape_cast %select_n3A_750 : vector<16xi32> to vector<16xi32>
        tpu.vector_store %arg6[%swap3A_751], %swap3A_754 {strides = array<i32>} : memref<800xi32, #tpu.memory_space<vmem>>, vector<16xi32>,
        %mul3A_755 = arith.constant 80 : i32
        %mul3A_756 = arith.muli %add3A_594, %mul3A_755 : i32
        %add3A_757 = arith.constant 3840 : i32
        %add3A_758 = arith.addi %add3A_757, %mul3A_756 : i32
        %add3A_759 = arith.constant 16 : i32
        %add3A_760 = arith.addi %add3A_758, %add3A_759 : i32
        %get3A_761 = arith.index_cast %add3A_760 : i32 to index
        %get3A_762 = tpu.vector_load %arg5[%get3A_761] {strides = array<i32>} : memref<9600xi32, #tpu.memory_space<vmem>>, vector<16xi32>,
        %get3A_763 = vector.shape_cast %get3A_762 : vector<16xi32> to vector<16xi32>
        %ge3A_764 = arith.constant 0 : i32
        %ge3A_765 = vector.broadcast %ge3A_764 : i32 to vector<16xi32>
        %ge3A_766 = arith.cmpi sge, %get3A_763, %ge3A_765 : vector<16xi32>
        %add3A_767 = arith.addi %mul3A_718, %get3A_763 : vector<16xi32>
        %select_n3A_768 = arith.select %ge3A_766, %add3A_767, %add3A_709 : vector<16xi1>, vector<16xi32>
        %swap3A_769 = arith.constant 576 : index
        %swap3A_770 = tpu.vector_load %arg6[%swap3A_769] {strides = array<i32>} : memref<800xi32, #tpu.memory_space<vmem>>, vector<16xi32>,
        %swap3A_771 = vector.shape_cast %swap3A_770 : vector<16xi32> to vector<16xi32>
        %swap3A_772 = vector.shape_cast %select_n3A_768 : vector<16xi32> to vector<16xi32>
        tpu.vector_store %arg6[%swap3A_769], %swap3A_772 {strides = array<i32>} : memref<800xi32, #tpu.memory_space<vmem>>, vector<16xi32>,
        %mul3A_773 = arith.constant 80 : i32
        %mul3A_774 = arith.muli %add3A_594, %mul3A_773 : i32
        %add3A_775 = arith.constant 5760 : i32
        %add3A_776 = arith.addi %add3A_775, %mul3A_774 : i32
        %add3A_777 = arith.constant 16 : i32
        %add3A_778 = arith.addi %add3A_776, %add3A_777 : i32
        %get3A_779 = arith.index_cast %add3A_778 : i32 to index
        %get3A_780 = tpu.vector_load %arg5[%get3A_779] {strides = array<i32>} : memref<9600xi32, #tpu.memory_space<vmem>>, vector<16xi32>,
        %get3A_781 = vector.shape_cast %get3A_780 : vector<16xi32> to vector<16xi32>
        %ge3A_782 = arith.constant 0 : i32
        %ge3A_783 = vector.broadcast %ge3A_782 : i32 to vector<16xi32>
        %ge3A_784 = arith.cmpi sge, %get3A_781, %ge3A_783 : vector<16xi32>
        %add3A_785 = arith.addi %mul3A_718, %get3A_781 : vector<16xi32>
        %select_n3A_786 = arith.select %ge3A_784, %add3A_785, %add3A_709 : vector<16xi1>, vector<16xi32>
        %swap3A_787 = arith.constant 656 : index
        %swap3A_788 = tpu.vector_load %arg6[%swap3A_787] {strides = array<i32>} : memref<800xi32, #tpu.memory_space<vmem>>, vector<16xi32>,
        %swap3A_789 = vector.shape_cast %swap3A_788 : vector<16xi32> to vector<16xi32>
        %swap3A_790 = vector.shape_cast %select_n3A_786 : vector<16xi32> to vector<16xi32>
        tpu.vector_store %arg6[%swap3A_787], %swap3A_790 {strides = array<i32>} : memref<800xi32, #tpu.memory_space<vmem>>, vector<16xi32>,
        %mul3A_791 = arith.constant 80 : i32
        %mul3A_792 = arith.muli %add3A_594, %mul3A_791 : i32
        %add3A_793 = arith.constant 7680 : i32
        %add3A_794 = arith.addi %add3A_793, %mul3A_792 : i32
        %add3A_795 = arith.constant 16 : i32
        %add3A_796 = arith.addi %add3A_794, %add3A_795 : i32
        %get3A_797 = arith.index_cast %add3A_796 : i32 to index
        %get3A_798 = tpu.vector_load %arg5[%get3A_797] {strides = array<i32>} : memref<9600xi32, #tpu.memory_space<vmem>>, vector<16xi32>,
        %get3A_799 = vector.shape_cast %get3A_798 : vector<16xi32> to vector<16xi32>
        %ge3A_800 = arith.constant 0 : i32
        %ge3A_801 = vector.broadcast %ge3A_800 : i32 to vector<16xi32>
        %ge3A_802 = arith.cmpi sge, %get3A_799, %ge3A_801 : vector<16xi32>
        %add3A_803 = arith.addi %mul3A_718, %get3A_799 : vector<16xi32>
        %select_n3A_804 = arith.select %ge3A_802, %add3A_803, %add3A_709 : vector<16xi1>, vector<16xi32>
        %swap3A_805 = arith.constant 736 : index
        %swap3A_806 = tpu.vector_load %arg6[%swap3A_805] {strides = array<i32>} : memref<800xi32, #tpu.memory_space<vmem>>, vector<16xi32>,
        %swap3A_807 = vector.shape_cast %swap3A_806 : vector<16xi32> to vector<16xi32>
        %swap3A_808 = vector.shape_cast %select_n3A_804 : vector<16xi32> to vector<16xi32>
        tpu.vector_store %arg6[%swap3A_805], %swap3A_808 {strides = array<i32>} : memref<800xi32, #tpu.memory_space<vmem>>, vector<16xi32>,
        %mul3A_809 = arith.constant 80 : i32
        %mul3A_810 = arith.muli %add3A_594, %mul3A_809 : i32
        %add3A_811 = arith.addi %mul3A_2, %mul3A_810 : i32
        %add3A_812 = arith.constant 32 : i32
        %add3A_813 = arith.addi %add3A_811, %add3A_812 : i32
        %iota3A_814 = tpu.iota {dimensions = array<i32: 0>} : vector<16xi32>
        %add3A_815 = vector.broadcast %add3A_813 : i32 to vector<16xi32>
        %add3A_816 = arith.addi %add3A_815, %iota3A_814 : vector<16xi32>
        %mul3A_817 = arith.constant 34953 : i32
        %mul3A_818 = vector.broadcast %mul3A_817 : i32 to vector<16xi32>
        %mul3A_819 = arith.muli %add3A_816, %mul3A_818 : vector<16xi32>
        %shift_right_arithmetic3A_820 = arith.constant 21 : i32
        %shift_right_arithmetic3A_821 = vector.broadcast %shift_right_arithmetic3A_820 : i32 to vector<16xi32>
        %shift_right_arithmetic3A_822 = arith.shrsi %mul3A_819, %shift_right_arithmetic3A_821 : vector<16xi32>
        %mul3A_823 = arith.constant 60 : i32
        %mul3A_824 = vector.broadcast %mul3A_823 : i32 to vector<16xi32>
        %mul3A_825 = arith.muli %shift_right_arithmetic3A_822, %mul3A_824 : vector<16xi32>
        %mul3A_826 = arith.constant 80 : i32
        %mul3A_827 = arith.muli %add3A_594, %mul3A_826 : i32
        %add3A_828 = arith.constant 0 : i32
        %add3A_829 = arith.addi %add3A_828, %mul3A_827 : i32
        %add3A_830 = arith.constant 32 : i32
        %add3A_831 = arith.addi %add3A_829, %add3A_830 : i32
        %get3A_832 = arith.index_cast %add3A_831 : i32 to index
        %get3A_833 = tpu.vector_load %arg5[%get3A_832] {strides = array<i32>} : memref<9600xi32, #tpu.memory_space<vmem>>, vector<16xi32>,
        %get3A_834 = vector.shape_cast %get3A_833 : vector<16xi32> to vector<16xi32>
        %ge3A_835 = arith.constant 0 : i32
        %ge3A_836 = vector.broadcast %ge3A_835 : i32 to vector<16xi32>
        %ge3A_837 = arith.cmpi sge, %get3A_834, %ge3A_836 : vector<16xi32>
        %add3A_838 = arith.addi %mul3A_825, %get3A_834 : vector<16xi32>
        %select_n3A_839 = arith.select %ge3A_837, %add3A_838, %add3A_816 : vector<16xi1>, vector<16xi32>
        %swap3A_840 = arith.constant 432 : index
        %swap3A_841 = tpu.vector_load %arg6[%swap3A_840] {strides = array<i32>} : memref<800xi32, #tpu.memory_space<vmem>>, vector<16xi32>,
        %swap3A_842 = vector.shape_cast %swap3A_841 : vector<16xi32> to vector<16xi32>
        %swap3A_843 = vector.shape_cast %select_n3A_839 : vector<16xi32> to vector<16xi32>
        tpu.vector_store %arg6[%swap3A_840], %swap3A_843 {strides = array<i32>} : memref<800xi32, #tpu.memory_space<vmem>>, vector<16xi32>,
        %mul3A_844 = arith.constant 80 : i32
        %mul3A_845 = arith.muli %add3A_594, %mul3A_844 : i32
        %add3A_846 = arith.constant 1920 : i32
        %add3A_847 = arith.addi %add3A_846, %mul3A_845 : i32
        %add3A_848 = arith.constant 32 : i32
        %add3A_849 = arith.addi %add3A_847, %add3A_848 : i32
        %get3A_850 = arith.index_cast %add3A_849 : i32 to index
        %get3A_851 = tpu.vector_load %arg5[%get3A_850] {strides = array<i32>} : memref<9600xi32, #tpu.memory_space<vmem>>, vector<16xi32>,
        %get3A_852 = vector.shape_cast %get3A_851 : vector<16xi32> to vector<16xi32>
        %ge3A_853 = arith.constant 0 : i32
        %ge3A_854 = vector.broadcast %ge3A_853 : i32 to vector<16xi32>
        %ge3A_855 = arith.cmpi sge, %get3A_852, %ge3A_854 : vector<16xi32>
        %add3A_856 = arith.addi %mul3A_825, %get3A_852 : vector<16xi32>
        %select_n3A_857 = arith.select %ge3A_855, %add3A_856, %add3A_816 : vector<16xi1>, vector<16xi32>
        %swap3A_858 = arith.constant 512 : index
        %swap3A_859 = tpu.vector_load %arg6[%swap3A_858] {strides = array<i32>} : memref<800xi32, #tpu.memory_space<vmem>>, vector<16xi32>,
        %swap3A_860 = vector.shape_cast %swap3A_859 : vector<16xi32> to vector<16xi32>
        %swap3A_861 = vector.shape_cast %select_n3A_857 : vector<16xi32> to vector<16xi32>
        tpu.vector_store %arg6[%swap3A_858], %swap3A_861 {strides = array<i32>} : memref<800xi32, #tpu.memory_space<vmem>>, vector<16xi32>,
        %mul3A_862 = arith.constant 80 : i32
        %mul3A_863 = arith.muli %add3A_594, %mul3A_862 : i32
        %add3A_864 = arith.constant 3840 : i32
        %add3A_865 = arith.addi %add3A_864, %mul3A_863 : i32
        %add3A_866 = arith.constant 32 : i32
        %add3A_867 = arith.addi %add3A_865, %add3A_866 : i32
        %get3A_868 = arith.index_cast %add3A_867 : i32 to index
        %get3A_869 = tpu.vector_load %arg5[%get3A_868] {strides = array<i32>} : memref<9600xi32, #tpu.memory_space<vmem>>, vector<16xi32>,
        %get3A_870 = vector.shape_cast %get3A_869 : vector<16xi32> to vector<16xi32>
        %ge3A_871 = arith.constant 0 : i32
        %ge3A_872 = vector.broadcast %ge3A_871 : i32 to vector<16xi32>
        %ge3A_873 = arith.cmpi sge, %get3A_870, %ge3A_872 : vector<16xi32>
        %add3A_874 = arith.addi %mul3A_825, %get3A_870 : vector<16xi32>
        %select_n3A_875 = arith.select %ge3A_873, %add3A_874, %add3A_816 : vector<16xi1>, vector<16xi32>
        %swap3A_876 = arith.constant 592 : index
        %swap3A_877 = tpu.vector_load %arg6[%swap3A_876] {strides = array<i32>} : memref<800xi32, #tpu.memory_space<vmem>>, vector<16xi32>,
        %swap3A_878 = vector.shape_cast %swap3A_877 : vector<16xi32> to vector<16xi32>
        %swap3A_879 = vector.shape_cast %select_n3A_875 : vector<16xi32> to vector<16xi32>
        tpu.vector_store %arg6[%swap3A_876], %swap3A_879 {strides = array<i32>} : memref<800xi32, #tpu.memory_space<vmem>>, vector<16xi32>,
        %mul3A_880 = arith.constant 80 : i32
        %mul3A_881 = arith.muli %add3A_594, %mul3A_880 : i32
        %add3A_882 = arith.constant 5760 : i32
        %add3A_883 = arith.addi %add3A_882, %mul3A_881 : i32
        %add3A_884 = arith.constant 32 : i32
        %add3A_885 = arith.addi %add3A_883, %add3A_884 : i32
        %get3A_886 = arith.index_cast %add3A_885 : i32 to index
        %get3A_887 = tpu.vector_load %arg5[%get3A_886] {strides = array<i32>} : memref<9600xi32, #tpu.memory_space<vmem>>, vector<16xi32>,
        %get3A_888 = vector.shape_cast %get3A_887 : vector<16xi32> to vector<16xi32>
        %ge3A_889 = arith.constant 0 : i32
        %ge3A_890 = vector.broadcast %ge3A_889 : i32 to vector<16xi32>
        %ge3A_891 = arith.cmpi sge, %get3A_888, %ge3A_890 : vector<16xi32>
        %add3A_892 = arith.addi %mul3A_825, %get3A_888 : vector<16xi32>
        %select_n3A_893 = arith.select %ge3A_891, %add3A_892, %add3A_816 : vector<16xi1>, vector<16xi32>
        %swap3A_894 = arith.constant 672 : index
        %swap3A_895 = tpu.vector_load %arg6[%swap3A_894] {strides = array<i32>} : memref<800xi32, #tpu.memory_space<vmem>>, vector<16xi32>,
        %swap3A_896 = vector.shape_cast %swap3A_895 : vector<16xi32> to vector<16xi32>
        %swap3A_897 = vector.shape_cast %select_n3A_893 : vector<16xi32> to vector<16xi32>
        tpu.vector_store %arg6[%swap3A_894], %swap3A_897 {strides = array<i32>} : memref<800xi32, #tpu.memory_space<vmem>>, vector<16xi32>,
        %mul3A_898 = arith.constant 80 : i32
        %mul3A_899 = arith.muli %add3A_594, %mul3A_898 : i32
        %add3A_900 = arith.constant 7680 : i32
        %add3A_901 = arith.addi %add3A_900, %mul3A_899 : i32
        %add3A_902 = arith.constant 32 : i32
        %add3A_903 = arith.addi %add3A_901, %add3A_902 : i32
        %get3A_904 = arith.index_cast %add3A_903 : i32 to index
        %get3A_905 = tpu.vector_load %arg5[%get3A_904] {strides = array<i32>} : memref<9600xi32, #tpu.memory_space<vmem>>, vector<16xi32>,
        %get3A_906 = vector.shape_cast %get3A_905 : vector<16xi32> to vector<16xi32>
        %ge3A_907 = arith.constant 0 : i32
        %ge3A_908 = vector.broadcast %ge3A_907 : i32 to vector<16xi32>
        %ge3A_909 = arith.cmpi sge, %get3A_906, %ge3A_908 : vector<16xi32>
        %add3A_910 = arith.addi %mul3A_825, %get3A_906 : vector<16xi32>
        %select_n3A_911 = arith.select %ge3A_909, %add3A_910, %add3A_816 : vector<16xi1>, vector<16xi32>
        %swap3A_912 = arith.constant 752 : index
        %swap3A_913 = tpu.vector_load %arg6[%swap3A_912] {strides = array<i32>} : memref<800xi32, #tpu.memory_space<vmem>>, vector<16xi32>,
        %swap3A_914 = vector.shape_cast %swap3A_913 : vector<16xi32> to vector<16xi32>
        %swap3A_915 = vector.shape_cast %select_n3A_911 : vector<16xi32> to vector<16xi32>
        tpu.vector_store %arg6[%swap3A_912], %swap3A_915 {strides = array<i32>} : memref<800xi32, #tpu.memory_space<vmem>>, vector<16xi32>,
        %mul3A_916 = arith.constant 80 : i32
        %mul3A_917 = arith.muli %add3A_594, %mul3A_916 : i32
        %add3A_918 = arith.addi %mul3A_2, %mul3A_917 : i32
        %add3A_919 = arith.constant 48 : i32
        %add3A_920 = arith.addi %add3A_918, %add3A_919 : i32
        %iota3A_921 = tpu.iota {dimensions = array<i32: 0>} : vector<16xi32>
        %add3A_922 = vector.broadcast %add3A_920 : i32 to vector<16xi32>
        %add3A_923 = arith.addi %add3A_922, %iota3A_921 : vector<16xi32>
        %mul3A_924 = arith.constant 34953 : i32
        %mul3A_925 = vector.broadcast %mul3A_924 : i32 to vector<16xi32>
        %mul3A_926 = arith.muli %add3A_923, %mul3A_925 : vector<16xi32>
        %shift_right_arithmetic3A_927 = arith.constant 21 : i32
        %shift_right_arithmetic3A_928 = vector.broadcast %shift_right_arithmetic3A_927 : i32 to vector<16xi32>
        %shift_right_arithmetic3A_929 = arith.shrsi %mul3A_926, %shift_right_arithmetic3A_928 : vector<16xi32>
        %mul3A_930 = arith.constant 60 : i32
        %mul3A_931 = vector.broadcast %mul3A_930 : i32 to vector<16xi32>
        %mul3A_932 = arith.muli %shift_right_arithmetic3A_929, %mul3A_931 : vector<16xi32>
        %mul3A_933 = arith.constant 80 : i32
        %mul3A_934 = arith.muli %add3A_594, %mul3A_933 : i32
        %add3A_935 = arith.constant 0 : i32
        %add3A_936 = arith.addi %add3A_935, %mul3A_934 : i32
        %add3A_937 = arith.constant 48 : i32
        %add3A_938 = arith.addi %add3A_936, %add3A_937 : i32
        %get3A_939 = arith.index_cast %add3A_938 : i32 to index
        %get3A_940 = tpu.vector_load %arg5[%get3A_939] {strides = array<i32>} : memref<9600xi32, #tpu.memory_space<vmem>>, vector<16xi32>,
        %get3A_941 = vector.shape_cast %get3A_940 : vector<16xi32> to vector<16xi32>
        %ge3A_942 = arith.constant 0 : i32
        %ge3A_943 = vector.broadcast %ge3A_942 : i32 to vector<16xi32>
        %ge3A_944 = arith.cmpi sge, %get3A_941, %ge3A_943 : vector<16xi32>
        %add3A_945 = arith.addi %mul3A_932, %get3A_941 : vector<16xi32>
        %select_n3A_946 = arith.select %ge3A_944, %add3A_945, %add3A_923 : vector<16xi1>, vector<16xi32>
        %swap3A_947 = arith.constant 448 : index
        %swap3A_948 = tpu.vector_load %arg6[%swap3A_947] {strides = array<i32>} : memref<800xi32, #tpu.memory_space<vmem>>, vector<16xi32>,
        %swap3A_949 = vector.shape_cast %swap3A_948 : vector<16xi32> to vector<16xi32>
        %swap3A_950 = vector.shape_cast %select_n3A_946 : vector<16xi32> to vector<16xi32>
        tpu.vector_store %arg6[%swap3A_947], %swap3A_950 {strides = array<i32>} : memref<800xi32, #tpu.memory_space<vmem>>, vector<16xi32>,
        %mul3A_951 = arith.constant 80 : i32
        %mul3A_952 = arith.muli %add3A_594, %mul3A_951 : i32
        %add3A_953 = arith.constant 1920 : i32
        %add3A_954 = arith.addi %add3A_953, %mul3A_952 : i32
        %add3A_955 = arith.constant 48 : i32
        %add3A_956 = arith.addi %add3A_954, %add3A_955 : i32
        %get3A_957 = arith.index_cast %add3A_956 : i32 to index
        %get3A_958 = tpu.vector_load %arg5[%get3A_957] {strides = array<i32>} : memref<9600xi32, #tpu.memory_space<vmem>>, vector<16xi32>,
        %get3A_959 = vector.shape_cast %get3A_958 : vector<16xi32> to vector<16xi32>
        %ge3A_960 = arith.constant 0 : i32
        %ge3A_961 = vector.broadcast %ge3A_960 : i32 to vector<16xi32>
        %ge3A_962 = arith.cmpi sge, %get3A_959, %ge3A_961 : vector<16xi32>
        %add3A_963 = arith.addi %mul3A_932, %get3A_959 : vector<16xi32>
        %select_n3A_964 = arith.select %ge3A_962, %add3A_963, %add3A_923 : vector<16xi1>, vector<16xi32>
        %swap3A_965 = arith.constant 528 : index
        %swap3A_966 = tpu.vector_load %arg6[%swap3A_965] {strides = array<i32>} : memref<800xi32, #tpu.memory_space<vmem>>, vector<16xi32>,
        %swap3A_967 = vector.shape_cast %swap3A_966 : vector<16xi32> to vector<16xi32>
        %swap3A_968 = vector.shape_cast %select_n3A_964 : vector<16xi32> to vector<16xi32>
        tpu.vector_store %arg6[%swap3A_965], %swap3A_968 {strides = array<i32>} : memref<800xi32, #tpu.memory_space<vmem>>, vector<16xi32>,
        %mul3A_969 = arith.constant 80 : i32
        %mul3A_970 = arith.muli %add3A_594, %mul3A_969 : i32
        %add3A_971 = arith.constant 3840 : i32
        %add3A_972 = arith.addi %add3A_971, %mul3A_970 : i32
        %add3A_973 = arith.constant 48 : i32
        %add3A_974 = arith.addi %add3A_972, %add3A_973 : i32
        %get3A_975 = arith.index_cast %add3A_974 : i32 to index
        %get3A_976 = tpu.vector_load %arg5[%get3A_975] {strides = array<i32>} : memref<9600xi32, #tpu.memory_space<vmem>>, vector<16xi32>,
        %get3A_977 = vector.shape_cast %get3A_976 : vector<16xi32> to vector<16xi32>
        %ge3A_978 = arith.constant 0 : i32
        %ge3A_979 = vector.broadcast %ge3A_978 : i32 to vector<16xi32>
        %ge3A_980 = arith.cmpi sge, %get3A_977, %ge3A_979 : vector<16xi32>
        %add3A_981 = arith.addi %mul3A_932, %get3A_977 : vector<16xi32>
        %select_n3A_982 = arith.select %ge3A_980, %add3A_981, %add3A_923 : vector<16xi1>, vector<16xi32>
        %swap3A_983 = arith.constant 608 : index
        %swap3A_984 = tpu.vector_load %arg6[%swap3A_983] {strides = array<i32>} : memref<800xi32, #tpu.memory_space<vmem>>, vector<16xi32>,
        %swap3A_985 = vector.shape_cast %swap3A_984 : vector<16xi32> to vector<16xi32>
        %swap3A_986 = vector.shape_cast %select_n3A_982 : vector<16xi32> to vector<16xi32>
        tpu.vector_store %arg6[%swap3A_983], %swap3A_986 {strides = array<i32>} : memref<800xi32, #tpu.memory_space<vmem>>, vector<16xi32>,
        %mul3A_987 = arith.constant 80 : i32
        %mul3A_988 = arith.muli %add3A_594, %mul3A_987 : i32
        %add3A_989 = arith.constant 5760 : i32
        %add3A_990 = arith.addi %add3A_989, %mul3A_988 : i32
        %add3A_991 = arith.constant 48 : i32
        %add3A_992 = arith.addi %add3A_990, %add3A_991 : i32
        %get3A_993 = arith.index_cast %add3A_992 : i32 to index
        %get3A_994 = tpu.vector_load %arg5[%get3A_993] {strides = array<i32>} : memref<9600xi32, #tpu.memory_space<vmem>>, vector<16xi32>,
        %get3A_995 = vector.shape_cast %get3A_994 : vector<16xi32> to vector<16xi32>
        %ge3A_996 = arith.constant 0 : i32
        %ge3A_997 = vector.broadcast %ge3A_996 : i32 to vector<16xi32>
        %ge3A_998 = arith.cmpi sge, %get3A_995, %ge3A_997 : vector<16xi32>
        %add3A_999 = arith.addi %mul3A_932, %get3A_995 : vector<16xi32>
        %select_n3A_1000 = arith.select %ge3A_998, %add3A_999, %add3A_923 : vector<16xi1>, vector<16xi32>
        %swap3A_1001 = arith.constant 688 : index
        %swap3A_1002 = tpu.vector_load %arg6[%swap3A_1001] {strides = array<i32>} : memref<800xi32, #tpu.memory_space<vmem>>, vector<16xi32>,
        %swap3A_1003 = vector.shape_cast %swap3A_1002 : vector<16xi32> to vector<16xi32>
        %swap3A_1004 = vector.shape_cast %select_n3A_1000 : vector<16xi32> to vector<16xi32>
        tpu.vector_store %arg6[%swap3A_1001], %swap3A_1004 {strides = array<i32>} : memref<800xi32, #tpu.memory_space<vmem>>, vector<16xi32>,
        %mul3A_1005 = arith.constant 80 : i32
        %mul3A_1006 = arith.muli %add3A_594, %mul3A_1005 : i32
        %add3A_1007 = arith.constant 7680 : i32
        %add3A_1008 = arith.addi %add3A_1007, %mul3A_1006 : i32
        %add3A_1009 = arith.constant 48 : i32
        %add3A_1010 = arith.addi %add3A_1008, %add3A_1009 : i32
        %get3A_1011 = arith.index_cast %add3A_1010 : i32 to index
        %get3A_1012 = tpu.vector_load %arg5[%get3A_1011] {strides = array<i32>} : memref<9600xi32, #tpu.memory_space<vmem>>, vector<16xi32>,
        %get3A_1013 = vector.shape_cast %get3A_1012 : vector<16xi32> to vector<16xi32>
        %ge3A_1014 = arith.constant 0 : i32
        %ge3A_1015 = vector.broadcast %ge3A_1014 : i32 to vector<16xi32>
        %ge3A_1016 = arith.cmpi sge, %get3A_1013, %ge3A_1015 : vector<16xi32>
        %add3A_1017 = arith.addi %mul3A_932, %get3A_1013 : vector<16xi32>
        %select_n3A_1018 = arith.select %ge3A_1016, %add3A_1017, %add3A_923 : vector<16xi1>, vector<16xi32>
        %swap3A_1019 = arith.constant 768 : index
        %swap3A_1020 = tpu.vector_load %arg6[%swap3A_1019] {strides = array<i32>} : memref<800xi32, #tpu.memory_space<vmem>>, vector<16xi32>,
        %swap3A_1021 = vector.shape_cast %swap3A_1020 : vector<16xi32> to vector<16xi32>
        %swap3A_1022 = vector.shape_cast %select_n3A_1018 : vector<16xi32> to vector<16xi32>
        tpu.vector_store %arg6[%swap3A_1019], %swap3A_1022 {strides = array<i32>} : memref<800xi32, #tpu.memory_space<vmem>>, vector<16xi32>,
        %mul3A_1023 = arith.constant 80 : i32
        %mul3A_1024 = arith.muli %add3A_594, %mul3A_1023 : i32
        %add3A_1025 = arith.addi %mul3A_2, %mul3A_1024 : i32
        %add3A_1026 = arith.constant 64 : i32
        %add3A_1027 = arith.addi %add3A_1025, %add3A_1026 : i32
        %iota3A_1028 = tpu.iota {dimensions = array<i32: 0>} : vector<16xi32>
        %add3A_1029 = vector.broadcast %add3A_1027 : i32 to vector<16xi32>
        %add3A_1030 = arith.addi %add3A_1029, %iota3A_1028 : vector<16xi32>
        %mul3A_1031 = arith.constant 34953 : i32
        %mul3A_1032 = vector.broadcast %mul3A_1031 : i32 to vector<16xi32>
        %mul3A_1033 = arith.muli %add3A_1030, %mul3A_1032 : vector<16xi32>
        %shift_right_arithmetic3A_1034 = arith.constant 21 : i32
        %shift_right_arithmetic3A_1035 = vector.broadcast %shift_right_arithmetic3A_1034 : i32 to vector<16xi32>
        %shift_right_arithmetic3A_1036 = arith.shrsi %mul3A_1033, %shift_right_arithmetic3A_1035 : vector<16xi32>
        %mul3A_1037 = arith.constant 60 : i32
        %mul3A_1038 = vector.broadcast %mul3A_1037 : i32 to vector<16xi32>
        %mul3A_1039 = arith.muli %shift_right_arithmetic3A_1036, %mul3A_1038 : vector<16xi32>
        %mul3A_1040 = arith.constant 80 : i32
        %mul3A_1041 = arith.muli %add3A_594, %mul3A_1040 : i32
        %add3A_1042 = arith.constant 0 : i32
        %add3A_1043 = arith.addi %add3A_1042, %mul3A_1041 : i32
        %add3A_1044 = arith.constant 64 : i32
        %add3A_1045 = arith.addi %add3A_1043, %add3A_1044 : i32
        %get3A_1046 = arith.index_cast %add3A_1045 : i32 to index
        %get3A_1047 = tpu.vector_load %arg5[%get3A_1046] {strides = array<i32>} : memref<9600xi32, #tpu.memory_space<vmem>>, vector<16xi32>,
        %get3A_1048 = vector.shape_cast %get3A_1047 : vector<16xi32> to vector<16xi32>
        %ge3A_1049 = arith.constant 0 : i32
        %ge3A_1050 = vector.broadcast %ge3A_1049 : i32 to vector<16xi32>
        %ge3A_1051 = arith.cmpi sge, %get3A_1048, %ge3A_1050 : vector<16xi32>
        %add3A_1052 = arith.addi %mul3A_1039, %get3A_1048 : vector<16xi32>
        %select_n3A_1053 = arith.select %ge3A_1051, %add3A_1052, %add3A_1030 : vector<16xi1>, vector<16xi32>
        %swap3A_1054 = arith.constant 464 : index
        %swap3A_1055 = tpu.vector_load %arg6[%swap3A_1054] {strides = array<i32>} : memref<800xi32, #tpu.memory_space<vmem>>, vector<16xi32>,
        %swap3A_1056 = vector.shape_cast %swap3A_1055 : vector<16xi32> to vector<16xi32>
        %swap3A_1057 = vector.shape_cast %select_n3A_1053 : vector<16xi32> to vector<16xi32>
        tpu.vector_store %arg6[%swap3A_1054], %swap3A_1057 {strides = array<i32>} : memref<800xi32, #tpu.memory_space<vmem>>, vector<16xi32>,
        %mul3A_1058 = arith.constant 80 : i32
        %mul3A_1059 = arith.muli %add3A_594, %mul3A_1058 : i32
        %add3A_1060 = arith.constant 1920 : i32
        %add3A_1061 = arith.addi %add3A_1060, %mul3A_1059 : i32
        %add3A_1062 = arith.constant 64 : i32
        %add3A_1063 = arith.addi %add3A_1061, %add3A_1062 : i32
        %get3A_1064 = arith.index_cast %add3A_1063 : i32 to index
        %get3A_1065 = tpu.vector_load %arg5[%get3A_1064] {strides = array<i32>} : memref<9600xi32, #tpu.memory_space<vmem>>, vector<16xi32>,
        %get3A_1066 = vector.shape_cast %get3A_1065 : vector<16xi32> to vector<16xi32>
        %ge3A_1067 = arith.constant 0 : i32
        %ge3A_1068 = vector.broadcast %ge3A_1067 : i32 to vector<16xi32>
        %ge3A_1069 = arith.cmpi sge, %get3A_1066, %ge3A_1068 : vector<16xi32>
        %add3A_1070 = arith.addi %mul3A_1039, %get3A_1066 : vector<16xi32>
        %select_n3A_1071 = arith.select %ge3A_1069, %add3A_1070, %add3A_1030 : vector<16xi1>, vector<16xi32>
        %swap3A_1072 = arith.constant 544 : index
        %swap3A_1073 = tpu.vector_load %arg6[%swap3A_1072] {strides = array<i32>} : memref<800xi32, #tpu.memory_space<vmem>>, vector<16xi32>,
        %swap3A_1074 = vector.shape_cast %swap3A_1073 : vector<16xi32> to vector<16xi32>
        %swap3A_1075 = vector.shape_cast %select_n3A_1071 : vector<16xi32> to vector<16xi32>
        tpu.vector_store %arg6[%swap3A_1072], %swap3A_1075 {strides = array<i32>} : memref<800xi32, #tpu.memory_space<vmem>>, vector<16xi32>,
        %mul3A_1076 = arith.constant 80 : i32
        %mul3A_1077 = arith.muli %add3A_594, %mul3A_1076 : i32
        %add3A_1078 = arith.constant 3840 : i32
        %add3A_1079 = arith.addi %add3A_1078, %mul3A_1077 : i32
        %add3A_1080 = arith.constant 64 : i32
        %add3A_1081 = arith.addi %add3A_1079, %add3A_1080 : i32
        %get3A_1082 = arith.index_cast %add3A_1081 : i32 to index
        %get3A_1083 = tpu.vector_load %arg5[%get3A_1082] {strides = array<i32>} : memref<9600xi32, #tpu.memory_space<vmem>>, vector<16xi32>,
        %get3A_1084 = vector.shape_cast %get3A_1083 : vector<16xi32> to vector<16xi32>
        %ge3A_1085 = arith.constant 0 : i32
        %ge3A_1086 = vector.broadcast %ge3A_1085 : i32 to vector<16xi32>
        %ge3A_1087 = arith.cmpi sge, %get3A_1084, %ge3A_1086 : vector<16xi32>
        %add3A_1088 = arith.addi %mul3A_1039, %get3A_1084 : vector<16xi32>
        %select_n3A_1089 = arith.select %ge3A_1087, %add3A_1088, %add3A_1030 : vector<16xi1>, vector<16xi32>
        %swap3A_1090 = arith.constant 624 : index
        %swap3A_1091 = tpu.vector_load %arg6[%swap3A_1090] {strides = array<i32>} : memref<800xi32, #tpu.memory_space<vmem>>, vector<16xi32>,
        %swap3A_1092 = vector.shape_cast %swap3A_1091 : vector<16xi32> to vector<16xi32>
        %swap3A_1093 = vector.shape_cast %select_n3A_1089 : vector<16xi32> to vector<16xi32>
        tpu.vector_store %arg6[%swap3A_1090], %swap3A_1093 {strides = array<i32>} : memref<800xi32, #tpu.memory_space<vmem>>, vector<16xi32>,
        %mul3A_1094 = arith.constant 80 : i32
        %mul3A_1095 = arith.muli %add3A_594, %mul3A_1094 : i32
        %add3A_1096 = arith.constant 5760 : i32
        %add3A_1097 = arith.addi %add3A_1096, %mul3A_1095 : i32
        %add3A_1098 = arith.constant 64 : i32
        %add3A_1099 = arith.addi %add3A_1097, %add3A_1098 : i32
        %get3A_1100 = arith.index_cast %add3A_1099 : i32 to index
        %get3A_1101 = tpu.vector_load %arg5[%get3A_1100] {strides = array<i32>} : memref<9600xi32, #tpu.memory_space<vmem>>, vector<16xi32>,
        %get3A_1102 = vector.shape_cast %get3A_1101 : vector<16xi32> to vector<16xi32>
        %ge3A_1103 = arith.constant 0 : i32
        %ge3A_1104 = vector.broadcast %ge3A_1103 : i32 to vector<16xi32>
        %ge3A_1105 = arith.cmpi sge, %get3A_1102, %ge3A_1104 : vector<16xi32>
        %add3A_1106 = arith.addi %mul3A_1039, %get3A_1102 : vector<16xi32>
        %select_n3A_1107 = arith.select %ge3A_1105, %add3A_1106, %add3A_1030 : vector<16xi1>, vector<16xi32>
        %swap3A_1108 = arith.constant 704 : index
        %swap3A_1109 = tpu.vector_load %arg6[%swap3A_1108] {strides = array<i32>} : memref<800xi32, #tpu.memory_space<vmem>>, vector<16xi32>,
        %swap3A_1110 = vector.shape_cast %swap3A_1109 : vector<16xi32> to vector<16xi32>
        %swap3A_1111 = vector.shape_cast %select_n3A_1107 : vector<16xi32> to vector<16xi32>
        tpu.vector_store %arg6[%swap3A_1108], %swap3A_1111 {strides = array<i32>} : memref<800xi32, #tpu.memory_space<vmem>>, vector<16xi32>,
        %mul3A_1112 = arith.constant 80 : i32
        %mul3A_1113 = arith.muli %add3A_594, %mul3A_1112 : i32
        %add3A_1114 = arith.constant 7680 : i32
        %add3A_1115 = arith.addi %add3A_1114, %mul3A_1113 : i32
        %add3A_1116 = arith.constant 64 : i32
        %add3A_1117 = arith.addi %add3A_1115, %add3A_1116 : i32
        %get3A_1118 = arith.index_cast %add3A_1117 : i32 to index
        %get3A_1119 = tpu.vector_load %arg5[%get3A_1118] {strides = array<i32>} : memref<9600xi32, #tpu.memory_space<vmem>>, vector<16xi32>,
        %get3A_1120 = vector.shape_cast %get3A_1119 : vector<16xi32> to vector<16xi32>
        %ge3A_1121 = arith.constant 0 : i32
        %ge3A_1122 = vector.broadcast %ge3A_1121 : i32 to vector<16xi32>
        %ge3A_1123 = arith.cmpi sge, %get3A_1120, %ge3A_1122 : vector<16xi32>
        %add3A_1124 = arith.addi %mul3A_1039, %get3A_1120 : vector<16xi32>
        %select_n3A_1125 = arith.select %ge3A_1123, %add3A_1124, %add3A_1030 : vector<16xi1>, vector<16xi32>
        %swap3A_1126 = arith.constant 784 : index
        %swap3A_1127 = tpu.vector_load %arg6[%swap3A_1126] {strides = array<i32>} : memref<800xi32, #tpu.memory_space<vmem>>, vector<16xi32>,
        %swap3A_1128 = vector.shape_cast %swap3A_1127 : vector<16xi32> to vector<16xi32>
        %swap3A_1129 = vector.shape_cast %select_n3A_1125 : vector<16xi32> to vector<16xi32>
        tpu.vector_store %arg6[%swap3A_1126], %swap3A_1129 {strides = array<i32>} : memref<800xi32, #tpu.memory_space<vmem>>, vector<16xi32>,
        %dma_start3A_1130 = arith.constant 1 : i32
        %dma_start3A_1131 = arith.constant 0 : i32
        %dma_start3A_1132 = arith.constant 0 : i32
        %dma_start3A_1133 = arith.constant 0 : i32
        %dma_start3A_1134 = tpu.memref_slice %arg7[%dma_start3A_1130, %dma_start3A_1131, %dma_start3A_1132, %dma_start3A_1133] : memref<2x5x80x128xf32, #tpu.memory_space<vmem>> -> memref<1x1x80x128xf32, #tpu.memory_space<vmem>>
        %dma_start3A_1135 = tpu.memref_squeeze %dma_start3A_1134 : memref<1x1x80x128xf32, #tpu.memory_space<vmem>> -> memref<80x128xf32, #tpu.memory_space<vmem>>
        %dma_start3A_1136 = arith.constant 400 : i32
        %dma_start3A_1137 = tpu.memref_slice %arg6[%dma_start3A_1136] : memref<800xi32, #tpu.memory_space<vmem>> -> memref<80xi32, #tpu.memory_space<vmem>>
        %dma_start3A_1138 = arith.constant 0 : i32
        %dma_start3A_1139 = arith.constant 0 : i32
        %dma_start3A_1140 = tpu.memref_slice %arg2[%dma_start3A_1138, %dma_start3A_1139] : memref<61440x128xf32, #tpu.memory_space<hbm>> -> memref<61440x128xf32, #tpu.memory_space<hbm>>
        tpu.enqueue_indirect_dma source(%dma_start3A_1140 : memref<61440x128xf32, #tpu.memory_space<hbm>>) target(%dma_start3A_1135 : memref<80x128xf32, #tpu.memory_space<vmem>>) offsets(%dma_start3A_1137 : memref<80xi32, #tpu.memory_space<vmem>>) semaphore(%arg9 : memref<!tpu.dma_semaphore, #tpu.memory_space<semaphore_mem>>)
        %dma_start3A_1141 = arith.constant 1 : i32
        %dma_start3A_1142 = arith.constant 1 : i32
        %dma_start3A_1143 = arith.constant 0 : i32
        %dma_start3A_1144 = arith.constant 0 : i32
        %dma_start3A_1145 = tpu.memref_slice %arg7[%dma_start3A_1141, %dma_start3A_1142, %dma_start3A_1143, %dma_start3A_1144] : memref<2x5x80x128xf32, #tpu.memory_space<vmem>> -> memref<1x1x80x128xf32, #tpu.memory_space<vmem>>
        %dma_start3A_1146 = tpu.memref_squeeze %dma_start3A_1145 : memref<1x1x80x128xf32, #tpu.memory_space<vmem>> -> memref<80x128xf32, #tpu.memory_space<vmem>>
        %dma_start3A_1147 = arith.constant 480 : i32
        %dma_start3A_1148 = tpu.memref_slice %arg6[%dma_start3A_1147] : memref<800xi32, #tpu.memory_space<vmem>> -> memref<80xi32, #tpu.memory_space<vmem>>
        %dma_start3A_1149 = arith.constant 0 : i32
        %dma_start3A_1150 = arith.constant 0 : i32
        %dma_start3A_1151 = tpu.memref_slice %arg2[%dma_start3A_1149, %dma_start3A_1150] : memref<61440x128xf32, #tpu.memory_space<hbm>> -> memref<61440x128xf32, #tpu.memory_space<hbm>>
        tpu.enqueue_indirect_dma source(%dma_start3A_1151 : memref<61440x128xf32, #tpu.memory_space<hbm>>) target(%dma_start3A_1146 : memref<80x128xf32, #tpu.memory_space<vmem>>) offsets(%dma_start3A_1148 : memref<80xi32, #tpu.memory_space<vmem>>) semaphore(%arg9 : memref<!tpu.dma_semaphore, #tpu.memory_space<semaphore_mem>>)
        %dma_start3A_1152 = arith.constant 1 : i32
        %dma_start3A_1153 = arith.constant 2 : i32
        %dma_start3A_1154 = arith.constant 0 : i32
        %dma_start3A_1155 = arith.constant 0 : i32
        %dma_start3A_1156 = tpu.memref_slice %arg7[%dma_start3A_1152, %dma_start3A_1153, %dma_start3A_1154, %dma_start3A_1155] : memref<2x5x80x128xf32, #tpu.memory_space<vmem>> -> memref<1x1x80x128xf32, #tpu.memory_space<vmem>>
        %dma_start3A_1157 = tpu.memref_squeeze %dma_start3A_1156 : memref<1x1x80x128xf32, #tpu.memory_space<vmem>> -> memref<80x128xf32, #tpu.memory_space<vmem>>
        %dma_start3A_1158 = arith.constant 560 : i32
        %dma_start3A_1159 = tpu.memref_slice %arg6[%dma_start3A_1158] : memref<800xi32, #tpu.memory_space<vmem>> -> memref<80xi32, #tpu.memory_space<vmem>>
        %dma_start3A_1160 = arith.constant 0 : i32
        %dma_start3A_1161 = arith.constant 0 : i32
        %dma_start3A_1162 = tpu.memref_slice %arg2[%dma_start3A_1160, %dma_start3A_1161] : memref<61440x128xf32, #tpu.memory_space<hbm>> -> memref<61440x128xf32, #tpu.memory_space<hbm>>
        tpu.enqueue_indirect_dma source(%dma_start3A_1162 : memref<61440x128xf32, #tpu.memory_space<hbm>>) target(%dma_start3A_1157 : memref<80x128xf32, #tpu.memory_space<vmem>>) offsets(%dma_start3A_1159 : memref<80xi32, #tpu.memory_space<vmem>>) semaphore(%arg9 : memref<!tpu.dma_semaphore, #tpu.memory_space<semaphore_mem>>)
        %dma_start3A_1163 = arith.constant 1 : i32
        %dma_start3A_1164 = arith.constant 3 : i32
        %dma_start3A_1165 = arith.constant 0 : i32
        %dma_start3A_1166 = arith.constant 0 : i32
        %dma_start3A_1167 = tpu.memref_slice %arg7[%dma_start3A_1163, %dma_start3A_1164, %dma_start3A_1165, %dma_start3A_1166] : memref<2x5x80x128xf32, #tpu.memory_space<vmem>> -> memref<1x1x80x128xf32, #tpu.memory_space<vmem>>
        %dma_start3A_1168 = tpu.memref_squeeze %dma_start3A_1167 : memref<1x1x80x128xf32, #tpu.memory_space<vmem>> -> memref<80x128xf32, #tpu.memory_space<vmem>>
        %dma_start3A_1169 = arith.constant 640 : i32
        %dma_start3A_1170 = tpu.memref_slice %arg6[%dma_start3A_1169] : memref<800xi32, #tpu.memory_space<vmem>> -> memref<80xi32, #tpu.memory_space<vmem>>
        %dma_start3A_1171 = arith.constant 0 : i32
        %dma_start3A_1172 = arith.constant 0 : i32
        %dma_start3A_1173 = tpu.memref_slice %arg2[%dma_start3A_1171, %dma_start3A_1172] : memref<61440x128xf32, #tpu.memory_space<hbm>> -> memref<61440x128xf32, #tpu.memory_space<hbm>>
        tpu.enqueue_indirect_dma source(%dma_start3A_1173 : memref<61440x128xf32, #tpu.memory_space<hbm>>) target(%dma_start3A_1168 : memref<80x128xf32, #tpu.memory_space<vmem>>) offsets(%dma_start3A_1170 : memref<80xi32, #tpu.memory_space<vmem>>) semaphore(%arg9 : memref<!tpu.dma_semaphore, #tpu.memory_space<semaphore_mem>>)
        %dma_start3A_1174 = arith.constant 1 : i32
        %dma_start3A_1175 = arith.constant 4 : i32
        %dma_start3A_1176 = arith.constant 0 : i32
        %dma_start3A_1177 = arith.constant 0 : i32
        %dma_start3A_1178 = tpu.memref_slice %arg7[%dma_start3A_1174, %dma_start3A_1175, %dma_start3A_1176, %dma_start3A_1177] : memref<2x5x80x128xf32, #tpu.memory_space<vmem>> -> memref<1x1x80x128xf32, #tpu.memory_space<vmem>>
        %dma_start3A_1179 = tpu.memref_squeeze %dma_start3A_1178 : memref<1x1x80x128xf32, #tpu.memory_space<vmem>> -> memref<80x128xf32, #tpu.memory_space<vmem>>
        %dma_start3A_1180 = arith.constant 720 : i32
        %dma_start3A_1181 = tpu.memref_slice %arg6[%dma_start3A_1180] : memref<800xi32, #tpu.memory_space<vmem>> -> memref<80xi32, #tpu.memory_space<vmem>>
        %dma_start3A_1182 = arith.constant 0 : i32
        %dma_start3A_1183 = arith.constant 0 : i32
        %dma_start3A_1184 = tpu.memref_slice %arg2[%dma_start3A_1182, %dma_start3A_1183] : memref<61440x128xf32, #tpu.memory_space<hbm>> -> memref<61440x128xf32, #tpu.memory_space<hbm>>
        tpu.enqueue_indirect_dma source(%dma_start3A_1184 : memref<61440x128xf32, #tpu.memory_space<hbm>>) target(%dma_start3A_1179 : memref<80x128xf32, #tpu.memory_space<vmem>>) offsets(%dma_start3A_1181 : memref<80xi32, #tpu.memory_space<vmem>>) semaphore(%arg9 : memref<!tpu.dma_semaphore, #tpu.memory_space<semaphore_mem>>)
      } else {
      }
      %dma_wait3A = arith.constant 0 : i32
      %dma_wait3A_454 = arith.constant 0 : i32
      %dma_wait3A_455 = arith.constant 0 : i32
      %dma_wait3A_456 = arith.constant 0 : i32
      %dma_wait3A_457 = tpu.memref_slice %arg7[%dma_wait3A, %dma_wait3A_454, %dma_wait3A_455, %dma_wait3A_456] : memref<2x5x80x128xf32, #tpu.memory_space<vmem>> -> memref<1x1x80x128xf32, #tpu.memory_space<vmem>>
      %dma_wait3A_458 = tpu.memref_squeeze %dma_wait3A_457 : memref<1x1x80x128xf32, #tpu.memory_space<vmem>> -> memref<80x128xf32, #tpu.memory_space<vmem>>
      %dma_wait3A_459 = arith.constant 0 : i32
      %dma_wait3A_460 = tpu.memref_slice %arg6[%dma_wait3A_459] : memref<800xi32, #tpu.memory_space<vmem>> -> memref<80xi32, #tpu.memory_space<vmem>>
      %dma_wait3A_461 = arith.constant 0 : i32
      %dma_wait3A_462 = arith.constant 0 : i32
      %dma_wait3A_463 = tpu.memref_slice %arg2[%dma_wait3A_461, %dma_wait3A_462] : memref<61440x128xf32, #tpu.memory_space<hbm>> -> memref<61440x128xf32, #tpu.memory_space<hbm>>
      tpu.wait_indirect_dma semaphore(%arg8 : memref<!tpu.dma_semaphore, #tpu.memory_space<semaphore_mem>>) src(%dma_wait3A_463 : memref<61440x128xf32, #tpu.memory_space<hbm>>) dst(%dma_wait3A_458 : memref<80x128xf32, #tpu.memory_space<vmem>>)
      %dma_wait3A_464 = arith.constant 0 : i32
      %dma_wait3A_465 = arith.constant 1 : i32
      %dma_wait3A_466 = arith.constant 0 : i32
      %dma_wait3A_467 = arith.constant 0 : i32
      %dma_wait3A_468 = tpu.memref_slice %arg7[%dma_wait3A_464, %dma_wait3A_465, %dma_wait3A_466, %dma_wait3A_467] : memref<2x5x80x128xf32, #tpu.memory_space<vmem>> -> memref<1x1x80x128xf32, #tpu.memory_space<vmem>>
      %dma_wait3A_469 = tpu.memref_squeeze %dma_wait3A_468 : memref<1x1x80x128xf32, #tpu.memory_space<vmem>> -> memref<80x128xf32, #tpu.memory_space<vmem>>
      %dma_wait3A_470 = arith.constant 80 : i32
      %dma_wait3A_471 = tpu.memref_slice %arg6[%dma_wait3A_470] : memref<800xi32, #tpu.memory_space<vmem>> -> memref<80xi32, #tpu.memory_space<vmem>>
      %dma_wait3A_472 = arith.constant 0 : i32
      %dma_wait3A_473 = arith.constant 0 : i32
      %dma_wait3A_474 = tpu.memref_slice %arg2[%dma_wait3A_472, %dma_wait3A_473] : memref<61440x128xf32, #tpu.memory_space<hbm>> -> memref<61440x128xf32, #tpu.memory_space<hbm>>
      tpu.wait_indirect_dma semaphore(%arg8 : memref<!tpu.dma_semaphore, #tpu.memory_space<semaphore_mem>>) src(%dma_wait3A_474 : memref<61440x128xf32, #tpu.memory_space<hbm>>) dst(%dma_wait3A_469 : memref<80x128xf32, #tpu.memory_space<vmem>>)
      %dma_wait3A_475 = arith.constant 0 : i32
      %dma_wait3A_476 = arith.constant 2 : i32
      %dma_wait3A_477 = arith.constant 0 : i32
      %dma_wait3A_478 = arith.constant 0 : i32
      %dma_wait3A_479 = tpu.memref_slice %arg7[%dma_wait3A_475, %dma_wait3A_476, %dma_wait3A_477, %dma_wait3A_478] : memref<2x5x80x128xf32, #tpu.memory_space<vmem>> -> memref<1x1x80x128xf32, #tpu.memory_space<vmem>>
      %dma_wait3A_480 = tpu.memref_squeeze %dma_wait3A_479 : memref<1x1x80x128xf32, #tpu.memory_space<vmem>> -> memref<80x128xf32, #tpu.memory_space<vmem>>
      %dma_wait3A_481 = arith.constant 160 : i32
      %dma_wait3A_482 = tpu.memref_slice %arg6[%dma_wait3A_481] : memref<800xi32, #tpu.memory_space<vmem>> -> memref<80xi32, #tpu.memory_space<vmem>>
      %dma_wait3A_483 = arith.constant 0 : i32
      %dma_wait3A_484 = arith.constant 0 : i32
      %dma_wait3A_485 = tpu.memref_slice %arg2[%dma_wait3A_483, %dma_wait3A_484] : memref<61440x128xf32, #tpu.memory_space<hbm>> -> memref<61440x128xf32, #tpu.memory_space<hbm>>
      tpu.wait_indirect_dma semaphore(%arg8 : memref<!tpu.dma_semaphore, #tpu.memory_space<semaphore_mem>>) src(%dma_wait3A_485 : memref<61440x128xf32, #tpu.memory_space<hbm>>) dst(%dma_wait3A_480 : memref<80x128xf32, #tpu.memory_space<vmem>>)
      %dma_wait3A_486 = arith.constant 0 : i32
      %dma_wait3A_487 = arith.constant 3 : i32
      %dma_wait3A_488 = arith.constant 0 : i32
      %dma_wait3A_489 = arith.constant 0 : i32
      %dma_wait3A_490 = tpu.memref_slice %arg7[%dma_wait3A_486, %dma_wait3A_487, %dma_wait3A_488, %dma_wait3A_489] : memref<2x5x80x128xf32, #tpu.memory_space<vmem>> -> memref<1x1x80x128xf32, #tpu.memory_space<vmem>>
      %dma_wait3A_491 = tpu.memref_squeeze %dma_wait3A_490 : memref<1x1x80x128xf32, #tpu.memory_space<vmem>> -> memref<80x128xf32, #tpu.memory_space<vmem>>
      %dma_wait3A_492 = arith.constant 240 : i32
      %dma_wait3A_493 = tpu.memref_slice %arg6[%dma_wait3A_492] : memref<800xi32, #tpu.memory_space<vmem>> -> memref<80xi32, #tpu.memory_space<vmem>>
      %dma_wait3A_494 = arith.constant 0 : i32
      %dma_wait3A_495 = arith.constant 0 : i32
      %dma_wait3A_496 = tpu.memref_slice %arg2[%dma_wait3A_494, %dma_wait3A_495] : memref<61440x128xf32, #tpu.memory_space<hbm>> -> memref<61440x128xf32, #tpu.memory_space<hbm>>
      tpu.wait_indirect_dma semaphore(%arg8 : memref<!tpu.dma_semaphore, #tpu.memory_space<semaphore_mem>>) src(%dma_wait3A_496 : memref<61440x128xf32, #tpu.memory_space<hbm>>) dst(%dma_wait3A_491 : memref<80x128xf32, #tpu.memory_space<vmem>>)
      %dma_wait3A_497 = arith.constant 0 : i32
      %dma_wait3A_498 = arith.constant 4 : i32
      %dma_wait3A_499 = arith.constant 0 : i32
      %dma_wait3A_500 = arith.constant 0 : i32
      %dma_wait3A_501 = tpu.memref_slice %arg7[%dma_wait3A_497, %dma_wait3A_498, %dma_wait3A_499, %dma_wait3A_500] : memref<2x5x80x128xf32, #tpu.memory_space<vmem>> -> memref<1x1x80x128xf32, #tpu.memory_space<vmem>>
      %dma_wait3A_502 = tpu.memref_squeeze %dma_wait3A_501 : memref<1x1x80x128xf32, #tpu.memory_space<vmem>> -> memref<80x128xf32, #tpu.memory_space<vmem>>
      %dma_wait3A_503 = arith.constant 320 : i32
      %dma_wait3A_504 = tpu.memref_slice %arg6[%dma_wait3A_503] : memref<800xi32, #tpu.memory_space<vmem>> -> memref<80xi32, #tpu.memory_space<vmem>>
      %dma_wait3A_505 = arith.constant 0 : i32
      %dma_wait3A_506 = arith.constant 0 : i32
      %dma_wait3A_507 = tpu.memref_slice %arg2[%dma_wait3A_505, %dma_wait3A_506] : memref<61440x128xf32, #tpu.memory_space<hbm>> -> memref<61440x128xf32, #tpu.memory_space<hbm>>
      tpu.wait_indirect_dma semaphore(%arg8 : memref<!tpu.dma_semaphore, #tpu.memory_space<semaphore_mem>>) src(%dma_wait3A_507 : memref<61440x128xf32, #tpu.memory_space<hbm>>) dst(%dma_wait3A_502 : memref<80x128xf32, #tpu.memory_space<vmem>>)
      %scan3A_508 = arith.constant 0 : i32
      %scan3A_509 = arith.constant 80 : i32
      %scan3A_510 = arith.addi %scan3A_508, %scan3A_509 : i32
      %scan3A_511 = arith.constant 1 : i32
      scf.for %scan3A_593 = %scan3A_508 to %scan3A_510 step %scan3A_511  : i32 {
        %mul3A_594 = arith.constant 8 : i32
        %mul3A_595 = arith.muli %scan3A_593, %mul3A_594 : i32
        %add3A_596 = arith.constant 0 : i32
        %add3A_597 = arith.addi %mul3A_595, %add3A_596 : i32
        %jit3A = arith.constant 8 : i32
        %div3A = arith.divsi %add3A_597, %jit3A : i32
        %sign3A = arith.constant 0 : i32
        %sign3A_598 = arith.cmpi sgt, %add3A_597, %sign3A : i32
        %sign3A_599 = arith.extui %sign3A_598 : i1 to i32
        %sign3A_600 = arith.constant 0 : i32
        %sign3A_601 = arith.cmpi slt, %add3A_597, %sign3A_600 : i32
        %sign3A_602 = arith.extui %sign3A_601 : i1 to i32
        %sign3A_603 = arith.subi %sign3A_599, %sign3A_602 : i32
        %sign3A_604 = arith.constant 0 : i32
        %sign3A_605 = arith.cmpi sgt, %jit3A, %sign3A_604 : i32
        %sign3A_606 = arith.extui %sign3A_605 : i1 to i32
        %sign3A_607 = arith.constant 0 : i32
        %sign3A_608 = arith.cmpi slt, %jit3A, %sign3A_607 : i32
        %sign3A_609 = arith.extui %sign3A_608 : i1 to i32
        %sign3A_610 = arith.subi %sign3A_606, %sign3A_609 : i32
        %ne3A = arith.cmpi ne, %sign3A_603, %sign3A_610 : i32
        %rem3A = arith.remsi %add3A_597, %jit3A : i32
        %ne3A_611 = arith.constant 0 : i32
        %ne3A_612 = arith.cmpi ne, %rem3A, %ne3A_611 : i32
        %and3A = arith.andi %ne3A, %ne3A_612 : i1
        %sub3A = arith.constant 1 : i32
        %sub3A_613 = arith.subi %div3A, %sub3A : i32
        %select_n3A_614 = arith.select %and3A, %sub3A_613, %div3A : i32
        %jit3A_615 = arith.constant 8 : i32
        %eq3A = arith.constant 0 : i32
        %eq3A_616 = arith.cmpi eq, %jit3A_615, %eq3A : i32
        %jit3A_617 = arith.constant 1 : i32
        %select_n3A_618 = arith.select %eq3A_616, %jit3A_617, %jit3A_615 : i32
        %rem3A_619 = arith.remsi %add3A_597, %select_n3A_618 : i32
        %ne3A_620 = arith.constant 0 : i32
        %ne3A_621 = arith.cmpi ne, %rem3A_619, %ne3A_620 : i32
        %lt3A_622 = arith.constant 0 : i32
        %lt3A_623 = arith.cmpi slt, %rem3A_619, %lt3A_622 : i32
        %lt3A_624 = arith.constant 0 : i32
        %lt3A_625 = arith.cmpi slt, %select_n3A_618, %lt3A_624 : i32
        %ne3A_626 = arith.xori %lt3A_623, %lt3A_625 : i1
        %and3A_627 = arith.andi %ne3A_626, %ne3A_621 : i1
        %add3A_628 = arith.addi %rem3A_619, %select_n3A_618 : i32
        %select_n3A_629 = arith.select %and3A_627, %add3A_628, %rem3A_619 : i32
        %mul3A_630 = arith.constant 16 : i32
        %mul3A_631 = arith.muli %select_n3A_629, %mul3A_630 : i32
        %get3A_632 = arith.constant 0 : i32
        %get3A_633 = arith.constant 0 : i32
        %get3A_634 = arith.index_cast %get3A_632 : i32 to index
        %get3A_635 = arith.index_cast %get3A_633 : i32 to index
        %get3A_636 = arith.index_cast %select_n3A_614 : i32 to index
        %get3A_637 = arith.index_cast %mul3A_631 : i32 to index
        %get3A_638 = tpu.vector_load %arg7[%get3A_634, %get3A_635, %get3A_636, %get3A_637] {strides = array<i32>} : memref<2x5x80x128xf32, #tpu.memory_space<vmem>>, vector<1x1x1x16xf32>,
        %get3A_639 = vector.shape_cast %get3A_638 : vector<1x1x1x16xf32> to vector<16xf32>
        %get3A_640 = arith.constant 0 : i32
        %get3A_641 = arith.constant 1 : i32
        %get3A_642 = arith.index_cast %get3A_640 : i32 to index
        %get3A_643 = arith.index_cast %get3A_641 : i32 to index
        %get3A_644 = arith.index_cast %select_n3A_614 : i32 to index
        %get3A_645 = arith.index_cast %mul3A_631 : i32 to index
        %get3A_646 = tpu.vector_load %arg7[%get3A_642, %get3A_643, %get3A_644, %get3A_645] {strides = array<i32>} : memref<2x5x80x128xf32, #tpu.memory_space<vmem>>, vector<1x1x1x16xf32>,
        %get3A_647 = vector.shape_cast %get3A_646 : vector<1x1x1x16xf32> to vector<16xf32>
        %add3A_648 = arith.addf %get3A_639, %get3A_647 : vector<16xf32>
        %get3A_649 = arith.constant 0 : i32
        %get3A_650 = arith.constant 2 : i32
        %get3A_651 = arith.index_cast %get3A_649 : i32 to index
        %get3A_652 = arith.index_cast %get3A_650 : i32 to index
        %get3A_653 = arith.index_cast %select_n3A_614 : i32 to index
        %get3A_654 = arith.index_cast %mul3A_631 : i32 to index
        %get3A_655 = tpu.vector_load %arg7[%get3A_651, %get3A_652, %get3A_653, %get3A_654] {strides = array<i32>} : memref<2x5x80x128xf32, #tpu.memory_space<vmem>>, vector<1x1x1x16xf32>,
        %get3A_656 = vector.shape_cast %get3A_655 : vector<1x1x1x16xf32> to vector<16xf32>
        %get3A_657 = arith.constant 0 : i32
        %get3A_658 = arith.constant 3 : i32
        %get3A_659 = arith.index_cast %get3A_657 : i32 to index
        %get3A_660 = arith.index_cast %get3A_658 : i32 to index
        %get3A_661 = arith.index_cast %select_n3A_614 : i32 to index
        %get3A_662 = arith.index_cast %mul3A_631 : i32 to index
        %get3A_663 = tpu.vector_load %arg7[%get3A_659, %get3A_660, %get3A_661, %get3A_662] {strides = array<i32>} : memref<2x5x80x128xf32, #tpu.memory_space<vmem>>, vector<1x1x1x16xf32>,
        %get3A_664 = vector.shape_cast %get3A_663 : vector<1x1x1x16xf32> to vector<16xf32>
        %add3A_665 = arith.addf %get3A_656, %get3A_664 : vector<16xf32>
        %add3A_666 = arith.addf %add3A_648, %add3A_665 : vector<16xf32>
        %get3A_667 = arith.constant 0 : i32
        %get3A_668 = arith.constant 4 : i32
        %get3A_669 = arith.index_cast %get3A_667 : i32 to index
        %get3A_670 = arith.index_cast %get3A_668 : i32 to index
        %get3A_671 = arith.index_cast %select_n3A_614 : i32 to index
        %get3A_672 = arith.index_cast %mul3A_631 : i32 to index
        %get3A_673 = tpu.vector_load %arg7[%get3A_669, %get3A_670, %get3A_671, %get3A_672] {strides = array<i32>} : memref<2x5x80x128xf32, #tpu.memory_space<vmem>>, vector<1x1x1x16xf32>,
        %get3A_674 = vector.shape_cast %get3A_673 : vector<1x1x1x16xf32> to vector<16xf32>
        %add3A_675 = arith.addf %add3A_666, %get3A_674 : vector<16xf32>
        %swap3A_676 = arith.constant 0 : i32
        %swap3A_677 = arith.constant 0 : i32
        %swap3A_678 = arith.index_cast %swap3A_676 : i32 to index
        %swap3A_679 = arith.index_cast %swap3A_677 : i32 to index
        %swap3A_680 = arith.index_cast %select_n3A_614 : i32 to index
        %swap3A_681 = arith.index_cast %mul3A_631 : i32 to index
        %swap3A_682 = tpu.vector_load %arg7[%swap3A_678, %swap3A_679, %swap3A_680, %swap3A_681] {strides = array<i32>} : memref<2x5x80x128xf32, #tpu.memory_space<vmem>>, vector<1x1x1x16xf32>,
        %swap3A_683 = vector.shape_cast %swap3A_682 : vector<1x1x1x16xf32> to vector<16xf32>
        %swap3A_684 = vector.shape_cast %add3A_675 : vector<16xf32> to vector<1x1x1x16xf32>
        tpu.vector_store %arg7[%swap3A_678, %swap3A_679, %swap3A_680, %swap3A_681], %swap3A_684 {strides = array<i32>} : memref<2x5x80x128xf32, #tpu.memory_space<vmem>>, vector<1x1x1x16xf32>,
        %mul3A_685 = arith.constant 8 : i32
        %mul3A_686 = arith.muli %scan3A_593, %mul3A_685 : i32
        %add3A_687 = arith.constant 1 : i32
        %add3A_688 = arith.addi %mul3A_686, %add3A_687 : i32
        %jit3A_689 = arith.constant 8 : i32
        %div3A_690 = arith.divsi %add3A_688, %jit3A_689 : i32
        %sign3A_691 = arith.constant 0 : i32
        %sign3A_692 = arith.cmpi sgt, %add3A_688, %sign3A_691 : i32
        %sign3A_693 = arith.extui %sign3A_692 : i1 to i32
        %sign3A_694 = arith.constant 0 : i32
        %sign3A_695 = arith.cmpi slt, %add3A_688, %sign3A_694 : i32
        %sign3A_696 = arith.extui %sign3A_695 : i1 to i32
        %sign3A_697 = arith.subi %sign3A_693, %sign3A_696 : i32
        %sign3A_698 = arith.constant 0 : i32
        %sign3A_699 = arith.cmpi sgt, %jit3A_689, %sign3A_698 : i32
        %sign3A_700 = arith.extui %sign3A_699 : i1 to i32
        %sign3A_701 = arith.constant 0 : i32
        %sign3A_702 = arith.cmpi slt, %jit3A_689, %sign3A_701 : i32
        %sign3A_703 = arith.extui %sign3A_702 : i1 to i32
        %sign3A_704 = arith.subi %sign3A_700, %sign3A_703 : i32
        %ne3A_705 = arith.cmpi ne, %sign3A_697, %sign3A_704 : i32
        %rem3A_706 = arith.remsi %add3A_688, %jit3A_689 : i32
        %ne3A_707 = arith.constant 0 : i32
        %ne3A_708 = arith.cmpi ne, %rem3A_706, %ne3A_707 : i32
        %and3A_709 = arith.andi %ne3A_705, %ne3A_708 : i1
        %sub3A_710 = arith.constant 1 : i32
        %sub3A_711 = arith.subi %div3A_690, %sub3A_710 : i32
        %select_n3A_712 = arith.select %and3A_709, %sub3A_711, %div3A_690 : i32
        %jit3A_713 = arith.constant 8 : i32
        %eq3A_714 = arith.constant 0 : i32
        %eq3A_715 = arith.cmpi eq, %jit3A_713, %eq3A_714 : i32
        %jit3A_716 = arith.constant 1 : i32
        %select_n3A_717 = arith.select %eq3A_715, %jit3A_716, %jit3A_713 : i32
        %rem3A_718 = arith.remsi %add3A_688, %select_n3A_717 : i32
        %ne3A_719 = arith.constant 0 : i32
        %ne3A_720 = arith.cmpi ne, %rem3A_718, %ne3A_719 : i32
        %lt3A_721 = arith.constant 0 : i32
        %lt3A_722 = arith.cmpi slt, %rem3A_718, %lt3A_721 : i32
        %lt3A_723 = arith.constant 0 : i32
        %lt3A_724 = arith.cmpi slt, %select_n3A_717, %lt3A_723 : i32
        %ne3A_725 = arith.xori %lt3A_722, %lt3A_724 : i1
        %and3A_726 = arith.andi %ne3A_725, %ne3A_720 : i1
        %add3A_727 = arith.addi %rem3A_718, %select_n3A_717 : i32
        %select_n3A_728 = arith.select %and3A_726, %add3A_727, %rem3A_718 : i32
        %mul3A_729 = arith.constant 16 : i32
        %mul3A_730 = arith.muli %select_n3A_728, %mul3A_729 : i32
        %get3A_731 = arith.constant 0 : i32
        %get3A_732 = arith.constant 0 : i32
        %get3A_733 = arith.index_cast %get3A_731 : i32 to index
        %get3A_734 = arith.index_cast %get3A_732 : i32 to index
        %get3A_735 = arith.index_cast %select_n3A_712 : i32 to index
        %get3A_736 = arith.index_cast %mul3A_730 : i32 to index
        %get3A_737 = tpu.vector_load %arg7[%get3A_733, %get3A_734, %get3A_735, %get3A_736] {strides = array<i32>} : memref<2x5x80x128xf32, #tpu.memory_space<vmem>>, vector<1x1x1x16xf32>,
        %get3A_738 = vector.shape_cast %get3A_737 : vector<1x1x1x16xf32> to vector<16xf32>
        %get3A_739 = arith.constant 0 : i32
        %get3A_740 = arith.constant 1 : i32
        %get3A_741 = arith.index_cast %get3A_739 : i32 to index
        %get3A_742 = arith.index_cast %get3A_740 : i32 to index
        %get3A_743 = arith.index_cast %select_n3A_712 : i32 to index
        %get3A_744 = arith.index_cast %mul3A_730 : i32 to index
        %get3A_745 = tpu.vector_load %arg7[%get3A_741, %get3A_742, %get3A_743, %get3A_744] {strides = array<i32>} : memref<2x5x80x128xf32, #tpu.memory_space<vmem>>, vector<1x1x1x16xf32>,
        %get3A_746 = vector.shape_cast %get3A_745 : vector<1x1x1x16xf32> to vector<16xf32>
        %add3A_747 = arith.addf %get3A_738, %get3A_746 : vector<16xf32>
        %get3A_748 = arith.constant 0 : i32
        %get3A_749 = arith.constant 2 : i32
        %get3A_750 = arith.index_cast %get3A_748 : i32 to index
        %get3A_751 = arith.index_cast %get3A_749 : i32 to index
        %get3A_752 = arith.index_cast %select_n3A_712 : i32 to index
        %get3A_753 = arith.index_cast %mul3A_730 : i32 to index
        %get3A_754 = tpu.vector_load %arg7[%get3A_750, %get3A_751, %get3A_752, %get3A_753] {strides = array<i32>} : memref<2x5x80x128xf32, #tpu.memory_space<vmem>>, vector<1x1x1x16xf32>,
        %get3A_755 = vector.shape_cast %get3A_754 : vector<1x1x1x16xf32> to vector<16xf32>
        %get3A_756 = arith.constant 0 : i32
        %get3A_757 = arith.constant 3 : i32
        %get3A_758 = arith.index_cast %get3A_756 : i32 to index
        %get3A_759 = arith.index_cast %get3A_757 : i32 to index
        %get3A_760 = arith.index_cast %select_n3A_712 : i32 to index
        %get3A_761 = arith.index_cast %mul3A_730 : i32 to index
        %get3A_762 = tpu.vector_load %arg7[%get3A_758, %get3A_759, %get3A_760, %get3A_761] {strides = array<i32>} : memref<2x5x80x128xf32, #tpu.memory_space<vmem>>, vector<1x1x1x16xf32>,
        %get3A_763 = vector.shape_cast %get3A_762 : vector<1x1x1x16xf32> to vector<16xf32>
        %add3A_764 = arith.addf %get3A_755, %get3A_763 : vector<16xf32>
        %add3A_765 = arith.addf %add3A_747, %add3A_764 : vector<16xf32>
        %get3A_766 = arith.constant 0 : i32
        %get3A_767 = arith.constant 4 : i32
        %get3A_768 = arith.index_cast %get3A_766 : i32 to index
        %get3A_769 = arith.index_cast %get3A_767 : i32 to index
        %get3A_770 = arith.index_cast %select_n3A_712 : i32 to index
        %get3A_771 = arith.index_cast %mul3A_730 : i32 to index
        %get3A_772 = tpu.vector_load %arg7[%get3A_768, %get3A_769, %get3A_770, %get3A_771] {strides = array<i32>} : memref<2x5x80x128xf32, #tpu.memory_space<vmem>>, vector<1x1x1x16xf32>,
        %get3A_773 = vector.shape_cast %get3A_772 : vector<1x1x1x16xf32> to vector<16xf32>
        %add3A_774 = arith.addf %add3A_765, %get3A_773 : vector<16xf32>
        %swap3A_775 = arith.constant 0 : i32
        %swap3A_776 = arith.constant 0 : i32
        %swap3A_777 = arith.index_cast %swap3A_775 : i32 to index
        %swap3A_778 = arith.index_cast %swap3A_776 : i32 to index
        %swap3A_779 = arith.index_cast %select_n3A_712 : i32 to index
        %swap3A_780 = arith.index_cast %mul3A_730 : i32 to index
        %swap3A_781 = tpu.vector_load %arg7[%swap3A_777, %swap3A_778, %swap3A_779, %swap3A_780] {strides = array<i32>} : memref<2x5x80x128xf32, #tpu.memory_space<vmem>>, vector<1x1x1x16xf32>,
        %swap3A_782 = vector.shape_cast %swap3A_781 : vector<1x1x1x16xf32> to vector<16xf32>
        %swap3A_783 = vector.shape_cast %add3A_774 : vector<16xf32> to vector<1x1x1x16xf32>
        tpu.vector_store %arg7[%swap3A_777, %swap3A_778, %swap3A_779, %swap3A_780], %swap3A_783 {strides = array<i32>} : memref<2x5x80x128xf32, #tpu.memory_space<vmem>>, vector<1x1x1x16xf32>,
        %mul3A_784 = arith.constant 8 : i32
        %mul3A_785 = arith.muli %scan3A_593, %mul3A_784 : i32
        %add3A_786 = arith.constant 2 : i32
        %add3A_787 = arith.addi %mul3A_785, %add3A_786 : i32
        %jit3A_788 = arith.constant 8 : i32
        %div3A_789 = arith.divsi %add3A_787, %jit3A_788 : i32
        %sign3A_790 = arith.constant 0 : i32
        %sign3A_791 = arith.cmpi sgt, %add3A_787, %sign3A_790 : i32
        %sign3A_792 = arith.extui %sign3A_791 : i1 to i32
        %sign3A_793 = arith.constant 0 : i32
        %sign3A_794 = arith.cmpi slt, %add3A_787, %sign3A_793 : i32
        %sign3A_795 = arith.extui %sign3A_794 : i1 to i32
        %sign3A_796 = arith.subi %sign3A_792, %sign3A_795 : i32
        %sign3A_797 = arith.constant 0 : i32
        %sign3A_798 = arith.cmpi sgt, %jit3A_788, %sign3A_797 : i32
        %sign3A_799 = arith.extui %sign3A_798 : i1 to i32
        %sign3A_800 = arith.constant 0 : i32
        %sign3A_801 = arith.cmpi slt, %jit3A_788, %sign3A_800 : i32
        %sign3A_802 = arith.extui %sign3A_801 : i1 to i32
        %sign3A_803 = arith.subi %sign3A_799, %sign3A_802 : i32
        %ne3A_804 = arith.cmpi ne, %sign3A_796, %sign3A_803 : i32
        %rem3A_805 = arith.remsi %add3A_787, %jit3A_788 : i32
        %ne3A_806 = arith.constant 0 : i32
        %ne3A_807 = arith.cmpi ne, %rem3A_805, %ne3A_806 : i32
        %and3A_808 = arith.andi %ne3A_804, %ne3A_807 : i1
        %sub3A_809 = arith.constant 1 : i32
        %sub3A_810 = arith.subi %div3A_789, %sub3A_809 : i32
        %select_n3A_811 = arith.select %and3A_808, %sub3A_810, %div3A_789 : i32
        %jit3A_812 = arith.constant 8 : i32
        %eq3A_813 = arith.constant 0 : i32
        %eq3A_814 = arith.cmpi eq, %jit3A_812, %eq3A_813 : i32
        %jit3A_815 = arith.constant 1 : i32
        %select_n3A_816 = arith.select %eq3A_814, %jit3A_815, %jit3A_812 : i32
        %rem3A_817 = arith.remsi %add3A_787, %select_n3A_816 : i32
        %ne3A_818 = arith.constant 0 : i32
        %ne3A_819 = arith.cmpi ne, %rem3A_817, %ne3A_818 : i32
        %lt3A_820 = arith.constant 0 : i32
        %lt3A_821 = arith.cmpi slt, %rem3A_817, %lt3A_820 : i32
        %lt3A_822 = arith.constant 0 : i32
        %lt3A_823 = arith.cmpi slt, %select_n3A_816, %lt3A_822 : i32
        %ne3A_824 = arith.xori %lt3A_821, %lt3A_823 : i1
        %and3A_825 = arith.andi %ne3A_824, %ne3A_819 : i1
        %add3A_826 = arith.addi %rem3A_817, %select_n3A_816 : i32
        %select_n3A_827 = arith.select %and3A_825, %add3A_826, %rem3A_817 : i32
        %mul3A_828 = arith.constant 16 : i32
        %mul3A_829 = arith.muli %select_n3A_827, %mul3A_828 : i32
        %get3A_830 = arith.constant 0 : i32
        %get3A_831 = arith.constant 0 : i32
        %get3A_832 = arith.index_cast %get3A_830 : i32 to index
        %get3A_833 = arith.index_cast %get3A_831 : i32 to index
        %get3A_834 = arith.index_cast %select_n3A_811 : i32 to index
        %get3A_835 = arith.index_cast %mul3A_829 : i32 to index
        %get3A_836 = tpu.vector_load %arg7[%get3A_832, %get3A_833, %get3A_834, %get3A_835] {strides = array<i32>} : memref<2x5x80x128xf32, #tpu.memory_space<vmem>>, vector<1x1x1x16xf32>,
        %get3A_837 = vector.shape_cast %get3A_836 : vector<1x1x1x16xf32> to vector<16xf32>
        %get3A_838 = arith.constant 0 : i32
        %get3A_839 = arith.constant 1 : i32
        %get3A_840 = arith.index_cast %get3A_838 : i32 to index
        %get3A_841 = arith.index_cast %get3A_839 : i32 to index
        %get3A_842 = arith.index_cast %select_n3A_811 : i32 to index
        %get3A_843 = arith.index_cast %mul3A_829 : i32 to index
        %get3A_844 = tpu.vector_load %arg7[%get3A_840, %get3A_841, %get3A_842, %get3A_843] {strides = array<i32>} : memref<2x5x80x128xf32, #tpu.memory_space<vmem>>, vector<1x1x1x16xf32>,
        %get3A_845 = vector.shape_cast %get3A_844 : vector<1x1x1x16xf32> to vector<16xf32>
        %add3A_846 = arith.addf %get3A_837, %get3A_845 : vector<16xf32>
        %get3A_847 = arith.constant 0 : i32
        %get3A_848 = arith.constant 2 : i32
        %get3A_849 = arith.index_cast %get3A_847 : i32 to index
        %get3A_850 = arith.index_cast %get3A_848 : i32 to index
        %get3A_851 = arith.index_cast %select_n3A_811 : i32 to index
        %get3A_852 = arith.index_cast %mul3A_829 : i32 to index
        %get3A_853 = tpu.vector_load %arg7[%get3A_849, %get3A_850, %get3A_851, %get3A_852] {strides = array<i32>} : memref<2x5x80x128xf32, #tpu.memory_space<vmem>>, vector<1x1x1x16xf32>,
        %get3A_854 = vector.shape_cast %get3A_853 : vector<1x1x1x16xf32> to vector<16xf32>
        %get3A_855 = arith.constant 0 : i32
        %get3A_856 = arith.constant 3 : i32
        %get3A_857 = arith.index_cast %get3A_855 : i32 to index
        %get3A_858 = arith.index_cast %get3A_856 : i32 to index
        %get3A_859 = arith.index_cast %select_n3A_811 : i32 to index
        %get3A_860 = arith.index_cast %mul3A_829 : i32 to index
        %get3A_861 = tpu.vector_load %arg7[%get3A_857, %get3A_858, %get3A_859, %get3A_860] {strides = array<i32>} : memref<2x5x80x128xf32, #tpu.memory_space<vmem>>, vector<1x1x1x16xf32>,
        %get3A_862 = vector.shape_cast %get3A_861 : vector<1x1x1x16xf32> to vector<16xf32>
        %add3A_863 = arith.addf %get3A_854, %get3A_862 : vector<16xf32>
        %add3A_864 = arith.addf %add3A_846, %add3A_863 : vector<16xf32>
        %get3A_865 = arith.constant 0 : i32
        %get3A_866 = arith.constant 4 : i32
        %get3A_867 = arith.index_cast %get3A_865 : i32 to index
        %get3A_868 = arith.index_cast %get3A_866 : i32 to index
        %get3A_869 = arith.index_cast %select_n3A_811 : i32 to index
        %get3A_870 = arith.index_cast %mul3A_829 : i32 to index
        %get3A_871 = tpu.vector_load %arg7[%get3A_867, %get3A_868, %get3A_869, %get3A_870] {strides = array<i32>} : memref<2x5x80x128xf32, #tpu.memory_space<vmem>>, vector<1x1x1x16xf32>,
        %get3A_872 = vector.shape_cast %get3A_871 : vector<1x1x1x16xf32> to vector<16xf32>
        %add3A_873 = arith.addf %add3A_864, %get3A_872 : vector<16xf32>
        %swap3A_874 = arith.constant 0 : i32
        %swap3A_875 = arith.constant 0 : i32
        %swap3A_876 = arith.index_cast %swap3A_874 : i32 to index
        %swap3A_877 = arith.index_cast %swap3A_875 : i32 to index
        %swap3A_878 = arith.index_cast %select_n3A_811 : i32 to index
        %swap3A_879 = arith.index_cast %mul3A_829 : i32 to index
        %swap3A_880 = tpu.vector_load %arg7[%swap3A_876, %swap3A_877, %swap3A_878, %swap3A_879] {strides = array<i32>} : memref<2x5x80x128xf32, #tpu.memory_space<vmem>>, vector<1x1x1x16xf32>,
        %swap3A_881 = vector.shape_cast %swap3A_880 : vector<1x1x1x16xf32> to vector<16xf32>
        %swap3A_882 = vector.shape_cast %add3A_873 : vector<16xf32> to vector<1x1x1x16xf32>
        tpu.vector_store %arg7[%swap3A_876, %swap3A_877, %swap3A_878, %swap3A_879], %swap3A_882 {strides = array<i32>} : memref<2x5x80x128xf32, #tpu.memory_space<vmem>>, vector<1x1x1x16xf32>,
        %mul3A_883 = arith.constant 8 : i32
        %mul3A_884 = arith.muli %scan3A_593, %mul3A_883 : i32
        %add3A_885 = arith.constant 3 : i32
        %add3A_886 = arith.addi %mul3A_884, %add3A_885 : i32
        %jit3A_887 = arith.constant 8 : i32
        %div3A_888 = arith.divsi %add3A_886, %jit3A_887 : i32
        %sign3A_889 = arith.constant 0 : i32
        %sign3A_890 = arith.cmpi sgt, %add3A_886, %sign3A_889 : i32
        %sign3A_891 = arith.extui %sign3A_890 : i1 to i32
        %sign3A_892 = arith.constant 0 : i32
        %sign3A_893 = arith.cmpi slt, %add3A_886, %sign3A_892 : i32
        %sign3A_894 = arith.extui %sign3A_893 : i1 to i32
        %sign3A_895 = arith.subi %sign3A_891, %sign3A_894 : i32
        %sign3A_896 = arith.constant 0 : i32
        %sign3A_897 = arith.cmpi sgt, %jit3A_887, %sign3A_896 : i32
        %sign3A_898 = arith.extui %sign3A_897 : i1 to i32
        %sign3A_899 = arith.constant 0 : i32
        %sign3A_900 = arith.cmpi slt, %jit3A_887, %sign3A_899 : i32
        %sign3A_901 = arith.extui %sign3A_900 : i1 to i32
        %sign3A_902 = arith.subi %sign3A_898, %sign3A_901 : i32
        %ne3A_903 = arith.cmpi ne, %sign3A_895, %sign3A_902 : i32
        %rem3A_904 = arith.remsi %add3A_886, %jit3A_887 : i32
        %ne3A_905 = arith.constant 0 : i32
        %ne3A_906 = arith.cmpi ne, %rem3A_904, %ne3A_905 : i32
        %and3A_907 = arith.andi %ne3A_903, %ne3A_906 : i1
        %sub3A_908 = arith.constant 1 : i32
        %sub3A_909 = arith.subi %div3A_888, %sub3A_908 : i32
        %select_n3A_910 = arith.select %and3A_907, %sub3A_909, %div3A_888 : i32
        %jit3A_911 = arith.constant 8 : i32
        %eq3A_912 = arith.constant 0 : i32
        %eq3A_913 = arith.cmpi eq, %jit3A_911, %eq3A_912 : i32
        %jit3A_914 = arith.constant 1 : i32
        %select_n3A_915 = arith.select %eq3A_913, %jit3A_914, %jit3A_911 : i32
        %rem3A_916 = arith.remsi %add3A_886, %select_n3A_915 : i32
        %ne3A_917 = arith.constant 0 : i32
        %ne3A_918 = arith.cmpi ne, %rem3A_916, %ne3A_917 : i32
        %lt3A_919 = arith.constant 0 : i32
        %lt3A_920 = arith.cmpi slt, %rem3A_916, %lt3A_919 : i32
        %lt3A_921 = arith.constant 0 : i32
        %lt3A_922 = arith.cmpi slt, %select_n3A_915, %lt3A_921 : i32
        %ne3A_923 = arith.xori %lt3A_920, %lt3A_922 : i1
        %and3A_924 = arith.andi %ne3A_923, %ne3A_918 : i1
        %add3A_925 = arith.addi %rem3A_916, %select_n3A_915 : i32
        %select_n3A_926 = arith.select %and3A_924, %add3A_925, %rem3A_916 : i32
        %mul3A_927 = arith.constant 16 : i32
        %mul3A_928 = arith.muli %select_n3A_926, %mul3A_927 : i32
        %get3A_929 = arith.constant 0 : i32
        %get3A_930 = arith.constant 0 : i32
        %get3A_931 = arith.index_cast %get3A_929 : i32 to index
        %get3A_932 = arith.index_cast %get3A_930 : i32 to index
        %get3A_933 = arith.index_cast %select_n3A_910 : i32 to index
        %get3A_934 = arith.index_cast %mul3A_928 : i32 to index
        %get3A_935 = tpu.vector_load %arg7[%get3A_931, %get3A_932, %get3A_933, %get3A_934] {strides = array<i32>} : memref<2x5x80x128xf32, #tpu.memory_space<vmem>>, vector<1x1x1x16xf32>,
        %get3A_936 = vector.shape_cast %get3A_935 : vector<1x1x1x16xf32> to vector<16xf32>
        %get3A_937 = arith.constant 0 : i32
        %get3A_938 = arith.constant 1 : i32
        %get3A_939 = arith.index_cast %get3A_937 : i32 to index
        %get3A_940 = arith.index_cast %get3A_938 : i32 to index
        %get3A_941 = arith.index_cast %select_n3A_910 : i32 to index
        %get3A_942 = arith.index_cast %mul3A_928 : i32 to index
        %get3A_943 = tpu.vector_load %arg7[%get3A_939, %get3A_940, %get3A_941, %get3A_942] {strides = array<i32>} : memref<2x5x80x128xf32, #tpu.memory_space<vmem>>, vector<1x1x1x16xf32>,
        %get3A_944 = vector.shape_cast %get3A_943 : vector<1x1x1x16xf32> to vector<16xf32>
        %add3A_945 = arith.addf %get3A_936, %get3A_944 : vector<16xf32>
        %get3A_946 = arith.constant 0 : i32
        %get3A_947 = arith.constant 2 : i32
        %get3A_948 = arith.index_cast %get3A_946 : i32 to index
        %get3A_949 = arith.index_cast %get3A_947 : i32 to index
        %get3A_950 = arith.index_cast %select_n3A_910 : i32 to index
        %get3A_951 = arith.index_cast %mul3A_928 : i32 to index
        %get3A_952 = tpu.vector_load %arg7[%get3A_948, %get3A_949, %get3A_950, %get3A_951] {strides = array<i32>} : memref<2x5x80x128xf32, #tpu.memory_space<vmem>>, vector<1x1x1x16xf32>,
        %get3A_953 = vector.shape_cast %get3A_952 : vector<1x1x1x16xf32> to vector<16xf32>
        %get3A_954 = arith.constant 0 : i32
        %get3A_955 = arith.constant 3 : i32
        %get3A_956 = arith.index_cast %get3A_954 : i32 to index
        %get3A_957 = arith.index_cast %get3A_955 : i32 to index
        %get3A_958 = arith.index_cast %select_n3A_910 : i32 to index
        %get3A_959 = arith.index_cast %mul3A_928 : i32 to index
        %get3A_960 = tpu.vector_load %arg7[%get3A_956, %get3A_957, %get3A_958, %get3A_959] {strides = array<i32>} : memref<2x5x80x128xf32, #tpu.memory_space<vmem>>, vector<1x1x1x16xf32>,
        %get3A_961 = vector.shape_cast %get3A_960 : vector<1x1x1x16xf32> to vector<16xf32>
        %add3A_962 = arith.addf %get3A_953, %get3A_961 : vector<16xf32>
        %add3A_963 = arith.addf %add3A_945, %add3A_962 : vector<16xf32>
        %get3A_964 = arith.constant 0 : i32
        %get3A_965 = arith.constant 4 : i32
        %get3A_966 = arith.index_cast %get3A_964 : i32 to index
        %get3A_967 = arith.index_cast %get3A_965 : i32 to index
        %get3A_968 = arith.index_cast %select_n3A_910 : i32 to index
        %get3A_969 = arith.index_cast %mul3A_928 : i32 to index
        %get3A_970 = tpu.vector_load %arg7[%get3A_966, %get3A_967, %get3A_968, %get3A_969] {strides = array<i32>} : memref<2x5x80x128xf32, #tpu.memory_space<vmem>>, vector<1x1x1x16xf32>,
        %get3A_971 = vector.shape_cast %get3A_970 : vector<1x1x1x16xf32> to vector<16xf32>
        %add3A_972 = arith.addf %add3A_963, %get3A_971 : vector<16xf32>
        %swap3A_973 = arith.constant 0 : i32
        %swap3A_974 = arith.constant 0 : i32
        %swap3A_975 = arith.index_cast %swap3A_973 : i32 to index
        %swap3A_976 = arith.index_cast %swap3A_974 : i32 to index
        %swap3A_977 = arith.index_cast %select_n3A_910 : i32 to index
        %swap3A_978 = arith.index_cast %mul3A_928 : i32 to index
        %swap3A_979 = tpu.vector_load %arg7[%swap3A_975, %swap3A_976, %swap3A_977, %swap3A_978] {strides = array<i32>} : memref<2x5x80x128xf32, #tpu.memory_space<vmem>>, vector<1x1x1x16xf32>,
        %swap3A_980 = vector.shape_cast %swap3A_979 : vector<1x1x1x16xf32> to vector<16xf32>
        %swap3A_981 = vector.shape_cast %add3A_972 : vector<16xf32> to vector<1x1x1x16xf32>
        tpu.vector_store %arg7[%swap3A_975, %swap3A_976, %swap3A_977, %swap3A_978], %swap3A_981 {strides = array<i32>} : memref<2x5x80x128xf32, #tpu.memory_space<vmem>>, vector<1x1x1x16xf32>,
        %mul3A_982 = arith.constant 8 : i32
        %mul3A_983 = arith.muli %scan3A_593, %mul3A_982 : i32
        %add3A_984 = arith.constant 4 : i32
        %add3A_985 = arith.addi %mul3A_983, %add3A_984 : i32
        %jit3A_986 = arith.constant 8 : i32
        %div3A_987 = arith.divsi %add3A_985, %jit3A_986 : i32
        %sign3A_988 = arith.constant 0 : i32
        %sign3A_989 = arith.cmpi sgt, %add3A_985, %sign3A_988 : i32
        %sign3A_990 = arith.extui %sign3A_989 : i1 to i32
        %sign3A_991 = arith.constant 0 : i32
        %sign3A_992 = arith.cmpi slt, %add3A_985, %sign3A_991 : i32
        %sign3A_993 = arith.extui %sign3A_992 : i1 to i32
        %sign3A_994 = arith.subi %sign3A_990, %sign3A_993 : i32
        %sign3A_995 = arith.constant 0 : i32
        %sign3A_996 = arith.cmpi sgt, %jit3A_986, %sign3A_995 : i32
        %sign3A_997 = arith.extui %sign3A_996 : i1 to i32
        %sign3A_998 = arith.constant 0 : i32
        %sign3A_999 = arith.cmpi slt, %jit3A_986, %sign3A_998 : i32
        %sign3A_1000 = arith.extui %sign3A_999 : i1 to i32
        %sign3A_1001 = arith.subi %sign3A_997, %sign3A_1000 : i32
        %ne3A_1002 = arith.cmpi ne, %sign3A_994, %sign3A_1001 : i32
        %rem3A_1003 = arith.remsi %add3A_985, %jit3A_986 : i32
        %ne3A_1004 = arith.constant 0 : i32
        %ne3A_1005 = arith.cmpi ne, %rem3A_1003, %ne3A_1004 : i32
        %and3A_1006 = arith.andi %ne3A_1002, %ne3A_1005 : i1
        %sub3A_1007 = arith.constant 1 : i32
        %sub3A_1008 = arith.subi %div3A_987, %sub3A_1007 : i32
        %select_n3A_1009 = arith.select %and3A_1006, %sub3A_1008, %div3A_987 : i32
        %jit3A_1010 = arith.constant 8 : i32
        %eq3A_1011 = arith.constant 0 : i32
        %eq3A_1012 = arith.cmpi eq, %jit3A_1010, %eq3A_1011 : i32
        %jit3A_1013 = arith.constant 1 : i32
        %select_n3A_1014 = arith.select %eq3A_1012, %jit3A_1013, %jit3A_1010 : i32
        %rem3A_1015 = arith.remsi %add3A_985, %select_n3A_1014 : i32
        %ne3A_1016 = arith.constant 0 : i32
        %ne3A_1017 = arith.cmpi ne, %rem3A_1015, %ne3A_1016 : i32
        %lt3A_1018 = arith.constant 0 : i32
        %lt3A_1019 = arith.cmpi slt, %rem3A_1015, %lt3A_1018 : i32
        %lt3A_1020 = arith.constant 0 : i32
        %lt3A_1021 = arith.cmpi slt, %select_n3A_1014, %lt3A_1020 : i32
        %ne3A_1022 = arith.xori %lt3A_1019, %lt3A_1021 : i1
        %and3A_1023 = arith.andi %ne3A_1022, %ne3A_1017 : i1
        %add3A_1024 = arith.addi %rem3A_1015, %select_n3A_1014 : i32
        %select_n3A_1025 = arith.select %and3A_1023, %add3A_1024, %rem3A_1015 : i32
        %mul3A_1026 = arith.constant 16 : i32
        %mul3A_1027 = arith.muli %select_n3A_1025, %mul3A_1026 : i32
        %get3A_1028 = arith.constant 0 : i32
        %get3A_1029 = arith.constant 0 : i32
        %get3A_1030 = arith.index_cast %get3A_1028 : i32 to index
        %get3A_1031 = arith.index_cast %get3A_1029 : i32 to index
        %get3A_1032 = arith.index_cast %select_n3A_1009 : i32 to index
        %get3A_1033 = arith.index_cast %mul3A_1027 : i32 to index
        %get3A_1034 = tpu.vector_load %arg7[%get3A_1030, %get3A_1031, %get3A_1032, %get3A_1033] {strides = array<i32>} : memref<2x5x80x128xf32, #tpu.memory_space<vmem>>, vector<1x1x1x16xf32>,
        %get3A_1035 = vector.shape_cast %get3A_1034 : vector<1x1x1x16xf32> to vector<16xf32>
        %get3A_1036 = arith.constant 0 : i32
        %get3A_1037 = arith.constant 1 : i32
        %get3A_1038 = arith.index_cast %get3A_1036 : i32 to index
        %get3A_1039 = arith.index_cast %get3A_1037 : i32 to index
        %get3A_1040 = arith.index_cast %select_n3A_1009 : i32 to index
        %get3A_1041 = arith.index_cast %mul3A_1027 : i32 to index
        %get3A_1042 = tpu.vector_load %arg7[%get3A_1038, %get3A_1039, %get3A_1040, %get3A_1041] {strides = array<i32>} : memref<2x5x80x128xf32, #tpu.memory_space<vmem>>, vector<1x1x1x16xf32>,
        %get3A_1043 = vector.shape_cast %get3A_1042 : vector<1x1x1x16xf32> to vector<16xf32>
        %add3A_1044 = arith.addf %get3A_1035, %get3A_1043 : vector<16xf32>
        %get3A_1045 = arith.constant 0 : i32
        %get3A_1046 = arith.constant 2 : i32
        %get3A_1047 = arith.index_cast %get3A_1045 : i32 to index
        %get3A_1048 = arith.index_cast %get3A_1046 : i32 to index
        %get3A_1049 = arith.index_cast %select_n3A_1009 : i32 to index
        %get3A_1050 = arith.index_cast %mul3A_1027 : i32 to index
        %get3A_1051 = tpu.vector_load %arg7[%get3A_1047, %get3A_1048, %get3A_1049, %get3A_1050] {strides = array<i32>} : memref<2x5x80x128xf32, #tpu.memory_space<vmem>>, vector<1x1x1x16xf32>,
        %get3A_1052 = vector.shape_cast %get3A_1051 : vector<1x1x1x16xf32> to vector<16xf32>
        %get3A_1053 = arith.constant 0 : i32
        %get3A_1054 = arith.constant 3 : i32
        %get3A_1055 = arith.index_cast %get3A_1053 : i32 to index
        %get3A_1056 = arith.index_cast %get3A_1054 : i32 to index
        %get3A_1057 = arith.index_cast %select_n3A_1009 : i32 to index
        %get3A_1058 = arith.index_cast %mul3A_1027 : i32 to index
        %get3A_1059 = tpu.vector_load %arg7[%get3A_1055, %get3A_1056, %get3A_1057, %get3A_1058] {strides = array<i32>} : memref<2x5x80x128xf32, #tpu.memory_space<vmem>>, vector<1x1x1x16xf32>,
        %get3A_1060 = vector.shape_cast %get3A_1059 : vector<1x1x1x16xf32> to vector<16xf32>
        %add3A_1061 = arith.addf %get3A_1052, %get3A_1060 : vector<16xf32>
        %add3A_1062 = arith.addf %add3A_1044, %add3A_1061 : vector<16xf32>
        %get3A_1063 = arith.constant 0 : i32
        %get3A_1064 = arith.constant 4 : i32
        %get3A_1065 = arith.index_cast %get3A_1063 : i32 to index
        %get3A_1066 = arith.index_cast %get3A_1064 : i32 to index
        %get3A_1067 = arith.index_cast %select_n3A_1009 : i32 to index
        %get3A_1068 = arith.index_cast %mul3A_1027 : i32 to index
        %get3A_1069 = tpu.vector_load %arg7[%get3A_1065, %get3A_1066, %get3A_1067, %get3A_1068] {strides = array<i32>} : memref<2x5x80x128xf32, #tpu.memory_space<vmem>>, vector<1x1x1x16xf32>,
        %get3A_1070 = vector.shape_cast %get3A_1069 : vector<1x1x1x16xf32> to vector<16xf32>
        %add3A_1071 = arith.addf %add3A_1062, %get3A_1070 : vector<16xf32>
        %swap3A_1072 = arith.constant 0 : i32
        %swap3A_1073 = arith.constant 0 : i32
        %swap3A_1074 = arith.index_cast %swap3A_1072 : i32 to index
        %swap3A_1075 = arith.index_cast %swap3A_1073 : i32 to index
        %swap3A_1076 = arith.index_cast %select_n3A_1009 : i32 to index
        %swap3A_1077 = arith.index_cast %mul3A_1027 : i32 to index
        %swap3A_1078 = tpu.vector_load %arg7[%swap3A_1074, %swap3A_1075, %swap3A_1076, %swap3A_1077] {strides = array<i32>} : memref<2x5x80x128xf32, #tpu.memory_space<vmem>>, vector<1x1x1x16xf32>,
        %swap3A_1079 = vector.shape_cast %swap3A_1078 : vector<1x1x1x16xf32> to vector<16xf32>
        %swap3A_1080 = vector.shape_cast %add3A_1071 : vector<16xf32> to vector<1x1x1x16xf32>
        tpu.vector_store %arg7[%swap3A_1074, %swap3A_1075, %swap3A_1076, %swap3A_1077], %swap3A_1080 {strides = array<i32>} : memref<2x5x80x128xf32, #tpu.memory_space<vmem>>, vector<1x1x1x16xf32>,
        %mul3A_1081 = arith.constant 8 : i32
        %mul3A_1082 = arith.muli %scan3A_593, %mul3A_1081 : i32
        %add3A_1083 = arith.constant 5 : i32
        %add3A_1084 = arith.addi %mul3A_1082, %add3A_1083 : i32
        %jit3A_1085 = arith.constant 8 : i32
        %div3A_1086 = arith.divsi %add3A_1084, %jit3A_1085 : i32
        %sign3A_1087 = arith.constant 0 : i32
        %sign3A_1088 = arith.cmpi sgt, %add3A_1084, %sign3A_1087 : i32
        %sign3A_1089 = arith.extui %sign3A_1088 : i1 to i32
        %sign3A_1090 = arith.constant 0 : i32
        %sign3A_1091 = arith.cmpi slt, %add3A_1084, %sign3A_1090 : i32
        %sign3A_1092 = arith.extui %sign3A_1091 : i1 to i32
        %sign3A_1093 = arith.subi %sign3A_1089, %sign3A_1092 : i32
        %sign3A_1094 = arith.constant 0 : i32
        %sign3A_1095 = arith.cmpi sgt, %jit3A_1085, %sign3A_1094 : i32
        %sign3A_1096 = arith.extui %sign3A_1095 : i1 to i32
        %sign3A_1097 = arith.constant 0 : i32
        %sign3A_1098 = arith.cmpi slt, %jit3A_1085, %sign3A_1097 : i32
        %sign3A_1099 = arith.extui %sign3A_1098 : i1 to i32
        %sign3A_1100 = arith.subi %sign3A_1096, %sign3A_1099 : i32
        %ne3A_1101 = arith.cmpi ne, %sign3A_1093, %sign3A_1100 : i32
        %rem3A_1102 = arith.remsi %add3A_1084, %jit3A_1085 : i32
        %ne3A_1103 = arith.constant 0 : i32
        %ne3A_1104 = arith.cmpi ne, %rem3A_1102, %ne3A_1103 : i32
        %and3A_1105 = arith.andi %ne3A_1101, %ne3A_1104 : i1
        %sub3A_1106 = arith.constant 1 : i32
        %sub3A_1107 = arith.subi %div3A_1086, %sub3A_1106 : i32
        %select_n3A_1108 = arith.select %and3A_1105, %sub3A_1107, %div3A_1086 : i32
        %jit3A_1109 = arith.constant 8 : i32
        %eq3A_1110 = arith.constant 0 : i32
        %eq3A_1111 = arith.cmpi eq, %jit3A_1109, %eq3A_1110 : i32
        %jit3A_1112 = arith.constant 1 : i32
        %select_n3A_1113 = arith.select %eq3A_1111, %jit3A_1112, %jit3A_1109 : i32
        %rem3A_1114 = arith.remsi %add3A_1084, %select_n3A_1113 : i32
        %ne3A_1115 = arith.constant 0 : i32
        %ne3A_1116 = arith.cmpi ne, %rem3A_1114, %ne3A_1115 : i32
        %lt3A_1117 = arith.constant 0 : i32
        %lt3A_1118 = arith.cmpi slt, %rem3A_1114, %lt3A_1117 : i32
        %lt3A_1119 = arith.constant 0 : i32
        %lt3A_1120 = arith.cmpi slt, %select_n3A_1113, %lt3A_1119 : i32
        %ne3A_1121 = arith.xori %lt3A_1118, %lt3A_1120 : i1
        %and3A_1122 = arith.andi %ne3A_1121, %ne3A_1116 : i1
        %add3A_1123 = arith.addi %rem3A_1114, %select_n3A_1113 : i32
        %select_n3A_1124 = arith.select %and3A_1122, %add3A_1123, %rem3A_1114 : i32
        %mul3A_1125 = arith.constant 16 : i32
        %mul3A_1126 = arith.muli %select_n3A_1124, %mul3A_1125 : i32
        %get3A_1127 = arith.constant 0 : i32
        %get3A_1128 = arith.constant 0 : i32
        %get3A_1129 = arith.index_cast %get3A_1127 : i32 to index
        %get3A_1130 = arith.index_cast %get3A_1128 : i32 to index
        %get3A_1131 = arith.index_cast %select_n3A_1108 : i32 to index
        %get3A_1132 = arith.index_cast %mul3A_1126 : i32 to index
        %get3A_1133 = tpu.vector_load %arg7[%get3A_1129, %get3A_1130, %get3A_1131, %get3A_1132] {strides = array<i32>} : memref<2x5x80x128xf32, #tpu.memory_space<vmem>>, vector<1x1x1x16xf32>,
        %get3A_1134 = vector.shape_cast %get3A_1133 : vector<1x1x1x16xf32> to vector<16xf32>
        %get3A_1135 = arith.constant 0 : i32
        %get3A_1136 = arith.constant 1 : i32
        %get3A_1137 = arith.index_cast %get3A_1135 : i32 to index
        %get3A_1138 = arith.index_cast %get3A_1136 : i32 to index
        %get3A_1139 = arith.index_cast %select_n3A_1108 : i32 to index
        %get3A_1140 = arith.index_cast %mul3A_1126 : i32 to index
        %get3A_1141 = tpu.vector_load %arg7[%get3A_1137, %get3A_1138, %get3A_1139, %get3A_1140] {strides = array<i32>} : memref<2x5x80x128xf32, #tpu.memory_space<vmem>>, vector<1x1x1x16xf32>,
        %get3A_1142 = vector.shape_cast %get3A_1141 : vector<1x1x1x16xf32> to vector<16xf32>
        %add3A_1143 = arith.addf %get3A_1134, %get3A_1142 : vector<16xf32>
        %get3A_1144 = arith.constant 0 : i32
        %get3A_1145 = arith.constant 2 : i32
        %get3A_1146 = arith.index_cast %get3A_1144 : i32 to index
        %get3A_1147 = arith.index_cast %get3A_1145 : i32 to index
        %get3A_1148 = arith.index_cast %select_n3A_1108 : i32 to index
        %get3A_1149 = arith.index_cast %mul3A_1126 : i32 to index
        %get3A_1150 = tpu.vector_load %arg7[%get3A_1146, %get3A_1147, %get3A_1148, %get3A_1149] {strides = array<i32>} : memref<2x5x80x128xf32, #tpu.memory_space<vmem>>, vector<1x1x1x16xf32>,
        %get3A_1151 = vector.shape_cast %get3A_1150 : vector<1x1x1x16xf32> to vector<16xf32>
        %get3A_1152 = arith.constant 0 : i32
        %get3A_1153 = arith.constant 3 : i32
        %get3A_1154 = arith.index_cast %get3A_1152 : i32 to index
        %get3A_1155 = arith.index_cast %get3A_1153 : i32 to index
        %get3A_1156 = arith.index_cast %select_n3A_1108 : i32 to index
        %get3A_1157 = arith.index_cast %mul3A_1126 : i32 to index
        %get3A_1158 = tpu.vector_load %arg7[%get3A_1154, %get3A_1155, %get3A_1156, %get3A_1157] {strides = array<i32>} : memref<2x5x80x128xf32, #tpu.memory_space<vmem>>, vector<1x1x1x16xf32>,
        %get3A_1159 = vector.shape_cast %get3A_1158 : vector<1x1x1x16xf32> to vector<16xf32>
        %add3A_1160 = arith.addf %get3A_1151, %get3A_1159 : vector<16xf32>
        %add3A_1161 = arith.addf %add3A_1143, %add3A_1160 : vector<16xf32>
        %get3A_1162 = arith.constant 0 : i32
        %get3A_1163 = arith.constant 4 : i32
        %get3A_1164 = arith.index_cast %get3A_1162 : i32 to index
        %get3A_1165 = arith.index_cast %get3A_1163 : i32 to index
        %get3A_1166 = arith.index_cast %select_n3A_1108 : i32 to index
        %get3A_1167 = arith.index_cast %mul3A_1126 : i32 to index
        %get3A_1168 = tpu.vector_load %arg7[%get3A_1164, %get3A_1165, %get3A_1166, %get3A_1167] {strides = array<i32>} : memref<2x5x80x128xf32, #tpu.memory_space<vmem>>, vector<1x1x1x16xf32>,
        %get3A_1169 = vector.shape_cast %get3A_1168 : vector<1x1x1x16xf32> to vector<16xf32>
        %add3A_1170 = arith.addf %add3A_1161, %get3A_1169 : vector<16xf32>
        %swap3A_1171 = arith.constant 0 : i32
        %swap3A_1172 = arith.constant 0 : i32
        %swap3A_1173 = arith.index_cast %swap3A_1171 : i32 to index
        %swap3A_1174 = arith.index_cast %swap3A_1172 : i32 to index
        %swap3A_1175 = arith.index_cast %select_n3A_1108 : i32 to index
        %swap3A_1176 = arith.index_cast %mul3A_1126 : i32 to index
        %swap3A_1177 = tpu.vector_load %arg7[%swap3A_1173, %swap3A_1174, %swap3A_1175, %swap3A_1176] {strides = array<i32>} : memref<2x5x80x128xf32, #tpu.memory_space<vmem>>, vector<1x1x1x16xf32>,
        %swap3A_1178 = vector.shape_cast %swap3A_1177 : vector<1x1x1x16xf32> to vector<16xf32>
        %swap3A_1179 = vector.shape_cast %add3A_1170 : vector<16xf32> to vector<1x1x1x16xf32>
        tpu.vector_store %arg7[%swap3A_1173, %swap3A_1174, %swap3A_1175, %swap3A_1176], %swap3A_1179 {strides = array<i32>} : memref<2x5x80x128xf32, #tpu.memory_space<vmem>>, vector<1x1x1x16xf32>,
        %mul3A_1180 = arith.constant 8 : i32
        %mul3A_1181 = arith.muli %scan3A_593, %mul3A_1180 : i32
        %add3A_1182 = arith.constant 6 : i32
        %add3A_1183 = arith.addi %mul3A_1181, %add3A_1182 : i32
        %jit3A_1184 = arith.constant 8 : i32
        %div3A_1185 = arith.divsi %add3A_1183, %jit3A_1184 : i32
        %sign3A_1186 = arith.constant 0 : i32
        %sign3A_1187 = arith.cmpi sgt, %add3A_1183, %sign3A_1186 : i32
        %sign3A_1188 = arith.extui %sign3A_1187 : i1 to i32
        %sign3A_1189 = arith.constant 0 : i32
        %sign3A_1190 = arith.cmpi slt, %add3A_1183, %sign3A_1189 : i32
        %sign3A_1191 = arith.extui %sign3A_1190 : i1 to i32
        %sign3A_1192 = arith.subi %sign3A_1188, %sign3A_1191 : i32
        %sign3A_1193 = arith.constant 0 : i32
        %sign3A_1194 = arith.cmpi sgt, %jit3A_1184, %sign3A_1193 : i32
        %sign3A_1195 = arith.extui %sign3A_1194 : i1 to i32
        %sign3A_1196 = arith.constant 0 : i32
        %sign3A_1197 = arith.cmpi slt, %jit3A_1184, %sign3A_1196 : i32
        %sign3A_1198 = arith.extui %sign3A_1197 : i1 to i32
        %sign3A_1199 = arith.subi %sign3A_1195, %sign3A_1198 : i32
        %ne3A_1200 = arith.cmpi ne, %sign3A_1192, %sign3A_1199 : i32
        %rem3A_1201 = arith.remsi %add3A_1183, %jit3A_1184 : i32
        %ne3A_1202 = arith.constant 0 : i32
        %ne3A_1203 = arith.cmpi ne, %rem3A_1201, %ne3A_1202 : i32
        %and3A_1204 = arith.andi %ne3A_1200, %ne3A_1203 : i1
        %sub3A_1205 = arith.constant 1 : i32
        %sub3A_1206 = arith.subi %div3A_1185, %sub3A_1205 : i32
        %select_n3A_1207 = arith.select %and3A_1204, %sub3A_1206, %div3A_1185 : i32
        %jit3A_1208 = arith.constant 8 : i32
        %eq3A_1209 = arith.constant 0 : i32
        %eq3A_1210 = arith.cmpi eq, %jit3A_1208, %eq3A_1209 : i32
        %jit3A_1211 = arith.constant 1 : i32
        %select_n3A_1212 = arith.select %eq3A_1210, %jit3A_1211, %jit3A_1208 : i32
        %rem3A_1213 = arith.remsi %add3A_1183, %select_n3A_1212 : i32
        %ne3A_1214 = arith.constant 0 : i32
        %ne3A_1215 = arith.cmpi ne, %rem3A_1213, %ne3A_1214 : i32
        %lt3A_1216 = arith.constant 0 : i32
        %lt3A_1217 = arith.cmpi slt, %rem3A_1213, %lt3A_1216 : i32
        %lt3A_1218 = arith.constant 0 : i32
        %lt3A_1219 = arith.cmpi slt, %select_n3A_1212, %lt3A_1218 : i32
        %ne3A_1220 = arith.xori %lt3A_1217, %lt3A_1219 : i1
        %and3A_1221 = arith.andi %ne3A_1220, %ne3A_1215 : i1
        %add3A_1222 = arith.addi %rem3A_1213, %select_n3A_1212 : i32
        %select_n3A_1223 = arith.select %and3A_1221, %add3A_1222, %rem3A_1213 : i32
        %mul3A_1224 = arith.constant 16 : i32
        %mul3A_1225 = arith.muli %select_n3A_1223, %mul3A_1224 : i32
        %get3A_1226 = arith.constant 0 : i32
        %get3A_1227 = arith.constant 0 : i32
        %get3A_1228 = arith.index_cast %get3A_1226 : i32 to index
        %get3A_1229 = arith.index_cast %get3A_1227 : i32 to index
        %get3A_1230 = arith.index_cast %select_n3A_1207 : i32 to index
        %get3A_1231 = arith.index_cast %mul3A_1225 : i32 to index
        %get3A_1232 = tpu.vector_load %arg7[%get3A_1228, %get3A_1229, %get3A_1230, %get3A_1231] {strides = array<i32>} : memref<2x5x80x128xf32, #tpu.memory_space<vmem>>, vector<1x1x1x16xf32>,
        %get3A_1233 = vector.shape_cast %get3A_1232 : vector<1x1x1x16xf32> to vector<16xf32>
        %get3A_1234 = arith.constant 0 : i32
        %get3A_1235 = arith.constant 1 : i32
        %get3A_1236 = arith.index_cast %get3A_1234 : i32 to index
        %get3A_1237 = arith.index_cast %get3A_1235 : i32 to index
        %get3A_1238 = arith.index_cast %select_n3A_1207 : i32 to index
        %get3A_1239 = arith.index_cast %mul3A_1225 : i32 to index
        %get3A_1240 = tpu.vector_load %arg7[%get3A_1236, %get3A_1237, %get3A_1238, %get3A_1239] {strides = array<i32>} : memref<2x5x80x128xf32, #tpu.memory_space<vmem>>, vector<1x1x1x16xf32>,
        %get3A_1241 = vector.shape_cast %get3A_1240 : vector<1x1x1x16xf32> to vector<16xf32>
        %add3A_1242 = arith.addf %get3A_1233, %get3A_1241 : vector<16xf32>
        %get3A_1243 = arith.constant 0 : i32
        %get3A_1244 = arith.constant 2 : i32
        %get3A_1245 = arith.index_cast %get3A_1243 : i32 to index
        %get3A_1246 = arith.index_cast %get3A_1244 : i32 to index
        %get3A_1247 = arith.index_cast %select_n3A_1207 : i32 to index
        %get3A_1248 = arith.index_cast %mul3A_1225 : i32 to index
        %get3A_1249 = tpu.vector_load %arg7[%get3A_1245, %get3A_1246, %get3A_1247, %get3A_1248] {strides = array<i32>} : memref<2x5x80x128xf32, #tpu.memory_space<vmem>>, vector<1x1x1x16xf32>,
        %get3A_1250 = vector.shape_cast %get3A_1249 : vector<1x1x1x16xf32> to vector<16xf32>
        %get3A_1251 = arith.constant 0 : i32
        %get3A_1252 = arith.constant 3 : i32
        %get3A_1253 = arith.index_cast %get3A_1251 : i32 to index
        %get3A_1254 = arith.index_cast %get3A_1252 : i32 to index
        %get3A_1255 = arith.index_cast %select_n3A_1207 : i32 to index
        %get3A_1256 = arith.index_cast %mul3A_1225 : i32 to index
        %get3A_1257 = tpu.vector_load %arg7[%get3A_1253, %get3A_1254, %get3A_1255, %get3A_1256] {strides = array<i32>} : memref<2x5x80x128xf32, #tpu.memory_space<vmem>>, vector<1x1x1x16xf32>,
        %get3A_1258 = vector.shape_cast %get3A_1257 : vector<1x1x1x16xf32> to vector<16xf32>
        %add3A_1259 = arith.addf %get3A_1250, %get3A_1258 : vector<16xf32>
        %add3A_1260 = arith.addf %add3A_1242, %add3A_1259 : vector<16xf32>
        %get3A_1261 = arith.constant 0 : i32
        %get3A_1262 = arith.constant 4 : i32
        %get3A_1263 = arith.index_cast %get3A_1261 : i32 to index
        %get3A_1264 = arith.index_cast %get3A_1262 : i32 to index
        %get3A_1265 = arith.index_cast %select_n3A_1207 : i32 to index
        %get3A_1266 = arith.index_cast %mul3A_1225 : i32 to index
        %get3A_1267 = tpu.vector_load %arg7[%get3A_1263, %get3A_1264, %get3A_1265, %get3A_1266] {strides = array<i32>} : memref<2x5x80x128xf32, #tpu.memory_space<vmem>>, vector<1x1x1x16xf32>,
        %get3A_1268 = vector.shape_cast %get3A_1267 : vector<1x1x1x16xf32> to vector<16xf32>
        %add3A_1269 = arith.addf %add3A_1260, %get3A_1268 : vector<16xf32>
        %swap3A_1270 = arith.constant 0 : i32
        %swap3A_1271 = arith.constant 0 : i32
        %swap3A_1272 = arith.index_cast %swap3A_1270 : i32 to index
        %swap3A_1273 = arith.index_cast %swap3A_1271 : i32 to index
        %swap3A_1274 = arith.index_cast %select_n3A_1207 : i32 to index
        %swap3A_1275 = arith.index_cast %mul3A_1225 : i32 to index
        %swap3A_1276 = tpu.vector_load %arg7[%swap3A_1272, %swap3A_1273, %swap3A_1274, %swap3A_1275] {strides = array<i32>} : memref<2x5x80x128xf32, #tpu.memory_space<vmem>>, vector<1x1x1x16xf32>,
        %swap3A_1277 = vector.shape_cast %swap3A_1276 : vector<1x1x1x16xf32> to vector<16xf32>
        %swap3A_1278 = vector.shape_cast %add3A_1269 : vector<16xf32> to vector<1x1x1x16xf32>
        tpu.vector_store %arg7[%swap3A_1272, %swap3A_1273, %swap3A_1274, %swap3A_1275], %swap3A_1278 {strides = array<i32>} : memref<2x5x80x128xf32, #tpu.memory_space<vmem>>, vector<1x1x1x16xf32>,
        %mul3A_1279 = arith.constant 8 : i32
        %mul3A_1280 = arith.muli %scan3A_593, %mul3A_1279 : i32
        %add3A_1281 = arith.constant 7 : i32
        %add3A_1282 = arith.addi %mul3A_1280, %add3A_1281 : i32
        %jit3A_1283 = arith.constant 8 : i32
        %div3A_1284 = arith.divsi %add3A_1282, %jit3A_1283 : i32
        %sign3A_1285 = arith.constant 0 : i32
        %sign3A_1286 = arith.cmpi sgt, %add3A_1282, %sign3A_1285 : i32
        %sign3A_1287 = arith.extui %sign3A_1286 : i1 to i32
        %sign3A_1288 = arith.constant 0 : i32
        %sign3A_1289 = arith.cmpi slt, %add3A_1282, %sign3A_1288 : i32
        %sign3A_1290 = arith.extui %sign3A_1289 : i1 to i32
        %sign3A_1291 = arith.subi %sign3A_1287, %sign3A_1290 : i32
        %sign3A_1292 = arith.constant 0 : i32
        %sign3A_1293 = arith.cmpi sgt, %jit3A_1283, %sign3A_1292 : i32
        %sign3A_1294 = arith.extui %sign3A_1293 : i1 to i32
        %sign3A_1295 = arith.constant 0 : i32
        %sign3A_1296 = arith.cmpi slt, %jit3A_1283, %sign3A_1295 : i32
        %sign3A_1297 = arith.extui %sign3A_1296 : i1 to i32
        %sign3A_1298 = arith.subi %sign3A_1294, %sign3A_1297 : i32
        %ne3A_1299 = arith.cmpi ne, %sign3A_1291, %sign3A_1298 : i32
        %rem3A_1300 = arith.remsi %add3A_1282, %jit3A_1283 : i32
        %ne3A_1301 = arith.constant 0 : i32
        %ne3A_1302 = arith.cmpi ne, %rem3A_1300, %ne3A_1301 : i32
        %and3A_1303 = arith.andi %ne3A_1299, %ne3A_1302 : i1
        %sub3A_1304 = arith.constant 1 : i32
        %sub3A_1305 = arith.subi %div3A_1284, %sub3A_1304 : i32
        %select_n3A_1306 = arith.select %and3A_1303, %sub3A_1305, %div3A_1284 : i32
        %jit3A_1307 = arith.constant 8 : i32
        %eq3A_1308 = arith.constant 0 : i32
        %eq3A_1309 = arith.cmpi eq, %jit3A_1307, %eq3A_1308 : i32
        %jit3A_1310 = arith.constant 1 : i32
        %select_n3A_1311 = arith.select %eq3A_1309, %jit3A_1310, %jit3A_1307 : i32
        %rem3A_1312 = arith.remsi %add3A_1282, %select_n3A_1311 : i32
        %ne3A_1313 = arith.constant 0 : i32
        %ne3A_1314 = arith.cmpi ne, %rem3A_1312, %ne3A_1313 : i32
        %lt3A_1315 = arith.constant 0 : i32
        %lt3A_1316 = arith.cmpi slt, %rem3A_1312, %lt3A_1315 : i32
        %lt3A_1317 = arith.constant 0 : i32
        %lt3A_1318 = arith.cmpi slt, %select_n3A_1311, %lt3A_1317 : i32
        %ne3A_1319 = arith.xori %lt3A_1316, %lt3A_1318 : i1
        %and3A_1320 = arith.andi %ne3A_1319, %ne3A_1314 : i1
        %add3A_1321 = arith.addi %rem3A_1312, %select_n3A_1311 : i32
        %select_n3A_1322 = arith.select %and3A_1320, %add3A_1321, %rem3A_1312 : i32
        %mul3A_1323 = arith.constant 16 : i32
        %mul3A_1324 = arith.muli %select_n3A_1322, %mul3A_1323 : i32
        %get3A_1325 = arith.constant 0 : i32
        %get3A_1326 = arith.constant 0 : i32
        %get3A_1327 = arith.index_cast %get3A_1325 : i32 to index
        %get3A_1328 = arith.index_cast %get3A_1326 : i32 to index
        %get3A_1329 = arith.index_cast %select_n3A_1306 : i32 to index
        %get3A_1330 = arith.index_cast %mul3A_1324 : i32 to index
        %get3A_1331 = tpu.vector_load %arg7[%get3A_1327, %get3A_1328, %get3A_1329, %get3A_1330] {strides = array<i32>} : memref<2x5x80x128xf32, #tpu.memory_space<vmem>>, vector<1x1x1x16xf32>,
        %get3A_1332 = vector.shape_cast %get3A_1331 : vector<1x1x1x16xf32> to vector<16xf32>
        %get3A_1333 = arith.constant 0 : i32
        %get3A_1334 = arith.constant 1 : i32
        %get3A_1335 = arith.index_cast %get3A_1333 : i32 to index
        %get3A_1336 = arith.index_cast %get3A_1334 : i32 to index
        %get3A_1337 = arith.index_cast %select_n3A_1306 : i32 to index
        %get3A_1338 = arith.index_cast %mul3A_1324 : i32 to index
        %get3A_1339 = tpu.vector_load %arg7[%get3A_1335, %get3A_1336, %get3A_1337, %get3A_1338] {strides = array<i32>} : memref<2x5x80x128xf32, #tpu.memory_space<vmem>>, vector<1x1x1x16xf32>,
        %get3A_1340 = vector.shape_cast %get3A_1339 : vector<1x1x1x16xf32> to vector<16xf32>
        %add3A_1341 = arith.addf %get3A_1332, %get3A_1340 : vector<16xf32>
        %get3A_1342 = arith.constant 0 : i32
        %get3A_1343 = arith.constant 2 : i32
        %get3A_1344 = arith.index_cast %get3A_1342 : i32 to index
        %get3A_1345 = arith.index_cast %get3A_1343 : i32 to index
        %get3A_1346 = arith.index_cast %select_n3A_1306 : i32 to index
        %get3A_1347 = arith.index_cast %mul3A_1324 : i32 to index
        %get3A_1348 = tpu.vector_load %arg7[%get3A_1344, %get3A_1345, %get3A_1346, %get3A_1347] {strides = array<i32>} : memref<2x5x80x128xf32, #tpu.memory_space<vmem>>, vector<1x1x1x16xf32>,
        %get3A_1349 = vector.shape_cast %get3A_1348 : vector<1x1x1x16xf32> to vector<16xf32>
        %get3A_1350 = arith.constant 0 : i32
        %get3A_1351 = arith.constant 3 : i32
        %get3A_1352 = arith.index_cast %get3A_1350 : i32 to index
        %get3A_1353 = arith.index_cast %get3A_1351 : i32 to index
        %get3A_1354 = arith.index_cast %select_n3A_1306 : i32 to index
        %get3A_1355 = arith.index_cast %mul3A_1324 : i32 to index
        %get3A_1356 = tpu.vector_load %arg7[%get3A_1352, %get3A_1353, %get3A_1354, %get3A_1355] {strides = array<i32>} : memref<2x5x80x128xf32, #tpu.memory_space<vmem>>, vector<1x1x1x16xf32>,
        %get3A_1357 = vector.shape_cast %get3A_1356 : vector<1x1x1x16xf32> to vector<16xf32>
        %add3A_1358 = arith.addf %get3A_1349, %get3A_1357 : vector<16xf32>
        %add3A_1359 = arith.addf %add3A_1341, %add3A_1358 : vector<16xf32>
        %get3A_1360 = arith.constant 0 : i32
        %get3A_1361 = arith.constant 4 : i32
        %get3A_1362 = arith.index_cast %get3A_1360 : i32 to index
        %get3A_1363 = arith.index_cast %get3A_1361 : i32 to index
        %get3A_1364 = arith.index_cast %select_n3A_1306 : i32 to index
        %get3A_1365 = arith.index_cast %mul3A_1324 : i32 to index
        %get3A_1366 = tpu.vector_load %arg7[%get3A_1362, %get3A_1363, %get3A_1364, %get3A_1365] {strides = array<i32>} : memref<2x5x80x128xf32, #tpu.memory_space<vmem>>, vector<1x1x1x16xf32>,
        %get3A_1367 = vector.shape_cast %get3A_1366 : vector<1x1x1x16xf32> to vector<16xf32>
        %add3A_1368 = arith.addf %add3A_1359, %get3A_1367 : vector<16xf32>
        %swap3A_1369 = arith.constant 0 : i32
        %swap3A_1370 = arith.constant 0 : i32
        %swap3A_1371 = arith.index_cast %swap3A_1369 : i32 to index
        %swap3A_1372 = arith.index_cast %swap3A_1370 : i32 to index
        %swap3A_1373 = arith.index_cast %select_n3A_1306 : i32 to index
        %swap3A_1374 = arith.index_cast %mul3A_1324 : i32 to index
        %swap3A_1375 = tpu.vector_load %arg7[%swap3A_1371, %swap3A_1372, %swap3A_1373, %swap3A_1374] {strides = array<i32>} : memref<2x5x80x128xf32, #tpu.memory_space<vmem>>, vector<1x1x1x16xf32>,
        %swap3A_1376 = vector.shape_cast %swap3A_1375 : vector<1x1x1x16xf32> to vector<16xf32>
        %swap3A_1377 = vector.shape_cast %add3A_1368 : vector<16xf32> to vector<1x1x1x16xf32>
        tpu.vector_store %arg7[%swap3A_1371, %swap3A_1372, %swap3A_1373, %swap3A_1374], %swap3A_1377 {strides = array<i32>} : memref<2x5x80x128xf32, #tpu.memory_space<vmem>>, vector<1x1x1x16xf32>,
      }
      %scan3A_512 = arith.constant 80 : i32
      %mul3A_513 = arith.constant 80 : i32
      %mul3A_514 = arith.muli %add3A_449, %mul3A_513 : i32
      %add3A_515 = arith.addi %mul3A_2, %mul3A_514 : i32
      %run_scoped3A = arith.constant 0 : i32
      %run_scoped3A_516 = arith.constant 0 : i32
      "tpu.region"() ({
        %run_scoped3A_593 = tpu.sem_alloc : memref<!tpu.dma_semaphore, #tpu.memory_space<semaphore_mem>>
        %dma_start3A_594 = arith.constant 0 : i32
        %dma_start3A_595 = arith.constant 0 : i32
        %dma_start3A_596 = tpu.memref_slice %arg7[%run_scoped3A, %run_scoped3A_516, %dma_start3A_594, %dma_start3A_595] : memref<2x5x80x128xf32, #tpu.memory_space<vmem>> -> memref<1x1x80x128xf32, #tpu.memory_space<vmem>>
        %dma_start3A_597 = tpu.memref_squeeze %dma_start3A_596 : memref<1x1x80x128xf32, #tpu.memory_space<vmem>> -> memref<80x128xf32, #tpu.memory_space<vmem>>
        %dma_start3A_598 = arith.constant 0 : i32
        %dma_start3A_599 = tpu.memref_slice %arg4[%add3A_515, %dma_start3A_598] : memref<61440x128xf32, #tpu.memory_space<hbm>> -> memref<80x128xf32, #tpu.memory_space<hbm>>
        %dma_start3A_600 = arith.constant 0 : i32
        %dma_start3A_601 = tpu.memref_slice %arg4[%add3A_515, %dma_start3A_600] : memref<61440x128xf32, #tpu.memory_space<hbm>> -> memref<80x128xf32, #tpu.memory_space<hbm>>
        %dma_start3A_602 = arith.constant 0 : i32
        %dma_start3A_603 = arith.constant 0 : i32
        %dma_start3A_604 = tpu.memref_slice %arg7[%run_scoped3A, %run_scoped3A_516, %dma_start3A_602, %dma_start3A_603] : memref<2x5x80x128xf32, #tpu.memory_space<vmem>> -> memref<1x1x80x128xf32, #tpu.memory_space<vmem>>
        %dma_start3A_605 = tpu.memref_squeeze %dma_start3A_604 : memref<1x1x80x128xf32, #tpu.memory_space<vmem>> -> memref<80x128xf32, #tpu.memory_space<vmem>>
        tpu.enqueue_dma source(%dma_start3A_605 : memref<80x128xf32, #tpu.memory_space<vmem>>) target(%dma_start3A_601 : memref<80x128xf32, #tpu.memory_space<hbm>>) target_semaphore(%run_scoped3A_593 : memref<!tpu.dma_semaphore, #tpu.memory_space<semaphore_mem>>)
        %dma_wait3A_606 = arith.constant 0 : i32
        %dma_wait3A_607 = arith.constant 0 : i32
        %dma_wait3A_608 = tpu.memref_slice %arg7[%run_scoped3A, %run_scoped3A_516, %dma_wait3A_606, %dma_wait3A_607] : memref<2x5x80x128xf32, #tpu.memory_space<vmem>> -> memref<1x1x80x128xf32, #tpu.memory_space<vmem>>
        %dma_wait3A_609 = tpu.memref_squeeze %dma_wait3A_608 : memref<1x1x80x128xf32, #tpu.memory_space<vmem>> -> memref<80x128xf32, #tpu.memory_space<vmem>>
        %dma_wait3A_610 = arith.constant 0 : i32
        %dma_wait3A_611 = tpu.memref_slice %arg4[%add3A_515, %dma_wait3A_610] : memref<61440x128xf32, #tpu.memory_space<hbm>> -> memref<80x128xf32, #tpu.memory_space<hbm>>
        %dma_wait3A_612 = arith.constant 0 : i32
        %dma_wait3A_613 = tpu.memref_slice %arg4[%add3A_515, %dma_wait3A_612] : memref<61440x128xf32, #tpu.memory_space<hbm>> -> memref<80x128xf32, #tpu.memory_space<hbm>>
        %dma_wait3A_614 = arith.constant 0 : i32
        %dma_wait3A_615 = arith.constant 0 : i32
        %dma_wait3A_616 = tpu.memref_slice %arg7[%run_scoped3A, %run_scoped3A_516, %dma_wait3A_614, %dma_wait3A_615] : memref<2x5x80x128xf32, #tpu.memory_space<vmem>> -> memref<1x1x80x128xf32, #tpu.memory_space<vmem>>
        %dma_wait3A_617 = tpu.memref_squeeze %dma_wait3A_616 : memref<1x1x80x128xf32, #tpu.memory_space<vmem>> -> memref<80x128xf32, #tpu.memory_space<vmem>>
        tpu.wait_dma2 semaphore(%run_scoped3A_593 : memref<!tpu.dma_semaphore, #tpu.memory_space<semaphore_mem>>) src(%dma_wait3A_617 : memref<80x128xf32, #tpu.memory_space<vmem>>) dst(%dma_wait3A_613 : memref<80x128xf32, #tpu.memory_space<hbm>>)
        tpu.yield
      }) : () -> ()
      %mul3A_517 = arith.constant 2 : i32
      %mul3A_518 = arith.muli %mul3A_517, %scan3A_445 : i32
      %add3A_519 = arith.constant 1 : i32
      %add3A_520 = arith.addi %mul3A_518, %add3A_519 : i32
      %add3A_521 = arith.constant 1 : i32
      %add3A_522 = arith.addi %add3A_520, %add3A_521 : i32
      %lt3A_523 = arith.constant 24 : i32
      %lt3A_524 = arith.cmpi slt, %add3A_522, %lt3A_523 : i32
      %convert_element_type3A_525 = arith.extui %lt3A_524 : i1 to i32
      %cond3A_526 = arith.constant 0 : i32
      %cond3A_527 = arith.cmpi ne, %convert_element_type3A_525, %cond3A_526 : i32
      scf.if %cond3A_527 {
        %add3A_593 = arith.constant 1 : i32
        %add3A_594 = arith.addi %add3A_520, %add3A_593 : i32
        %mul3A_595 = arith.constant 80 : i32
        %mul3A_596 = arith.muli %add3A_594, %mul3A_595 : i32
        %add3A_597 = arith.addi %mul3A_2, %mul3A_596 : i32
        %add3A_598 = arith.constant 0 : i32
        %add3A_599 = arith.addi %add3A_597, %add3A_598 : i32
        %iota3A_600 = tpu.iota {dimensions = array<i32: 0>} : vector<16xi32>
        %add3A_601 = vector.broadcast %add3A_599 : i32 to vector<16xi32>
        %add3A_602 = arith.addi %add3A_601, %iota3A_600 : vector<16xi32>
        %mul3A_603 = arith.constant 34953 : i32
        %mul3A_604 = vector.broadcast %mul3A_603 : i32 to vector<16xi32>
        %mul3A_605 = arith.muli %add3A_602, %mul3A_604 : vector<16xi32>
        %shift_right_arithmetic3A_606 = arith.constant 21 : i32
        %shift_right_arithmetic3A_607 = vector.broadcast %shift_right_arithmetic3A_606 : i32 to vector<16xi32>
        %shift_right_arithmetic3A_608 = arith.shrsi %mul3A_605, %shift_right_arithmetic3A_607 : vector<16xi32>
        %mul3A_609 = arith.constant 60 : i32
        %mul3A_610 = vector.broadcast %mul3A_609 : i32 to vector<16xi32>
        %mul3A_611 = arith.muli %shift_right_arithmetic3A_608, %mul3A_610 : vector<16xi32>
        %mul3A_612 = arith.constant 80 : i32
        %mul3A_613 = arith.muli %add3A_594, %mul3A_612 : i32
        %add3A_614 = arith.constant 0 : i32
        %add3A_615 = arith.addi %add3A_614, %mul3A_613 : i32
        %add3A_616 = arith.constant 0 : i32
        %add3A_617 = arith.addi %add3A_615, %add3A_616 : i32
        %get3A_618 = arith.index_cast %add3A_617 : i32 to index
        %get3A_619 = tpu.vector_load %arg5[%get3A_618] {strides = array<i32>} : memref<9600xi32, #tpu.memory_space<vmem>>, vector<16xi32>,
        %get3A_620 = vector.shape_cast %get3A_619 : vector<16xi32> to vector<16xi32>
        %ge3A_621 = arith.constant 0 : i32
        %ge3A_622 = vector.broadcast %ge3A_621 : i32 to vector<16xi32>
        %ge3A_623 = arith.cmpi sge, %get3A_620, %ge3A_622 : vector<16xi32>
        %add3A_624 = arith.addi %mul3A_611, %get3A_620 : vector<16xi32>
        %select_n3A_625 = arith.select %ge3A_623, %add3A_624, %add3A_602 : vector<16xi1>, vector<16xi32>
        %swap3A_626 = arith.constant 0 : index
        %swap3A_627 = tpu.vector_load %arg6[%swap3A_626] {strides = array<i32>} : memref<800xi32, #tpu.memory_space<vmem>>, vector<16xi32>,
        %swap3A_628 = vector.shape_cast %swap3A_627 : vector<16xi32> to vector<16xi32>
        %swap3A_629 = vector.shape_cast %select_n3A_625 : vector<16xi32> to vector<16xi32>
        tpu.vector_store %arg6[%swap3A_626], %swap3A_629 {strides = array<i32>} : memref<800xi32, #tpu.memory_space<vmem>>, vector<16xi32>,
        %mul3A_630 = arith.constant 80 : i32
        %mul3A_631 = arith.muli %add3A_594, %mul3A_630 : i32
        %add3A_632 = arith.constant 1920 : i32
        %add3A_633 = arith.addi %add3A_632, %mul3A_631 : i32
        %add3A_634 = arith.constant 0 : i32
        %add3A_635 = arith.addi %add3A_633, %add3A_634 : i32
        %get3A_636 = arith.index_cast %add3A_635 : i32 to index
        %get3A_637 = tpu.vector_load %arg5[%get3A_636] {strides = array<i32>} : memref<9600xi32, #tpu.memory_space<vmem>>, vector<16xi32>,
        %get3A_638 = vector.shape_cast %get3A_637 : vector<16xi32> to vector<16xi32>
        %ge3A_639 = arith.constant 0 : i32
        %ge3A_640 = vector.broadcast %ge3A_639 : i32 to vector<16xi32>
        %ge3A_641 = arith.cmpi sge, %get3A_638, %ge3A_640 : vector<16xi32>
        %add3A_642 = arith.addi %mul3A_611, %get3A_638 : vector<16xi32>
        %select_n3A_643 = arith.select %ge3A_641, %add3A_642, %add3A_602 : vector<16xi1>, vector<16xi32>
        %swap3A_644 = arith.constant 80 : index
        %swap3A_645 = tpu.vector_load %arg6[%swap3A_644] {strides = array<i32>} : memref<800xi32, #tpu.memory_space<vmem>>, vector<16xi32>,
        %swap3A_646 = vector.shape_cast %swap3A_645 : vector<16xi32> to vector<16xi32>
        %swap3A_647 = vector.shape_cast %select_n3A_643 : vector<16xi32> to vector<16xi32>
        tpu.vector_store %arg6[%swap3A_644], %swap3A_647 {strides = array<i32>} : memref<800xi32, #tpu.memory_space<vmem>>, vector<16xi32>,
        %mul3A_648 = arith.constant 80 : i32
        %mul3A_649 = arith.muli %add3A_594, %mul3A_648 : i32
        %add3A_650 = arith.constant 3840 : i32
        %add3A_651 = arith.addi %add3A_650, %mul3A_649 : i32
        %add3A_652 = arith.constant 0 : i32
        %add3A_653 = arith.addi %add3A_651, %add3A_652 : i32
        %get3A_654 = arith.index_cast %add3A_653 : i32 to index
        %get3A_655 = tpu.vector_load %arg5[%get3A_654] {strides = array<i32>} : memref<9600xi32, #tpu.memory_space<vmem>>, vector<16xi32>,
        %get3A_656 = vector.shape_cast %get3A_655 : vector<16xi32> to vector<16xi32>
        %ge3A_657 = arith.constant 0 : i32
        %ge3A_658 = vector.broadcast %ge3A_657 : i32 to vector<16xi32>
        %ge3A_659 = arith.cmpi sge, %get3A_656, %ge3A_658 : vector<16xi32>
        %add3A_660 = arith.addi %mul3A_611, %get3A_656 : vector<16xi32>
        %select_n3A_661 = arith.select %ge3A_659, %add3A_660, %add3A_602 : vector<16xi1>, vector<16xi32>
        %swap3A_662 = arith.constant 160 : index
        %swap3A_663 = tpu.vector_load %arg6[%swap3A_662] {strides = array<i32>} : memref<800xi32, #tpu.memory_space<vmem>>, vector<16xi32>,
        %swap3A_664 = vector.shape_cast %swap3A_663 : vector<16xi32> to vector<16xi32>
        %swap3A_665 = vector.shape_cast %select_n3A_661 : vector<16xi32> to vector<16xi32>
        tpu.vector_store %arg6[%swap3A_662], %swap3A_665 {strides = array<i32>} : memref<800xi32, #tpu.memory_space<vmem>>, vector<16xi32>,
        %mul3A_666 = arith.constant 80 : i32
        %mul3A_667 = arith.muli %add3A_594, %mul3A_666 : i32
        %add3A_668 = arith.constant 5760 : i32
        %add3A_669 = arith.addi %add3A_668, %mul3A_667 : i32
        %add3A_670 = arith.constant 0 : i32
        %add3A_671 = arith.addi %add3A_669, %add3A_670 : i32
        %get3A_672 = arith.index_cast %add3A_671 : i32 to index
        %get3A_673 = tpu.vector_load %arg5[%get3A_672] {strides = array<i32>} : memref<9600xi32, #tpu.memory_space<vmem>>, vector<16xi32>,
        %get3A_674 = vector.shape_cast %get3A_673 : vector<16xi32> to vector<16xi32>
        %ge3A_675 = arith.constant 0 : i32
        %ge3A_676 = vector.broadcast %ge3A_675 : i32 to vector<16xi32>
        %ge3A_677 = arith.cmpi sge, %get3A_674, %ge3A_676 : vector<16xi32>
        %add3A_678 = arith.addi %mul3A_611, %get3A_674 : vector<16xi32>
        %select_n3A_679 = arith.select %ge3A_677, %add3A_678, %add3A_602 : vector<16xi1>, vector<16xi32>
        %swap3A_680 = arith.constant 240 : index
        %swap3A_681 = tpu.vector_load %arg6[%swap3A_680] {strides = array<i32>} : memref<800xi32, #tpu.memory_space<vmem>>, vector<16xi32>,
        %swap3A_682 = vector.shape_cast %swap3A_681 : vector<16xi32> to vector<16xi32>
        %swap3A_683 = vector.shape_cast %select_n3A_679 : vector<16xi32> to vector<16xi32>
        tpu.vector_store %arg6[%swap3A_680], %swap3A_683 {strides = array<i32>} : memref<800xi32, #tpu.memory_space<vmem>>, vector<16xi32>,
        %mul3A_684 = arith.constant 80 : i32
        %mul3A_685 = arith.muli %add3A_594, %mul3A_684 : i32
        %add3A_686 = arith.constant 7680 : i32
        %add3A_687 = arith.addi %add3A_686, %mul3A_685 : i32
        %add3A_688 = arith.constant 0 : i32
        %add3A_689 = arith.addi %add3A_687, %add3A_688 : i32
        %get3A_690 = arith.index_cast %add3A_689 : i32 to index
        %get3A_691 = tpu.vector_load %arg5[%get3A_690] {strides = array<i32>} : memref<9600xi32, #tpu.memory_space<vmem>>, vector<16xi32>,
        %get3A_692 = vector.shape_cast %get3A_691 : vector<16xi32> to vector<16xi32>
        %ge3A_693 = arith.constant 0 : i32
        %ge3A_694 = vector.broadcast %ge3A_693 : i32 to vector<16xi32>
        %ge3A_695 = arith.cmpi sge, %get3A_692, %ge3A_694 : vector<16xi32>
        %add3A_696 = arith.addi %mul3A_611, %get3A_692 : vector<16xi32>
        %select_n3A_697 = arith.select %ge3A_695, %add3A_696, %add3A_602 : vector<16xi1>, vector<16xi32>
        %swap3A_698 = arith.constant 320 : index
        %swap3A_699 = tpu.vector_load %arg6[%swap3A_698] {strides = array<i32>} : memref<800xi32, #tpu.memory_space<vmem>>, vector<16xi32>,
        %swap3A_700 = vector.shape_cast %swap3A_699 : vector<16xi32> to vector<16xi32>
        %swap3A_701 = vector.shape_cast %select_n3A_697 : vector<16xi32> to vector<16xi32>
        tpu.vector_store %arg6[%swap3A_698], %swap3A_701 {strides = array<i32>} : memref<800xi32, #tpu.memory_space<vmem>>, vector<16xi32>,
        %mul3A_702 = arith.constant 80 : i32
        %mul3A_703 = arith.muli %add3A_594, %mul3A_702 : i32
        %add3A_704 = arith.addi %mul3A_2, %mul3A_703 : i32
        %add3A_705 = arith.constant 16 : i32
        %add3A_706 = arith.addi %add3A_704, %add3A_705 : i32
        %iota3A_707 = tpu.iota {dimensions = array<i32: 0>} : vector<16xi32>
        %add3A_708 = vector.broadcast %add3A_706 : i32 to vector<16xi32>
        %add3A_709 = arith.addi %add3A_708, %iota3A_707 : vector<16xi32>
        %mul3A_710 = arith.constant 34953 : i32
        %mul3A_711 = vector.broadcast %mul3A_710 : i32 to vector<16xi32>
        %mul3A_712 = arith.muli %add3A_709, %mul3A_711 : vector<16xi32>
        %shift_right_arithmetic3A_713 = arith.constant 21 : i32
        %shift_right_arithmetic3A_714 = vector.broadcast %shift_right_arithmetic3A_713 : i32 to vector<16xi32>
        %shift_right_arithmetic3A_715 = arith.shrsi %mul3A_712, %shift_right_arithmetic3A_714 : vector<16xi32>
        %mul3A_716 = arith.constant 60 : i32
        %mul3A_717 = vector.broadcast %mul3A_716 : i32 to vector<16xi32>
        %mul3A_718 = arith.muli %shift_right_arithmetic3A_715, %mul3A_717 : vector<16xi32>
        %mul3A_719 = arith.constant 80 : i32
        %mul3A_720 = arith.muli %add3A_594, %mul3A_719 : i32
        %add3A_721 = arith.constant 0 : i32
        %add3A_722 = arith.addi %add3A_721, %mul3A_720 : i32
        %add3A_723 = arith.constant 16 : i32
        %add3A_724 = arith.addi %add3A_722, %add3A_723 : i32
        %get3A_725 = arith.index_cast %add3A_724 : i32 to index
        %get3A_726 = tpu.vector_load %arg5[%get3A_725] {strides = array<i32>} : memref<9600xi32, #tpu.memory_space<vmem>>, vector<16xi32>,
        %get3A_727 = vector.shape_cast %get3A_726 : vector<16xi32> to vector<16xi32>
        %ge3A_728 = arith.constant 0 : i32
        %ge3A_729 = vector.broadcast %ge3A_728 : i32 to vector<16xi32>
        %ge3A_730 = arith.cmpi sge, %get3A_727, %ge3A_729 : vector<16xi32>
        %add3A_731 = arith.addi %mul3A_718, %get3A_727 : vector<16xi32>
        %select_n3A_732 = arith.select %ge3A_730, %add3A_731, %add3A_709 : vector<16xi1>, vector<16xi32>
        %swap3A_733 = arith.constant 16 : index
        %swap3A_734 = tpu.vector_load %arg6[%swap3A_733] {strides = array<i32>} : memref<800xi32, #tpu.memory_space<vmem>>, vector<16xi32>,
        %swap3A_735 = vector.shape_cast %swap3A_734 : vector<16xi32> to vector<16xi32>
        %swap3A_736 = vector.shape_cast %select_n3A_732 : vector<16xi32> to vector<16xi32>
        tpu.vector_store %arg6[%swap3A_733], %swap3A_736 {strides = array<i32>} : memref<800xi32, #tpu.memory_space<vmem>>, vector<16xi32>,
        %mul3A_737 = arith.constant 80 : i32
        %mul3A_738 = arith.muli %add3A_594, %mul3A_737 : i32
        %add3A_739 = arith.constant 1920 : i32
        %add3A_740 = arith.addi %add3A_739, %mul3A_738 : i32
        %add3A_741 = arith.constant 16 : i32
        %add3A_742 = arith.addi %add3A_740, %add3A_741 : i32
        %get3A_743 = arith.index_cast %add3A_742 : i32 to index
        %get3A_744 = tpu.vector_load %arg5[%get3A_743] {strides = array<i32>} : memref<9600xi32, #tpu.memory_space<vmem>>, vector<16xi32>,
        %get3A_745 = vector.shape_cast %get3A_744 : vector<16xi32> to vector<16xi32>
        %ge3A_746 = arith.constant 0 : i32
        %ge3A_747 = vector.broadcast %ge3A_746 : i32 to vector<16xi32>
        %ge3A_748 = arith.cmpi sge, %get3A_745, %ge3A_747 : vector<16xi32>
        %add3A_749 = arith.addi %mul3A_718, %get3A_745 : vector<16xi32>
        %select_n3A_750 = arith.select %ge3A_748, %add3A_749, %add3A_709 : vector<16xi1>, vector<16xi32>
        %swap3A_751 = arith.constant 96 : index
        %swap3A_752 = tpu.vector_load %arg6[%swap3A_751] {strides = array<i32>} : memref<800xi32, #tpu.memory_space<vmem>>, vector<16xi32>,
        %swap3A_753 = vector.shape_cast %swap3A_752 : vector<16xi32> to vector<16xi32>
        %swap3A_754 = vector.shape_cast %select_n3A_750 : vector<16xi32> to vector<16xi32>
        tpu.vector_store %arg6[%swap3A_751], %swap3A_754 {strides = array<i32>} : memref<800xi32, #tpu.memory_space<vmem>>, vector<16xi32>,
        %mul3A_755 = arith.constant 80 : i32
        %mul3A_756 = arith.muli %add3A_594, %mul3A_755 : i32
        %add3A_757 = arith.constant 3840 : i32
        %add3A_758 = arith.addi %add3A_757, %mul3A_756 : i32
        %add3A_759 = arith.constant 16 : i32
        %add3A_760 = arith.addi %add3A_758, %add3A_759 : i32
        %get3A_761 = arith.index_cast %add3A_760 : i32 to index
        %get3A_762 = tpu.vector_load %arg5[%get3A_761] {strides = array<i32>} : memref<9600xi32, #tpu.memory_space<vmem>>, vector<16xi32>,
        %get3A_763 = vector.shape_cast %get3A_762 : vector<16xi32> to vector<16xi32>
        %ge3A_764 = arith.constant 0 : i32
        %ge3A_765 = vector.broadcast %ge3A_764 : i32 to vector<16xi32>
        %ge3A_766 = arith.cmpi sge, %get3A_763, %ge3A_765 : vector<16xi32>
        %add3A_767 = arith.addi %mul3A_718, %get3A_763 : vector<16xi32>
        %select_n3A_768 = arith.select %ge3A_766, %add3A_767, %add3A_709 : vector<16xi1>, vector<16xi32>
        %swap3A_769 = arith.constant 176 : index
        %swap3A_770 = tpu.vector_load %arg6[%swap3A_769] {strides = array<i32>} : memref<800xi32, #tpu.memory_space<vmem>>, vector<16xi32>,
        %swap3A_771 = vector.shape_cast %swap3A_770 : vector<16xi32> to vector<16xi32>
        %swap3A_772 = vector.shape_cast %select_n3A_768 : vector<16xi32> to vector<16xi32>
        tpu.vector_store %arg6[%swap3A_769], %swap3A_772 {strides = array<i32>} : memref<800xi32, #tpu.memory_space<vmem>>, vector<16xi32>,
        %mul3A_773 = arith.constant 80 : i32
        %mul3A_774 = arith.muli %add3A_594, %mul3A_773 : i32
        %add3A_775 = arith.constant 5760 : i32
        %add3A_776 = arith.addi %add3A_775, %mul3A_774 : i32
        %add3A_777 = arith.constant 16 : i32
        %add3A_778 = arith.addi %add3A_776, %add3A_777 : i32
        %get3A_779 = arith.index_cast %add3A_778 : i32 to index
        %get3A_780 = tpu.vector_load %arg5[%get3A_779] {strides = array<i32>} : memref<9600xi32, #tpu.memory_space<vmem>>, vector<16xi32>,
        %get3A_781 = vector.shape_cast %get3A_780 : vector<16xi32> to vector<16xi32>
        %ge3A_782 = arith.constant 0 : i32
        %ge3A_783 = vector.broadcast %ge3A_782 : i32 to vector<16xi32>
        %ge3A_784 = arith.cmpi sge, %get3A_781, %ge3A_783 : vector<16xi32>
        %add3A_785 = arith.addi %mul3A_718, %get3A_781 : vector<16xi32>
        %select_n3A_786 = arith.select %ge3A_784, %add3A_785, %add3A_709 : vector<16xi1>, vector<16xi32>
        %swap3A_787 = arith.constant 256 : index
        %swap3A_788 = tpu.vector_load %arg6[%swap3A_787] {strides = array<i32>} : memref<800xi32, #tpu.memory_space<vmem>>, vector<16xi32>,
        %swap3A_789 = vector.shape_cast %swap3A_788 : vector<16xi32> to vector<16xi32>
        %swap3A_790 = vector.shape_cast %select_n3A_786 : vector<16xi32> to vector<16xi32>
        tpu.vector_store %arg6[%swap3A_787], %swap3A_790 {strides = array<i32>} : memref<800xi32, #tpu.memory_space<vmem>>, vector<16xi32>,
        %mul3A_791 = arith.constant 80 : i32
        %mul3A_792 = arith.muli %add3A_594, %mul3A_791 : i32
        %add3A_793 = arith.constant 7680 : i32
        %add3A_794 = arith.addi %add3A_793, %mul3A_792 : i32
        %add3A_795 = arith.constant 16 : i32
        %add3A_796 = arith.addi %add3A_794, %add3A_795 : i32
        %get3A_797 = arith.index_cast %add3A_796 : i32 to index
        %get3A_798 = tpu.vector_load %arg5[%get3A_797] {strides = array<i32>} : memref<9600xi32, #tpu.memory_space<vmem>>, vector<16xi32>,
        %get3A_799 = vector.shape_cast %get3A_798 : vector<16xi32> to vector<16xi32>
        %ge3A_800 = arith.constant 0 : i32
        %ge3A_801 = vector.broadcast %ge3A_800 : i32 to vector<16xi32>
        %ge3A_802 = arith.cmpi sge, %get3A_799, %ge3A_801 : vector<16xi32>
        %add3A_803 = arith.addi %mul3A_718, %get3A_799 : vector<16xi32>
        %select_n3A_804 = arith.select %ge3A_802, %add3A_803, %add3A_709 : vector<16xi1>, vector<16xi32>
        %swap3A_805 = arith.constant 336 : index
        %swap3A_806 = tpu.vector_load %arg6[%swap3A_805] {strides = array<i32>} : memref<800xi32, #tpu.memory_space<vmem>>, vector<16xi32>,
        %swap3A_807 = vector.shape_cast %swap3A_806 : vector<16xi32> to vector<16xi32>
        %swap3A_808 = vector.shape_cast %select_n3A_804 : vector<16xi32> to vector<16xi32>
        tpu.vector_store %arg6[%swap3A_805], %swap3A_808 {strides = array<i32>} : memref<800xi32, #tpu.memory_space<vmem>>, vector<16xi32>,
        %mul3A_809 = arith.constant 80 : i32
        %mul3A_810 = arith.muli %add3A_594, %mul3A_809 : i32
        %add3A_811 = arith.addi %mul3A_2, %mul3A_810 : i32
        %add3A_812 = arith.constant 32 : i32
        %add3A_813 = arith.addi %add3A_811, %add3A_812 : i32
        %iota3A_814 = tpu.iota {dimensions = array<i32: 0>} : vector<16xi32>
        %add3A_815 = vector.broadcast %add3A_813 : i32 to vector<16xi32>
        %add3A_816 = arith.addi %add3A_815, %iota3A_814 : vector<16xi32>
        %mul3A_817 = arith.constant 34953 : i32
        %mul3A_818 = vector.broadcast %mul3A_817 : i32 to vector<16xi32>
        %mul3A_819 = arith.muli %add3A_816, %mul3A_818 : vector<16xi32>
        %shift_right_arithmetic3A_820 = arith.constant 21 : i32
        %shift_right_arithmetic3A_821 = vector.broadcast %shift_right_arithmetic3A_820 : i32 to vector<16xi32>
        %shift_right_arithmetic3A_822 = arith.shrsi %mul3A_819, %shift_right_arithmetic3A_821 : vector<16xi32>
        %mul3A_823 = arith.constant 60 : i32
        %mul3A_824 = vector.broadcast %mul3A_823 : i32 to vector<16xi32>
        %mul3A_825 = arith.muli %shift_right_arithmetic3A_822, %mul3A_824 : vector<16xi32>
        %mul3A_826 = arith.constant 80 : i32
        %mul3A_827 = arith.muli %add3A_594, %mul3A_826 : i32
        %add3A_828 = arith.constant 0 : i32
        %add3A_829 = arith.addi %add3A_828, %mul3A_827 : i32
        %add3A_830 = arith.constant 32 : i32
        %add3A_831 = arith.addi %add3A_829, %add3A_830 : i32
        %get3A_832 = arith.index_cast %add3A_831 : i32 to index
        %get3A_833 = tpu.vector_load %arg5[%get3A_832] {strides = array<i32>} : memref<9600xi32, #tpu.memory_space<vmem>>, vector<16xi32>,
        %get3A_834 = vector.shape_cast %get3A_833 : vector<16xi32> to vector<16xi32>
        %ge3A_835 = arith.constant 0 : i32
        %ge3A_836 = vector.broadcast %ge3A_835 : i32 to vector<16xi32>
        %ge3A_837 = arith.cmpi sge, %get3A_834, %ge3A_836 : vector<16xi32>
        %add3A_838 = arith.addi %mul3A_825, %get3A_834 : vector<16xi32>
        %select_n3A_839 = arith.select %ge3A_837, %add3A_838, %add3A_816 : vector<16xi1>, vector<16xi32>
        %swap3A_840 = arith.constant 32 : index
        %swap3A_841 = tpu.vector_load %arg6[%swap3A_840] {strides = array<i32>} : memref<800xi32, #tpu.memory_space<vmem>>, vector<16xi32>,
        %swap3A_842 = vector.shape_cast %swap3A_841 : vector<16xi32> to vector<16xi32>
        %swap3A_843 = vector.shape_cast %select_n3A_839 : vector<16xi32> to vector<16xi32>
        tpu.vector_store %arg6[%swap3A_840], %swap3A_843 {strides = array<i32>} : memref<800xi32, #tpu.memory_space<vmem>>, vector<16xi32>,
        %mul3A_844 = arith.constant 80 : i32
        %mul3A_845 = arith.muli %add3A_594, %mul3A_844 : i32
        %add3A_846 = arith.constant 1920 : i32
        %add3A_847 = arith.addi %add3A_846, %mul3A_845 : i32
        %add3A_848 = arith.constant 32 : i32
        %add3A_849 = arith.addi %add3A_847, %add3A_848 : i32
        %get3A_850 = arith.index_cast %add3A_849 : i32 to index
        %get3A_851 = tpu.vector_load %arg5[%get3A_850] {strides = array<i32>} : memref<9600xi32, #tpu.memory_space<vmem>>, vector<16xi32>,
        %get3A_852 = vector.shape_cast %get3A_851 : vector<16xi32> to vector<16xi32>
        %ge3A_853 = arith.constant 0 : i32
        %ge3A_854 = vector.broadcast %ge3A_853 : i32 to vector<16xi32>
        %ge3A_855 = arith.cmpi sge, %get3A_852, %ge3A_854 : vector<16xi32>
        %add3A_856 = arith.addi %mul3A_825, %get3A_852 : vector<16xi32>
        %select_n3A_857 = arith.select %ge3A_855, %add3A_856, %add3A_816 : vector<16xi1>, vector<16xi32>
        %swap3A_858 = arith.constant 112 : index
        %swap3A_859 = tpu.vector_load %arg6[%swap3A_858] {strides = array<i32>} : memref<800xi32, #tpu.memory_space<vmem>>, vector<16xi32>,
        %swap3A_860 = vector.shape_cast %swap3A_859 : vector<16xi32> to vector<16xi32>
        %swap3A_861 = vector.shape_cast %select_n3A_857 : vector<16xi32> to vector<16xi32>
        tpu.vector_store %arg6[%swap3A_858], %swap3A_861 {strides = array<i32>} : memref<800xi32, #tpu.memory_space<vmem>>, vector<16xi32>,
        %mul3A_862 = arith.constant 80 : i32
        %mul3A_863 = arith.muli %add3A_594, %mul3A_862 : i32
        %add3A_864 = arith.constant 3840 : i32
        %add3A_865 = arith.addi %add3A_864, %mul3A_863 : i32
        %add3A_866 = arith.constant 32 : i32
        %add3A_867 = arith.addi %add3A_865, %add3A_866 : i32
        %get3A_868 = arith.index_cast %add3A_867 : i32 to index
        %get3A_869 = tpu.vector_load %arg5[%get3A_868] {strides = array<i32>} : memref<9600xi32, #tpu.memory_space<vmem>>, vector<16xi32>,
        %get3A_870 = vector.shape_cast %get3A_869 : vector<16xi32> to vector<16xi32>
        %ge3A_871 = arith.constant 0 : i32
        %ge3A_872 = vector.broadcast %ge3A_871 : i32 to vector<16xi32>
        %ge3A_873 = arith.cmpi sge, %get3A_870, %ge3A_872 : vector<16xi32>
        %add3A_874 = arith.addi %mul3A_825, %get3A_870 : vector<16xi32>
        %select_n3A_875 = arith.select %ge3A_873, %add3A_874, %add3A_816 : vector<16xi1>, vector<16xi32>
        %swap3A_876 = arith.constant 192 : index
        %swap3A_877 = tpu.vector_load %arg6[%swap3A_876] {strides = array<i32>} : memref<800xi32, #tpu.memory_space<vmem>>, vector<16xi32>,
        %swap3A_878 = vector.shape_cast %swap3A_877 : vector<16xi32> to vector<16xi32>
        %swap3A_879 = vector.shape_cast %select_n3A_875 : vector<16xi32> to vector<16xi32>
        tpu.vector_store %arg6[%swap3A_876], %swap3A_879 {strides = array<i32>} : memref<800xi32, #tpu.memory_space<vmem>>, vector<16xi32>,
        %mul3A_880 = arith.constant 80 : i32
        %mul3A_881 = arith.muli %add3A_594, %mul3A_880 : i32
        %add3A_882 = arith.constant 5760 : i32
        %add3A_883 = arith.addi %add3A_882, %mul3A_881 : i32
        %add3A_884 = arith.constant 32 : i32
        %add3A_885 = arith.addi %add3A_883, %add3A_884 : i32
        %get3A_886 = arith.index_cast %add3A_885 : i32 to index
        %get3A_887 = tpu.vector_load %arg5[%get3A_886] {strides = array<i32>} : memref<9600xi32, #tpu.memory_space<vmem>>, vector<16xi32>,
        %get3A_888 = vector.shape_cast %get3A_887 : vector<16xi32> to vector<16xi32>
        %ge3A_889 = arith.constant 0 : i32
        %ge3A_890 = vector.broadcast %ge3A_889 : i32 to vector<16xi32>
        %ge3A_891 = arith.cmpi sge, %get3A_888, %ge3A_890 : vector<16xi32>
        %add3A_892 = arith.addi %mul3A_825, %get3A_888 : vector<16xi32>
        %select_n3A_893 = arith.select %ge3A_891, %add3A_892, %add3A_816 : vector<16xi1>, vector<16xi32>
        %swap3A_894 = arith.constant 272 : index
        %swap3A_895 = tpu.vector_load %arg6[%swap3A_894] {strides = array<i32>} : memref<800xi32, #tpu.memory_space<vmem>>, vector<16xi32>,
        %swap3A_896 = vector.shape_cast %swap3A_895 : vector<16xi32> to vector<16xi32>
        %swap3A_897 = vector.shape_cast %select_n3A_893 : vector<16xi32> to vector<16xi32>
        tpu.vector_store %arg6[%swap3A_894], %swap3A_897 {strides = array<i32>} : memref<800xi32, #tpu.memory_space<vmem>>, vector<16xi32>,
        %mul3A_898 = arith.constant 80 : i32
        %mul3A_899 = arith.muli %add3A_594, %mul3A_898 : i32
        %add3A_900 = arith.constant 7680 : i32
        %add3A_901 = arith.addi %add3A_900, %mul3A_899 : i32
        %add3A_902 = arith.constant 32 : i32
        %add3A_903 = arith.addi %add3A_901, %add3A_902 : i32
        %get3A_904 = arith.index_cast %add3A_903 : i32 to index
        %get3A_905 = tpu.vector_load %arg5[%get3A_904] {strides = array<i32>} : memref<9600xi32, #tpu.memory_space<vmem>>, vector<16xi32>,
        %get3A_906 = vector.shape_cast %get3A_905 : vector<16xi32> to vector<16xi32>
        %ge3A_907 = arith.constant 0 : i32
        %ge3A_908 = vector.broadcast %ge3A_907 : i32 to vector<16xi32>
        %ge3A_909 = arith.cmpi sge, %get3A_906, %ge3A_908 : vector<16xi32>
        %add3A_910 = arith.addi %mul3A_825, %get3A_906 : vector<16xi32>
        %select_n3A_911 = arith.select %ge3A_909, %add3A_910, %add3A_816 : vector<16xi1>, vector<16xi32>
        %swap3A_912 = arith.constant 352 : index
        %swap3A_913 = tpu.vector_load %arg6[%swap3A_912] {strides = array<i32>} : memref<800xi32, #tpu.memory_space<vmem>>, vector<16xi32>,
        %swap3A_914 = vector.shape_cast %swap3A_913 : vector<16xi32> to vector<16xi32>
        %swap3A_915 = vector.shape_cast %select_n3A_911 : vector<16xi32> to vector<16xi32>
        tpu.vector_store %arg6[%swap3A_912], %swap3A_915 {strides = array<i32>} : memref<800xi32, #tpu.memory_space<vmem>>, vector<16xi32>,
        %mul3A_916 = arith.constant 80 : i32
        %mul3A_917 = arith.muli %add3A_594, %mul3A_916 : i32
        %add3A_918 = arith.addi %mul3A_2, %mul3A_917 : i32
        %add3A_919 = arith.constant 48 : i32
        %add3A_920 = arith.addi %add3A_918, %add3A_919 : i32
        %iota3A_921 = tpu.iota {dimensions = array<i32: 0>} : vector<16xi32>
        %add3A_922 = vector.broadcast %add3A_920 : i32 to vector<16xi32>
        %add3A_923 = arith.addi %add3A_922, %iota3A_921 : vector<16xi32>
        %mul3A_924 = arith.constant 34953 : i32
        %mul3A_925 = vector.broadcast %mul3A_924 : i32 to vector<16xi32>
        %mul3A_926 = arith.muli %add3A_923, %mul3A_925 : vector<16xi32>
        %shift_right_arithmetic3A_927 = arith.constant 21 : i32
        %shift_right_arithmetic3A_928 = vector.broadcast %shift_right_arithmetic3A_927 : i32 to vector<16xi32>
        %shift_right_arithmetic3A_929 = arith.shrsi %mul3A_926, %shift_right_arithmetic3A_928 : vector<16xi32>
        %mul3A_930 = arith.constant 60 : i32
        %mul3A_931 = vector.broadcast %mul3A_930 : i32 to vector<16xi32>
        %mul3A_932 = arith.muli %shift_right_arithmetic3A_929, %mul3A_931 : vector<16xi32>
        %mul3A_933 = arith.constant 80 : i32
        %mul3A_934 = arith.muli %add3A_594, %mul3A_933 : i32
        %add3A_935 = arith.constant 0 : i32
        %add3A_936 = arith.addi %add3A_935, %mul3A_934 : i32
        %add3A_937 = arith.constant 48 : i32
        %add3A_938 = arith.addi %add3A_936, %add3A_937 : i32
        %get3A_939 = arith.index_cast %add3A_938 : i32 to index
        %get3A_940 = tpu.vector_load %arg5[%get3A_939] {strides = array<i32>} : memref<9600xi32, #tpu.memory_space<vmem>>, vector<16xi32>,
        %get3A_941 = vector.shape_cast %get3A_940 : vector<16xi32> to vector<16xi32>
        %ge3A_942 = arith.constant 0 : i32
        %ge3A_943 = vector.broadcast %ge3A_942 : i32 to vector<16xi32>
        %ge3A_944 = arith.cmpi sge, %get3A_941, %ge3A_943 : vector<16xi32>
        %add3A_945 = arith.addi %mul3A_932, %get3A_941 : vector<16xi32>
        %select_n3A_946 = arith.select %ge3A_944, %add3A_945, %add3A_923 : vector<16xi1>, vector<16xi32>
        %swap3A_947 = arith.constant 48 : index
        %swap3A_948 = tpu.vector_load %arg6[%swap3A_947] {strides = array<i32>} : memref<800xi32, #tpu.memory_space<vmem>>, vector<16xi32>,
        %swap3A_949 = vector.shape_cast %swap3A_948 : vector<16xi32> to vector<16xi32>
        %swap3A_950 = vector.shape_cast %select_n3A_946 : vector<16xi32> to vector<16xi32>
        tpu.vector_store %arg6[%swap3A_947], %swap3A_950 {strides = array<i32>} : memref<800xi32, #tpu.memory_space<vmem>>, vector<16xi32>,
        %mul3A_951 = arith.constant 80 : i32
        %mul3A_952 = arith.muli %add3A_594, %mul3A_951 : i32
        %add3A_953 = arith.constant 1920 : i32
        %add3A_954 = arith.addi %add3A_953, %mul3A_952 : i32
        %add3A_955 = arith.constant 48 : i32
        %add3A_956 = arith.addi %add3A_954, %add3A_955 : i32
        %get3A_957 = arith.index_cast %add3A_956 : i32 to index
        %get3A_958 = tpu.vector_load %arg5[%get3A_957] {strides = array<i32>} : memref<9600xi32, #tpu.memory_space<vmem>>, vector<16xi32>,
        %get3A_959 = vector.shape_cast %get3A_958 : vector<16xi32> to vector<16xi32>
        %ge3A_960 = arith.constant 0 : i32
        %ge3A_961 = vector.broadcast %ge3A_960 : i32 to vector<16xi32>
        %ge3A_962 = arith.cmpi sge, %get3A_959, %ge3A_961 : vector<16xi32>
        %add3A_963 = arith.addi %mul3A_932, %get3A_959 : vector<16xi32>
        %select_n3A_964 = arith.select %ge3A_962, %add3A_963, %add3A_923 : vector<16xi1>, vector<16xi32>
        %swap3A_965 = arith.constant 128 : index
        %swap3A_966 = tpu.vector_load %arg6[%swap3A_965] {strides = array<i32>} : memref<800xi32, #tpu.memory_space<vmem>>, vector<16xi32>,
        %swap3A_967 = vector.shape_cast %swap3A_966 : vector<16xi32> to vector<16xi32>
        %swap3A_968 = vector.shape_cast %select_n3A_964 : vector<16xi32> to vector<16xi32>
        tpu.vector_store %arg6[%swap3A_965], %swap3A_968 {strides = array<i32>} : memref<800xi32, #tpu.memory_space<vmem>>, vector<16xi32>,
        %mul3A_969 = arith.constant 80 : i32
        %mul3A_970 = arith.muli %add3A_594, %mul3A_969 : i32
        %add3A_971 = arith.constant 3840 : i32
        %add3A_972 = arith.addi %add3A_971, %mul3A_970 : i32
        %add3A_973 = arith.constant 48 : i32
        %add3A_974 = arith.addi %add3A_972, %add3A_973 : i32
        %get3A_975 = arith.index_cast %add3A_974 : i32 to index
        %get3A_976 = tpu.vector_load %arg5[%get3A_975] {strides = array<i32>} : memref<9600xi32, #tpu.memory_space<vmem>>, vector<16xi32>,
        %get3A_977 = vector.shape_cast %get3A_976 : vector<16xi32> to vector<16xi32>
        %ge3A_978 = arith.constant 0 : i32
        %ge3A_979 = vector.broadcast %ge3A_978 : i32 to vector<16xi32>
        %ge3A_980 = arith.cmpi sge, %get3A_977, %ge3A_979 : vector<16xi32>
        %add3A_981 = arith.addi %mul3A_932, %get3A_977 : vector<16xi32>
        %select_n3A_982 = arith.select %ge3A_980, %add3A_981, %add3A_923 : vector<16xi1>, vector<16xi32>
        %swap3A_983 = arith.constant 208 : index
        %swap3A_984 = tpu.vector_load %arg6[%swap3A_983] {strides = array<i32>} : memref<800xi32, #tpu.memory_space<vmem>>, vector<16xi32>,
        %swap3A_985 = vector.shape_cast %swap3A_984 : vector<16xi32> to vector<16xi32>
        %swap3A_986 = vector.shape_cast %select_n3A_982 : vector<16xi32> to vector<16xi32>
        tpu.vector_store %arg6[%swap3A_983], %swap3A_986 {strides = array<i32>} : memref<800xi32, #tpu.memory_space<vmem>>, vector<16xi32>,
        %mul3A_987 = arith.constant 80 : i32
        %mul3A_988 = arith.muli %add3A_594, %mul3A_987 : i32
        %add3A_989 = arith.constant 5760 : i32
        %add3A_990 = arith.addi %add3A_989, %mul3A_988 : i32
        %add3A_991 = arith.constant 48 : i32
        %add3A_992 = arith.addi %add3A_990, %add3A_991 : i32
        %get3A_993 = arith.index_cast %add3A_992 : i32 to index
        %get3A_994 = tpu.vector_load %arg5[%get3A_993] {strides = array<i32>} : memref<9600xi32, #tpu.memory_space<vmem>>, vector<16xi32>,
        %get3A_995 = vector.shape_cast %get3A_994 : vector<16xi32> to vector<16xi32>
        %ge3A_996 = arith.constant 0 : i32
        %ge3A_997 = vector.broadcast %ge3A_996 : i32 to vector<16xi32>
        %ge3A_998 = arith.cmpi sge, %get3A_995, %ge3A_997 : vector<16xi32>
        %add3A_999 = arith.addi %mul3A_932, %get3A_995 : vector<16xi32>
        %select_n3A_1000 = arith.select %ge3A_998, %add3A_999, %add3A_923 : vector<16xi1>, vector<16xi32>
        %swap3A_1001 = arith.constant 288 : index
        %swap3A_1002 = tpu.vector_load %arg6[%swap3A_1001] {strides = array<i32>} : memref<800xi32, #tpu.memory_space<vmem>>, vector<16xi32>,
        %swap3A_1003 = vector.shape_cast %swap3A_1002 : vector<16xi32> to vector<16xi32>
        %swap3A_1004 = vector.shape_cast %select_n3A_1000 : vector<16xi32> to vector<16xi32>
        tpu.vector_store %arg6[%swap3A_1001], %swap3A_1004 {strides = array<i32>} : memref<800xi32, #tpu.memory_space<vmem>>, vector<16xi32>,
        %mul3A_1005 = arith.constant 80 : i32
        %mul3A_1006 = arith.muli %add3A_594, %mul3A_1005 : i32
        %add3A_1007 = arith.constant 7680 : i32
        %add3A_1008 = arith.addi %add3A_1007, %mul3A_1006 : i32
        %add3A_1009 = arith.constant 48 : i32
        %add3A_1010 = arith.addi %add3A_1008, %add3A_1009 : i32
        %get3A_1011 = arith.index_cast %add3A_1010 : i32 to index
        %get3A_1012 = tpu.vector_load %arg5[%get3A_1011] {strides = array<i32>} : memref<9600xi32, #tpu.memory_space<vmem>>, vector<16xi32>,
        %get3A_1013 = vector.shape_cast %get3A_1012 : vector<16xi32> to vector<16xi32>
        %ge3A_1014 = arith.constant 0 : i32
        %ge3A_1015 = vector.broadcast %ge3A_1014 : i32 to vector<16xi32>
        %ge3A_1016 = arith.cmpi sge, %get3A_1013, %ge3A_1015 : vector<16xi32>
        %add3A_1017 = arith.addi %mul3A_932, %get3A_1013 : vector<16xi32>
        %select_n3A_1018 = arith.select %ge3A_1016, %add3A_1017, %add3A_923 : vector<16xi1>, vector<16xi32>
        %swap3A_1019 = arith.constant 368 : index
        %swap3A_1020 = tpu.vector_load %arg6[%swap3A_1019] {strides = array<i32>} : memref<800xi32, #tpu.memory_space<vmem>>, vector<16xi32>,
        %swap3A_1021 = vector.shape_cast %swap3A_1020 : vector<16xi32> to vector<16xi32>
        %swap3A_1022 = vector.shape_cast %select_n3A_1018 : vector<16xi32> to vector<16xi32>
        tpu.vector_store %arg6[%swap3A_1019], %swap3A_1022 {strides = array<i32>} : memref<800xi32, #tpu.memory_space<vmem>>, vector<16xi32>,
        %mul3A_1023 = arith.constant 80 : i32
        %mul3A_1024 = arith.muli %add3A_594, %mul3A_1023 : i32
        %add3A_1025 = arith.addi %mul3A_2, %mul3A_1024 : i32
        %add3A_1026 = arith.constant 64 : i32
        %add3A_1027 = arith.addi %add3A_1025, %add3A_1026 : i32
        %iota3A_1028 = tpu.iota {dimensions = array<i32: 0>} : vector<16xi32>
        %add3A_1029 = vector.broadcast %add3A_1027 : i32 to vector<16xi32>
        %add3A_1030 = arith.addi %add3A_1029, %iota3A_1028 : vector<16xi32>
        %mul3A_1031 = arith.constant 34953 : i32
        %mul3A_1032 = vector.broadcast %mul3A_1031 : i32 to vector<16xi32>
        %mul3A_1033 = arith.muli %add3A_1030, %mul3A_1032 : vector<16xi32>
        %shift_right_arithmetic3A_1034 = arith.constant 21 : i32
        %shift_right_arithmetic3A_1035 = vector.broadcast %shift_right_arithmetic3A_1034 : i32 to vector<16xi32>
        %shift_right_arithmetic3A_1036 = arith.shrsi %mul3A_1033, %shift_right_arithmetic3A_1035 : vector<16xi32>
        %mul3A_1037 = arith.constant 60 : i32
        %mul3A_1038 = vector.broadcast %mul3A_1037 : i32 to vector<16xi32>
        %mul3A_1039 = arith.muli %shift_right_arithmetic3A_1036, %mul3A_1038 : vector<16xi32>
        %mul3A_1040 = arith.constant 80 : i32
        %mul3A_1041 = arith.muli %add3A_594, %mul3A_1040 : i32
        %add3A_1042 = arith.constant 0 : i32
        %add3A_1043 = arith.addi %add3A_1042, %mul3A_1041 : i32
        %add3A_1044 = arith.constant 64 : i32
        %add3A_1045 = arith.addi %add3A_1043, %add3A_1044 : i32
        %get3A_1046 = arith.index_cast %add3A_1045 : i32 to index
        %get3A_1047 = tpu.vector_load %arg5[%get3A_1046] {strides = array<i32>} : memref<9600xi32, #tpu.memory_space<vmem>>, vector<16xi32>,
        %get3A_1048 = vector.shape_cast %get3A_1047 : vector<16xi32> to vector<16xi32>
        %ge3A_1049 = arith.constant 0 : i32
        %ge3A_1050 = vector.broadcast %ge3A_1049 : i32 to vector<16xi32>
        %ge3A_1051 = arith.cmpi sge, %get3A_1048, %ge3A_1050 : vector<16xi32>
        %add3A_1052 = arith.addi %mul3A_1039, %get3A_1048 : vector<16xi32>
        %select_n3A_1053 = arith.select %ge3A_1051, %add3A_1052, %add3A_1030 : vector<16xi1>, vector<16xi32>
        %swap3A_1054 = arith.constant 64 : index
        %swap3A_1055 = tpu.vector_load %arg6[%swap3A_1054] {strides = array<i32>} : memref<800xi32, #tpu.memory_space<vmem>>, vector<16xi32>,
        %swap3A_1056 = vector.shape_cast %swap3A_1055 : vector<16xi32> to vector<16xi32>
        %swap3A_1057 = vector.shape_cast %select_n3A_1053 : vector<16xi32> to vector<16xi32>
        tpu.vector_store %arg6[%swap3A_1054], %swap3A_1057 {strides = array<i32>} : memref<800xi32, #tpu.memory_space<vmem>>, vector<16xi32>,
        %mul3A_1058 = arith.constant 80 : i32
        %mul3A_1059 = arith.muli %add3A_594, %mul3A_1058 : i32
        %add3A_1060 = arith.constant 1920 : i32
        %add3A_1061 = arith.addi %add3A_1060, %mul3A_1059 : i32
        %add3A_1062 = arith.constant 64 : i32
        %add3A_1063 = arith.addi %add3A_1061, %add3A_1062 : i32
        %get3A_1064 = arith.index_cast %add3A_1063 : i32 to index
        %get3A_1065 = tpu.vector_load %arg5[%get3A_1064] {strides = array<i32>} : memref<9600xi32, #tpu.memory_space<vmem>>, vector<16xi32>,
        %get3A_1066 = vector.shape_cast %get3A_1065 : vector<16xi32> to vector<16xi32>
        %ge3A_1067 = arith.constant 0 : i32
        %ge3A_1068 = vector.broadcast %ge3A_1067 : i32 to vector<16xi32>
        %ge3A_1069 = arith.cmpi sge, %get3A_1066, %ge3A_1068 : vector<16xi32>
        %add3A_1070 = arith.addi %mul3A_1039, %get3A_1066 : vector<16xi32>
        %select_n3A_1071 = arith.select %ge3A_1069, %add3A_1070, %add3A_1030 : vector<16xi1>, vector<16xi32>
        %swap3A_1072 = arith.constant 144 : index
        %swap3A_1073 = tpu.vector_load %arg6[%swap3A_1072] {strides = array<i32>} : memref<800xi32, #tpu.memory_space<vmem>>, vector<16xi32>,
        %swap3A_1074 = vector.shape_cast %swap3A_1073 : vector<16xi32> to vector<16xi32>
        %swap3A_1075 = vector.shape_cast %select_n3A_1071 : vector<16xi32> to vector<16xi32>
        tpu.vector_store %arg6[%swap3A_1072], %swap3A_1075 {strides = array<i32>} : memref<800xi32, #tpu.memory_space<vmem>>, vector<16xi32>,
        %mul3A_1076 = arith.constant 80 : i32
        %mul3A_1077 = arith.muli %add3A_594, %mul3A_1076 : i32
        %add3A_1078 = arith.constant 3840 : i32
        %add3A_1079 = arith.addi %add3A_1078, %mul3A_1077 : i32
        %add3A_1080 = arith.constant 64 : i32
        %add3A_1081 = arith.addi %add3A_1079, %add3A_1080 : i32
        %get3A_1082 = arith.index_cast %add3A_1081 : i32 to index
        %get3A_1083 = tpu.vector_load %arg5[%get3A_1082] {strides = array<i32>} : memref<9600xi32, #tpu.memory_space<vmem>>, vector<16xi32>,
        %get3A_1084 = vector.shape_cast %get3A_1083 : vector<16xi32> to vector<16xi32>
        %ge3A_1085 = arith.constant 0 : i32
        %ge3A_1086 = vector.broadcast %ge3A_1085 : i32 to vector<16xi32>
        %ge3A_1087 = arith.cmpi sge, %get3A_1084, %ge3A_1086 : vector<16xi32>
        %add3A_1088 = arith.addi %mul3A_1039, %get3A_1084 : vector<16xi32>
        %select_n3A_1089 = arith.select %ge3A_1087, %add3A_1088, %add3A_1030 : vector<16xi1>, vector<16xi32>
        %swap3A_1090 = arith.constant 224 : index
        %swap3A_1091 = tpu.vector_load %arg6[%swap3A_1090] {strides = array<i32>} : memref<800xi32, #tpu.memory_space<vmem>>, vector<16xi32>,
        %swap3A_1092 = vector.shape_cast %swap3A_1091 : vector<16xi32> to vector<16xi32>
        %swap3A_1093 = vector.shape_cast %select_n3A_1089 : vector<16xi32> to vector<16xi32>
        tpu.vector_store %arg6[%swap3A_1090], %swap3A_1093 {strides = array<i32>} : memref<800xi32, #tpu.memory_space<vmem>>, vector<16xi32>,
        %mul3A_1094 = arith.constant 80 : i32
        %mul3A_1095 = arith.muli %add3A_594, %mul3A_1094 : i32
        %add3A_1096 = arith.constant 5760 : i32
        %add3A_1097 = arith.addi %add3A_1096, %mul3A_1095 : i32
        %add3A_1098 = arith.constant 64 : i32
        %add3A_1099 = arith.addi %add3A_1097, %add3A_1098 : i32
        %get3A_1100 = arith.index_cast %add3A_1099 : i32 to index
        %get3A_1101 = tpu.vector_load %arg5[%get3A_1100] {strides = array<i32>} : memref<9600xi32, #tpu.memory_space<vmem>>, vector<16xi32>,
        %get3A_1102 = vector.shape_cast %get3A_1101 : vector<16xi32> to vector<16xi32>
        %ge3A_1103 = arith.constant 0 : i32
        %ge3A_1104 = vector.broadcast %ge3A_1103 : i32 to vector<16xi32>
        %ge3A_1105 = arith.cmpi sge, %get3A_1102, %ge3A_1104 : vector<16xi32>
        %add3A_1106 = arith.addi %mul3A_1039, %get3A_1102 : vector<16xi32>
        %select_n3A_1107 = arith.select %ge3A_1105, %add3A_1106, %add3A_1030 : vector<16xi1>, vector<16xi32>
        %swap3A_1108 = arith.constant 304 : index
        %swap3A_1109 = tpu.vector_load %arg6[%swap3A_1108] {strides = array<i32>} : memref<800xi32, #tpu.memory_space<vmem>>, vector<16xi32>,
        %swap3A_1110 = vector.shape_cast %swap3A_1109 : vector<16xi32> to vector<16xi32>
        %swap3A_1111 = vector.shape_cast %select_n3A_1107 : vector<16xi32> to vector<16xi32>
        tpu.vector_store %arg6[%swap3A_1108], %swap3A_1111 {strides = array<i32>} : memref<800xi32, #tpu.memory_space<vmem>>, vector<16xi32>,
        %mul3A_1112 = arith.constant 80 : i32
        %mul3A_1113 = arith.muli %add3A_594, %mul3A_1112 : i32
        %add3A_1114 = arith.constant 7680 : i32
        %add3A_1115 = arith.addi %add3A_1114, %mul3A_1113 : i32
        %add3A_1116 = arith.constant 64 : i32
        %add3A_1117 = arith.addi %add3A_1115, %add3A_1116 : i32
        %get3A_1118 = arith.index_cast %add3A_1117 : i32 to index
        %get3A_1119 = tpu.vector_load %arg5[%get3A_1118] {strides = array<i32>} : memref<9600xi32, #tpu.memory_space<vmem>>, vector<16xi32>,
        %get3A_1120 = vector.shape_cast %get3A_1119 : vector<16xi32> to vector<16xi32>
        %ge3A_1121 = arith.constant 0 : i32
        %ge3A_1122 = vector.broadcast %ge3A_1121 : i32 to vector<16xi32>
        %ge3A_1123 = arith.cmpi sge, %get3A_1120, %ge3A_1122 : vector<16xi32>
        %add3A_1124 = arith.addi %mul3A_1039, %get3A_1120 : vector<16xi32>
        %select_n3A_1125 = arith.select %ge3A_1123, %add3A_1124, %add3A_1030 : vector<16xi1>, vector<16xi32>
        %swap3A_1126 = arith.constant 384 : index
        %swap3A_1127 = tpu.vector_load %arg6[%swap3A_1126] {strides = array<i32>} : memref<800xi32, #tpu.memory_space<vmem>>, vector<16xi32>,
        %swap3A_1128 = vector.shape_cast %swap3A_1127 : vector<16xi32> to vector<16xi32>
        %swap3A_1129 = vector.shape_cast %select_n3A_1125 : vector<16xi32> to vector<16xi32>
        tpu.vector_store %arg6[%swap3A_1126], %swap3A_1129 {strides = array<i32>} : memref<800xi32, #tpu.memory_space<vmem>>, vector<16xi32>,
        %dma_start3A_1130 = arith.constant 0 : i32
        %dma_start3A_1131 = arith.constant 0 : i32
        %dma_start3A_1132 = arith.constant 0 : i32
        %dma_start3A_1133 = arith.constant 0 : i32
        %dma_start3A_1134 = tpu.memref_slice %arg7[%dma_start3A_1130, %dma_start3A_1131, %dma_start3A_1132, %dma_start3A_1133] : memref<2x5x80x128xf32, #tpu.memory_space<vmem>> -> memref<1x1x80x128xf32, #tpu.memory_space<vmem>>
        %dma_start3A_1135 = tpu.memref_squeeze %dma_start3A_1134 : memref<1x1x80x128xf32, #tpu.memory_space<vmem>> -> memref<80x128xf32, #tpu.memory_space<vmem>>
        %dma_start3A_1136 = arith.constant 0 : i32
        %dma_start3A_1137 = tpu.memref_slice %arg6[%dma_start3A_1136] : memref<800xi32, #tpu.memory_space<vmem>> -> memref<80xi32, #tpu.memory_space<vmem>>
        %dma_start3A_1138 = arith.constant 0 : i32
        %dma_start3A_1139 = arith.constant 0 : i32
        %dma_start3A_1140 = tpu.memref_slice %arg2[%dma_start3A_1138, %dma_start3A_1139] : memref<61440x128xf32, #tpu.memory_space<hbm>> -> memref<61440x128xf32, #tpu.memory_space<hbm>>
        tpu.enqueue_indirect_dma source(%dma_start3A_1140 : memref<61440x128xf32, #tpu.memory_space<hbm>>) target(%dma_start3A_1135 : memref<80x128xf32, #tpu.memory_space<vmem>>) offsets(%dma_start3A_1137 : memref<80xi32, #tpu.memory_space<vmem>>) semaphore(%arg8 : memref<!tpu.dma_semaphore, #tpu.memory_space<semaphore_mem>>)
        %dma_start3A_1141 = arith.constant 0 : i32
        %dma_start3A_1142 = arith.constant 1 : i32
        %dma_start3A_1143 = arith.constant 0 : i32
        %dma_start3A_1144 = arith.constant 0 : i32
        %dma_start3A_1145 = tpu.memref_slice %arg7[%dma_start3A_1141, %dma_start3A_1142, %dma_start3A_1143, %dma_start3A_1144] : memref<2x5x80x128xf32, #tpu.memory_space<vmem>> -> memref<1x1x80x128xf32, #tpu.memory_space<vmem>>
        %dma_start3A_1146 = tpu.memref_squeeze %dma_start3A_1145 : memref<1x1x80x128xf32, #tpu.memory_space<vmem>> -> memref<80x128xf32, #tpu.memory_space<vmem>>
        %dma_start3A_1147 = arith.constant 80 : i32
        %dma_start3A_1148 = tpu.memref_slice %arg6[%dma_start3A_1147] : memref<800xi32, #tpu.memory_space<vmem>> -> memref<80xi32, #tpu.memory_space<vmem>>
        %dma_start3A_1149 = arith.constant 0 : i32
        %dma_start3A_1150 = arith.constant 0 : i32
        %dma_start3A_1151 = tpu.memref_slice %arg2[%dma_start3A_1149, %dma_start3A_1150] : memref<61440x128xf32, #tpu.memory_space<hbm>> -> memref<61440x128xf32, #tpu.memory_space<hbm>>
        tpu.enqueue_indirect_dma source(%dma_start3A_1151 : memref<61440x128xf32, #tpu.memory_space<hbm>>) target(%dma_start3A_1146 : memref<80x128xf32, #tpu.memory_space<vmem>>) offsets(%dma_start3A_1148 : memref<80xi32, #tpu.memory_space<vmem>>) semaphore(%arg8 : memref<!tpu.dma_semaphore, #tpu.memory_space<semaphore_mem>>)
        %dma_start3A_1152 = arith.constant 0 : i32
        %dma_start3A_1153 = arith.constant 2 : i32
        %dma_start3A_1154 = arith.constant 0 : i32
        %dma_start3A_1155 = arith.constant 0 : i32
        %dma_start3A_1156 = tpu.memref_slice %arg7[%dma_start3A_1152, %dma_start3A_1153, %dma_start3A_1154, %dma_start3A_1155] : memref<2x5x80x128xf32, #tpu.memory_space<vmem>> -> memref<1x1x80x128xf32, #tpu.memory_space<vmem>>
        %dma_start3A_1157 = tpu.memref_squeeze %dma_start3A_1156 : memref<1x1x80x128xf32, #tpu.memory_space<vmem>> -> memref<80x128xf32, #tpu.memory_space<vmem>>
        %dma_start3A_1158 = arith.constant 160 : i32
        %dma_start3A_1159 = tpu.memref_slice %arg6[%dma_start3A_1158] : memref<800xi32, #tpu.memory_space<vmem>> -> memref<80xi32, #tpu.memory_space<vmem>>
        %dma_start3A_1160 = arith.constant 0 : i32
        %dma_start3A_1161 = arith.constant 0 : i32
        %dma_start3A_1162 = tpu.memref_slice %arg2[%dma_start3A_1160, %dma_start3A_1161] : memref<61440x128xf32, #tpu.memory_space<hbm>> -> memref<61440x128xf32, #tpu.memory_space<hbm>>
        tpu.enqueue_indirect_dma source(%dma_start3A_1162 : memref<61440x128xf32, #tpu.memory_space<hbm>>) target(%dma_start3A_1157 : memref<80x128xf32, #tpu.memory_space<vmem>>) offsets(%dma_start3A_1159 : memref<80xi32, #tpu.memory_space<vmem>>) semaphore(%arg8 : memref<!tpu.dma_semaphore, #tpu.memory_space<semaphore_mem>>)
        %dma_start3A_1163 = arith.constant 0 : i32
        %dma_start3A_1164 = arith.constant 3 : i32
        %dma_start3A_1165 = arith.constant 0 : i32
        %dma_start3A_1166 = arith.constant 0 : i32
        %dma_start3A_1167 = tpu.memref_slice %arg7[%dma_start3A_1163, %dma_start3A_1164, %dma_start3A_1165, %dma_start3A_1166] : memref<2x5x80x128xf32, #tpu.memory_space<vmem>> -> memref<1x1x80x128xf32, #tpu.memory_space<vmem>>
        %dma_start3A_1168 = tpu.memref_squeeze %dma_start3A_1167 : memref<1x1x80x128xf32, #tpu.memory_space<vmem>> -> memref<80x128xf32, #tpu.memory_space<vmem>>
        %dma_start3A_1169 = arith.constant 240 : i32
        %dma_start3A_1170 = tpu.memref_slice %arg6[%dma_start3A_1169] : memref<800xi32, #tpu.memory_space<vmem>> -> memref<80xi32, #tpu.memory_space<vmem>>
        %dma_start3A_1171 = arith.constant 0 : i32
        %dma_start3A_1172 = arith.constant 0 : i32
        %dma_start3A_1173 = tpu.memref_slice %arg2[%dma_start3A_1171, %dma_start3A_1172] : memref<61440x128xf32, #tpu.memory_space<hbm>> -> memref<61440x128xf32, #tpu.memory_space<hbm>>
        tpu.enqueue_indirect_dma source(%dma_start3A_1173 : memref<61440x128xf32, #tpu.memory_space<hbm>>) target(%dma_start3A_1168 : memref<80x128xf32, #tpu.memory_space<vmem>>) offsets(%dma_start3A_1170 : memref<80xi32, #tpu.memory_space<vmem>>) semaphore(%arg8 : memref<!tpu.dma_semaphore, #tpu.memory_space<semaphore_mem>>)
        %dma_start3A_1174 = arith.constant 0 : i32
        %dma_start3A_1175 = arith.constant 4 : i32
        %dma_start3A_1176 = arith.constant 0 : i32
        %dma_start3A_1177 = arith.constant 0 : i32
        %dma_start3A_1178 = tpu.memref_slice %arg7[%dma_start3A_1174, %dma_start3A_1175, %dma_start3A_1176, %dma_start3A_1177] : memref<2x5x80x128xf32, #tpu.memory_space<vmem>> -> memref<1x1x80x128xf32, #tpu.memory_space<vmem>>
        %dma_start3A_1179 = tpu.memref_squeeze %dma_start3A_1178 : memref<1x1x80x128xf32, #tpu.memory_space<vmem>> -> memref<80x128xf32, #tpu.memory_space<vmem>>
        %dma_start3A_1180 = arith.constant 320 : i32
        %dma_start3A_1181 = tpu.memref_slice %arg6[%dma_start3A_1180] : memref<800xi32, #tpu.memory_space<vmem>> -> memref<80xi32, #tpu.memory_space<vmem>>
        %dma_start3A_1182 = arith.constant 0 : i32
        %dma_start3A_1183 = arith.constant 0 : i32
        %dma_start3A_1184 = tpu.memref_slice %arg2[%dma_start3A_1182, %dma_start3A_1183] : memref<61440x128xf32, #tpu.memory_space<hbm>> -> memref<61440x128xf32, #tpu.memory_space<hbm>>
        tpu.enqueue_indirect_dma source(%dma_start3A_1184 : memref<61440x128xf32, #tpu.memory_space<hbm>>) target(%dma_start3A_1179 : memref<80x128xf32, #tpu.memory_space<vmem>>) offsets(%dma_start3A_1181 : memref<80xi32, #tpu.memory_space<vmem>>) semaphore(%arg8 : memref<!tpu.dma_semaphore, #tpu.memory_space<semaphore_mem>>)
      } else {
      }
      %dma_wait3A_528 = arith.constant 1 : i32
      %dma_wait3A_529 = arith.constant 0 : i32
      %dma_wait3A_530 = arith.constant 0 : i32
      %dma_wait3A_531 = arith.constant 0 : i32
      %dma_wait3A_532 = tpu.memref_slice %arg7[%dma_wait3A_528, %dma_wait3A_529, %dma_wait3A_530, %dma_wait3A_531] : memref<2x5x80x128xf32, #tpu.memory_space<vmem>> -> memref<1x1x80x128xf32, #tpu.memory_space<vmem>>
      %dma_wait3A_533 = tpu.memref_squeeze %dma_wait3A_532 : memref<1x1x80x128xf32, #tpu.memory_space<vmem>> -> memref<80x128xf32, #tpu.memory_space<vmem>>
      %dma_wait3A_534 = arith.constant 400 : i32
      %dma_wait3A_535 = tpu.memref_slice %arg6[%dma_wait3A_534] : memref<800xi32, #tpu.memory_space<vmem>> -> memref<80xi32, #tpu.memory_space<vmem>>
      %dma_wait3A_536 = arith.constant 0 : i32
      %dma_wait3A_537 = arith.constant 0 : i32
      %dma_wait3A_538 = tpu.memref_slice %arg2[%dma_wait3A_536, %dma_wait3A_537] : memref<61440x128xf32, #tpu.memory_space<hbm>> -> memref<61440x128xf32, #tpu.memory_space<hbm>>
      tpu.wait_indirect_dma semaphore(%arg9 : memref<!tpu.dma_semaphore, #tpu.memory_space<semaphore_mem>>) src(%dma_wait3A_538 : memref<61440x128xf32, #tpu.memory_space<hbm>>) dst(%dma_wait3A_533 : memref<80x128xf32, #tpu.memory_space<vmem>>)
      %dma_wait3A_539 = arith.constant 1 : i32
      %dma_wait3A_540 = arith.constant 1 : i32
      %dma_wait3A_541 = arith.constant 0 : i32
      %dma_wait3A_542 = arith.constant 0 : i32
      %dma_wait3A_543 = tpu.memref_slice %arg7[%dma_wait3A_539, %dma_wait3A_540, %dma_wait3A_541, %dma_wait3A_542] : memref<2x5x80x128xf32, #tpu.memory_space<vmem>> -> memref<1x1x80x128xf32, #tpu.memory_space<vmem>>
      %dma_wait3A_544 = tpu.memref_squeeze %dma_wait3A_543 : memref<1x1x80x128xf32, #tpu.memory_space<vmem>> -> memref<80x128xf32, #tpu.memory_space<vmem>>
      %dma_wait3A_545 = arith.constant 480 : i32
      %dma_wait3A_546 = tpu.memref_slice %arg6[%dma_wait3A_545] : memref<800xi32, #tpu.memory_space<vmem>> -> memref<80xi32, #tpu.memory_space<vmem>>
      %dma_wait3A_547 = arith.constant 0 : i32
      %dma_wait3A_548 = arith.constant 0 : i32
      %dma_wait3A_549 = tpu.memref_slice %arg2[%dma_wait3A_547, %dma_wait3A_548] : memref<61440x128xf32, #tpu.memory_space<hbm>> -> memref<61440x128xf32, #tpu.memory_space<hbm>>
      tpu.wait_indirect_dma semaphore(%arg9 : memref<!tpu.dma_semaphore, #tpu.memory_space<semaphore_mem>>) src(%dma_wait3A_549 : memref<61440x128xf32, #tpu.memory_space<hbm>>) dst(%dma_wait3A_544 : memref<80x128xf32, #tpu.memory_space<vmem>>)
      %dma_wait3A_550 = arith.constant 1 : i32
      %dma_wait3A_551 = arith.constant 2 : i32
      %dma_wait3A_552 = arith.constant 0 : i32
      %dma_wait3A_553 = arith.constant 0 : i32
      %dma_wait3A_554 = tpu.memref_slice %arg7[%dma_wait3A_550, %dma_wait3A_551, %dma_wait3A_552, %dma_wait3A_553] : memref<2x5x80x128xf32, #tpu.memory_space<vmem>> -> memref<1x1x80x128xf32, #tpu.memory_space<vmem>>
      %dma_wait3A_555 = tpu.memref_squeeze %dma_wait3A_554 : memref<1x1x80x128xf32, #tpu.memory_space<vmem>> -> memref<80x128xf32, #tpu.memory_space<vmem>>
      %dma_wait3A_556 = arith.constant 560 : i32
      %dma_wait3A_557 = tpu.memref_slice %arg6[%dma_wait3A_556] : memref<800xi32, #tpu.memory_space<vmem>> -> memref<80xi32, #tpu.memory_space<vmem>>
      %dma_wait3A_558 = arith.constant 0 : i32
      %dma_wait3A_559 = arith.constant 0 : i32
      %dma_wait3A_560 = tpu.memref_slice %arg2[%dma_wait3A_558, %dma_wait3A_559] : memref<61440x128xf32, #tpu.memory_space<hbm>> -> memref<61440x128xf32, #tpu.memory_space<hbm>>
      tpu.wait_indirect_dma semaphore(%arg9 : memref<!tpu.dma_semaphore, #tpu.memory_space<semaphore_mem>>) src(%dma_wait3A_560 : memref<61440x128xf32, #tpu.memory_space<hbm>>) dst(%dma_wait3A_555 : memref<80x128xf32, #tpu.memory_space<vmem>>)
      %dma_wait3A_561 = arith.constant 1 : i32
      %dma_wait3A_562 = arith.constant 3 : i32
      %dma_wait3A_563 = arith.constant 0 : i32
      %dma_wait3A_564 = arith.constant 0 : i32
      %dma_wait3A_565 = tpu.memref_slice %arg7[%dma_wait3A_561, %dma_wait3A_562, %dma_wait3A_563, %dma_wait3A_564] : memref<2x5x80x128xf32, #tpu.memory_space<vmem>> -> memref<1x1x80x128xf32, #tpu.memory_space<vmem>>
      %dma_wait3A_566 = tpu.memref_squeeze %dma_wait3A_565 : memref<1x1x80x128xf32, #tpu.memory_space<vmem>> -> memref<80x128xf32, #tpu.memory_space<vmem>>
      %dma_wait3A_567 = arith.constant 640 : i32
      %dma_wait3A_568 = tpu.memref_slice %arg6[%dma_wait3A_567] : memref<800xi32, #tpu.memory_space<vmem>> -> memref<80xi32, #tpu.memory_space<vmem>>
      %dma_wait3A_569 = arith.constant 0 : i32
      %dma_wait3A_570 = arith.constant 0 : i32
      %dma_wait3A_571 = tpu.memref_slice %arg2[%dma_wait3A_569, %dma_wait3A_570] : memref<61440x128xf32, #tpu.memory_space<hbm>> -> memref<61440x128xf32, #tpu.memory_space<hbm>>
      tpu.wait_indirect_dma semaphore(%arg9 : memref<!tpu.dma_semaphore, #tpu.memory_space<semaphore_mem>>) src(%dma_wait3A_571 : memref<61440x128xf32, #tpu.memory_space<hbm>>) dst(%dma_wait3A_566 : memref<80x128xf32, #tpu.memory_space<vmem>>)
      %dma_wait3A_572 = arith.constant 1 : i32
      %dma_wait3A_573 = arith.constant 4 : i32
      %dma_wait3A_574 = arith.constant 0 : i32
      %dma_wait3A_575 = arith.constant 0 : i32
      %dma_wait3A_576 = tpu.memref_slice %arg7[%dma_wait3A_572, %dma_wait3A_573, %dma_wait3A_574, %dma_wait3A_575] : memref<2x5x80x128xf32, #tpu.memory_space<vmem>> -> memref<1x1x80x128xf32, #tpu.memory_space<vmem>>
      %dma_wait3A_577 = tpu.memref_squeeze %dma_wait3A_576 : memref<1x1x80x128xf32, #tpu.memory_space<vmem>> -> memref<80x128xf32, #tpu.memory_space<vmem>>
      %dma_wait3A_578 = arith.constant 720 : i32
      %dma_wait3A_579 = tpu.memref_slice %arg6[%dma_wait3A_578] : memref<800xi32, #tpu.memory_space<vmem>> -> memref<80xi32, #tpu.memory_space<vmem>>
      %dma_wait3A_580 = arith.constant 0 : i32
      %dma_wait3A_581 = arith.constant 0 : i32
      %dma_wait3A_582 = tpu.memref_slice %arg2[%dma_wait3A_580, %dma_wait3A_581] : memref<61440x128xf32, #tpu.memory_space<hbm>> -> memref<61440x128xf32, #tpu.memory_space<hbm>>
      tpu.wait_indirect_dma semaphore(%arg9 : memref<!tpu.dma_semaphore, #tpu.memory_space<semaphore_mem>>) src(%dma_wait3A_582 : memref<61440x128xf32, #tpu.memory_space<hbm>>) dst(%dma_wait3A_577 : memref<80x128xf32, #tpu.memory_space<vmem>>)
      %scan3A_583 = arith.constant 0 : i32
      %scan3A_584 = arith.constant 80 : i32
      %scan3A_585 = arith.addi %scan3A_583, %scan3A_584 : i32
      %scan3A_586 = arith.constant 1 : i32
      scf.for %scan3A_593 = %scan3A_583 to %scan3A_585 step %scan3A_586  : i32 {
        %mul3A_594 = arith.constant 8 : i32
        %mul3A_595 = arith.muli %scan3A_593, %mul3A_594 : i32
        %add3A_596 = arith.constant 0 : i32
        %add3A_597 = arith.addi %mul3A_595, %add3A_596 : i32
        %jit3A = arith.constant 8 : i32
        %div3A = arith.divsi %add3A_597, %jit3A : i32
        %sign3A = arith.constant 0 : i32
        %sign3A_598 = arith.cmpi sgt, %add3A_597, %sign3A : i32
        %sign3A_599 = arith.extui %sign3A_598 : i1 to i32
        %sign3A_600 = arith.constant 0 : i32
        %sign3A_601 = arith.cmpi slt, %add3A_597, %sign3A_600 : i32
        %sign3A_602 = arith.extui %sign3A_601 : i1 to i32
        %sign3A_603 = arith.subi %sign3A_599, %sign3A_602 : i32
        %sign3A_604 = arith.constant 0 : i32
        %sign3A_605 = arith.cmpi sgt, %jit3A, %sign3A_604 : i32
        %sign3A_606 = arith.extui %sign3A_605 : i1 to i32
        %sign3A_607 = arith.constant 0 : i32
        %sign3A_608 = arith.cmpi slt, %jit3A, %sign3A_607 : i32
        %sign3A_609 = arith.extui %sign3A_608 : i1 to i32
        %sign3A_610 = arith.subi %sign3A_606, %sign3A_609 : i32
        %ne3A = arith.cmpi ne, %sign3A_603, %sign3A_610 : i32
        %rem3A = arith.remsi %add3A_597, %jit3A : i32
        %ne3A_611 = arith.constant 0 : i32
        %ne3A_612 = arith.cmpi ne, %rem3A, %ne3A_611 : i32
        %and3A = arith.andi %ne3A, %ne3A_612 : i1
        %sub3A = arith.constant 1 : i32
        %sub3A_613 = arith.subi %div3A, %sub3A : i32
        %select_n3A_614 = arith.select %and3A, %sub3A_613, %div3A : i32
        %jit3A_615 = arith.constant 8 : i32
        %eq3A = arith.constant 0 : i32
        %eq3A_616 = arith.cmpi eq, %jit3A_615, %eq3A : i32
        %jit3A_617 = arith.constant 1 : i32
        %select_n3A_618 = arith.select %eq3A_616, %jit3A_617, %jit3A_615 : i32
        %rem3A_619 = arith.remsi %add3A_597, %select_n3A_618 : i32
        %ne3A_620 = arith.constant 0 : i32
        %ne3A_621 = arith.cmpi ne, %rem3A_619, %ne3A_620 : i32
        %lt3A_622 = arith.constant 0 : i32
        %lt3A_623 = arith.cmpi slt, %rem3A_619, %lt3A_622 : i32
        %lt3A_624 = arith.constant 0 : i32
        %lt3A_625 = arith.cmpi slt, %select_n3A_618, %lt3A_624 : i32
        %ne3A_626 = arith.xori %lt3A_623, %lt3A_625 : i1
        %and3A_627 = arith.andi %ne3A_626, %ne3A_621 : i1
        %add3A_628 = arith.addi %rem3A_619, %select_n3A_618 : i32
        %select_n3A_629 = arith.select %and3A_627, %add3A_628, %rem3A_619 : i32
        %mul3A_630 = arith.constant 16 : i32
        %mul3A_631 = arith.muli %select_n3A_629, %mul3A_630 : i32
        %get3A_632 = arith.constant 1 : i32
        %get3A_633 = arith.constant 0 : i32
        %get3A_634 = arith.index_cast %get3A_632 : i32 to index
        %get3A_635 = arith.index_cast %get3A_633 : i32 to index
        %get3A_636 = arith.index_cast %select_n3A_614 : i32 to index
        %get3A_637 = arith.index_cast %mul3A_631 : i32 to index
        %get3A_638 = tpu.vector_load %arg7[%get3A_634, %get3A_635, %get3A_636, %get3A_637] {strides = array<i32>} : memref<2x5x80x128xf32, #tpu.memory_space<vmem>>, vector<1x1x1x16xf32>,
        %get3A_639 = vector.shape_cast %get3A_638 : vector<1x1x1x16xf32> to vector<16xf32>
        %get3A_640 = arith.constant 1 : i32
        %get3A_641 = arith.constant 1 : i32
        %get3A_642 = arith.index_cast %get3A_640 : i32 to index
        %get3A_643 = arith.index_cast %get3A_641 : i32 to index
        %get3A_644 = arith.index_cast %select_n3A_614 : i32 to index
        %get3A_645 = arith.index_cast %mul3A_631 : i32 to index
        %get3A_646 = tpu.vector_load %arg7[%get3A_642, %get3A_643, %get3A_644, %get3A_645] {strides = array<i32>} : memref<2x5x80x128xf32, #tpu.memory_space<vmem>>, vector<1x1x1x16xf32>,
        %get3A_647 = vector.shape_cast %get3A_646 : vector<1x1x1x16xf32> to vector<16xf32>
        %add3A_648 = arith.addf %get3A_639, %get3A_647 : vector<16xf32>
        %get3A_649 = arith.constant 1 : i32
        %get3A_650 = arith.constant 2 : i32
        %get3A_651 = arith.index_cast %get3A_649 : i32 to index
        %get3A_652 = arith.index_cast %get3A_650 : i32 to index
        %get3A_653 = arith.index_cast %select_n3A_614 : i32 to index
        %get3A_654 = arith.index_cast %mul3A_631 : i32 to index
        %get3A_655 = tpu.vector_load %arg7[%get3A_651, %get3A_652, %get3A_653, %get3A_654] {strides = array<i32>} : memref<2x5x80x128xf32, #tpu.memory_space<vmem>>, vector<1x1x1x16xf32>,
        %get3A_656 = vector.shape_cast %get3A_655 : vector<1x1x1x16xf32> to vector<16xf32>
        %get3A_657 = arith.constant 1 : i32
        %get3A_658 = arith.constant 3 : i32
        %get3A_659 = arith.index_cast %get3A_657 : i32 to index
        %get3A_660 = arith.index_cast %get3A_658 : i32 to index
        %get3A_661 = arith.index_cast %select_n3A_614 : i32 to index
        %get3A_662 = arith.index_cast %mul3A_631 : i32 to index
        %get3A_663 = tpu.vector_load %arg7[%get3A_659, %get3A_660, %get3A_661, %get3A_662] {strides = array<i32>} : memref<2x5x80x128xf32, #tpu.memory_space<vmem>>, vector<1x1x1x16xf32>,
        %get3A_664 = vector.shape_cast %get3A_663 : vector<1x1x1x16xf32> to vector<16xf32>
        %add3A_665 = arith.addf %get3A_656, %get3A_664 : vector<16xf32>
        %add3A_666 = arith.addf %add3A_648, %add3A_665 : vector<16xf32>
        %get3A_667 = arith.constant 1 : i32
        %get3A_668 = arith.constant 4 : i32
        %get3A_669 = arith.index_cast %get3A_667 : i32 to index
        %get3A_670 = arith.index_cast %get3A_668 : i32 to index
        %get3A_671 = arith.index_cast %select_n3A_614 : i32 to index
        %get3A_672 = arith.index_cast %mul3A_631 : i32 to index
        %get3A_673 = tpu.vector_load %arg7[%get3A_669, %get3A_670, %get3A_671, %get3A_672] {strides = array<i32>} : memref<2x5x80x128xf32, #tpu.memory_space<vmem>>, vector<1x1x1x16xf32>,
        %get3A_674 = vector.shape_cast %get3A_673 : vector<1x1x1x16xf32> to vector<16xf32>
        %add3A_675 = arith.addf %add3A_666, %get3A_674 : vector<16xf32>
        %swap3A_676 = arith.constant 1 : i32
        %swap3A_677 = arith.constant 0 : i32
        %swap3A_678 = arith.index_cast %swap3A_676 : i32 to index
        %swap3A_679 = arith.index_cast %swap3A_677 : i32 to index
        %swap3A_680 = arith.index_cast %select_n3A_614 : i32 to index
        %swap3A_681 = arith.index_cast %mul3A_631 : i32 to index
        %swap3A_682 = tpu.vector_load %arg7[%swap3A_678, %swap3A_679, %swap3A_680, %swap3A_681] {strides = array<i32>} : memref<2x5x80x128xf32, #tpu.memory_space<vmem>>, vector<1x1x1x16xf32>,
        %swap3A_683 = vector.shape_cast %swap3A_682 : vector<1x1x1x16xf32> to vector<16xf32>
        %swap3A_684 = vector.shape_cast %add3A_675 : vector<16xf32> to vector<1x1x1x16xf32>
        tpu.vector_store %arg7[%swap3A_678, %swap3A_679, %swap3A_680, %swap3A_681], %swap3A_684 {strides = array<i32>} : memref<2x5x80x128xf32, #tpu.memory_space<vmem>>, vector<1x1x1x16xf32>,
        %mul3A_685 = arith.constant 8 : i32
        %mul3A_686 = arith.muli %scan3A_593, %mul3A_685 : i32
        %add3A_687 = arith.constant 1 : i32
        %add3A_688 = arith.addi %mul3A_686, %add3A_687 : i32
        %jit3A_689 = arith.constant 8 : i32
        %div3A_690 = arith.divsi %add3A_688, %jit3A_689 : i32
        %sign3A_691 = arith.constant 0 : i32
        %sign3A_692 = arith.cmpi sgt, %add3A_688, %sign3A_691 : i32
        %sign3A_693 = arith.extui %sign3A_692 : i1 to i32
        %sign3A_694 = arith.constant 0 : i32
        %sign3A_695 = arith.cmpi slt, %add3A_688, %sign3A_694 : i32
        %sign3A_696 = arith.extui %sign3A_695 : i1 to i32
        %sign3A_697 = arith.subi %sign3A_693, %sign3A_696 : i32
        %sign3A_698 = arith.constant 0 : i32
        %sign3A_699 = arith.cmpi sgt, %jit3A_689, %sign3A_698 : i32
        %sign3A_700 = arith.extui %sign3A_699 : i1 to i32
        %sign3A_701 = arith.constant 0 : i32
        %sign3A_702 = arith.cmpi slt, %jit3A_689, %sign3A_701 : i32
        %sign3A_703 = arith.extui %sign3A_702 : i1 to i32
        %sign3A_704 = arith.subi %sign3A_700, %sign3A_703 : i32
        %ne3A_705 = arith.cmpi ne, %sign3A_697, %sign3A_704 : i32
        %rem3A_706 = arith.remsi %add3A_688, %jit3A_689 : i32
        %ne3A_707 = arith.constant 0 : i32
        %ne3A_708 = arith.cmpi ne, %rem3A_706, %ne3A_707 : i32
        %and3A_709 = arith.andi %ne3A_705, %ne3A_708 : i1
        %sub3A_710 = arith.constant 1 : i32
        %sub3A_711 = arith.subi %div3A_690, %sub3A_710 : i32
        %select_n3A_712 = arith.select %and3A_709, %sub3A_711, %div3A_690 : i32
        %jit3A_713 = arith.constant 8 : i32
        %eq3A_714 = arith.constant 0 : i32
        %eq3A_715 = arith.cmpi eq, %jit3A_713, %eq3A_714 : i32
        %jit3A_716 = arith.constant 1 : i32
        %select_n3A_717 = arith.select %eq3A_715, %jit3A_716, %jit3A_713 : i32
        %rem3A_718 = arith.remsi %add3A_688, %select_n3A_717 : i32
        %ne3A_719 = arith.constant 0 : i32
        %ne3A_720 = arith.cmpi ne, %rem3A_718, %ne3A_719 : i32
        %lt3A_721 = arith.constant 0 : i32
        %lt3A_722 = arith.cmpi slt, %rem3A_718, %lt3A_721 : i32
        %lt3A_723 = arith.constant 0 : i32
        %lt3A_724 = arith.cmpi slt, %select_n3A_717, %lt3A_723 : i32
        %ne3A_725 = arith.xori %lt3A_722, %lt3A_724 : i1
        %and3A_726 = arith.andi %ne3A_725, %ne3A_720 : i1
        %add3A_727 = arith.addi %rem3A_718, %select_n3A_717 : i32
        %select_n3A_728 = arith.select %and3A_726, %add3A_727, %rem3A_718 : i32
        %mul3A_729 = arith.constant 16 : i32
        %mul3A_730 = arith.muli %select_n3A_728, %mul3A_729 : i32
        %get3A_731 = arith.constant 1 : i32
        %get3A_732 = arith.constant 0 : i32
        %get3A_733 = arith.index_cast %get3A_731 : i32 to index
        %get3A_734 = arith.index_cast %get3A_732 : i32 to index
        %get3A_735 = arith.index_cast %select_n3A_712 : i32 to index
        %get3A_736 = arith.index_cast %mul3A_730 : i32 to index
        %get3A_737 = tpu.vector_load %arg7[%get3A_733, %get3A_734, %get3A_735, %get3A_736] {strides = array<i32>} : memref<2x5x80x128xf32, #tpu.memory_space<vmem>>, vector<1x1x1x16xf32>,
        %get3A_738 = vector.shape_cast %get3A_737 : vector<1x1x1x16xf32> to vector<16xf32>
        %get3A_739 = arith.constant 1 : i32
        %get3A_740 = arith.constant 1 : i32
        %get3A_741 = arith.index_cast %get3A_739 : i32 to index
        %get3A_742 = arith.index_cast %get3A_740 : i32 to index
        %get3A_743 = arith.index_cast %select_n3A_712 : i32 to index
        %get3A_744 = arith.index_cast %mul3A_730 : i32 to index
        %get3A_745 = tpu.vector_load %arg7[%get3A_741, %get3A_742, %get3A_743, %get3A_744] {strides = array<i32>} : memref<2x5x80x128xf32, #tpu.memory_space<vmem>>, vector<1x1x1x16xf32>,
        %get3A_746 = vector.shape_cast %get3A_745 : vector<1x1x1x16xf32> to vector<16xf32>
        %add3A_747 = arith.addf %get3A_738, %get3A_746 : vector<16xf32>
        %get3A_748 = arith.constant 1 : i32
        %get3A_749 = arith.constant 2 : i32
        %get3A_750 = arith.index_cast %get3A_748 : i32 to index
        %get3A_751 = arith.index_cast %get3A_749 : i32 to index
        %get3A_752 = arith.index_cast %select_n3A_712 : i32 to index
        %get3A_753 = arith.index_cast %mul3A_730 : i32 to index
        %get3A_754 = tpu.vector_load %arg7[%get3A_750, %get3A_751, %get3A_752, %get3A_753] {strides = array<i32>} : memref<2x5x80x128xf32, #tpu.memory_space<vmem>>, vector<1x1x1x16xf32>,
        %get3A_755 = vector.shape_cast %get3A_754 : vector<1x1x1x16xf32> to vector<16xf32>
        %get3A_756 = arith.constant 1 : i32
        %get3A_757 = arith.constant 3 : i32
        %get3A_758 = arith.index_cast %get3A_756 : i32 to index
        %get3A_759 = arith.index_cast %get3A_757 : i32 to index
        %get3A_760 = arith.index_cast %select_n3A_712 : i32 to index
        %get3A_761 = arith.index_cast %mul3A_730 : i32 to index
        %get3A_762 = tpu.vector_load %arg7[%get3A_758, %get3A_759, %get3A_760, %get3A_761] {strides = array<i32>} : memref<2x5x80x128xf32, #tpu.memory_space<vmem>>, vector<1x1x1x16xf32>,
        %get3A_763 = vector.shape_cast %get3A_762 : vector<1x1x1x16xf32> to vector<16xf32>
        %add3A_764 = arith.addf %get3A_755, %get3A_763 : vector<16xf32>
        %add3A_765 = arith.addf %add3A_747, %add3A_764 : vector<16xf32>
        %get3A_766 = arith.constant 1 : i32
        %get3A_767 = arith.constant 4 : i32
        %get3A_768 = arith.index_cast %get3A_766 : i32 to index
        %get3A_769 = arith.index_cast %get3A_767 : i32 to index
        %get3A_770 = arith.index_cast %select_n3A_712 : i32 to index
        %get3A_771 = arith.index_cast %mul3A_730 : i32 to index
        %get3A_772 = tpu.vector_load %arg7[%get3A_768, %get3A_769, %get3A_770, %get3A_771] {strides = array<i32>} : memref<2x5x80x128xf32, #tpu.memory_space<vmem>>, vector<1x1x1x16xf32>,
        %get3A_773 = vector.shape_cast %get3A_772 : vector<1x1x1x16xf32> to vector<16xf32>
        %add3A_774 = arith.addf %add3A_765, %get3A_773 : vector<16xf32>
        %swap3A_775 = arith.constant 1 : i32
        %swap3A_776 = arith.constant 0 : i32
        %swap3A_777 = arith.index_cast %swap3A_775 : i32 to index
        %swap3A_778 = arith.index_cast %swap3A_776 : i32 to index
        %swap3A_779 = arith.index_cast %select_n3A_712 : i32 to index
        %swap3A_780 = arith.index_cast %mul3A_730 : i32 to index
        %swap3A_781 = tpu.vector_load %arg7[%swap3A_777, %swap3A_778, %swap3A_779, %swap3A_780] {strides = array<i32>} : memref<2x5x80x128xf32, #tpu.memory_space<vmem>>, vector<1x1x1x16xf32>,
        %swap3A_782 = vector.shape_cast %swap3A_781 : vector<1x1x1x16xf32> to vector<16xf32>
        %swap3A_783 = vector.shape_cast %add3A_774 : vector<16xf32> to vector<1x1x1x16xf32>
        tpu.vector_store %arg7[%swap3A_777, %swap3A_778, %swap3A_779, %swap3A_780], %swap3A_783 {strides = array<i32>} : memref<2x5x80x128xf32, #tpu.memory_space<vmem>>, vector<1x1x1x16xf32>,
        %mul3A_784 = arith.constant 8 : i32
        %mul3A_785 = arith.muli %scan3A_593, %mul3A_784 : i32
        %add3A_786 = arith.constant 2 : i32
        %add3A_787 = arith.addi %mul3A_785, %add3A_786 : i32
        %jit3A_788 = arith.constant 8 : i32
        %div3A_789 = arith.divsi %add3A_787, %jit3A_788 : i32
        %sign3A_790 = arith.constant 0 : i32
        %sign3A_791 = arith.cmpi sgt, %add3A_787, %sign3A_790 : i32
        %sign3A_792 = arith.extui %sign3A_791 : i1 to i32
        %sign3A_793 = arith.constant 0 : i32
        %sign3A_794 = arith.cmpi slt, %add3A_787, %sign3A_793 : i32
        %sign3A_795 = arith.extui %sign3A_794 : i1 to i32
        %sign3A_796 = arith.subi %sign3A_792, %sign3A_795 : i32
        %sign3A_797 = arith.constant 0 : i32
        %sign3A_798 = arith.cmpi sgt, %jit3A_788, %sign3A_797 : i32
        %sign3A_799 = arith.extui %sign3A_798 : i1 to i32
        %sign3A_800 = arith.constant 0 : i32
        %sign3A_801 = arith.cmpi slt, %jit3A_788, %sign3A_800 : i32
        %sign3A_802 = arith.extui %sign3A_801 : i1 to i32
        %sign3A_803 = arith.subi %sign3A_799, %sign3A_802 : i32
        %ne3A_804 = arith.cmpi ne, %sign3A_796, %sign3A_803 : i32
        %rem3A_805 = arith.remsi %add3A_787, %jit3A_788 : i32
        %ne3A_806 = arith.constant 0 : i32
        %ne3A_807 = arith.cmpi ne, %rem3A_805, %ne3A_806 : i32
        %and3A_808 = arith.andi %ne3A_804, %ne3A_807 : i1
        %sub3A_809 = arith.constant 1 : i32
        %sub3A_810 = arith.subi %div3A_789, %sub3A_809 : i32
        %select_n3A_811 = arith.select %and3A_808, %sub3A_810, %div3A_789 : i32
        %jit3A_812 = arith.constant 8 : i32
        %eq3A_813 = arith.constant 0 : i32
        %eq3A_814 = arith.cmpi eq, %jit3A_812, %eq3A_813 : i32
        %jit3A_815 = arith.constant 1 : i32
        %select_n3A_816 = arith.select %eq3A_814, %jit3A_815, %jit3A_812 : i32
        %rem3A_817 = arith.remsi %add3A_787, %select_n3A_816 : i32
        %ne3A_818 = arith.constant 0 : i32
        %ne3A_819 = arith.cmpi ne, %rem3A_817, %ne3A_818 : i32
        %lt3A_820 = arith.constant 0 : i32
        %lt3A_821 = arith.cmpi slt, %rem3A_817, %lt3A_820 : i32
        %lt3A_822 = arith.constant 0 : i32
        %lt3A_823 = arith.cmpi slt, %select_n3A_816, %lt3A_822 : i32
        %ne3A_824 = arith.xori %lt3A_821, %lt3A_823 : i1
        %and3A_825 = arith.andi %ne3A_824, %ne3A_819 : i1
        %add3A_826 = arith.addi %rem3A_817, %select_n3A_816 : i32
        %select_n3A_827 = arith.select %and3A_825, %add3A_826, %rem3A_817 : i32
        %mul3A_828 = arith.constant 16 : i32
        %mul3A_829 = arith.muli %select_n3A_827, %mul3A_828 : i32
        %get3A_830 = arith.constant 1 : i32
        %get3A_831 = arith.constant 0 : i32
        %get3A_832 = arith.index_cast %get3A_830 : i32 to index
        %get3A_833 = arith.index_cast %get3A_831 : i32 to index
        %get3A_834 = arith.index_cast %select_n3A_811 : i32 to index
        %get3A_835 = arith.index_cast %mul3A_829 : i32 to index
        %get3A_836 = tpu.vector_load %arg7[%get3A_832, %get3A_833, %get3A_834, %get3A_835] {strides = array<i32>} : memref<2x5x80x128xf32, #tpu.memory_space<vmem>>, vector<1x1x1x16xf32>,
        %get3A_837 = vector.shape_cast %get3A_836 : vector<1x1x1x16xf32> to vector<16xf32>
        %get3A_838 = arith.constant 1 : i32
        %get3A_839 = arith.constant 1 : i32
        %get3A_840 = arith.index_cast %get3A_838 : i32 to index
        %get3A_841 = arith.index_cast %get3A_839 : i32 to index
        %get3A_842 = arith.index_cast %select_n3A_811 : i32 to index
        %get3A_843 = arith.index_cast %mul3A_829 : i32 to index
        %get3A_844 = tpu.vector_load %arg7[%get3A_840, %get3A_841, %get3A_842, %get3A_843] {strides = array<i32>} : memref<2x5x80x128xf32, #tpu.memory_space<vmem>>, vector<1x1x1x16xf32>,
        %get3A_845 = vector.shape_cast %get3A_844 : vector<1x1x1x16xf32> to vector<16xf32>
        %add3A_846 = arith.addf %get3A_837, %get3A_845 : vector<16xf32>
        %get3A_847 = arith.constant 1 : i32
        %get3A_848 = arith.constant 2 : i32
        %get3A_849 = arith.index_cast %get3A_847 : i32 to index
        %get3A_850 = arith.index_cast %get3A_848 : i32 to index
        %get3A_851 = arith.index_cast %select_n3A_811 : i32 to index
        %get3A_852 = arith.index_cast %mul3A_829 : i32 to index
        %get3A_853 = tpu.vector_load %arg7[%get3A_849, %get3A_850, %get3A_851, %get3A_852] {strides = array<i32>} : memref<2x5x80x128xf32, #tpu.memory_space<vmem>>, vector<1x1x1x16xf32>,
        %get3A_854 = vector.shape_cast %get3A_853 : vector<1x1x1x16xf32> to vector<16xf32>
        %get3A_855 = arith.constant 1 : i32
        %get3A_856 = arith.constant 3 : i32
        %get3A_857 = arith.index_cast %get3A_855 : i32 to index
        %get3A_858 = arith.index_cast %get3A_856 : i32 to index
        %get3A_859 = arith.index_cast %select_n3A_811 : i32 to index
        %get3A_860 = arith.index_cast %mul3A_829 : i32 to index
        %get3A_861 = tpu.vector_load %arg7[%get3A_857, %get3A_858, %get3A_859, %get3A_860] {strides = array<i32>} : memref<2x5x80x128xf32, #tpu.memory_space<vmem>>, vector<1x1x1x16xf32>,
        %get3A_862 = vector.shape_cast %get3A_861 : vector<1x1x1x16xf32> to vector<16xf32>
        %add3A_863 = arith.addf %get3A_854, %get3A_862 : vector<16xf32>
        %add3A_864 = arith.addf %add3A_846, %add3A_863 : vector<16xf32>
        %get3A_865 = arith.constant 1 : i32
        %get3A_866 = arith.constant 4 : i32
        %get3A_867 = arith.index_cast %get3A_865 : i32 to index
        %get3A_868 = arith.index_cast %get3A_866 : i32 to index
        %get3A_869 = arith.index_cast %select_n3A_811 : i32 to index
        %get3A_870 = arith.index_cast %mul3A_829 : i32 to index
        %get3A_871 = tpu.vector_load %arg7[%get3A_867, %get3A_868, %get3A_869, %get3A_870] {strides = array<i32>} : memref<2x5x80x128xf32, #tpu.memory_space<vmem>>, vector<1x1x1x16xf32>,
        %get3A_872 = vector.shape_cast %get3A_871 : vector<1x1x1x16xf32> to vector<16xf32>
        %add3A_873 = arith.addf %add3A_864, %get3A_872 : vector<16xf32>
        %swap3A_874 = arith.constant 1 : i32
        %swap3A_875 = arith.constant 0 : i32
        %swap3A_876 = arith.index_cast %swap3A_874 : i32 to index
        %swap3A_877 = arith.index_cast %swap3A_875 : i32 to index
        %swap3A_878 = arith.index_cast %select_n3A_811 : i32 to index
        %swap3A_879 = arith.index_cast %mul3A_829 : i32 to index
        %swap3A_880 = tpu.vector_load %arg7[%swap3A_876, %swap3A_877, %swap3A_878, %swap3A_879] {strides = array<i32>} : memref<2x5x80x128xf32, #tpu.memory_space<vmem>>, vector<1x1x1x16xf32>,
        %swap3A_881 = vector.shape_cast %swap3A_880 : vector<1x1x1x16xf32> to vector<16xf32>
        %swap3A_882 = vector.shape_cast %add3A_873 : vector<16xf32> to vector<1x1x1x16xf32>
        tpu.vector_store %arg7[%swap3A_876, %swap3A_877, %swap3A_878, %swap3A_879], %swap3A_882 {strides = array<i32>} : memref<2x5x80x128xf32, #tpu.memory_space<vmem>>, vector<1x1x1x16xf32>,
        %mul3A_883 = arith.constant 8 : i32
        %mul3A_884 = arith.muli %scan3A_593, %mul3A_883 : i32
        %add3A_885 = arith.constant 3 : i32
        %add3A_886 = arith.addi %mul3A_884, %add3A_885 : i32
        %jit3A_887 = arith.constant 8 : i32
        %div3A_888 = arith.divsi %add3A_886, %jit3A_887 : i32
        %sign3A_889 = arith.constant 0 : i32
        %sign3A_890 = arith.cmpi sgt, %add3A_886, %sign3A_889 : i32
        %sign3A_891 = arith.extui %sign3A_890 : i1 to i32
        %sign3A_892 = arith.constant 0 : i32
        %sign3A_893 = arith.cmpi slt, %add3A_886, %sign3A_892 : i32
        %sign3A_894 = arith.extui %sign3A_893 : i1 to i32
        %sign3A_895 = arith.subi %sign3A_891, %sign3A_894 : i32
        %sign3A_896 = arith.constant 0 : i32
        %sign3A_897 = arith.cmpi sgt, %jit3A_887, %sign3A_896 : i32
        %sign3A_898 = arith.extui %sign3A_897 : i1 to i32
        %sign3A_899 = arith.constant 0 : i32
        %sign3A_900 = arith.cmpi slt, %jit3A_887, %sign3A_899 : i32
        %sign3A_901 = arith.extui %sign3A_900 : i1 to i32
        %sign3A_902 = arith.subi %sign3A_898, %sign3A_901 : i32
        %ne3A_903 = arith.cmpi ne, %sign3A_895, %sign3A_902 : i32
        %rem3A_904 = arith.remsi %add3A_886, %jit3A_887 : i32
        %ne3A_905 = arith.constant 0 : i32
        %ne3A_906 = arith.cmpi ne, %rem3A_904, %ne3A_905 : i32
        %and3A_907 = arith.andi %ne3A_903, %ne3A_906 : i1
        %sub3A_908 = arith.constant 1 : i32
        %sub3A_909 = arith.subi %div3A_888, %sub3A_908 : i32
        %select_n3A_910 = arith.select %and3A_907, %sub3A_909, %div3A_888 : i32
        %jit3A_911 = arith.constant 8 : i32
        %eq3A_912 = arith.constant 0 : i32
        %eq3A_913 = arith.cmpi eq, %jit3A_911, %eq3A_912 : i32
        %jit3A_914 = arith.constant 1 : i32
        %select_n3A_915 = arith.select %eq3A_913, %jit3A_914, %jit3A_911 : i32
        %rem3A_916 = arith.remsi %add3A_886, %select_n3A_915 : i32
        %ne3A_917 = arith.constant 0 : i32
        %ne3A_918 = arith.cmpi ne, %rem3A_916, %ne3A_917 : i32
        %lt3A_919 = arith.constant 0 : i32
        %lt3A_920 = arith.cmpi slt, %rem3A_916, %lt3A_919 : i32
        %lt3A_921 = arith.constant 0 : i32
        %lt3A_922 = arith.cmpi slt, %select_n3A_915, %lt3A_921 : i32
        %ne3A_923 = arith.xori %lt3A_920, %lt3A_922 : i1
        %and3A_924 = arith.andi %ne3A_923, %ne3A_918 : i1
        %add3A_925 = arith.addi %rem3A_916, %select_n3A_915 : i32
        %select_n3A_926 = arith.select %and3A_924, %add3A_925, %rem3A_916 : i32
        %mul3A_927 = arith.constant 16 : i32
        %mul3A_928 = arith.muli %select_n3A_926, %mul3A_927 : i32
        %get3A_929 = arith.constant 1 : i32
        %get3A_930 = arith.constant 0 : i32
        %get3A_931 = arith.index_cast %get3A_929 : i32 to index
        %get3A_932 = arith.index_cast %get3A_930 : i32 to index
        %get3A_933 = arith.index_cast %select_n3A_910 : i32 to index
        %get3A_934 = arith.index_cast %mul3A_928 : i32 to index
        %get3A_935 = tpu.vector_load %arg7[%get3A_931, %get3A_932, %get3A_933, %get3A_934] {strides = array<i32>} : memref<2x5x80x128xf32, #tpu.memory_space<vmem>>, vector<1x1x1x16xf32>,
        %get3A_936 = vector.shape_cast %get3A_935 : vector<1x1x1x16xf32> to vector<16xf32>
        %get3A_937 = arith.constant 1 : i32
        %get3A_938 = arith.constant 1 : i32
        %get3A_939 = arith.index_cast %get3A_937 : i32 to index
        %get3A_940 = arith.index_cast %get3A_938 : i32 to index
        %get3A_941 = arith.index_cast %select_n3A_910 : i32 to index
        %get3A_942 = arith.index_cast %mul3A_928 : i32 to index
        %get3A_943 = tpu.vector_load %arg7[%get3A_939, %get3A_940, %get3A_941, %get3A_942] {strides = array<i32>} : memref<2x5x80x128xf32, #tpu.memory_space<vmem>>, vector<1x1x1x16xf32>,
        %get3A_944 = vector.shape_cast %get3A_943 : vector<1x1x1x16xf32> to vector<16xf32>
        %add3A_945 = arith.addf %get3A_936, %get3A_944 : vector<16xf32>
        %get3A_946 = arith.constant 1 : i32
        %get3A_947 = arith.constant 2 : i32
        %get3A_948 = arith.index_cast %get3A_946 : i32 to index
        %get3A_949 = arith.index_cast %get3A_947 : i32 to index
        %get3A_950 = arith.index_cast %select_n3A_910 : i32 to index
        %get3A_951 = arith.index_cast %mul3A_928 : i32 to index
        %get3A_952 = tpu.vector_load %arg7[%get3A_948, %get3A_949, %get3A_950, %get3A_951] {strides = array<i32>} : memref<2x5x80x128xf32, #tpu.memory_space<vmem>>, vector<1x1x1x16xf32>,
        %get3A_953 = vector.shape_cast %get3A_952 : vector<1x1x1x16xf32> to vector<16xf32>
        %get3A_954 = arith.constant 1 : i32
        %get3A_955 = arith.constant 3 : i32
        %get3A_956 = arith.index_cast %get3A_954 : i32 to index
        %get3A_957 = arith.index_cast %get3A_955 : i32 to index
        %get3A_958 = arith.index_cast %select_n3A_910 : i32 to index
        %get3A_959 = arith.index_cast %mul3A_928 : i32 to index
        %get3A_960 = tpu.vector_load %arg7[%get3A_956, %get3A_957, %get3A_958, %get3A_959] {strides = array<i32>} : memref<2x5x80x128xf32, #tpu.memory_space<vmem>>, vector<1x1x1x16xf32>,
        %get3A_961 = vector.shape_cast %get3A_960 : vector<1x1x1x16xf32> to vector<16xf32>
        %add3A_962 = arith.addf %get3A_953, %get3A_961 : vector<16xf32>
        %add3A_963 = arith.addf %add3A_945, %add3A_962 : vector<16xf32>
        %get3A_964 = arith.constant 1 : i32
        %get3A_965 = arith.constant 4 : i32
        %get3A_966 = arith.index_cast %get3A_964 : i32 to index
        %get3A_967 = arith.index_cast %get3A_965 : i32 to index
        %get3A_968 = arith.index_cast %select_n3A_910 : i32 to index
        %get3A_969 = arith.index_cast %mul3A_928 : i32 to index
        %get3A_970 = tpu.vector_load %arg7[%get3A_966, %get3A_967, %get3A_968, %get3A_969] {strides = array<i32>} : memref<2x5x80x128xf32, #tpu.memory_space<vmem>>, vector<1x1x1x16xf32>,
        %get3A_971 = vector.shape_cast %get3A_970 : vector<1x1x1x16xf32> to vector<16xf32>
        %add3A_972 = arith.addf %add3A_963, %get3A_971 : vector<16xf32>
        %swap3A_973 = arith.constant 1 : i32
        %swap3A_974 = arith.constant 0 : i32
        %swap3A_975 = arith.index_cast %swap3A_973 : i32 to index
        %swap3A_976 = arith.index_cast %swap3A_974 : i32 to index
        %swap3A_977 = arith.index_cast %select_n3A_910 : i32 to index
        %swap3A_978 = arith.index_cast %mul3A_928 : i32 to index
        %swap3A_979 = tpu.vector_load %arg7[%swap3A_975, %swap3A_976, %swap3A_977, %swap3A_978] {strides = array<i32>} : memref<2x5x80x128xf32, #tpu.memory_space<vmem>>, vector<1x1x1x16xf32>,
        %swap3A_980 = vector.shape_cast %swap3A_979 : vector<1x1x1x16xf32> to vector<16xf32>
        %swap3A_981 = vector.shape_cast %add3A_972 : vector<16xf32> to vector<1x1x1x16xf32>
        tpu.vector_store %arg7[%swap3A_975, %swap3A_976, %swap3A_977, %swap3A_978], %swap3A_981 {strides = array<i32>} : memref<2x5x80x128xf32, #tpu.memory_space<vmem>>, vector<1x1x1x16xf32>,
        %mul3A_982 = arith.constant 8 : i32
        %mul3A_983 = arith.muli %scan3A_593, %mul3A_982 : i32
        %add3A_984 = arith.constant 4 : i32
        %add3A_985 = arith.addi %mul3A_983, %add3A_984 : i32
        %jit3A_986 = arith.constant 8 : i32
        %div3A_987 = arith.divsi %add3A_985, %jit3A_986 : i32
        %sign3A_988 = arith.constant 0 : i32
        %sign3A_989 = arith.cmpi sgt, %add3A_985, %sign3A_988 : i32
        %sign3A_990 = arith.extui %sign3A_989 : i1 to i32
        %sign3A_991 = arith.constant 0 : i32
        %sign3A_992 = arith.cmpi slt, %add3A_985, %sign3A_991 : i32
        %sign3A_993 = arith.extui %sign3A_992 : i1 to i32
        %sign3A_994 = arith.subi %sign3A_990, %sign3A_993 : i32
        %sign3A_995 = arith.constant 0 : i32
        %sign3A_996 = arith.cmpi sgt, %jit3A_986, %sign3A_995 : i32
        %sign3A_997 = arith.extui %sign3A_996 : i1 to i32
        %sign3A_998 = arith.constant 0 : i32
        %sign3A_999 = arith.cmpi slt, %jit3A_986, %sign3A_998 : i32
        %sign3A_1000 = arith.extui %sign3A_999 : i1 to i32
        %sign3A_1001 = arith.subi %sign3A_997, %sign3A_1000 : i32
        %ne3A_1002 = arith.cmpi ne, %sign3A_994, %sign3A_1001 : i32
        %rem3A_1003 = arith.remsi %add3A_985, %jit3A_986 : i32
        %ne3A_1004 = arith.constant 0 : i32
        %ne3A_1005 = arith.cmpi ne, %rem3A_1003, %ne3A_1004 : i32
        %and3A_1006 = arith.andi %ne3A_1002, %ne3A_1005 : i1
        %sub3A_1007 = arith.constant 1 : i32
        %sub3A_1008 = arith.subi %div3A_987, %sub3A_1007 : i32
        %select_n3A_1009 = arith.select %and3A_1006, %sub3A_1008, %div3A_987 : i32
        %jit3A_1010 = arith.constant 8 : i32
        %eq3A_1011 = arith.constant 0 : i32
        %eq3A_1012 = arith.cmpi eq, %jit3A_1010, %eq3A_1011 : i32
        %jit3A_1013 = arith.constant 1 : i32
        %select_n3A_1014 = arith.select %eq3A_1012, %jit3A_1013, %jit3A_1010 : i32
        %rem3A_1015 = arith.remsi %add3A_985, %select_n3A_1014 : i32
        %ne3A_1016 = arith.constant 0 : i32
        %ne3A_1017 = arith.cmpi ne, %rem3A_1015, %ne3A_1016 : i32
        %lt3A_1018 = arith.constant 0 : i32
        %lt3A_1019 = arith.cmpi slt, %rem3A_1015, %lt3A_1018 : i32
        %lt3A_1020 = arith.constant 0 : i32
        %lt3A_1021 = arith.cmpi slt, %select_n3A_1014, %lt3A_1020 : i32
        %ne3A_1022 = arith.xori %lt3A_1019, %lt3A_1021 : i1
        %and3A_1023 = arith.andi %ne3A_1022, %ne3A_1017 : i1
        %add3A_1024 = arith.addi %rem3A_1015, %select_n3A_1014 : i32
        %select_n3A_1025 = arith.select %and3A_1023, %add3A_1024, %rem3A_1015 : i32
        %mul3A_1026 = arith.constant 16 : i32
        %mul3A_1027 = arith.muli %select_n3A_1025, %mul3A_1026 : i32
        %get3A_1028 = arith.constant 1 : i32
        %get3A_1029 = arith.constant 0 : i32
        %get3A_1030 = arith.index_cast %get3A_1028 : i32 to index
        %get3A_1031 = arith.index_cast %get3A_1029 : i32 to index
        %get3A_1032 = arith.index_cast %select_n3A_1009 : i32 to index
        %get3A_1033 = arith.index_cast %mul3A_1027 : i32 to index
        %get3A_1034 = tpu.vector_load %arg7[%get3A_1030, %get3A_1031, %get3A_1032, %get3A_1033] {strides = array<i32>} : memref<2x5x80x128xf32, #tpu.memory_space<vmem>>, vector<1x1x1x16xf32>,
        %get3A_1035 = vector.shape_cast %get3A_1034 : vector<1x1x1x16xf32> to vector<16xf32>
        %get3A_1036 = arith.constant 1 : i32
        %get3A_1037 = arith.constant 1 : i32
        %get3A_1038 = arith.index_cast %get3A_1036 : i32 to index
        %get3A_1039 = arith.index_cast %get3A_1037 : i32 to index
        %get3A_1040 = arith.index_cast %select_n3A_1009 : i32 to index
        %get3A_1041 = arith.index_cast %mul3A_1027 : i32 to index
        %get3A_1042 = tpu.vector_load %arg7[%get3A_1038, %get3A_1039, %get3A_1040, %get3A_1041] {strides = array<i32>} : memref<2x5x80x128xf32, #tpu.memory_space<vmem>>, vector<1x1x1x16xf32>,
        %get3A_1043 = vector.shape_cast %get3A_1042 : vector<1x1x1x16xf32> to vector<16xf32>
        %add3A_1044 = arith.addf %get3A_1035, %get3A_1043 : vector<16xf32>
        %get3A_1045 = arith.constant 1 : i32
        %get3A_1046 = arith.constant 2 : i32
        %get3A_1047 = arith.index_cast %get3A_1045 : i32 to index
        %get3A_1048 = arith.index_cast %get3A_1046 : i32 to index
        %get3A_1049 = arith.index_cast %select_n3A_1009 : i32 to index
        %get3A_1050 = arith.index_cast %mul3A_1027 : i32 to index
        %get3A_1051 = tpu.vector_load %arg7[%get3A_1047, %get3A_1048, %get3A_1049, %get3A_1050] {strides = array<i32>} : memref<2x5x80x128xf32, #tpu.memory_space<vmem>>, vector<1x1x1x16xf32>,
        %get3A_1052 = vector.shape_cast %get3A_1051 : vector<1x1x1x16xf32> to vector<16xf32>
        %get3A_1053 = arith.constant 1 : i32
        %get3A_1054 = arith.constant 3 : i32
        %get3A_1055 = arith.index_cast %get3A_1053 : i32 to index
        %get3A_1056 = arith.index_cast %get3A_1054 : i32 to index
        %get3A_1057 = arith.index_cast %select_n3A_1009 : i32 to index
        %get3A_1058 = arith.index_cast %mul3A_1027 : i32 to index
        %get3A_1059 = tpu.vector_load %arg7[%get3A_1055, %get3A_1056, %get3A_1057, %get3A_1058] {strides = array<i32>} : memref<2x5x80x128xf32, #tpu.memory_space<vmem>>, vector<1x1x1x16xf32>,
        %get3A_1060 = vector.shape_cast %get3A_1059 : vector<1x1x1x16xf32> to vector<16xf32>
        %add3A_1061 = arith.addf %get3A_1052, %get3A_1060 : vector<16xf32>
        %add3A_1062 = arith.addf %add3A_1044, %add3A_1061 : vector<16xf32>
        %get3A_1063 = arith.constant 1 : i32
        %get3A_1064 = arith.constant 4 : i32
        %get3A_1065 = arith.index_cast %get3A_1063 : i32 to index
        %get3A_1066 = arith.index_cast %get3A_1064 : i32 to index
        %get3A_1067 = arith.index_cast %select_n3A_1009 : i32 to index
        %get3A_1068 = arith.index_cast %mul3A_1027 : i32 to index
        %get3A_1069 = tpu.vector_load %arg7[%get3A_1065, %get3A_1066, %get3A_1067, %get3A_1068] {strides = array<i32>} : memref<2x5x80x128xf32, #tpu.memory_space<vmem>>, vector<1x1x1x16xf32>,
        %get3A_1070 = vector.shape_cast %get3A_1069 : vector<1x1x1x16xf32> to vector<16xf32>
        %add3A_1071 = arith.addf %add3A_1062, %get3A_1070 : vector<16xf32>
        %swap3A_1072 = arith.constant 1 : i32
        %swap3A_1073 = arith.constant 0 : i32
        %swap3A_1074 = arith.index_cast %swap3A_1072 : i32 to index
        %swap3A_1075 = arith.index_cast %swap3A_1073 : i32 to index
        %swap3A_1076 = arith.index_cast %select_n3A_1009 : i32 to index
        %swap3A_1077 = arith.index_cast %mul3A_1027 : i32 to index
        %swap3A_1078 = tpu.vector_load %arg7[%swap3A_1074, %swap3A_1075, %swap3A_1076, %swap3A_1077] {strides = array<i32>} : memref<2x5x80x128xf32, #tpu.memory_space<vmem>>, vector<1x1x1x16xf32>,
        %swap3A_1079 = vector.shape_cast %swap3A_1078 : vector<1x1x1x16xf32> to vector<16xf32>
        %swap3A_1080 = vector.shape_cast %add3A_1071 : vector<16xf32> to vector<1x1x1x16xf32>
        tpu.vector_store %arg7[%swap3A_1074, %swap3A_1075, %swap3A_1076, %swap3A_1077], %swap3A_1080 {strides = array<i32>} : memref<2x5x80x128xf32, #tpu.memory_space<vmem>>, vector<1x1x1x16xf32>,
        %mul3A_1081 = arith.constant 8 : i32
        %mul3A_1082 = arith.muli %scan3A_593, %mul3A_1081 : i32
        %add3A_1083 = arith.constant 5 : i32
        %add3A_1084 = arith.addi %mul3A_1082, %add3A_1083 : i32
        %jit3A_1085 = arith.constant 8 : i32
        %div3A_1086 = arith.divsi %add3A_1084, %jit3A_1085 : i32
        %sign3A_1087 = arith.constant 0 : i32
        %sign3A_1088 = arith.cmpi sgt, %add3A_1084, %sign3A_1087 : i32
        %sign3A_1089 = arith.extui %sign3A_1088 : i1 to i32
        %sign3A_1090 = arith.constant 0 : i32
        %sign3A_1091 = arith.cmpi slt, %add3A_1084, %sign3A_1090 : i32
        %sign3A_1092 = arith.extui %sign3A_1091 : i1 to i32
        %sign3A_1093 = arith.subi %sign3A_1089, %sign3A_1092 : i32
        %sign3A_1094 = arith.constant 0 : i32
        %sign3A_1095 = arith.cmpi sgt, %jit3A_1085, %sign3A_1094 : i32
        %sign3A_1096 = arith.extui %sign3A_1095 : i1 to i32
        %sign3A_1097 = arith.constant 0 : i32
        %sign3A_1098 = arith.cmpi slt, %jit3A_1085, %sign3A_1097 : i32
        %sign3A_1099 = arith.extui %sign3A_1098 : i1 to i32
        %sign3A_1100 = arith.subi %sign3A_1096, %sign3A_1099 : i32
        %ne3A_1101 = arith.cmpi ne, %sign3A_1093, %sign3A_1100 : i32
        %rem3A_1102 = arith.remsi %add3A_1084, %jit3A_1085 : i32
        %ne3A_1103 = arith.constant 0 : i32
        %ne3A_1104 = arith.cmpi ne, %rem3A_1102, %ne3A_1103 : i32
        %and3A_1105 = arith.andi %ne3A_1101, %ne3A_1104 : i1
        %sub3A_1106 = arith.constant 1 : i32
        %sub3A_1107 = arith.subi %div3A_1086, %sub3A_1106 : i32
        %select_n3A_1108 = arith.select %and3A_1105, %sub3A_1107, %div3A_1086 : i32
        %jit3A_1109 = arith.constant 8 : i32
        %eq3A_1110 = arith.constant 0 : i32
        %eq3A_1111 = arith.cmpi eq, %jit3A_1109, %eq3A_1110 : i32
        %jit3A_1112 = arith.constant 1 : i32
        %select_n3A_1113 = arith.select %eq3A_1111, %jit3A_1112, %jit3A_1109 : i32
        %rem3A_1114 = arith.remsi %add3A_1084, %select_n3A_1113 : i32
        %ne3A_1115 = arith.constant 0 : i32
        %ne3A_1116 = arith.cmpi ne, %rem3A_1114, %ne3A_1115 : i32
        %lt3A_1117 = arith.constant 0 : i32
        %lt3A_1118 = arith.cmpi slt, %rem3A_1114, %lt3A_1117 : i32
        %lt3A_1119 = arith.constant 0 : i32
        %lt3A_1120 = arith.cmpi slt, %select_n3A_1113, %lt3A_1119 : i32
        %ne3A_1121 = arith.xori %lt3A_1118, %lt3A_1120 : i1
        %and3A_1122 = arith.andi %ne3A_1121, %ne3A_1116 : i1
        %add3A_1123 = arith.addi %rem3A_1114, %select_n3A_1113 : i32
        %select_n3A_1124 = arith.select %and3A_1122, %add3A_1123, %rem3A_1114 : i32
        %mul3A_1125 = arith.constant 16 : i32
        %mul3A_1126 = arith.muli %select_n3A_1124, %mul3A_1125 : i32
        %get3A_1127 = arith.constant 1 : i32
        %get3A_1128 = arith.constant 0 : i32
        %get3A_1129 = arith.index_cast %get3A_1127 : i32 to index
        %get3A_1130 = arith.index_cast %get3A_1128 : i32 to index
        %get3A_1131 = arith.index_cast %select_n3A_1108 : i32 to index
        %get3A_1132 = arith.index_cast %mul3A_1126 : i32 to index
        %get3A_1133 = tpu.vector_load %arg7[%get3A_1129, %get3A_1130, %get3A_1131, %get3A_1132] {strides = array<i32>} : memref<2x5x80x128xf32, #tpu.memory_space<vmem>>, vector<1x1x1x16xf32>,
        %get3A_1134 = vector.shape_cast %get3A_1133 : vector<1x1x1x16xf32> to vector<16xf32>
        %get3A_1135 = arith.constant 1 : i32
        %get3A_1136 = arith.constant 1 : i32
        %get3A_1137 = arith.index_cast %get3A_1135 : i32 to index
        %get3A_1138 = arith.index_cast %get3A_1136 : i32 to index
        %get3A_1139 = arith.index_cast %select_n3A_1108 : i32 to index
        %get3A_1140 = arith.index_cast %mul3A_1126 : i32 to index
        %get3A_1141 = tpu.vector_load %arg7[%get3A_1137, %get3A_1138, %get3A_1139, %get3A_1140] {strides = array<i32>} : memref<2x5x80x128xf32, #tpu.memory_space<vmem>>, vector<1x1x1x16xf32>,
        %get3A_1142 = vector.shape_cast %get3A_1141 : vector<1x1x1x16xf32> to vector<16xf32>
        %add3A_1143 = arith.addf %get3A_1134, %get3A_1142 : vector<16xf32>
        %get3A_1144 = arith.constant 1 : i32
        %get3A_1145 = arith.constant 2 : i32
        %get3A_1146 = arith.index_cast %get3A_1144 : i32 to index
        %get3A_1147 = arith.index_cast %get3A_1145 : i32 to index
        %get3A_1148 = arith.index_cast %select_n3A_1108 : i32 to index
        %get3A_1149 = arith.index_cast %mul3A_1126 : i32 to index
        %get3A_1150 = tpu.vector_load %arg7[%get3A_1146, %get3A_1147, %get3A_1148, %get3A_1149] {strides = array<i32>} : memref<2x5x80x128xf32, #tpu.memory_space<vmem>>, vector<1x1x1x16xf32>,
        %get3A_1151 = vector.shape_cast %get3A_1150 : vector<1x1x1x16xf32> to vector<16xf32>
        %get3A_1152 = arith.constant 1 : i32
        %get3A_1153 = arith.constant 3 : i32
        %get3A_1154 = arith.index_cast %get3A_1152 : i32 to index
        %get3A_1155 = arith.index_cast %get3A_1153 : i32 to index
        %get3A_1156 = arith.index_cast %select_n3A_1108 : i32 to index
        %get3A_1157 = arith.index_cast %mul3A_1126 : i32 to index
        %get3A_1158 = tpu.vector_load %arg7[%get3A_1154, %get3A_1155, %get3A_1156, %get3A_1157] {strides = array<i32>} : memref<2x5x80x128xf32, #tpu.memory_space<vmem>>, vector<1x1x1x16xf32>,
        %get3A_1159 = vector.shape_cast %get3A_1158 : vector<1x1x1x16xf32> to vector<16xf32>
        %add3A_1160 = arith.addf %get3A_1151, %get3A_1159 : vector<16xf32>
        %add3A_1161 = arith.addf %add3A_1143, %add3A_1160 : vector<16xf32>
        %get3A_1162 = arith.constant 1 : i32
        %get3A_1163 = arith.constant 4 : i32
        %get3A_1164 = arith.index_cast %get3A_1162 : i32 to index
        %get3A_1165 = arith.index_cast %get3A_1163 : i32 to index
        %get3A_1166 = arith.index_cast %select_n3A_1108 : i32 to index
        %get3A_1167 = arith.index_cast %mul3A_1126 : i32 to index
        %get3A_1168 = tpu.vector_load %arg7[%get3A_1164, %get3A_1165, %get3A_1166, %get3A_1167] {strides = array<i32>} : memref<2x5x80x128xf32, #tpu.memory_space<vmem>>, vector<1x1x1x16xf32>,
        %get3A_1169 = vector.shape_cast %get3A_1168 : vector<1x1x1x16xf32> to vector<16xf32>
        %add3A_1170 = arith.addf %add3A_1161, %get3A_1169 : vector<16xf32>
        %swap3A_1171 = arith.constant 1 : i32
        %swap3A_1172 = arith.constant 0 : i32
        %swap3A_1173 = arith.index_cast %swap3A_1171 : i32 to index
        %swap3A_1174 = arith.index_cast %swap3A_1172 : i32 to index
        %swap3A_1175 = arith.index_cast %select_n3A_1108 : i32 to index
        %swap3A_1176 = arith.index_cast %mul3A_1126 : i32 to index
        %swap3A_1177 = tpu.vector_load %arg7[%swap3A_1173, %swap3A_1174, %swap3A_1175, %swap3A_1176] {strides = array<i32>} : memref<2x5x80x128xf32, #tpu.memory_space<vmem>>, vector<1x1x1x16xf32>,
        %swap3A_1178 = vector.shape_cast %swap3A_1177 : vector<1x1x1x16xf32> to vector<16xf32>
        %swap3A_1179 = vector.shape_cast %add3A_1170 : vector<16xf32> to vector<1x1x1x16xf32>
        tpu.vector_store %arg7[%swap3A_1173, %swap3A_1174, %swap3A_1175, %swap3A_1176], %swap3A_1179 {strides = array<i32>} : memref<2x5x80x128xf32, #tpu.memory_space<vmem>>, vector<1x1x1x16xf32>,
        %mul3A_1180 = arith.constant 8 : i32
        %mul3A_1181 = arith.muli %scan3A_593, %mul3A_1180 : i32
        %add3A_1182 = arith.constant 6 : i32
        %add3A_1183 = arith.addi %mul3A_1181, %add3A_1182 : i32
        %jit3A_1184 = arith.constant 8 : i32
        %div3A_1185 = arith.divsi %add3A_1183, %jit3A_1184 : i32
        %sign3A_1186 = arith.constant 0 : i32
        %sign3A_1187 = arith.cmpi sgt, %add3A_1183, %sign3A_1186 : i32
        %sign3A_1188 = arith.extui %sign3A_1187 : i1 to i32
        %sign3A_1189 = arith.constant 0 : i32
        %sign3A_1190 = arith.cmpi slt, %add3A_1183, %sign3A_1189 : i32
        %sign3A_1191 = arith.extui %sign3A_1190 : i1 to i32
        %sign3A_1192 = arith.subi %sign3A_1188, %sign3A_1191 : i32
        %sign3A_1193 = arith.constant 0 : i32
        %sign3A_1194 = arith.cmpi sgt, %jit3A_1184, %sign3A_1193 : i32
        %sign3A_1195 = arith.extui %sign3A_1194 : i1 to i32
        %sign3A_1196 = arith.constant 0 : i32
        %sign3A_1197 = arith.cmpi slt, %jit3A_1184, %sign3A_1196 : i32
        %sign3A_1198 = arith.extui %sign3A_1197 : i1 to i32
        %sign3A_1199 = arith.subi %sign3A_1195, %sign3A_1198 : i32
        %ne3A_1200 = arith.cmpi ne, %sign3A_1192, %sign3A_1199 : i32
        %rem3A_1201 = arith.remsi %add3A_1183, %jit3A_1184 : i32
        %ne3A_1202 = arith.constant 0 : i32
        %ne3A_1203 = arith.cmpi ne, %rem3A_1201, %ne3A_1202 : i32
        %and3A_1204 = arith.andi %ne3A_1200, %ne3A_1203 : i1
        %sub3A_1205 = arith.constant 1 : i32
        %sub3A_1206 = arith.subi %div3A_1185, %sub3A_1205 : i32
        %select_n3A_1207 = arith.select %and3A_1204, %sub3A_1206, %div3A_1185 : i32
        %jit3A_1208 = arith.constant 8 : i32
        %eq3A_1209 = arith.constant 0 : i32
        %eq3A_1210 = arith.cmpi eq, %jit3A_1208, %eq3A_1209 : i32
        %jit3A_1211 = arith.constant 1 : i32
        %select_n3A_1212 = arith.select %eq3A_1210, %jit3A_1211, %jit3A_1208 : i32
        %rem3A_1213 = arith.remsi %add3A_1183, %select_n3A_1212 : i32
        %ne3A_1214 = arith.constant 0 : i32
        %ne3A_1215 = arith.cmpi ne, %rem3A_1213, %ne3A_1214 : i32
        %lt3A_1216 = arith.constant 0 : i32
        %lt3A_1217 = arith.cmpi slt, %rem3A_1213, %lt3A_1216 : i32
        %lt3A_1218 = arith.constant 0 : i32
        %lt3A_1219 = arith.cmpi slt, %select_n3A_1212, %lt3A_1218 : i32
        %ne3A_1220 = arith.xori %lt3A_1217, %lt3A_1219 : i1
        %and3A_1221 = arith.andi %ne3A_1220, %ne3A_1215 : i1
        %add3A_1222 = arith.addi %rem3A_1213, %select_n3A_1212 : i32
        %select_n3A_1223 = arith.select %and3A_1221, %add3A_1222, %rem3A_1213 : i32
        %mul3A_1224 = arith.constant 16 : i32
        %mul3A_1225 = arith.muli %select_n3A_1223, %mul3A_1224 : i32
        %get3A_1226 = arith.constant 1 : i32
        %get3A_1227 = arith.constant 0 : i32
        %get3A_1228 = arith.index_cast %get3A_1226 : i32 to index
        %get3A_1229 = arith.index_cast %get3A_1227 : i32 to index
        %get3A_1230 = arith.index_cast %select_n3A_1207 : i32 to index
        %get3A_1231 = arith.index_cast %mul3A_1225 : i32 to index
        %get3A_1232 = tpu.vector_load %arg7[%get3A_1228, %get3A_1229, %get3A_1230, %get3A_1231] {strides = array<i32>} : memref<2x5x80x128xf32, #tpu.memory_space<vmem>>, vector<1x1x1x16xf32>,
        %get3A_1233 = vector.shape_cast %get3A_1232 : vector<1x1x1x16xf32> to vector<16xf32>
        %get3A_1234 = arith.constant 1 : i32
        %get3A_1235 = arith.constant 1 : i32
        %get3A_1236 = arith.index_cast %get3A_1234 : i32 to index
        %get3A_1237 = arith.index_cast %get3A_1235 : i32 to index
        %get3A_1238 = arith.index_cast %select_n3A_1207 : i32 to index
        %get3A_1239 = arith.index_cast %mul3A_1225 : i32 to index
        %get3A_1240 = tpu.vector_load %arg7[%get3A_1236, %get3A_1237, %get3A_1238, %get3A_1239] {strides = array<i32>} : memref<2x5x80x128xf32, #tpu.memory_space<vmem>>, vector<1x1x1x16xf32>,
        %get3A_1241 = vector.shape_cast %get3A_1240 : vector<1x1x1x16xf32> to vector<16xf32>
        %add3A_1242 = arith.addf %get3A_1233, %get3A_1241 : vector<16xf32>
        %get3A_1243 = arith.constant 1 : i32
        %get3A_1244 = arith.constant 2 : i32
        %get3A_1245 = arith.index_cast %get3A_1243 : i32 to index
        %get3A_1246 = arith.index_cast %get3A_1244 : i32 to index
        %get3A_1247 = arith.index_cast %select_n3A_1207 : i32 to index
        %get3A_1248 = arith.index_cast %mul3A_1225 : i32 to index
        %get3A_1249 = tpu.vector_load %arg7[%get3A_1245, %get3A_1246, %get3A_1247, %get3A_1248] {strides = array<i32>} : memref<2x5x80x128xf32, #tpu.memory_space<vmem>>, vector<1x1x1x16xf32>,
        %get3A_1250 = vector.shape_cast %get3A_1249 : vector<1x1x1x16xf32> to vector<16xf32>
        %get3A_1251 = arith.constant 1 : i32
        %get3A_1252 = arith.constant 3 : i32
        %get3A_1253 = arith.index_cast %get3A_1251 : i32 to index
        %get3A_1254 = arith.index_cast %get3A_1252 : i32 to index
        %get3A_1255 = arith.index_cast %select_n3A_1207 : i32 to index
        %get3A_1256 = arith.index_cast %mul3A_1225 : i32 to index
        %get3A_1257 = tpu.vector_load %arg7[%get3A_1253, %get3A_1254, %get3A_1255, %get3A_1256] {strides = array<i32>} : memref<2x5x80x128xf32, #tpu.memory_space<vmem>>, vector<1x1x1x16xf32>,
        %get3A_1258 = vector.shape_cast %get3A_1257 : vector<1x1x1x16xf32> to vector<16xf32>
        %add3A_1259 = arith.addf %get3A_1250, %get3A_1258 : vector<16xf32>
        %add3A_1260 = arith.addf %add3A_1242, %add3A_1259 : vector<16xf32>
        %get3A_1261 = arith.constant 1 : i32
        %get3A_1262 = arith.constant 4 : i32
        %get3A_1263 = arith.index_cast %get3A_1261 : i32 to index
        %get3A_1264 = arith.index_cast %get3A_1262 : i32 to index
        %get3A_1265 = arith.index_cast %select_n3A_1207 : i32 to index
        %get3A_1266 = arith.index_cast %mul3A_1225 : i32 to index
        %get3A_1267 = tpu.vector_load %arg7[%get3A_1263, %get3A_1264, %get3A_1265, %get3A_1266] {strides = array<i32>} : memref<2x5x80x128xf32, #tpu.memory_space<vmem>>, vector<1x1x1x16xf32>,
        %get3A_1268 = vector.shape_cast %get3A_1267 : vector<1x1x1x16xf32> to vector<16xf32>
        %add3A_1269 = arith.addf %add3A_1260, %get3A_1268 : vector<16xf32>
        %swap3A_1270 = arith.constant 1 : i32
        %swap3A_1271 = arith.constant 0 : i32
        %swap3A_1272 = arith.index_cast %swap3A_1270 : i32 to index
        %swap3A_1273 = arith.index_cast %swap3A_1271 : i32 to index
        %swap3A_1274 = arith.index_cast %select_n3A_1207 : i32 to index
        %swap3A_1275 = arith.index_cast %mul3A_1225 : i32 to index
        %swap3A_1276 = tpu.vector_load %arg7[%swap3A_1272, %swap3A_1273, %swap3A_1274, %swap3A_1275] {strides = array<i32>} : memref<2x5x80x128xf32, #tpu.memory_space<vmem>>, vector<1x1x1x16xf32>,
        %swap3A_1277 = vector.shape_cast %swap3A_1276 : vector<1x1x1x16xf32> to vector<16xf32>
        %swap3A_1278 = vector.shape_cast %add3A_1269 : vector<16xf32> to vector<1x1x1x16xf32>
        tpu.vector_store %arg7[%swap3A_1272, %swap3A_1273, %swap3A_1274, %swap3A_1275], %swap3A_1278 {strides = array<i32>} : memref<2x5x80x128xf32, #tpu.memory_space<vmem>>, vector<1x1x1x16xf32>,
        %mul3A_1279 = arith.constant 8 : i32
        %mul3A_1280 = arith.muli %scan3A_593, %mul3A_1279 : i32
        %add3A_1281 = arith.constant 7 : i32
        %add3A_1282 = arith.addi %mul3A_1280, %add3A_1281 : i32
        %jit3A_1283 = arith.constant 8 : i32
        %div3A_1284 = arith.divsi %add3A_1282, %jit3A_1283 : i32
        %sign3A_1285 = arith.constant 0 : i32
        %sign3A_1286 = arith.cmpi sgt, %add3A_1282, %sign3A_1285 : i32
        %sign3A_1287 = arith.extui %sign3A_1286 : i1 to i32
        %sign3A_1288 = arith.constant 0 : i32
        %sign3A_1289 = arith.cmpi slt, %add3A_1282, %sign3A_1288 : i32
        %sign3A_1290 = arith.extui %sign3A_1289 : i1 to i32
        %sign3A_1291 = arith.subi %sign3A_1287, %sign3A_1290 : i32
        %sign3A_1292 = arith.constant 0 : i32
        %sign3A_1293 = arith.cmpi sgt, %jit3A_1283, %sign3A_1292 : i32
        %sign3A_1294 = arith.extui %sign3A_1293 : i1 to i32
        %sign3A_1295 = arith.constant 0 : i32
        %sign3A_1296 = arith.cmpi slt, %jit3A_1283, %sign3A_1295 : i32
        %sign3A_1297 = arith.extui %sign3A_1296 : i1 to i32
        %sign3A_1298 = arith.subi %sign3A_1294, %sign3A_1297 : i32
        %ne3A_1299 = arith.cmpi ne, %sign3A_1291, %sign3A_1298 : i32
        %rem3A_1300 = arith.remsi %add3A_1282, %jit3A_1283 : i32
        %ne3A_1301 = arith.constant 0 : i32
        %ne3A_1302 = arith.cmpi ne, %rem3A_1300, %ne3A_1301 : i32
        %and3A_1303 = arith.andi %ne3A_1299, %ne3A_1302 : i1
        %sub3A_1304 = arith.constant 1 : i32
        %sub3A_1305 = arith.subi %div3A_1284, %sub3A_1304 : i32
        %select_n3A_1306 = arith.select %and3A_1303, %sub3A_1305, %div3A_1284 : i32
        %jit3A_1307 = arith.constant 8 : i32
        %eq3A_1308 = arith.constant 0 : i32
        %eq3A_1309 = arith.cmpi eq, %jit3A_1307, %eq3A_1308 : i32
        %jit3A_1310 = arith.constant 1 : i32
        %select_n3A_1311 = arith.select %eq3A_1309, %jit3A_1310, %jit3A_1307 : i32
        %rem3A_1312 = arith.remsi %add3A_1282, %select_n3A_1311 : i32
        %ne3A_1313 = arith.constant 0 : i32
        %ne3A_1314 = arith.cmpi ne, %rem3A_1312, %ne3A_1313 : i32
        %lt3A_1315 = arith.constant 0 : i32
        %lt3A_1316 = arith.cmpi slt, %rem3A_1312, %lt3A_1315 : i32
        %lt3A_1317 = arith.constant 0 : i32
        %lt3A_1318 = arith.cmpi slt, %select_n3A_1311, %lt3A_1317 : i32
        %ne3A_1319 = arith.xori %lt3A_1316, %lt3A_1318 : i1
        %and3A_1320 = arith.andi %ne3A_1319, %ne3A_1314 : i1
        %add3A_1321 = arith.addi %rem3A_1312, %select_n3A_1311 : i32
        %select_n3A_1322 = arith.select %and3A_1320, %add3A_1321, %rem3A_1312 : i32
        %mul3A_1323 = arith.constant 16 : i32
        %mul3A_1324 = arith.muli %select_n3A_1322, %mul3A_1323 : i32
        %get3A_1325 = arith.constant 1 : i32
        %get3A_1326 = arith.constant 0 : i32
        %get3A_1327 = arith.index_cast %get3A_1325 : i32 to index
        %get3A_1328 = arith.index_cast %get3A_1326 : i32 to index
        %get3A_1329 = arith.index_cast %select_n3A_1306 : i32 to index
        %get3A_1330 = arith.index_cast %mul3A_1324 : i32 to index
        %get3A_1331 = tpu.vector_load %arg7[%get3A_1327, %get3A_1328, %get3A_1329, %get3A_1330] {strides = array<i32>} : memref<2x5x80x128xf32, #tpu.memory_space<vmem>>, vector<1x1x1x16xf32>,
        %get3A_1332 = vector.shape_cast %get3A_1331 : vector<1x1x1x16xf32> to vector<16xf32>
        %get3A_1333 = arith.constant 1 : i32
        %get3A_1334 = arith.constant 1 : i32
        %get3A_1335 = arith.index_cast %get3A_1333 : i32 to index
        %get3A_1336 = arith.index_cast %get3A_1334 : i32 to index
        %get3A_1337 = arith.index_cast %select_n3A_1306 : i32 to index
        %get3A_1338 = arith.index_cast %mul3A_1324 : i32 to index
        %get3A_1339 = tpu.vector_load %arg7[%get3A_1335, %get3A_1336, %get3A_1337, %get3A_1338] {strides = array<i32>} : memref<2x5x80x128xf32, #tpu.memory_space<vmem>>, vector<1x1x1x16xf32>,
        %get3A_1340 = vector.shape_cast %get3A_1339 : vector<1x1x1x16xf32> to vector<16xf32>
        %add3A_1341 = arith.addf %get3A_1332, %get3A_1340 : vector<16xf32>
        %get3A_1342 = arith.constant 1 : i32
        %get3A_1343 = arith.constant 2 : i32
        %get3A_1344 = arith.index_cast %get3A_1342 : i32 to index
        %get3A_1345 = arith.index_cast %get3A_1343 : i32 to index
        %get3A_1346 = arith.index_cast %select_n3A_1306 : i32 to index
        %get3A_1347 = arith.index_cast %mul3A_1324 : i32 to index
        %get3A_1348 = tpu.vector_load %arg7[%get3A_1344, %get3A_1345, %get3A_1346, %get3A_1347] {strides = array<i32>} : memref<2x5x80x128xf32, #tpu.memory_space<vmem>>, vector<1x1x1x16xf32>,
        %get3A_1349 = vector.shape_cast %get3A_1348 : vector<1x1x1x16xf32> to vector<16xf32>
        %get3A_1350 = arith.constant 1 : i32
        %get3A_1351 = arith.constant 3 : i32
        %get3A_1352 = arith.index_cast %get3A_1350 : i32 to index
        %get3A_1353 = arith.index_cast %get3A_1351 : i32 to index
        %get3A_1354 = arith.index_cast %select_n3A_1306 : i32 to index
        %get3A_1355 = arith.index_cast %mul3A_1324 : i32 to index
        %get3A_1356 = tpu.vector_load %arg7[%get3A_1352, %get3A_1353, %get3A_1354, %get3A_1355] {strides = array<i32>} : memref<2x5x80x128xf32, #tpu.memory_space<vmem>>, vector<1x1x1x16xf32>,
        %get3A_1357 = vector.shape_cast %get3A_1356 : vector<1x1x1x16xf32> to vector<16xf32>
        %add3A_1358 = arith.addf %get3A_1349, %get3A_1357 : vector<16xf32>
        %add3A_1359 = arith.addf %add3A_1341, %add3A_1358 : vector<16xf32>
        %get3A_1360 = arith.constant 1 : i32
        %get3A_1361 = arith.constant 4 : i32
        %get3A_1362 = arith.index_cast %get3A_1360 : i32 to index
        %get3A_1363 = arith.index_cast %get3A_1361 : i32 to index
        %get3A_1364 = arith.index_cast %select_n3A_1306 : i32 to index
        %get3A_1365 = arith.index_cast %mul3A_1324 : i32 to index
        %get3A_1366 = tpu.vector_load %arg7[%get3A_1362, %get3A_1363, %get3A_1364, %get3A_1365] {strides = array<i32>} : memref<2x5x80x128xf32, #tpu.memory_space<vmem>>, vector<1x1x1x16xf32>,
        %get3A_1367 = vector.shape_cast %get3A_1366 : vector<1x1x1x16xf32> to vector<16xf32>
        %add3A_1368 = arith.addf %add3A_1359, %get3A_1367 : vector<16xf32>
        %swap3A_1369 = arith.constant 1 : i32
        %swap3A_1370 = arith.constant 0 : i32
        %swap3A_1371 = arith.index_cast %swap3A_1369 : i32 to index
        %swap3A_1372 = arith.index_cast %swap3A_1370 : i32 to index
        %swap3A_1373 = arith.index_cast %select_n3A_1306 : i32 to index
        %swap3A_1374 = arith.index_cast %mul3A_1324 : i32 to index
        %swap3A_1375 = tpu.vector_load %arg7[%swap3A_1371, %swap3A_1372, %swap3A_1373, %swap3A_1374] {strides = array<i32>} : memref<2x5x80x128xf32, #tpu.memory_space<vmem>>, vector<1x1x1x16xf32>,
        %swap3A_1376 = vector.shape_cast %swap3A_1375 : vector<1x1x1x16xf32> to vector<16xf32>
        %swap3A_1377 = vector.shape_cast %add3A_1368 : vector<16xf32> to vector<1x1x1x16xf32>
        tpu.vector_store %arg7[%swap3A_1371, %swap3A_1372, %swap3A_1373, %swap3A_1374], %swap3A_1377 {strides = array<i32>} : memref<2x5x80x128xf32, #tpu.memory_space<vmem>>, vector<1x1x1x16xf32>,
      }
      %scan3A_587 = arith.constant 80 : i32
      %mul3A_588 = arith.constant 80 : i32
      %mul3A_589 = arith.muli %add3A_520, %mul3A_588 : i32
      %add3A_590 = arith.addi %mul3A_2, %mul3A_589 : i32
      %run_scoped3A_591 = arith.constant 1 : i32
      %run_scoped3A_592 = arith.constant 0 : i32
      "tpu.region"() ({
        %run_scoped3A_593 = tpu.sem_alloc : memref<!tpu.dma_semaphore, #tpu.memory_space<semaphore_mem>>
        %dma_start3A_594 = arith.constant 0 : i32
        %dma_start3A_595 = arith.constant 0 : i32
        %dma_start3A_596 = tpu.memref_slice %arg7[%run_scoped3A_591, %run_scoped3A_592, %dma_start3A_594, %dma_start3A_595] : memref<2x5x80x128xf32, #tpu.memory_space<vmem>> -> memref<1x1x80x128xf32, #tpu.memory_space<vmem>>
        %dma_start3A_597 = tpu.memref_squeeze %dma_start3A_596 : memref<1x1x80x128xf32, #tpu.memory_space<vmem>> -> memref<80x128xf32, #tpu.memory_space<vmem>>
        %dma_start3A_598 = arith.constant 0 : i32
        %dma_start3A_599 = tpu.memref_slice %arg4[%add3A_590, %dma_start3A_598] : memref<61440x128xf32, #tpu.memory_space<hbm>> -> memref<80x128xf32, #tpu.memory_space<hbm>>
        %dma_start3A_600 = arith.constant 0 : i32
        %dma_start3A_601 = tpu.memref_slice %arg4[%add3A_590, %dma_start3A_600] : memref<61440x128xf32, #tpu.memory_space<hbm>> -> memref<80x128xf32, #tpu.memory_space<hbm>>
        %dma_start3A_602 = arith.constant 0 : i32
        %dma_start3A_603 = arith.constant 0 : i32
        %dma_start3A_604 = tpu.memref_slice %arg7[%run_scoped3A_591, %run_scoped3A_592, %dma_start3A_602, %dma_start3A_603] : memref<2x5x80x128xf32, #tpu.memory_space<vmem>> -> memref<1x1x80x128xf32, #tpu.memory_space<vmem>>
        %dma_start3A_605 = tpu.memref_squeeze %dma_start3A_604 : memref<1x1x80x128xf32, #tpu.memory_space<vmem>> -> memref<80x128xf32, #tpu.memory_space<vmem>>
        tpu.enqueue_dma source(%dma_start3A_605 : memref<80x128xf32, #tpu.memory_space<vmem>>) target(%dma_start3A_601 : memref<80x128xf32, #tpu.memory_space<hbm>>) target_semaphore(%run_scoped3A_593 : memref<!tpu.dma_semaphore, #tpu.memory_space<semaphore_mem>>)
        %dma_wait3A_606 = arith.constant 0 : i32
        %dma_wait3A_607 = arith.constant 0 : i32
        %dma_wait3A_608 = tpu.memref_slice %arg7[%run_scoped3A_591, %run_scoped3A_592, %dma_wait3A_606, %dma_wait3A_607] : memref<2x5x80x128xf32, #tpu.memory_space<vmem>> -> memref<1x1x80x128xf32, #tpu.memory_space<vmem>>
        %dma_wait3A_609 = tpu.memref_squeeze %dma_wait3A_608 : memref<1x1x80x128xf32, #tpu.memory_space<vmem>> -> memref<80x128xf32, #tpu.memory_space<vmem>>
        %dma_wait3A_610 = arith.constant 0 : i32
        %dma_wait3A_611 = tpu.memref_slice %arg4[%add3A_590, %dma_wait3A_610] : memref<61440x128xf32, #tpu.memory_space<hbm>> -> memref<80x128xf32, #tpu.memory_space<hbm>>
        %dma_wait3A_612 = arith.constant 0 : i32
        %dma_wait3A_613 = tpu.memref_slice %arg4[%add3A_590, %dma_wait3A_612] : memref<61440x128xf32, #tpu.memory_space<hbm>> -> memref<80x128xf32, #tpu.memory_space<hbm>>
        %dma_wait3A_614 = arith.constant 0 : i32
        %dma_wait3A_615 = arith.constant 0 : i32
        %dma_wait3A_616 = tpu.memref_slice %arg7[%run_scoped3A_591, %run_scoped3A_592, %dma_wait3A_614, %dma_wait3A_615] : memref<2x5x80x128xf32, #tpu.memory_space<vmem>> -> memref<1x1x80x128xf32, #tpu.memory_space<vmem>>
        %dma_wait3A_617 = tpu.memref_squeeze %dma_wait3A_616 : memref<1x1x80x128xf32, #tpu.memory_space<vmem>> -> memref<80x128xf32, #tpu.memory_space<vmem>>
        tpu.wait_dma2 semaphore(%run_scoped3A_593 : memref<!tpu.dma_semaphore, #tpu.memory_space<semaphore_mem>>) src(%dma_wait3A_617 : memref<80x128xf32, #tpu.memory_space<vmem>>) dst(%dma_wait3A_613 : memref<80x128xf32, #tpu.memory_space<hbm>>)
        tpu.yield
      }) : () -> ()
    }
    %scan3A_444 = arith.constant 12 : i32
    return
  }
}

module attributes {stable_mosaic.version = 14 : i64} {
  func.func @_tc_body(%arg0: i32, %arg1: memref<64x60x5xi32, #tpu.memory_space<vmem>>, %arg2: memref<64x60x128xf32, #tpu.memory_space<vmem>>, %arg3: memref<3840x128xf32, #tpu.memory_space<vmem>>, %arg4: memref<64x60x80xf32, #tpu.memory_space<vmem>>, %arg5: memref<128x640xbf16, #tpu.memory_space<vmem>>, %arg6: memref<80x640xbf16, #tpu.memory_space<vmem>>, %arg7: memref<1x640xf32, #tpu.memory_space<vmem>>, %arg8: memref<64x60x128xf32, #tpu.memory_space<vmem>>) attributes {dimension_semantics = [#tpu.dimension_semantics<arbitrary>], iteration_bounds = array<i64: 16>, scalar_prefetch = 0 : i64, scratch_operands = 0 : i64, tpu.core_type = #tpu.core_type<tc>, window_params = [{transform_indices = @transform_0, window_bounds = array<i64: 64, 60, 5>}, {transform_indices = @transform_1, window_bounds = array<i64: 64, 60, 128>}, {transform_indices = @transform_2, window_bounds = array<i64: 3840, 128>}, {transform_indices = @transform_3, window_bounds = array<i64: 64, 60, 80>}, {pipeline_mode = #tpu.pipeline_mode<synchronous>, transform_indices = @transform_4, window_bounds = array<i64: 128, 640>}, {pipeline_mode = #tpu.pipeline_mode<synchronous>, transform_indices = @transform_5, window_bounds = array<i64: 80, 640>}, {pipeline_mode = #tpu.pipeline_mode<synchronous>, transform_indices = @transform_6, window_bounds = array<i64: 1, 640>}, {transform_indices = @transform_7, window_bounds = array<i64: 64, 60, 128>}]} {
    %get3A = arith.constant 0 : index
    %get3A_0 = arith.constant 0 : index
    %get3A_1 = arith.constant 0 : index
    %get3A_2 = vector.load %arg1[%get3A, %get3A_0, %get3A_1] : memref<64x60x5xi32, #tpu.memory_space<vmem>>, vector<64x60x5xi32>
    %reshape3A = vector.shape_cast %get3A_2 : vector<64x60x5xi32> to vector<3840x5xi32>
    %ge3A = arith.constant 0 : i32
    %ge3A_3 = vector.broadcast %ge3A : i32 to vector<3840x5xi32>
    %ge3A_4 = arith.cmpi sge, %reshape3A, %ge3A_3 : vector<3840x5xi32>
    %convert_element_type3A = arith.extui %ge3A_4 : vector<3840x5xi1> to vector<3840x5xi32>
    %convert_element_type3A_5 = arith.sitofp %convert_element_type3A : vector<3840x5xi32> to vector<3840x5xf32>
    %reduce_sum3A = arith.constant dense<0.000000e+00> : vector<3840xf32>
    %reduce_sum3A_6 = vector.multi_reduction <add>, %convert_element_type3A_5, %reduce_sum3A [1] : vector<3840x5xf32> to vector<3840xf32>
    %broadcast_in_dim3A = vector.shape_cast %reduce_sum3A_6 : vector<3840xf32> to vector<3840x1xf32>
    %get3A_7 = arith.constant 0 : index
    %get3A_8 = arith.constant 0 : index
    %get3A_9 = arith.constant 0 : index
    %get3A_10 = vector.load %arg2[%get3A_7, %get3A_8, %get3A_9] : memref<64x60x128xf32, #tpu.memory_space<vmem>>, vector<64x60x128xf32>
    %reshape3A_11 = vector.shape_cast %get3A_10 : vector<64x60x128xf32> to vector<3840x128xf32>
    %get3A_12 = arith.constant 0 : index
    %get3A_13 = arith.constant 0 : index
    %get3A_14 = vector.load %arg3[%get3A_12, %get3A_13] : memref<3840x128xf32, #tpu.memory_space<vmem>>, vector<3840x128xf32>
    %sub3A = arith.constant 4.000000e+00 : f32
    %sub3A_15 = vector.broadcast %sub3A : f32 to vector<3840x1xf32>
    %sub3A_16 = arith.subf %broadcast_in_dim3A, %sub3A_15 : vector<3840x1xf32>
    %mul3A = vector.broadcast %sub3A_16 : vector<3840x1xf32> to vector<3840x128xf32>
    %mul3A_17 = arith.mulf %mul3A, %reshape3A_11 : vector<3840x128xf32>
    %add3A = arith.addf %get3A_14, %mul3A_17 : vector<3840x128xf32>
    %get3A_18 = arith.constant 0 : index
    %get3A_19 = arith.constant 0 : index
    %get3A_20 = arith.constant 0 : index
    %get3A_21 = vector.load %arg4[%get3A_18, %get3A_19, %get3A_20] : memref<64x60x80xf32, #tpu.memory_space<vmem>>, vector<64x60x80xf32>
    %reshape3A_22 = vector.shape_cast %get3A_21 : vector<64x60x80xf32> to vector<3840x80xf32>
    %convert_element_type3A_23 = arith.truncf %add3A : vector<3840x128xf32> to vector<3840x128xbf16>
    %get3A_24 = arith.constant 0 : index
    %get3A_25 = arith.constant 0 : index
    %get3A_26 = vector.load %arg5[%get3A_24, %get3A_25] : memref<128x640xbf16, #tpu.memory_space<vmem>>, vector<128x640xbf16>
    %dot_general3A = arith.constant dense<0.000000e+00> : vector<3840x640xf32>
    %dot_general3A_27 = tpu.matmul %convert_element_type3A_23, %get3A_26, %dot_general3A {dimension_numbers = #tpu.dot_dimension_numbers<[1], [0], [0], [1], [0, 0, 1, 1], [], []>, transpose_lhs_hint = false} : vector<3840x128xbf16>, vector<128x640xbf16>, vector<3840x640xf32> -> vector<3840x640xf32>
    %convert_element_type3A_28 = arith.truncf %reshape3A_22 : vector<3840x80xf32> to vector<3840x80xbf16>
    %get3A_29 = arith.constant 0 : index
    %get3A_30 = arith.constant 0 : index
    %get3A_31 = vector.load %arg6[%get3A_29, %get3A_30] : memref<80x640xbf16, #tpu.memory_space<vmem>>, vector<80x640xbf16>
    %dot_general3A_32 = arith.constant dense<0.000000e+00> : vector<3840x640xf32>
    %dot_general3A_33 = tpu.matmul %convert_element_type3A_28, %get3A_31, %dot_general3A_32 {dimension_numbers = #tpu.dot_dimension_numbers<[1], [0], [0], [1], [0, 0, 1, 1], [], []>, transpose_lhs_hint = false} : vector<3840x80xbf16>, vector<80x640xbf16>, vector<3840x640xf32> -> vector<3840x640xf32>
    %add3A_34 = arith.addf %dot_general3A_27, %dot_general3A_33 : vector<3840x640xf32>
    %get3A_35 = arith.constant 0 : index
    %get3A_36 = arith.constant 0 : index
    %get3A_37 = vector.load %arg7[%get3A_35, %get3A_36] : memref<1x640xf32, #tpu.memory_space<vmem>>, vector<1x640xf32>
    %add3A_38 = vector.broadcast %get3A_37 : vector<1x640xf32> to vector<3840x640xf32>
    %add3A_39 = arith.addf %add3A_34, %add3A_38 : vector<3840x640xf32>
    %max3A = arith.constant 0.000000e+00 : f32
    %max3A_40 = vector.broadcast %max3A : f32 to vector<3840x640xf32>
    %max3A_41 = arith.maximumf %add3A_39, %max3A_40 : vector<3840x640xf32>
    %broadcast_in_dim3A_42 = arith.constant 0.000000e+00 : f32
    %broadcast_in_dim3A_43 = vector.broadcast %broadcast_in_dim3A_42 : f32 to vector<3840x128xf32>
    %eq3A = arith.constant 1.000000e+00 : f32
    %eq3A_44 = vector.broadcast %eq3A : f32 to vector<3840x1xf32>
    %eq3A_45 = arith.cmpf oeq, %broadcast_in_dim3A, %eq3A_44 : vector<3840x1xf32>
    %convert_element_type3A_46 = arith.extui %eq3A_45 : vector<3840x1xi1> to vector<3840x1xi32>
    %convert_element_type3A_47 = arith.sitofp %convert_element_type3A_46 : vector<3840x1xi32> to vector<3840x1xf32>
    %slice3A = vector.extract_strided_slice %max3A_41 {offsets = [0, 0], sizes = [3840, 128], strides = [1, 1]} : vector<3840x640xf32> to vector<3840x128xf32>
    %mul3A_48 = vector.broadcast %convert_element_type3A_47 : vector<3840x1xf32> to vector<3840x128xf32>
    %mul3A_49 = arith.mulf %mul3A_48, %slice3A : vector<3840x128xf32>
    %add3A_50 = arith.addf %broadcast_in_dim3A_43, %mul3A_49 : vector<3840x128xf32>
    %eq3A_51 = arith.constant 2.000000e+00 : f32
    %eq3A_52 = vector.broadcast %eq3A_51 : f32 to vector<3840x1xf32>
    %eq3A_53 = arith.cmpf oeq, %broadcast_in_dim3A, %eq3A_52 : vector<3840x1xf32>
    %convert_element_type3A_54 = arith.extui %eq3A_53 : vector<3840x1xi1> to vector<3840x1xi32>
    %convert_element_type3A_55 = arith.sitofp %convert_element_type3A_54 : vector<3840x1xi32> to vector<3840x1xf32>
    %slice3A_56 = vector.extract_strided_slice %max3A_41 {offsets = [0, 128], sizes = [3840, 128], strides = [1, 1]} : vector<3840x640xf32> to vector<3840x128xf32>
    %mul3A_57 = vector.broadcast %convert_element_type3A_55 : vector<3840x1xf32> to vector<3840x128xf32>
    %mul3A_58 = arith.mulf %mul3A_57, %slice3A_56 : vector<3840x128xf32>
    %add3A_59 = arith.addf %add3A_50, %mul3A_58 : vector<3840x128xf32>
    %eq3A_60 = arith.constant 3.000000e+00 : f32
    %eq3A_61 = vector.broadcast %eq3A_60 : f32 to vector<3840x1xf32>
    %eq3A_62 = arith.cmpf oeq, %broadcast_in_dim3A, %eq3A_61 : vector<3840x1xf32>
    %convert_element_type3A_63 = arith.extui %eq3A_62 : vector<3840x1xi1> to vector<3840x1xi32>
    %convert_element_type3A_64 = arith.sitofp %convert_element_type3A_63 : vector<3840x1xi32> to vector<3840x1xf32>
    %slice3A_65 = vector.extract_strided_slice %max3A_41 {offsets = [0, 256], sizes = [3840, 128], strides = [1, 1]} : vector<3840x640xf32> to vector<3840x128xf32>
    %mul3A_66 = vector.broadcast %convert_element_type3A_64 : vector<3840x1xf32> to vector<3840x128xf32>
    %mul3A_67 = arith.mulf %mul3A_66, %slice3A_65 : vector<3840x128xf32>
    %add3A_68 = arith.addf %add3A_59, %mul3A_67 : vector<3840x128xf32>
    %eq3A_69 = arith.constant 4.000000e+00 : f32
    %eq3A_70 = vector.broadcast %eq3A_69 : f32 to vector<3840x1xf32>
    %eq3A_71 = arith.cmpf oeq, %broadcast_in_dim3A, %eq3A_70 : vector<3840x1xf32>
    %convert_element_type3A_72 = arith.extui %eq3A_71 : vector<3840x1xi1> to vector<3840x1xi32>
    %convert_element_type3A_73 = arith.sitofp %convert_element_type3A_72 : vector<3840x1xi32> to vector<3840x1xf32>
    %slice3A_74 = vector.extract_strided_slice %max3A_41 {offsets = [0, 384], sizes = [3840, 128], strides = [1, 1]} : vector<3840x640xf32> to vector<3840x128xf32>
    %mul3A_75 = vector.broadcast %convert_element_type3A_73 : vector<3840x1xf32> to vector<3840x128xf32>
    %mul3A_76 = arith.mulf %mul3A_75, %slice3A_74 : vector<3840x128xf32>
    %add3A_77 = arith.addf %add3A_68, %mul3A_76 : vector<3840x128xf32>
    %eq3A_78 = arith.constant 5.000000e+00 : f32
    %eq3A_79 = vector.broadcast %eq3A_78 : f32 to vector<3840x1xf32>
    %eq3A_80 = arith.cmpf oeq, %broadcast_in_dim3A, %eq3A_79 : vector<3840x1xf32>
    %convert_element_type3A_81 = arith.extui %eq3A_80 : vector<3840x1xi1> to vector<3840x1xi32>
    %convert_element_type3A_82 = arith.sitofp %convert_element_type3A_81 : vector<3840x1xi32> to vector<3840x1xf32>
    %slice3A_83 = vector.extract_strided_slice %max3A_41 {offsets = [0, 512], sizes = [3840, 128], strides = [1, 1]} : vector<3840x640xf32> to vector<3840x128xf32>
    %mul3A_84 = vector.broadcast %convert_element_type3A_82 : vector<3840x1xf32> to vector<3840x128xf32>
    %mul3A_85 = arith.mulf %mul3A_84, %slice3A_83 : vector<3840x128xf32>
    %add3A_86 = arith.addf %add3A_77, %mul3A_85 : vector<3840x128xf32>
    %reshape3A_87 = vector.shape_cast %add3A_86 : vector<3840x128xf32> to vector<64x60x128xf32>
    %swap3A = arith.constant 0 : index
    %swap3A_88 = arith.constant 0 : index
    %swap3A_89 = arith.constant 0 : index
    %swap3A_90 = vector.load %arg8[%swap3A, %swap3A_88, %swap3A_89] : memref<64x60x128xf32, #tpu.memory_space<vmem>>, vector<64x60x128xf32>
    tpu.vector_store %arg8[%swap3A, %swap3A_88, %swap3A_89], %reshape3A_87 {strides = array<i32>} : memref<64x60x128xf32, #tpu.memory_space<vmem>>, vector<64x60x128xf32>,
    return
  }
  func.func @transform_0(%arg0: i32) -> (i32, i32, i32) {
    %c0_i32 = arith.constant 0 : i32
    %c0_i32_0 = arith.constant 0 : i32
    %c0_i32_1 = arith.constant 0 : i32
    return %arg0, %c0_i32, %c0_i32_0 : i32, i32, i32
  }
  func.func @transform_1(%arg0: i32) -> (i32, i32, i32) {
    %c0_i32 = arith.constant 0 : i32
    %c0_i32_0 = arith.constant 0 : i32
    %c0_i32_1 = arith.constant 0 : i32
    return %arg0, %c0_i32, %c0_i32_0 : i32, i32, i32
  }
  func.func @transform_2(%arg0: i32) -> (i32, i32) {
    %c0_i32 = arith.constant 0 : i32
    %c0_i32_0 = arith.constant 0 : i32
    return %arg0, %c0_i32 : i32, i32
  }
  func.func @transform_3(%arg0: i32) -> (i32, i32, i32) {
    %c0_i32 = arith.constant 0 : i32
    %c0_i32_0 = arith.constant 0 : i32
    %c0_i32_1 = arith.constant 0 : i32
    return %arg0, %c0_i32, %c0_i32_0 : i32, i32, i32
  }
  func.func @transform_4(%arg0: i32) -> (i32, i32) {
    %c0_i32 = arith.constant 0 : i32
    %c0_i32_0 = arith.constant 0 : i32
    %c0_i32_1 = arith.constant 0 : i32
    return %c0_i32, %c0_i32_0 : i32, i32
  }
  func.func @transform_5(%arg0: i32) -> (i32, i32) {
    %c0_i32 = arith.constant 0 : i32
    %c0_i32_0 = arith.constant 0 : i32
    %c0_i32_1 = arith.constant 0 : i32
    return %c0_i32, %c0_i32_0 : i32, i32
  }
  func.func @transform_6(%arg0: i32) -> (i32, i32) {
    %c0_i32 = arith.constant 0 : i32
    %c0_i32_0 = arith.constant 0 : i32
    %c0_i32_1 = arith.constant 0 : i32
    return %c0_i32, %c0_i32_0 : i32, i32
  }
  func.func @transform_7(%arg0: i32) -> (i32, i32, i32) {
    %c0_i32 = arith.constant 0 : i32
    %c0_i32_0 = arith.constant 0 : i32
    %c0_i32_1 = arith.constant 0 : i32
    return %arg0, %c0_i32, %c0_i32_0 : i32, i32, i32
  }
}

</mosaic_0001>

<sc_bundles>
// kernel: kernel.4.cloned.1.call-start
scs
__scs_entry_jumppad:
0x0: {  	(pc) =	sbr.rel $0x88, $3  }
0x1: {  	(tag) =	ssettag $0x0;
	lr =	simm.s32 $0x1  }
0x2: {  	[smem:$0x3F9C] =	sst lr;
	_ =	strace $0xD0000000  }
0x3: {  	_ = 	snop  }
0x4: {  	_ = 	snop  }
0x5: {  	_ = 	snop  }
0x6: {  	_ = 	snop  }
0x7: {  	_ = 	snop  }
__scs_overlays_trampoline_lowered:
0x8: {  	[smem:$0x3FAB] =	sst s0  }
0x9: {  	[smem:$0x3FAC] =	sst s1  }
0xa: {  	[smem:$0x3FAD] =	sst s2  }
0xb: {  	[smem:$0x3FAE] =	sst s3  }
0xc: {  	[smem:$0x3FAF] =	sst s4  }
0xd: {  	[smem:$0x3FB0] =	sst s5  }
0xe: {  	[smem:$0x3FB1] =	sst s6  }
0xf: {  	[smem:$0x3FB2] =	sst s7  }
0x10: {  	[smem:$0x3FB3] =	sst s8  }
0x11: {  	[smem:$0x3FB4] =	sst s9;
	s0 =	simm.s32 @!p0 $0x0  }
0x12: {  	s1 =	sld [smem:$0x3F9A];
	s0 =	simm.s32 @p0 $0x1  }
0x13: {  	[smem:$0x3FB5] =	sst s0;
	s0 =	simm.s32 @!p1 $0x0  }
0x14: {  	s2 =	sld [smem:$0x3F99];
	s0 =	simm.s32 @p1 $0x1  }
0x15: {  	[smem:$0x3FB6] =	sst s0;
	s0 =	simm.s32 @!p2 $0x0  }
0x16: {  	s3 =	sld [smem:$0x3FDB];
	s0 =	simm.s32 @p2 $0x1  }
0x17: {  	s4 =	simm.s32 $0x1BF5;
	[smem:$0x3FB8] =	sst s0  }
0x18: {  	s0 =	sld [smem:$0x3F9B];
	_ =	swait.ge [sflag:s4], $0x0  }
0x19: {  	s7 =	sld [smem:$0x3F9C]  }
0x1a: {  	s8 =	sadd.s32 $0xFFFFE003, lr  }
0x1b: {  	s9 =	sadd.s32 $0xFFFFFEF7, lr;
	s5 =	simm.s32 $0xFFFFFFFF;
	p2 =	slt.u32 s8, $0xFFFFF086  }
0x1c: {  	p1 =	slt.u32 s9, $0xF7A;
	s5 =	simm.s32 @!p2 $0x0  }
0x1d: {  	s5 =	simm.s32 @p1 $0x1;
	p0 =	seq.s32 s7, s2  }
0x1e: {  	s7 =	smul.u32 @!p0 $0xF7A, s2;
	p2 =	seq.s32 @!p0 s5, $0x0  }
0x1f: {  	s9 =	smul.u32 $0xF7A, s1;
	s8 =	simm.s32 @!p0 $0x1BF5;
	p2 =	por !p2, p0  }
0x20: {  	[sflag:s8] =	ssyncset.s32 @!p0 $0xFFFFF086;
	s6 =	sadd.s32 @!p0 s3, s7;
	s7 =	simm.s32 @!p0 $0x108  }
0x21: {  	s3 =	sadd.s32 s3, s9;
	s6 =	sadd.s32 @!p0 $0x88, s6;
	s7 =	simm.s32 @p2 $0x1082  }
0x22: {  	[simem:s7], [sflag:s8] =	dma.local @!p0 [hbm:s6], $0xF7A  }
0x23: {  	s9 =	sor.u32 $0xD0000000, s2;
	s6 =	simm.s32 $0x108;
	_ =	swait.ge @!p0 [sflag:s8], $0x0  }
0x24: {  	s3 =	sadd.s32 $0x88, s3;
	s6 =	simm.s32 @!p1 $0x1082;
	[sflag:s4] =	ssyncset.s32 $0xFFFFF086  }
0x25: {  	[simem:s6], [sflag:s4] =	dma.local [hbm:s3], $0xF7A  }
0x26: {  	[smem:$0x3F9C] =	sst s1;
	(tag) =	ssettag s2;
	_ =	strace s9  }
0x27: {  	s1 =	sld [smem:$0x3FAC]  }
0x28: {  	s2 =	sld [smem:$0x3FAD]  }
0x29: {  	s4 =	sld [smem:$0x3FAF]  }
0x2a: {  	p0 =	seq.s32 s5, $0x0;
	s5 =	sld [smem:$0x3FB0]  }
0x2b: {  	s6 =	sld [smem:$0x3FB1]  }
0x2c: {  	s7 =	sld [smem:$0x3FB2]  }
0x2d: {  	s3 =	simm.s32 $0x108;
	s8 =	sld [smem:$0x3FB3]  }
0x2e: {  	s3 =	simm.s32 @!p0 $0x1082;
	s9 =	sld [smem:$0x3FB4]  }
0x2f: {  	lr =	sadd.s32 s0, s3;
	s0 =	sld [smem:$0x3FAB]  }
0x30: {  	s3 =	sld [smem:$0x3FAE]  }
0x31: {  	[smem:$0x3FB7] =	sst s10  }
0x32: {  	s10 =	sld [smem:$0x3FB5];
	_ =	sdelay $0x3  }
0x33: {  	p0 =	seq.s32 s10, $0x1;
	s10 =	sld [smem:$0x3FB7];
	_ =	sdelay $0x3  }
0x34: {  	[smem:$0x3FB7] =	sst s10  }
0x35: {  	s10 =	sld [smem:$0x3FB6];
	_ =	sdelay $0x3  }
0x36: {  	p1 =	seq.s32 s10, $0x1;
	s10 =	sld [smem:$0x3FB7];
	_ =	sdelay $0x3  }
0x37: {  	[smem:$0x3FB7] =	sst s10  }
0x38: {  	s10 =	sld [smem:$0x3FB8]  }
0x39: {  	_ = 	snop;
	(pc) =	sbr.ind lr, $3  }
0x3a: {  	_ = 	snop  }
0x3b: {  	_ = 	snop  }
0x3c: {  	p2 =	seq.s32 s10, $0x1;
	s10 =	sld [smem:$0x3FB7]  }
0x3d: {  	_ =	shalt  }
0x3e: {  	_ =	shalt  }
0x3f: {  	_ =	shalt  }
0x40: {  	_ =	shalt  }
0x41: {  	_ =	shalt  }
0x42: {  	_ =	shalt  }
0x43: {  	_ =	shalt  }
0x44: {  	_ =	shalt  }
0x45: {  	_ =	shalt  }
0x46: {  	_ =	shalt  }
0x47: {  	_ =	shalt  }
0x48: {  	_ =	shalt  }
0x49: {  	_ =	shalt  }
0x4a: {  	_ =	shalt  }
0x4b: {  	_ =	shalt  }
0x4c: {  	_ =	shalt  }
0x4d: {  	_ =	shalt  }
0x4e: {  	_ =	shalt  }
0x4f: {  	_ =	shalt  }
0x50: {  	_ =	shalt  }
0x51: {  	_ =	shalt  }
0x52: {  	_ =	shalt  }
0x53: {  	_ =	shalt  }
0x54: {  	_ =	shalt  }
0x55: {  	_ =	shalt  }
0x56: {  	_ =	shalt  }
0x57: {  	_ =	shalt  }
0x58: {  	_ =	shalt  }
0x59: {  	_ =	shalt  }
0x5a: {  	_ =	shalt  }
0x5b: {  	_ =	shalt  }
0x5c: {  	_ =	shalt  }
0x5d: {  	_ =	shalt  }
0x5e: {  	_ =	shalt  }
0x5f: {  	_ =	shalt  }
0x60: {  	_ =	shalt  }
0x61: {  	_ =	shalt  }
0x62: {  	_ =	shalt  }
0x63: {  	_ =	shalt  }
0x64: {  	_ =	shalt  }
0x65: {  	_ =	shalt  }
0x66: {  	_ =	shalt  }
0x67: {  	_ =	shalt  }
0x68: {  	_ =	shalt  }
0x69: {  	_ =	shalt  }
0x6a: {  	_ =	shalt  }
0x6b: {  	_ =	shalt  }
0x6c: {  	_ =	shalt  }
0x6d: {  	_ =	shalt  }
0x6e: {  	_ =	shalt  }
0x6f: {  	_ =	shalt  }
0x70: {  	_ =	shalt  }
0x71: {  	_ =	shalt  }
0x72: {  	_ =	shalt  }
0x73: {  	_ =	shalt  }
0x74: {  	_ =	shalt  }
0x75: {  	_ =	shalt  }
0x76: {  	_ =	shalt  }
0x77: {  	_ =	shalt  }
0x78: {  	_ =	shalt  }
0x79: {  	_ =	shalt  }
0x7a: {  	_ =	shalt  }
0x7b: {  	_ =	shalt  }
0x7c: {  	_ =	shalt  }
0x7d: {  	_ =	shalt  }
0x7e: {  	_ =	shalt  }
0x7f: {  	_ =	shalt  }
0x80: {  	_ =	shalt  }
0x81: {  	_ =	shalt  }
0x82: {  	_ =	shalt  }
0x83: {  	_ =	shalt  }
0x84: {  	_ =	shalt  }
0x85: {  	_ =	shalt  }
0x86: {  	_ =	shalt  }
0x87: {  	_ =	shalt  }
.Lfunc_end0:
.L_simem_size_0:
called_computation_lowered:
.L_overlay_start_0:
0x88: {  	s2 =	sld [smem:$0x3FD9]  }
0x89: {  	s3 =	sld [smem:$0x3FFE];
	_ =	sdelay $0x1  }
0x8a: {  	s1 =	srdreg.scid  }
0x8b: {  	s0 =	sand.u32 $0x1, s1  }
0x8c: {  	s17 =	sshll.u32 s0, $0xA;
	s2 =	sadd.s32 s3, s2  }
0x8d: {  	s2 =	sadd.s32 s2, s17  }
0x8e: {  	[smem:$0x3FC3] =	sst s2  }
0x8f: {  	_ = 	snop  }
0x90: {  	s2 =	sld [smem:$0x3FD0];
	(tm) =	ssettm $0x1  }
0x91: {  	s18 =	sld [smem:$0x3FFB];
	_ =	sdelay $0x3  }
0x92: {  	_ =	strace s18  }
0x93: {  	s3 =	sld [smem:$0x3FFC];
	_ =	sdelay $0x3  }
0x94: {  	_ =	strace s3  }
0x95: {  	s3 =	sld [smem:$0x3FFD];
	_ =	sdelay $0x3  }
0x96: {  	_ =	strace s3  }
0x97: {  	_ =	strace $0x8FFFFFFF  }
0x98: {  	s19 =	sld [smem:$0x3FDB];
	_ =	sdelay $0x1  }
0x99: {  	s4 =	simm.s32 $_scs_section_size  }
0x9a: {  	s5 =	simm.s32 $_size__tile_overlayer_lowered;
	s6 =	simm.s32 $_tile_overlayer_lowered  }
0x9b: {  	s22 =	simm.s32 $0x1BFF;
	s21 =	sshll.u32 s6, $0x1;
	s3 =	sadd.s32 s4, s19  }
0x9c: {  	s7 =	simm.s32 $0x0;
	s20 =	sshll.u32 s5, $0x1;
	s5 =	sadd.s32 s21, s3  }
0x9d: {  	[timem:s7], [sflag:s22] =	dma.local [hbm:s5], s20  }
0x9e: {  	_ =	swait.ge [sflag:s22], s20  }
0x9f: {  	s4 =	ssub.s32 $0x0, s20;
	[sflag:s22] =	ssyncset.done $0x0  }
0xa0: {  	[sflag:s22] =	ssyncadd.s32 s4;
	_ =	sdelay $0x1  }
0xa1: {  	s23 =	simm.s32 $0x1B8B  }
0xa2: {  	_ =	swait.ge [sflag:s23], $0x1  }
0xa3: {  	[sflag:s23] =	ssyncset.done $0x0  }
0xa4: {  	s25 =	simm.s32 $0x1B8E;
	s24 =	sld [smem:$0x3FFE];
	[sflag:s23] =	ssyncadd.s32 $0xFFFFFFFF  }
0xa5: {  	s26 =	simm.s32 $execute0_lowered;
	[smem:$0x3FD2] =	sst s25  }
0xa6: {  	s5 =	sshll.u32 s26, $0x1;
	_ =	strace $0x80000046;
	[dreg:$0x1] =	wrdreg $0xFFFFFFFF  }
0xa7: {  	s28 =	simm.s32 $_size_execute0_lowered;
	s3 =	sadd.s32 s3, s5;
	[dreg:$0x0] =	wrdreg $0x0  }
0xa8: {  	s5 =	sshll.u32 s28, $0x1;
	[dreg:$0x2] =	wrdreg s3  }
0xa9: {  	[dreg:$0x3] =	wrdreg s5  }
0xaa: {  	[dreg:$0x4] =	wrdreg $0xC0  }
0xab: {  	_ =	task [dreg:s7], $0x5FFFF  }
0xac: {  	[dreg:$0x1] =	wrdreg $0xFFFFFFFF  }
0xad: {  	[dreg:$0x0] =	wrdreg $0x60  }
0xae: {  	[dreg:$0x2] =	wrdreg s2  }
0xaf: {  	[dreg:$0x3] =	wrdreg s24  }
0xb0: {  	[dreg:$0x4] =	wrdreg $0x9  }
0xb1: {  	_ =	task.clear_ibuf [dreg:s7], $0x5FFFF;
	_ =	strace $0x90000046  }
0xb2: {  	s29 =	simm.s32 $0x9;
	_ =	strace $0x80000048  }
0xb3: {  	_ =	swait.ge [sflag:s29], $0x1  }
0xb4: {  	[sflag:s29] =	ssyncadd.s32 $0xFFFFFFFF  }
0xb5: {  	_ =	strace $0x90000048  }
0xb6: {  	_ =	sfence  }
0xb7: {  	s30 =	sld [smem:$0x0];
	_ =	sdelay $0x2  }
0xb8: {  	s31 =	sshll.u32 s1, $0xD;
	s1 =	sshrl.u32 s1, $0x2  }
0xb9: {  	s3 =	sand.u32 $0x4000, s31;
	s1 =	sadd.s32 s1, s30  }
0xba: {  	s0 =	sor.u32 s3, s0;
	s1 =	sshll.u32 s1, $0x11  }
0xbb: {  	s0 =	sor.u32 s1, s0  }
0xbc: {  	s0 =	sadd.s32 $0x8F2B, s0  }
0xbd: {  	[sflag:s0] =	ssyncadd.remote.s32 $0x1  }
0xbe: {  	_ =	sfence.sel $0xFFFF  }
0xbf: {  	[dreg:$0x0] =	wrdreg $0xFFFFFFFF;
	(pc) =	sbr.abs _section_cstart, $3  }
0xc0: {  	[dreg:$0x1] =	wrdreg $0xFFFFFFFF  }
0xc1: {  	_ =	task.clear_ibuf [dreg:s7], $0x2FFFF;
	_ =	strace $0x9FFFFFFF  }
0xc2: {  	(tm) =	ssettm $0x7FFFFFFF  }
0xc3: {  	_ =	shalt  }
tec
execute0_lowered:
.L_overlay_start_1:
0x0: {  	(tag) =	ssettag $0x1  }
0x1: {  	s0 =	srdreg.scid;
	s2 =	rddreg [dreg:$0x0]  }
0x2: {  	s1 =	stileid.u32;
	s5 =	rddreg [dreg:$0x1]  }
0x3: {  	s3 =	simm.s32 $0x0;
	s12 =	simm.s32 $0x3;
	s17 =	simm.s32 $0x50  }
0x4: {  	s19 =	simm.s32 $0x2900;
	s28 =	simm.s32 $0xC900;
	s29 =	simm.s32 $0x2710  }
0x5: {  	s30 =	simm.s32 $0xF100;
	s31 =	simm.s32 $0x2760;
	s13 =	simm.s32 $0x14100  }
0x6: {  	s14 =	simm.s32 $0x2800;
	s0 =	sand.u32 $0x1, s0;
	s1 =	sshll.u32 s1, $0x1  }
0x7: {  	s15 =	simm.s32 $0x16900;
	s16 =	simm.s32 $0x2850;
	s1 =	sor.u32 s0, s1  }
0x8: {  	[smem:$0x7FF] =	sst s3;
	s0 =	ssub.s32 $0x2, s0;
	s4 =	smul.u32 $0x780, s1  }
0x9: {  	s10 =	simm.s32 $0x0;
	_ =	strace $0x80000047;
	s6 =	sshrl.u32 s0, $0x1  }
0xa: {  	s0 =	ssub.s32 s0, s6;
	s6 =	simm.s32 $0x19100;
	s1 =	sshrl.u32 s4, $0x3  }
0xb: {  	s25 =	sor.u32 $0x10, s4;
	s26 =	sor.u32 $0x20, s4;
	s7 =	sor.u32 $0x30, s4  }
0xc: {  	v0 =	vlaneseq.u32;
	s8 =	sor.u32 $0x40, s4;
	s0 =	smax.u32 s0, $0x1;
	s1 =	sadd.s32 s1, s5  }
0xd: {  	v1 =	vor.u32 s4, v0;
	s5 =	sadd.s32 $0x10B600, s5;
	[dreg:$0x8] =	wrdreg s0;
	v2 =	vor.u32 s25, v0;
	s21 =	sadd.s32 $0x2000, s1  }
0xe: {  	v6 =	vmul.u32 $0x8889, v1;
	v3 =	vor.u32 s26, v0;
	v4 =	vor.u32 s7, v0;
	s25 =	simm.s32 $0xA100;
	s22 =	sadd.s32 $0x3E00, s1;
	[dreg:$0x3] =	wrdreg s21  }
0xf: {  	v5 =	vor.u32 s8, v0;
	s26 =	simm.s32 $0x26C0;
	s23 =	sadd.s32 $0x5C00, s1;
	v7 =	vmul.u32 $0x8889, v2;
	v8 =	vmul.u32 $0x8889, v3;
	[dreg:$0x4] =	wrdreg s22  }
0x10: {  	s0 =	simm.s32 $0x27B0;
	s24 =	sadd.s32 $0x7A00, s1;
	v9 =	vmul.u32 $0x8889, v4;
	v10 =	vmul.u32 $0x8889, v5;
	[dreg:$0x5] =	wrdreg s23;
	v6 =	vshra.s32 v6, $0x15  }
0x11: {  	s7 =	simm.s32 $0x1;
	s1 =	sadd.s32 $0x9800, s1;
	[dreg:$0x6] =	wrdreg s24;
	v7 =	vshra.s32 v7, $0x15;
	v6 =	vmul.u32 $0x3C, v6;
	v8 =	vshra.s32 v8, $0x15  }
0x12: {  	s8 =	simm.s32 $0x2;
	[dreg:$0x7] =	wrdreg s1;
	s22 =	simm.s32 $0x2620;
	v9 =	vshra.s32 v9, $0x15;
	v10 =	vshra.s32 v10, $0x15;
	v7 =	vmul.u32 $0x3C, v7  }
0x13: {  	s23 =	simm.s32 $0x7900;
	s24 =	simm.s32 $0x2670;
	s1 =	simm.s32 $0x11900;
	v8 =	vmul.u32 $0x3C, v8;
	v9 =	vmul.u32 $0x3C, v9;
	v10 =	vmul.u32 $0x3C, v10  }
.LBB2_1:
0x14: {  	[dreg:$0x9] =	wrdreg s10  }
0x15: {  	s9 =	rddreg [dreg:$0x3]  }
0x16: {  	[tilespmem:s3], [sflag:$0x3] =	stream.linear.gather [hbm4b:s9+s3], $0x780, $0x38;
	[tilespmem:$0x1B900] =	vst v63  }
0x17: {  	_ =	swait.ge [sflag:s12], $0x780  }
0x18: {  	[sflag:s12] =	ssyncset.done $0x0  }
0x19: {  	s21 =	simm.s32 $0x780;
	s20 =	rddreg [dreg:$0x4];
	[sflag:s12] =	ssyncadd.s32 $0xFFFFF880  }
0x1a: {  	[tilespmem:s21], [sflag:$0x3] =	stream.linear.gather [hbm4b:s20+s3], $0x780, $0x38;
	[tilespmem:$0x1B900] =	vst v63  }
0x1b: {  	_ =	swait.ge [sflag:s12], $0x780  }
0x1c: {  	[sflag:s12] =	ssyncset.done $0x0  }
0x1d: {  	s18 =	simm.s32 $0xF00;
	s11 =	rddreg [dreg:$0x5];
	[sflag:s12] =	ssyncadd.s32 $0xFFFFF880  }
0x1e: {  	[tilespmem:s18], [sflag:$0x3] =	stream.linear.gather [hbm4b:s11+s3], $0x780, $0x38;
	[tilespmem:$0x1B900] =	vst v63  }
0x1f: {  	_ =	swait.ge [sflag:s12], $0x780  }
0x20: {  	[sflag:s12] =	ssyncset.done $0x0  }
0x21: {  	s21 =	simm.s32 $0x1680;
	s20 =	rddreg [dreg:$0x6];
	[sflag:s12] =	ssyncadd.s32 $0xFFFFF880  }
0x22: {  	[tilespmem:s21], [sflag:$0x3] =	stream.linear.gather [hbm4b:s20+s3], $0x780, $0x38;
	[tilespmem:$0x1B900] =	vst v63  }
0x23: {  	_ =	swait.ge [sflag:s12], $0x780  }
0x24: {  	[sflag:s12] =	ssyncset.done $0x0  }
0x25: {  	s11 =	simm.s32 $0x1E00;
	s10 =	rddreg [dreg:$0x7];
	[sflag:s12] =	ssyncadd.s32 $0xFFFFF880  }
0x26: {  	[tilespmem:s11], [sflag:$0x3] =	stream.linear.gather [hbm4b:s10+s3], $0x780, $0x38;
	[tilespmem:$0x1B900] =	vst v63  }
0x27: {  	_ =	swait.ge [sflag:s12], $0x780  }
0x28: {  	[sflag:s12] =	ssyncset.done $0x0  }
0x29: {  	[sflag:s12] =	ssyncadd.s32 $0xFFFFF880  }
0x2a: {  	v11 =	vld [tilespmem:$0x0]  }
0x2b: {  	v12 =	vld [tilespmem:$0x780]  }
0x2c: {  	v13 =	vld [tilespmem:$0xF00]  }
0x2d: {  	v14 =	vld [tilespmem:$0x1680]  }
0x2e: {  	v15 =	vld [tilespmem:$0x1E00]  }
0x2f: {  	v52 =	vld [tilespmem:$0x790]  }
0x30: {  	v55 =	vld [tilespmem:$0xF10]  }
0x31: {  	v58 =	vld [tilespmem:$0x1690];
	v16 =	vadd.s32 v6, v11;
	vm0 =	vlt.s32 v11, $0x0  }
0x32: {  	v61 =	vld [tilespmem:$0x1E10];
	v17 =	vadd.s32 v6, v12;
	vm4 =	vlt.s32 v12, $0x0;
	v54 =	vadd.s32 v6, v13  }
0x33: {  	v11 =	vld [tilespmem:$0x10];
	vm5 =	vlt.s32 v13, $0x0;
	v57 =	vadd.s32 v6, v14;
	vm6 =	vlt.s32 v14, $0x0  }
0x34: {  	v22 =	vld [tilespmem:$0x7A0];
	v60 =	vadd.s32 v6, v15;
	vm7 =	vlt.s32 v15, $0x0;
	v16 =	vsel vm0, v1, v16  }
0x35: {  	v25 =	vld [tilespmem:$0xF20];
	v21 =	vadd.s32 v7, v52;
	vm9 =	vlt.s32 v52, $0x0;
	v53 =	vsel vm4, v1, v17;
	[tilespmem:$0x2580] =	vst v16  }
0x36: {  	v28 =	vld [tilespmem:$0x16A0];
	v24 =	vadd.s32 v7, v55;
	vm10 =	vlt.s32 v55, $0x0;
	v56 =	vsel vm5, v1, v54;
	[tilespmem:$0x25D0] =	vst v53  }
0x37: {  	v31 =	vld [tilespmem:$0x1E20];
	v27 =	vadd.s32 v7, v58;
	vm11 =	vlt.s32 v58, $0x0;
	v59 =	vsel vm6, v1, v57;
	[tilespmem:$0x2620] =	vst v56  }
0x38: {  	v62 =	vsel vm7, v1, v60;
	[tilespmem:$0x2670] =	vst v59;
	v63 =	vadd.s32 v7, v11;
	vm8 =	vlt.s32 v11, $0x0;
	v11 =	vld [tilespmem:$0x20]  }
0x39: {  	v36 =	vld [tilespmem:$0x7B0];
	v30 =	vadd.s32 v7, v61;
	vm12 =	vlt.s32 v61, $0x0;
	v23 =	vsel vm9, v2, v21;
	[tilespmem:$0x26C0] =	vst v62  }
0x3a: {  	v42 =	vld [tilespmem:$0x16B0];
	v35 =	vadd.s32 v8, v22;
	vm14 =	vlt.s32 v22, $0x0;
	v26 =	vsel vm10, v2, v24;
	[tilespmem:$0x25E0] =	vst v23  }
0x3b: {  	v45 =	vld [tilespmem:$0x1E30];
	v38 =	vadd.s32 v8, v25;
	vm15 =	vlt.s32 v25, $0x0;
	v29 =	vsel vm11, v2, v27;
	[tilespmem:$0x2630] =	vst v26  }
0x3c: {  	v41 =	vadd.s32 v8, v28;
	v44 =	vadd.s32 v8, v31;
	v32 =	vsel vm12, v2, v30;
	[tilespmem:$0x2680] =	vst v29  }
0x3d: {  	v37 =	vsel vm14, v3, v35;
	[tilespmem:$0x26D0] =	vst v32;
	v33 =	vadd.s32 v8, v11;
	vm13 =	vlt.s32 v11, $0x0;
	v11 =	vld [tilespmem:$0x30]  }
0x3e: {  	v49 =	vadd.s32 v9, v36;
	v40 =	vsel vm15, v3, v38;
	vm4 =	vlt.s32 v28, $0x0;
	[tilespmem:$0x25F0] =	vst v37  }
0x3f: {  	v39 =	vld [tilespmem:$0xF30];
	v55 =	vadd.s32 v9, v42;
	vm5 =	vlt.s32 v31, $0x0;
	[tilespmem:$0x2640] =	vst v40;
	v43 =	vsel vm4, v3, v41  }
0x40: {  	v58 =	vadd.s32 v9, v45;
	vm7 =	vlt.s32 v36, $0x0;
	v46 =	vsel vm5, v3, v44;
	[tilespmem:$0x2690] =	vst v43  }
0x41: {  	vm9 =	vlt.s32 v42, $0x0;
	vm10 =	vlt.s32 v45, $0x0;
	v51 =	vsel vm7, v4, v49;
	[tilespmem:$0x26E0] =	vst v46  }
0x42: {  	v57 =	vsel vm9, v4, v55;
	[tilespmem:$0x2600] =	vst v51;
	v47 =	vadd.s32 v9, v11;
	vm6 =	vlt.s32 v11, $0x0;
	v11 =	vld [tilespmem:$0x40]  }
0x43: {  	v50 =	vld [tilespmem:$0x7C0];
	v60 =	vsel vm10, v4, v58;
	[tilespmem:$0x26A0] =	vst v57  }
0x44: {  	v52 =	vadd.s32 v9, v39;
	v53 =	vld [tilespmem:$0xF40];
	[tilespmem:$0x26F0] =	vst v60;
	v20 =	vsel vm8, v2, v63;
	vm8 =	vlt.s32 v39, $0x0  }
0x45: {  	v56 =	vld [tilespmem:$0x16C0];
	[tilespmem:$0x2590] =	vst v20;
	v54 =	vsel vm8, v4, v52  }
0x46: {  	v59 =	vld [tilespmem:$0x1E40];
	[tilespmem:$0x2650] =	vst v54;
	v34 =	vsel vm13, v3, v33  }
0x47: {  	[tilespmem:$0x25A0] =	vst v34;
	v48 =	vsel vm6, v4, v47;
	vm11 =	vlt.s32 v11, $0x0;
	v11 =	vadd.s32 v10, v11  }
0x48: {  	v12 =	vadd.s32 v10, v50;
	vm12 =	vlt.s32 v50, $0x0;
	[tilespmem:$0x25B0] =	vst v48;
	v11 =	vsel vm11, v5, v11  }
0x49: {  	v61 =	vadd.s32 v10, v53;
	vm13 =	vlt.s32 v53, $0x0;
	[tilespmem:$0x25C0] =	vst v11;
	v11 =	vsel vm12, v5, v12  }
0x4a: {  	vm14 =	vlt.s32 v56, $0x0;
	v62 =	vadd.s32 v10, v56;
	[tilespmem:$0x2610] =	vst v11;
	v11 =	vsel vm13, v5, v61  }
0x4b: {  	vm15 =	vlt.s32 v59, $0x0;
	v63 =	vadd.s32 v10, v59;
	[tilespmem:$0x2660] =	vst v11;
	v11 =	vsel vm14, v5, v62  }
0x4c: {  	[tilespmem:$0x26B0] =	vst v11;
	v11 =	vsel vm15, v5, v63  }
0x4d: {  	s18 =	simm.s32 $0x2580;
	[tilespmem:$0x2700] =	vst v11  }
0x4e: {  	[tilespmem:s19], [sflag:$0x1] =	stream.indirect.gather [hbm4b:s2+s17], $0x80, s18, s17, $0xb8;
	[tilespmem:$0x1B900] =	vst v63  }
0x4f: {  	s20 =	simm.s32 $0x25D0;
	s21 =	simm.s32 $0x5100  }
0x50: {  	[tilespmem:s21], [sflag:$0x1] =	stream.indirect.gather [hbm4b:s2+s17], $0x80, s20, s17, $0xb8;
	[tilespmem:$0x1B900] =	vst v63  }
0x51: {  	_ = 	snop  }
0x52: {  	[tilespmem:s23], [sflag:$0x1] =	stream.indirect.gather [hbm4b:s2+s17], $0x80, s22, s17, $0xb8;
	[tilespmem:$0x1B900] =	vst v63  }
0x53: {  	_ = 	snop  }
0x54: {  	[tilespmem:s25], [sflag:$0x1] =	stream.indirect.gather [hbm4b:s2+s17], $0x80, s24, s17, $0xb8;
	[tilespmem:$0x1B900] =	vst v63  }
0x55: {  	s10 =	simm.s32 $0x0  }
0x56: {  	[tilespmem:s28], [sflag:$0x1] =	stream.indirect.gather [hbm4b:s2+s17], $0x80, s26, s17, $0xb8;
	[tilespmem:$0x1B900] =	vst v63  }
.LBB2_2:
0x57: {  	s9 =	smul.u32 $0xA0, s10;
	_ =	sdelay $0x1  }
0x58: {  	s18 =	sadd.s32 $0x50, s9  }
0x59: {  	s11 =	sadd.s32 s4, s18  }
0x5a: {  	v11 =	vor.u32 s11, v0  }
0x5b: {  	v13 =	vld [tilespmem:s9+$0x50];
	v12 =	vmul.u32 $0x8889, v11;
	_ =	sdelay $0x1  }
0x5c: {  	v12 =	vshra.s32 v12, $0x15  }
0x5d: {  	v12 =	vmul.u32 $0x3C, v12;
	_ =	sdelay $0x1  }
0x5e: {  	vm0 =	vlt.s32 v13, $0x0;
	v14 =	vadd.s32 v12, v13  }
0x5f: {  	v13 =	vsel vm0, v11, v14  }
0x60: {  	s18 =	sand.u32 $0xFF0, s18;
	[tilespmem:$0x2710] =	vst v13  }
0x61: {  	v13 =	vld [tilespmem:s18+$0x780];
	_ =	sdelay $0x4  }
0x62: {  	v14 =	vadd.s32 v12, v13;
	vm4 =	vlt.s32 v13, $0x0  }
0x63: {  	v13 =	vsel vm4, v11, v14  }
0x64: {  	[tilespmem:$0x2760] =	vst v13  }
0x65: {  	v13 =	vld [tilespmem:s18+$0xF00];
	_ =	sdelay $0x4  }
0x66: {  	v14 =	vadd.s32 v12, v13;
	vm5 =	vlt.s32 v13, $0x0  }
0x67: {  	v13 =	vsel vm5, v11, v14  }
0x68: {  	[tilespmem:$0x27B0] =	vst v13  }
0x69: {  	v13 =	vld [tilespmem:s18+$0x1680];
	_ =	sdelay $0x4  }
0x6a: {  	v14 =	vadd.s32 v12, v13;
	vm6 =	vlt.s32 v13, $0x0  }
0x6b: {  	v13 =	vsel vm6, v11, v14  }
0x6c: {  	[tilespmem:$0x2800] =	vst v13  }
0x6d: {  	v13 =	vld [tilespmem:s18+$0x1E00];
	_ =	sdelay $0x4  }
0x6e: {  	v12 =	vadd.s32 v12, v13;
	vm7 =	vlt.s32 v13, $0x0  }
0x6f: {  	s20 =	sadd.s32 $0x10, s11;
	v11 =	vsel vm7, v11, v12  }
0x70: {  	[tilespmem:$0x2850] =	vst v11;
	v11 =	vor.u32 s20, v0  }
0x71: {  	v12 =	vmul.u32 $0x8889, v11;
	v13 =	vld [tilespmem:s9+$0x60];
	_ =	sdelay $0x1  }
0x72: {  	v12 =	vshra.s32 v12, $0x15  }
0x73: {  	v12 =	vmul.u32 $0x3C, v12;
	_ =	sdelay $0x1  }
0x74: {  	v14 =	vadd.s32 v12, v13;
	vm8 =	vlt.s32 v13, $0x0  }
0x75: {  	v13 =	vsel vm8, v11, v14  }
0x76: {  	[tilespmem:$0x2720] =	vst v13  }
0x77: {  	v13 =	vld [tilespmem:s9+$0x7E0];
	_ =	sdelay $0x4  }
0x78: {  	v14 =	vadd.s32 v12, v13;
	vm9 =	vlt.s32 v13, $0x0  }
0x79: {  	v13 =	vsel vm9, v11, v14  }
0x7a: {  	[tilespmem:$0x2770] =	vst v13  }
0x7b: {  	v13 =	vld [tilespmem:s9+$0xF60];
	_ =	sdelay $0x4  }
0x7c: {  	v14 =	vadd.s32 v12, v13;
	vm10 =	vlt.s32 v13, $0x0  }
0x7d: {  	v13 =	vsel vm10, v11, v14  }
0x7e: {  	[tilespmem:$0x27C0] =	vst v13  }
0x7f: {  	v13 =	vld [tilespmem:s9+$0x16E0];
	_ =	sdelay $0x4  }
0x80: {  	v14 =	vadd.s32 v12, v13;
	vm11 =	vlt.s32 v13, $0x0  }
0x81: {  	v13 =	vsel vm11, v11, v14  }
0x82: {  	[tilespmem:$0x2810] =	vst v13  }
0x83: {  	v13 =	vld [tilespmem:s9+$0x1E60];
	_ =	sdelay $0x4  }
0x84: {  	v12 =	vadd.s32 v12, v13;
	vm12 =	vlt.s32 v13, $0x0  }
0x85: {  	s21 =	sadd.s32 $0x20, s11;
	v11 =	vsel vm12, v11, v12  }
0x86: {  	[tilespmem:$0x2860] =	vst v11;
	v11 =	vor.u32 s21, v0  }
0x87: {  	v12 =	vmul.u32 $0x8889, v11;
	v13 =	vld [tilespmem:s9+$0x70];
	_ =	sdelay $0x1  }
0x88: {  	v12 =	vshra.s32 v12, $0x15  }
0x89: {  	v12 =	vmul.u32 $0x3C, v12;
	_ =	sdelay $0x1  }
0x8a: {  	v14 =	vadd.s32 v12, v13;
	vm13 =	vlt.s32 v13, $0x0  }
0x8b: {  	v13 =	vsel vm13, v11, v14  }
0x8c: {  	[tilespmem:$0x2730] =	vst v13  }
0x8d: {  	v13 =	vld [tilespmem:s9+$0x7F0];
	_ =	sdelay $0x4  }
0x8e: {  	v14 =	vadd.s32 v12, v13;
	vm14 =	vlt.s32 v13, $0x0  }
0x8f: {  	v13 =	vsel vm14, v11, v14  }
0x90: {  	[tilespmem:$0x2780] =	vst v13  }
0x91: {  	v13 =	vld [tilespmem:s9+$0xF70];
	_ =	sdelay $0x4  }
0x92: {  	v14 =	vadd.s32 v12, v13;
	vm15 =	vlt.s32 v13, $0x0  }
0x93: {  	v13 =	vsel vm15, v11, v14  }
0x94: {  	[tilespmem:$0x27D0] =	vst v13  }
0x95: {  	v13 =	vld [tilespmem:s9+$0x16F0];
	_ =	sdelay $0x4  }
0x96: {  	v14 =	vadd.s32 v12, v13;
	vm4 =	vlt.s32 v13, $0x0  }
0x97: {  	v13 =	vsel vm4, v11, v14  }
0x98: {  	[tilespmem:$0x2820] =	vst v13  }
0x99: {  	v13 =	vld [tilespmem:s9+$0x1E70];
	_ =	sdelay $0x4  }
0x9a: {  	v12 =	vadd.s32 v12, v13;
	vm5 =	vlt.s32 v13, $0x0  }
0x9b: {  	s20 =	sadd.s32 $0x30, s11;
	v11 =	vsel vm5, v11, v12  }
0x9c: {  	[tilespmem:$0x2870] =	vst v11;
	v11 =	vor.u32 s20, v0  }
0x9d: {  	v12 =	vmul.u32 $0x8889, v11;
	v13 =	vld [tilespmem:s9+$0x80];
	_ =	sdelay $0x1  }
0x9e: {  	v12 =	vshra.s32 v12, $0x15  }
0x9f: {  	v12 =	vmul.u32 $0x3C, v12;
	_ =	sdelay $0x1  }
0xa0: {  	v14 =	vadd.s32 v12, v13;
	vm6 =	vlt.s32 v13, $0x0  }
0xa1: {  	v13 =	vsel vm6, v11, v14  }
0xa2: {  	[tilespmem:$0x2740] =	vst v13  }
0xa3: {  	v13 =	vld [tilespmem:s9+$0x800];
	_ =	sdelay $0x4  }
0xa4: {  	v14 =	vadd.s32 v12, v13;
	vm7 =	vlt.s32 v13, $0x0  }
0xa5: {  	v13 =	vsel vm7, v11, v14  }
0xa6: {  	[tilespmem:$0x2790] =	vst v13  }
0xa7: {  	v13 =	vld [tilespmem:s9+$0xF80];
	_ =	sdelay $0x4  }
0xa8: {  	v14 =	vadd.s32 v12, v13;
	vm8 =	vlt.s32 v13, $0x0  }
0xa9: {  	v13 =	vsel vm8, v11, v14  }
0xaa: {  	[tilespmem:$0x27E0] =	vst v13  }
0xab: {  	v13 =	vld [tilespmem:s9+$0x1700];
	_ =	sdelay $0x4  }
0xac: {  	v14 =	vadd.s32 v12, v13;
	vm9 =	vlt.s32 v13, $0x0  }
0xad: {  	v13 =	vsel vm9, v11, v14  }
0xae: {  	[tilespmem:$0x2830] =	vst v13  }
0xaf: {  	v13 =	vld [tilespmem:s9+$0x1E80];
	_ =	sdelay $0x4  }
0xb0: {  	v12 =	vadd.s32 v12, v13;
	vm10 =	vlt.s32 v13, $0x0  }
0xb1: {  	s21 =	sadd.s32 $0x40, s11;
	v11 =	vsel vm10, v11, v12  }
0xb2: {  	[tilespmem:$0x2880] =	vst v11;
	v11 =	vor.u32 s21, v0  }
0xb3: {  	v12 =	vmul.u32 $0x8889, v11;
	v13 =	vld [tilespmem:s9+$0x90];
	_ =	sdelay $0x1  }
0xb4: {  	v12 =	vshra.s32 v12, $0x15  }
0xb5: {  	v12 =	vmul.u32 $0x3C, v12;
	_ =	sdelay $0x1  }
0xb6: {  	v14 =	vadd.s32 v12, v13;
	vm11 =	vlt.s32 v13, $0x0  }
0xb7: {  	v13 =	vsel vm11, v11, v14  }
0xb8: {  	[tilespmem:$0x2750] =	vst v13  }
0xb9: {  	v13 =	vld [tilespmem:s9+$0x810];
	_ =	sdelay $0x4  }
0xba: {  	v14 =	vadd.s32 v12, v13;
	vm12 =	vlt.s32 v13, $0x0  }
0xbb: {  	v13 =	vsel vm12, v11, v14  }
0xbc: {  	[tilespmem:$0x27A0] =	vst v13  }
0xbd: {  	v13 =	vld [tilespmem:s9+$0xF90];
	_ =	sdelay $0x4  }
0xbe: {  	v14 =	vadd.s32 v12, v13;
	vm13 =	vlt.s32 v13, $0x0  }
0xbf: {  	v13 =	vsel vm13, v11, v14  }
0xc0: {  	[tilespmem:$0x27F0] =	vst v13  }
0xc1: {  	v13 =	vld [tilespmem:s9+$0x1710];
	_ =	sdelay $0x4  }
0xc2: {  	v14 =	vadd.s32 v12, v13;
	vm14 =	vlt.s32 v13, $0x0  }
0xc3: {  	v13 =	vsel vm14, v11, v14  }
0xc4: {  	[tilespmem:$0x2840] =	vst v13  }
0xc5: {  	v13 =	vld [tilespmem:s9+$0x1E90];
	_ =	sdelay $0x4  }
0xc6: {  	v12 =	vadd.s32 v12, v13;
	vm15 =	vlt.s32 v13, $0x0  }
0xc7: {  	v11 =	vsel vm15, v11, v12  }
0xc8: {  	[tilespmem:$0x2890] =	vst v11  }
0xc9: {  	[tilespmem:s30], [sflag:$0x2] =	stream.indirect.gather [hbm4b:s2+s17], $0x80, s29, s17, $0xb8;
	[tilespmem:$0x1B900] =	vst v63  }
0xca: {  	_ = 	snop  }
0xcb: {  	[tilespmem:s1], [sflag:$0x2] =	stream.indirect.gather [hbm4b:s2+s17], $0x80, s31, s17, $0xb8;
	[tilespmem:$0x1B900] =	vst v63  }
0xcc: {  	_ = 	snop  }
0xcd: {  	[tilespmem:s13], [sflag:$0x2] =	stream.indirect.gather [hbm4b:s2+s17], $0x80, s0, s17, $0xb8;
	[tilespmem:$0x1B900] =	vst v63  }
0xce: {  	_ = 	snop  }
0xcf: {  	[tilespmem:s15], [sflag:$0x2] =	stream.indirect.gather [hbm4b:s2+s17], $0x80, s14, s17, $0xb8;
	[tilespmem:$0x1B900] =	vst v63  }
0xd0: {  	_ = 	snop  }
0xd1: {  	[tilespmem:s6], [sflag:$0x2] =	stream.indirect.gather [hbm4b:s2+s17], $0x80, s16, s17, $0xb8;
	[tilespmem:$0x1B900] =	vst v63  }
0xd2: {  	_ =	swait.ge [sflag:s7], $0x2800  }
0xd3: {  	[sflag:s7] =	ssyncset.done $0x0  }
0xd4: {  	[sflag:s7] =	ssyncadd.s32 $0xFFFFD800  }
0xd5: {  	_ =	swait.ge [sflag:s7], $0x2800  }
0xd6: {  	[sflag:s7] =	ssyncset.done $0x0  }
0xd7: {  	[sflag:s7] =	ssyncadd.s32 $0xFFFFD800  }
0xd8: {  	_ =	swait.ge [sflag:s7], $0x2800  }
0xd9: {  	[sflag:s7] =	ssyncset.done $0x0  }
0xda: {  	[sflag:s7] =	ssyncadd.s32 $0xFFFFD800  }
0xdb: {  	_ =	swait.ge [sflag:s7], $0x2800  }
0xdc: {  	[sflag:s7] =	ssyncset.done $0x0  }
0xdd: {  	[sflag:s7] =	ssyncadd.s32 $0xFFFFD800  }
0xde: {  	_ =	swait.ge [sflag:s7], $0x2800  }
0xdf: {  	[sflag:s7] =	ssyncset.done $0x0  }
0xe0: {  	s18 =	simm.s32 $0x0;
	[sflag:s7] =	ssyncadd.s32 $0xFFFFD800  }
0xe1: {  	v14 =	vld [tilespmem:s18+$0xC900]  }
0xe2: {  	v13 =	vld [tilespmem:s18+$0xC910]  }
0xe3: {  	v12 =	vld [tilespmem:s18+$0xC920]  }
0xe4: {  	v11 =	vld [tilespmem:s18+$0xC930]  }
0xe5: {  	v17 =	vld [tilespmem:s18+$0x5100]  }
0xe6: {  	v18 =	vld [tilespmem:s18+$0x7900]  }
0xe7: {  	v19 =	vld [tilespmem:s18+$0xA100]  }
0xe8: {  	v25 =	vld [tilespmem:s18+$0x5110]  }
0xe9: {  	v20 =	vld [tilespmem:s18+$0x7910]  }
0xea: {  	v21 =	vld [tilespmem:s18+$0xA110]  }
0xeb: {  	v26 =	vld [tilespmem:s18+$0x5120]  }
0xec: {  	v22 =	vld [tilespmem:s18+$0x7920]  }
0xed: {  	v23 =	vld [tilespmem:s18+$0xA120]  }
0xee: {  	v31 =	vld [tilespmem:s18+$0x5130]  }
0xef: {  	v27 =	vld [tilespmem:s18+$0x7930]  }
0xf0: {  	v28 =	vld [tilespmem:s18+$0xA130]  }
0xf1: {  	v15 =	vld [tilespmem:s18+$0x5140]  }
0xf2: {  	v29 =	vld [tilespmem:s18+$0x7940]  }
0xf3: {  	v30 =	vld [tilespmem:s18+$0xA140]  }
0xf4: {  	v16 =	vld [tilespmem:s18+$0x5150]  }
0xf5: {  	v32 =	vld [tilespmem:s18+$0x7950]  }
0xf6: {  	v33 =	vld [tilespmem:s18+$0xA150]  }
0xf7: {  	v34 =	vld [tilespmem:s18+$0x7960]  }
0xf8: {  	v35 =	vld [tilespmem:s18+$0xA160]  }
0xf9: {  	v36 =	vld [tilespmem:s18+$0x7970]  }
0xfa: {  	v37 =	vld [tilespmem:s18+$0xA170]  }
0xfb: {  	v38 =	vld [tilespmem:s18+$0x2900]  }
0xfc: {  	v39 =	vld [tilespmem:s18+$0x2910]  }
0xfd: {  	v42 =	vld [tilespmem:s18+$0x2920];
	v40 =	vadd.f32 v19, v18;
	v41 =	vadd.f32 v21, v20  }
0xfe: {  	v43 =	vld [tilespmem:s18+$0x2930];
	v24 =	vadd.f32 v23, v22;
	v23 =	vadd.f32 v28, v27  }
0xff: {  	v21 =	vadd.f32 v30, v29;
	v19 =	vadd.f32 v33, v32;
	v22 =	vld [tilespmem:s18+$0x5160]  }
0x100: {  	v27 =	vadd.f32 v17, v38;
	v17 =	vadd.f32 v35, v34;
	v20 =	vld [tilespmem:s18+$0x5170]  }
0x101: {  	v30 =	vadd.f32 v25, v39;
	v25 =	vld [tilespmem:s18+$0x2940];
	v18 =	vadd.f32 v37, v36  }
0x102: {  	v29 =	vadd.f32 v26, v42;
	v28 =	vadd.f32 v40, v27;
	v27 =	vld [tilespmem:s18+$0x2950]  }
0x103: {  	s20 =	simm.s32 $0x200;
	v31 =	vadd.f32 v31, v43;
	v26 =	vld [tilespmem:s18+$0x2960];
	v30 =	vadd.f32 v41, v30  }
.LBB2_3:
0x104: {  	p0 =	sne.s32 s20, $0x9E00;
	v14 =	vadd.f32 v28, v14;
	v24 =	vadd.f32 v24, v29;
	v28 =	vld [tilespmem:s18+$0x2970]  }
0x105: {  	v13 =	vadd.f32 v30, v13;
	v23 =	vadd.f32 v23, v31;
	v29 =	vld [tilespmem:s18+$0xC940]  }
0x106: {  	v12 =	vadd.f32 v24, v12;
	v15 =	vadd.f32 v15, v25;
	v24 =	vld [tilespmem:s18+$0xC950]  }
0x107: {  	v11 =	vadd.f32 v23, v11;
	v16 =	vadd.f32 v16, v27;
	v23 =	vld [tilespmem:s18+$0xC960]  }
0x108: {  	s21 =	sshra.s32 s20, $0x2;
	[tilespmem:s18+$0x2900] =	vst v14;
	v15 =	vadd.f32 v21, v15;
	v21 =	vadd.f32 v22, v26;
	v22 =	vld [tilespmem:s18+$0xC970]  }
0x109: {  	v14 =	vld [tilespmem:s21+$0xC900];
	[tilespmem:s18+$0x2910] =	vst v13;
	v16 =	vadd.f32 v19, v16;
	v19 =	vadd.f32 v20, v28  }
0x10a: {  	v13 =	vld [tilespmem:s21+$0xC910];
	[tilespmem:s18+$0x2920] =	vst v12;
	v15 =	vadd.f32 v15, v29;
	v17 =	vadd.f32 v17, v21  }
0x10b: {  	v12 =	vld [tilespmem:s21+$0xC920];
	[tilespmem:s18+$0x2930] =	vst v11;
	v16 =	vadd.f32 v16, v24;
	v18 =	vadd.f32 v18, v19  }
0x10c: {  	v11 =	vld [tilespmem:s21+$0xC930];
	[tilespmem:s18+$0x2940] =	vst v15;
	v15 =	vadd.f32 v17, v23  }
0x10d: {  	v17 =	vld [tilespmem:s21+$0x5100];
	[tilespmem:s18+$0x2950] =	vst v16;
	v16 =	vadd.f32 v18, v22  }
0x10e: {  	v18 =	vld [tilespmem:s21+$0x7900];
	[tilespmem:s18+$0x2960] =	vst v15  }
0x10f: {  	v19 =	vld [tilespmem:s21+$0xA100];
	[tilespmem:s18+$0x2970] =	vst v16;
	s18 =	smov.u32 s21  }
0x110: {  	v25 =	vld [tilespmem:s18+$0x5110]  }
0x111: {  	v20 =	vld [tilespmem:s18+$0x7910]  }
0x112: {  	v21 =	vld [tilespmem:s18+$0xA110]  }
0x113: {  	v26 =	vld [tilespmem:s18+$0x5120]  }
0x114: {  	v22 =	vld [tilespmem:s18+$0x7920]  }
0x115: {  	v23 =	vld [tilespmem:s18+$0xA120]  }
0x116: {  	v31 =	vld [tilespmem:s18+$0x5130]  }
0x117: {  	v27 =	vld [tilespmem:s18+$0x7930]  }
0x118: {  	v28 =	vld [tilespmem:s18+$0xA130]  }
0x119: {  	v15 =	vld [tilespmem:s18+$0x5140]  }
0x11a: {  	v29 =	vld [tilespmem:s18+$0x7940]  }
0x11b: {  	v30 =	vld [tilespmem:s18+$0xA140]  }
0x11c: {  	v16 =	vld [tilespmem:s18+$0x5150]  }
0x11d: {  	v32 =	vld [tilespmem:s18+$0x7950]  }
0x11e: {  	v33 =	vld [tilespmem:s18+$0xA150]  }
0x11f: {  	v34 =	vld [tilespmem:s18+$0x7960]  }
0x120: {  	v35 =	vld [tilespmem:s18+$0xA160]  }
0x121: {  	v36 =	vld [tilespmem:s18+$0x7970]  }
0x122: {  	v37 =	vld [tilespmem:s18+$0xA170]  }
0x123: {  	v38 =	vld [tilespmem:s18+$0x2900]  }
0x124: {  	v39 =	vld [tilespmem:s18+$0x2910]  }
0x125: {  	v40 =	vadd.f32 v19, v18;
	v41 =	vadd.f32 v21, v20;
	v42 =	vld [tilespmem:s18+$0x2920]  }
0x126: {  	v24 =	vadd.f32 v23, v22;
	v23 =	vadd.f32 v28, v27;
	v43 =	vld [tilespmem:s18+$0x2930]  }
.Ltmp0:
0x127: {  	v21 =	vadd.f32 v30, v29;
	v19 =	vadd.f32 v33, v32;
	v22 =	vld [tilespmem:s18+$0x5160];
	(pc) =	sbr.rel @p0 .LBB2_3-.Ltmp0, $4  }
0x128: {  	v27 =	vadd.f32 v17, v38;
	v17 =	vadd.f32 v35, v34;
	v20 =	vld [tilespmem:s18+$0x5170]  }
0x129: {  	v18 =	vadd.f32 v37, v36;
	v30 =	vadd.f32 v25, v39;
	v25 =	vld [tilespmem:s18+$0x2940]  }
0x12a: {  	v28 =	vadd.f32 v40, v27;
	v29 =	vadd.f32 v26, v42;
	v27 =	vld [tilespmem:s18+$0x2950]  }
0x12b: {  	s20 =	sadd.s32 $0x200, s20;
	v30 =	vadd.f32 v41, v30;
	v31 =	vadd.f32 v31, v43;
	v26 =	vld [tilespmem:s18+$0x2960]  }
0x12c: {  	v32 =	vld [tilespmem:s18+$0x2970];
	v14 =	vadd.f32 v28, v14;
	v24 =	vadd.f32 v24, v29  }
0x12d: {  	v52 =	vld [tilespmem:s18+$0xC940];
	v13 =	vadd.f32 v30, v13;
	v23 =	vadd.f32 v23, v31  }
0x12e: {  	v53 =	vld [tilespmem:s18+$0xC950];
	v12 =	vadd.f32 v24, v12;
	v15 =	vadd.f32 v15, v25  }
0x12f: {  	v54 =	vld [tilespmem:s18+$0xC960];
	v11 =	vadd.f32 v23, v11;
	v16 =	vadd.f32 v16, v27  }
0x130: {  	v57 =	vld [tilespmem:s18+$0xC970];
	[tilespmem:s18+$0x2900] =	vst v14;
	v55 =	vadd.f32 v21, v15;
	v56 =	vadd.f32 v22, v26  }
0x131: {  	[tilespmem:s18+$0x2910] =	vst v13;
	v58 =	vadd.f32 v19, v16;
	v59 =	vadd.f32 v20, v32  }
0x132: {  	[tilespmem:s18+$0x2920] =	vst v12;
	v60 =	vadd.f32 v55, v52;
	v61 =	vadd.f32 v17, v56  }
0x133: {  	[tilespmem:s18+$0x2930] =	vst v11;
	v11 =	vadd.f32 v58, v53;
	v62 =	vadd.f32 v18, v59  }
0x134: {  	[tilespmem:s18+$0x2940] =	vst v60;
	v63 =	vadd.f32 v61, v54  }
0x135: {  	s20 =	sadd.s32 s4, s9;
	[tilespmem:s18+$0x2950] =	vst v11;
	v11 =	vadd.f32 v62, v57  }
0x136: {  	p0 =	seq.s32 s10, $0xB;
	s20 =	sshll.u32 s20, $0x4;
	[tilespmem:s18+$0x2960] =	vst v63  }
.Ltmp1:
0x137: {  	s21 =	sadd.s32 s5, s20;
	[tilespmem:s18+$0x2970] =	vst v11;
	(pc) =	sbr.rel @p0 .LBB2_6-.Ltmp1, $4  }
0x138: {  	[hbm4b:s21+s3] =	stream.linear.scatter [tilespmem:s19], [sflag:$0x3], $0x2800, $0x38;
	[tilespmem:$0x1B900] =	vst v63  }
0x139: {  	_ =	swait.ge [sflag:s12], $0x2800  }
0x13a: {  	[sflag:s12] =	ssyncset.done $0x0  }
0x13b: {  	[sflag:s12] =	ssyncadd.s32 $0xFFFFD800  }
0x13c: {  	s20 =	sadd.s32 $0xA0, s9  }
0x13d: {  	s18 =	sadd.s32 s4, s20  }
0x13e: {  	v11 =	vor.u32 s18, v0  }
0x13f: {  	v13 =	vld [tilespmem:s9+$0xA0];
	v12 =	vmul.u32 $0x8889, v11;
	_ =	sdelay $0x1  }
0x140: {  	v12 =	vshra.s32 v12, $0x15  }
0x141: {  	v12 =	vmul.u32 $0x3C, v12;
	_ =	sdelay $0x1  }
0x142: {  	vm0 =	vlt.s32 v13, $0x0;
	v14 =	vadd.s32 v12, v13  }
0x143: {  	v13 =	vsel vm0, v11, v14  }
0x144: {  	s20 =	sand.u32 $0x1FE0, s20;
	[tilespmem:$0x2580] =	vst v13  }
0x145: {  	v13 =	vld [tilespmem:s20+$0x780];
	_ =	sdelay $0x4  }
0x146: {  	v37 =	vadd.s32 v12, v13;
	vm4 =	vlt.s32 v13, $0x0  }
0x147: {  	v13 =	vsel vm4, v11, v37  }
0x148: {  	[tilespmem:$0x25D0] =	vst v13  }
0x149: {  	v13 =	vld [tilespmem:s20+$0xF00];
	_ =	sdelay $0x4  }
0x14a: {  	v38 =	vadd.s32 v12, v13;
	vm5 =	vlt.s32 v13, $0x0  }
0x14b: {  	v13 =	vsel vm5, v11, v38  }
0x14c: {  	[tilespmem:$0x2620] =	vst v13  }
0x14d: {  	v13 =	vld [tilespmem:s20+$0x1680];
	_ =	sdelay $0x4  }
0x14e: {  	v39 =	vadd.s32 v12, v13;
	vm6 =	vlt.s32 v13, $0x0  }
0x14f: {  	v13 =	vsel vm6, v11, v39  }
0x150: {  	[tilespmem:$0x2670] =	vst v13  }
0x151: {  	v13 =	vld [tilespmem:s20+$0x1E00];
	_ =	sdelay $0x4  }
0x152: {  	v12 =	vadd.s32 v12, v13;
	vm7 =	vlt.s32 v13, $0x0  }
0x153: {  	s21 =	sor.u32 $0x10, s18;
	v11 =	vsel vm7, v11, v12  }
0x154: {  	[tilespmem:$0x26C0] =	vst v11;
	v11 =	vor.u32 s21, v0  }
0x155: {  	v40 =	vmul.u32 $0x8889, v11;
	v41 =	vld [tilespmem:s9+$0xB0];
	_ =	sdelay $0x1  }
0x156: {  	v12 =	vshra.s32 v40, $0x15  }
0x157: {  	v12 =	vmul.u32 $0x3C, v12;
	_ =	sdelay $0x1  }
0x158: {  	v42 =	vadd.s32 v12, v41;
	vm8 =	vlt.s32 v41, $0x0  }
0x159: {  	v13 =	vsel vm8, v11, v42  }
0x15a: {  	[tilespmem:$0x2590] =	vst v13  }
0x15b: {  	v13 =	vld [tilespmem:s9+$0x830];
	_ =	sdelay $0x4  }
0x15c: {  	v43 =	vadd.s32 v12, v13;
	vm9 =	vlt.s32 v13, $0x0  }
0x15d: {  	v13 =	vsel vm9, v11, v43  }
0x15e: {  	[tilespmem:$0x25E0] =	vst v13  }
0x15f: {  	v13 =	vld [tilespmem:s9+$0xFB0];
	_ =	sdelay $0x4  }
0x160: {  	v44 =	vadd.s32 v12, v13;
	vm10 =	vlt.s32 v13, $0x0  }
0x161: {  	v13 =	vsel vm10, v11, v44  }
0x162: {  	[tilespmem:$0x2630] =	vst v13  }
0x163: {  	v13 =	vld [tilespmem:s9+$0x1730];
	_ =	sdelay $0x4  }
0x164: {  	v45 =	vadd.s32 v12, v13;
	vm11 =	vlt.s32 v13, $0x0  }
0x165: {  	v13 =	vsel vm11, v11, v45  }
0x166: {  	[tilespmem:$0x2680] =	vst v13  }
0x167: {  	v13 =	vld [tilespmem:s9+$0x1EB0];
	_ =	sdelay $0x4  }
0x168: {  	v12 =	vadd.s32 v12, v13;
	vm12 =	vlt.s32 v13, $0x0  }
0x169: {  	s21 =	sadd.s32 $0x20, s18;
	v11 =	vsel vm12, v11, v12  }
0x16a: {  	[tilespmem:$0x26D0] =	vst v11;
	v11 =	vor.u32 s21, v0  }
0x16b: {  	v46 =	vmul.u32 $0x8889, v11;
	v47 =	vld [tilespmem:s9+$0xC0];
	_ =	sdelay $0x1  }
0x16c: {  	v12 =	vshra.s32 v46, $0x15  }
0x16d: {  	v12 =	vmul.u32 $0x3C, v12;
	_ =	sdelay $0x1  }
0x16e: {  	v48 =	vadd.s32 v12, v47;
	vm13 =	vlt.s32 v47, $0x0  }
0x16f: {  	v13 =	vsel vm13, v11, v48  }
0x170: {  	[tilespmem:$0x25A0] =	vst v13  }
0x171: {  	v13 =	vld [tilespmem:s9+$0x840];
	_ =	sdelay $0x4  }
0x172: {  	v49 =	vadd.s32 v12, v13;
	vm14 =	vlt.s32 v13, $0x0  }
0x173: {  	v13 =	vsel vm14, v11, v49  }
0x174: {  	[tilespmem:$0x25F0] =	vst v13  }
0x175: {  	v13 =	vld [tilespmem:s9+$0xFC0];
	_ =	sdelay $0x4  }
0x176: {  	v50 =	vadd.s32 v12, v13;
	vm15 =	vlt.s32 v13, $0x0  }
0x177: {  	v13 =	vsel vm15, v11, v50  }
0x178: {  	[tilespmem:$0x2640] =	vst v13  }
0x179: {  	v13 =	vld [tilespmem:s9+$0x1740];
	_ =	sdelay $0x4  }
0x17a: {  	v51 =	vadd.s32 v12, v13;
	vm4 =	vlt.s32 v13, $0x0  }
0x17b: {  	v13 =	vsel vm4, v11, v51  }
0x17c: {  	[tilespmem:$0x2690] =	vst v13  }
0x17d: {  	v13 =	vld [tilespmem:s9+$0x1EC0];
	_ =	sdelay $0x4  }
0x17e: {  	v12 =	vadd.s32 v12, v13;
	vm5 =	vlt.s32 v13, $0x0  }
0x17f: {  	s21 =	sadd.s32 $0x30, s18;
	v11 =	vsel vm5, v11, v12  }
0x180: {  	[tilespmem:$0x26E0] =	vst v11;
	v11 =	vor.u32 s21, v0  }
0x181: {  	v52 =	vmul.u32 $0x8889, v11;
	v53 =	vld [tilespmem:s9+$0xD0];
	_ =	sdelay $0x1  }
0x182: {  	v12 =	vshra.s32 v52, $0x15  }
0x183: {  	v12 =	vmul.u32 $0x3C, v12;
	_ =	sdelay $0x1  }
0x184: {  	v54 =	vadd.s32 v12, v53;
	vm6 =	vlt.s32 v53, $0x0  }
0x185: {  	v13 =	vsel vm6, v11, v54  }
0x186: {  	[tilespmem:$0x25B0] =	vst v13  }
0x187: {  	v13 =	vld [tilespmem:s9+$0x850];
	_ =	sdelay $0x4  }
0x188: {  	v55 =	vadd.s32 v12, v13;
	vm7 =	vlt.s32 v13, $0x0  }
0x189: {  	v13 =	vsel vm7, v11, v55  }
0x18a: {  	[tilespmem:$0x2600] =	vst v13  }
0x18b: {  	v13 =	vld [tilespmem:s9+$0xFD0];
	_ =	sdelay $0x4  }
0x18c: {  	v56 =	vadd.s32 v12, v13;
	vm8 =	vlt.s32 v13, $0x0  }
0x18d: {  	v13 =	vsel vm8, v11, v56  }
0x18e: {  	[tilespmem:$0x2650] =	vst v13  }
0x18f: {  	v13 =	vld [tilespmem:s9+$0x1750];
	_ =	sdelay $0x4  }
0x190: {  	v57 =	vadd.s32 v12, v13;
	vm9 =	vlt.s32 v13, $0x0  }
0x191: {  	v13 =	vsel vm9, v11, v57  }
0x192: {  	[tilespmem:$0x26A0] =	vst v13  }
0x193: {  	v13 =	vld [tilespmem:s9+$0x1ED0];
	_ =	sdelay $0x4  }
0x194: {  	v12 =	vadd.s32 v12, v13;
	vm10 =	vlt.s32 v13, $0x0  }
0x195: {  	s18 =	sadd.s32 $0x40, s18;
	v11 =	vsel vm10, v11, v12  }
0x196: {  	[tilespmem:$0x26F0] =	vst v11;
	v11 =	vor.u32 s18, v0  }
0x197: {  	v58 =	vmul.u32 $0x8889, v11;
	v59 =	vld [tilespmem:s9+$0xE0];
	_ =	sdelay $0x1  }
0x198: {  	v12 =	vshra.s32 v58, $0x15  }
0x199: {  	v12 =	vmul.u32 $0x3C, v12;
	_ =	sdelay $0x1  }
0x19a: {  	v60 =	vadd.s32 v12, v59;
	vm11 =	vlt.s32 v59, $0x0  }
0x19b: {  	v13 =	vsel vm11, v11, v60  }
0x19c: {  	[tilespmem:$0x25C0] =	vst v13  }
0x19d: {  	v13 =	vld [tilespmem:s9+$0x860];
	_ =	sdelay $0x4  }
0x19e: {  	v61 =	vadd.s32 v12, v13;
	vm12 =	vlt.s32 v13, $0x0  }
0x19f: {  	v13 =	vsel vm12, v11, v61  }
0x1a0: {  	[tilespmem:$0x2610] =	vst v13  }
0x1a1: {  	v13 =	vld [tilespmem:s9+$0xFE0];
	_ =	sdelay $0x4  }
0x1a2: {  	v62 =	vadd.s32 v12, v13;
	vm13 =	vlt.s32 v13, $0x0  }
0x1a3: {  	v13 =	vsel vm13, v11, v62  }
0x1a4: {  	[tilespmem:$0x2660] =	vst v13  }
0x1a5: {  	v13 =	vld [tilespmem:s9+$0x1760];
	_ =	sdelay $0x4  }
0x1a6: {  	v63 =	vadd.s32 v12, v13;
	vm14 =	vlt.s32 v13, $0x0  }
0x1a7: {  	v13 =	vsel vm14, v11, v63  }
0x1a8: {  	[tilespmem:$0x26B0] =	vst v13  }
0x1a9: {  	v13 =	vld [tilespmem:s9+$0x1EE0];
	_ =	sdelay $0x4  }
0x1aa: {  	v12 =	vadd.s32 v12, v13;
	vm15 =	vlt.s32 v13, $0x0  }
0x1ab: {  	v11 =	vsel vm15, v11, v12  }
0x1ac: {  	s18 =	simm.s32 $0x2580;
	[tilespmem:$0x2700] =	vst v11  }
0x1ad: {  	[tilespmem:s19], [sflag:$0x1] =	stream.indirect.gather [hbm4b:s2+s17], $0x80, s18, s17, $0xb8;
	[tilespmem:$0x1B900] =	vst v63  }
0x1ae: {  	s20 =	simm.s32 $0x25D0;
	s21 =	simm.s32 $0x5100  }
0x1af: {  	[tilespmem:s21], [sflag:$0x1] =	stream.indirect.gather [hbm4b:s2+s17], $0x80, s20, s17, $0xb8;
	[tilespmem:$0x1B900] =	vst v63  }
0x1b0: {  	_ = 	snop  }
0x1b1: {  	[tilespmem:s23], [sflag:$0x1] =	stream.indirect.gather [hbm4b:s2+s17], $0x80, s22, s17, $0xb8;
	[tilespmem:$0x1B900] =	vst v63  }
0x1b2: {  	_ = 	snop  }
0x1b3: {  	[tilespmem:s25], [sflag:$0x1] =	stream.indirect.gather [hbm4b:s2+s17], $0x80, s24, s17, $0xb8;
	[tilespmem:$0x1B900] =	vst v63  }
0x1b4: {  	_ = 	snop  }
0x1b5: {  	[tilespmem:s28], [sflag:$0x1] =	stream.indirect.gather [hbm4b:s2+s17], $0x80, s26, s17, $0xb8;
	[tilespmem:$0x1B900] =	vst v63  }
.LBB2_6:
0x1b6: {  	_ =	swait.ge [sflag:s8], $0x2800  }
0x1b7: {  	[sflag:s8] =	ssyncset.done $0x0  }
0x1b8: {  	[sflag:s8] =	ssyncadd.s32 $0xFFFFD800  }
0x1b9: {  	_ =	swait.ge [sflag:s8], $0x2800  }
0x1ba: {  	[sflag:s8] =	ssyncset.done $0x0  }
0x1bb: {  	[sflag:s8] =	ssyncadd.s32 $0xFFFFD800  }
0x1bc: {  	_ =	swait.ge [sflag:s8], $0x2800  }
0x1bd: {  	[sflag:s8] =	ssyncset.done $0x0  }
0x1be: {  	[sflag:s8] =	ssyncadd.s32 $0xFFFFD800  }
0x1bf: {  	_ =	swait.ge [sflag:s8], $0x2800  }
0x1c0: {  	[sflag:s8] =	ssyncset.done $0x0  }
0x1c1: {  	[sflag:s8] =	ssyncadd.s32 $0xFFFFD800  }
0x1c2: {  	_ =	swait.ge [sflag:s8], $0x2800  }
0x1c3: {  	[sflag:s8] =	ssyncset.done $0x0  }
0x1c4: {  	s9 =	simm.s32 $0x0;
	[sflag:s8] =	ssyncadd.s32 $0xFFFFD800  }
0x1c5: {  	v14 =	vld [tilespmem:s9+$0x19100]  }
0x1c6: {  	v13 =	vld [tilespmem:s9+$0x19110]  }
0x1c7: {  	v12 =	vld [tilespmem:s9+$0x19120]  }
0x1c8: {  	v11 =	vld [tilespmem:s9+$0x19130]  }
0x1c9: {  	v17 =	vld [tilespmem:s9+$0x11900]  }
0x1ca: {  	v18 =	vld [tilespmem:s9+$0x14100]  }
0x1cb: {  	v19 =	vld [tilespmem:s9+$0x16900]  }
0x1cc: {  	v25 =	vld [tilespmem:s9+$0x11910]  }
0x1cd: {  	v20 =	vld [tilespmem:s9+$0x14110]  }
0x1ce: {  	v21 =	vld [tilespmem:s9+$0x16910]  }
0x1cf: {  	v26 =	vld [tilespmem:s9+$0x11920]  }
0x1d0: {  	v22 =	vld [tilespmem:s9+$0x14120]  }
0x1d1: {  	v23 =	vld [tilespmem:s9+$0x16920]  }
0x1d2: {  	v31 =	vld [tilespmem:s9+$0x11930]  }
0x1d3: {  	v27 =	vld [tilespmem:s9+$0x14130]  }
0x1d4: {  	v28 =	vld [tilespmem:s9+$0x16930]  }
0x1d5: {  	v15 =	vld [tilespmem:s9+$0x11940]  }
0x1d6: {  	v29 =	vld [tilespmem:s9+$0x14140]  }
0x1d7: {  	v30 =	vld [tilespmem:s9+$0x16940]  }
0x1d8: {  	v16 =	vld [tilespmem:s9+$0x11950]  }
0x1d9: {  	v32 =	vld [tilespmem:s9+$0x14150]  }
0x1da: {  	v33 =	vld [tilespmem:s9+$0x16950]  }
0x1db: {  	v34 =	vld [tilespmem:s9+$0x14160]  }
0x1dc: {  	v35 =	vld [tilespmem:s9+$0x16960]  }
0x1dd: {  	v36 =	vld [tilespmem:s9+$0x14170]  }
0x1de: {  	v37 =	vld [tilespmem:s9+$0x16970]  }
0x1df: {  	v38 =	vld [tilespmem:s9+$0xF100]  }
0x1e0: {  	v39 =	vld [tilespmem:s9+$0xF110]  }
0x1e1: {  	v42 =	vld [tilespmem:s9+$0xF120];
	v40 =	vadd.f32 v19, v18;
	v41 =	vadd.f32 v21, v20  }
0x1e2: {  	v43 =	vld [tilespmem:s9+$0xF130];
	v24 =	vadd.f32 v23, v22;
	v23 =	vadd.f32 v28, v27  }
0x1e3: {  	v21 =	vadd.f32 v30, v29;
	v19 =	vadd.f32 v33, v32;
	v22 =	vld [tilespmem:s9+$0x11960]  }
0x1e4: {  	v27 =	vadd.f32 v17, v38;
	v17 =	vadd.f32 v35, v34;
	v20 =	vld [tilespmem:s9+$0x11970]  }
0x1e5: {  	v30 =	vadd.f32 v25, v39;
	v25 =	vld [tilespmem:s9+$0xF140];
	v18 =	vadd.f32 v37, v36  }
0x1e6: {  	v29 =	vadd.f32 v26, v42;
	v28 =	vadd.f32 v40, v27;
	v27 =	vld [tilespmem:s9+$0xF150]  }
0x1e7: {  	s18 =	simm.s32 $0x200;
	v31 =	vadd.f32 v31, v43;
	v26 =	vld [tilespmem:s9+$0xF160];
	v30 =	vadd.f32 v41, v30  }
.LBB2_7:
0x1e8: {  	p0 =	sne.s32 s18, $0x9E00;
	v14 =	vadd.f32 v28, v14;
	v24 =	vadd.f32 v24, v29;
	v28 =	vld [tilespmem:s9+$0xF170]  }
0x1e9: {  	v13 =	vadd.f32 v30, v13;
	v23 =	vadd.f32 v23, v31;
	v29 =	vld [tilespmem:s9+$0x19140]  }
0x1ea: {  	v12 =	vadd.f32 v24, v12;
	v15 =	vadd.f32 v15, v25;
	v24 =	vld [tilespmem:s9+$0x19150]  }
0x1eb: {  	v11 =	vadd.f32 v23, v11;
	v16 =	vadd.f32 v16, v27;
	v23 =	vld [tilespmem:s9+$0x19160]  }
0x1ec: {  	s20 =	sshra.s32 s18, $0x2;
	[tilespmem:s9+$0xF100] =	vst v14;
	v15 =	vadd.f32 v21, v15;
	v21 =	vadd.f32 v22, v26;
	v22 =	vld [tilespmem:s9+$0x19170]  }
0x1ed: {  	v14 =	vld [tilespmem:s20+$0x19100];
	[tilespmem:s9+$0xF110] =	vst v13;
	v16 =	vadd.f32 v19, v16;
	v19 =	vadd.f32 v20, v28  }
0x1ee: {  	v13 =	vld [tilespmem:s20+$0x19110];
	[tilespmem:s9+$0xF120] =	vst v12;
	v15 =	vadd.f32 v15, v29;
	v17 =	vadd.f32 v17, v21  }
0x1ef: {  	v12 =	vld [tilespmem:s20+$0x19120];
	[tilespmem:s9+$0xF130] =	vst v11;
	v16 =	vadd.f32 v16, v24;
	v18 =	vadd.f32 v18, v19  }
0x1f0: {  	v11 =	vld [tilespmem:s20+$0x19130];
	[tilespmem:s9+$0xF140] =	vst v15;
	v15 =	vadd.f32 v17, v23  }
0x1f1: {  	v17 =	vld [tilespmem:s20+$0x11900];
	[tilespmem:s9+$0xF150] =	vst v16;
	v16 =	vadd.f32 v18, v22  }
0x1f2: {  	v18 =	vld [tilespmem:s20+$0x14100];
	[tilespmem:s9+$0xF160] =	vst v15  }
0x1f3: {  	v19 =	vld [tilespmem:s20+$0x16900];
	[tilespmem:s9+$0xF170] =	vst v16;
	s9 =	smov.u32 s20  }
0x1f4: {  	v25 =	vld [tilespmem:s9+$0x11910]  }
0x1f5: {  	v20 =	vld [tilespmem:s9+$0x14110]  }
0x1f6: {  	v21 =	vld [tilespmem:s9+$0x16910]  }
0x1f7: {  	v26 =	vld [tilespmem:s9+$0x11920]  }
0x1f8: {  	v22 =	vld [tilespmem:s9+$0x14120]  }
0x1f9: {  	v23 =	vld [tilespmem:s9+$0x16920]  }
0x1fa: {  	v31 =	vld [tilespmem:s9+$0x11930]  }
0x1fb: {  	v27 =	vld [tilespmem:s9+$0x14130]  }
0x1fc: {  	v28 =	vld [tilespmem:s9+$0x16930]  }
0x1fd: {  	v15 =	vld [tilespmem:s9+$0x11940]  }
0x1fe: {  	v29 =	vld [tilespmem:s9+$0x14140]  }
0x1ff: {  	v30 =	vld [tilespmem:s9+$0x16940]  }
0x200: {  	v16 =	vld [tilespmem:s9+$0x11950]  }
0x201: {  	v32 =	vld [tilespmem:s9+$0x14150]  }
0x202: {  	v33 =	vld [tilespmem:s9+$0x16950]  }
0x203: {  	v34 =	vld [tilespmem:s9+$0x14160]  }
0x204: {  	v35 =	vld [tilespmem:s9+$0x16960]  }
0x205: {  	v36 =	vld [tilespmem:s9+$0x14170]  }
0x206: {  	v37 =	vld [tilespmem:s9+$0x16970]  }
0x207: {  	v38 =	vld [tilespmem:s9+$0xF100]  }
0x208: {  	v39 =	vld [tilespmem:s9+$0xF110]  }
0x209: {  	v40 =	vadd.f32 v19, v18;
	v41 =	vadd.f32 v21, v20;
	v42 =	vld [tilespmem:s9+$0xF120]  }
0x20a: {  	v24 =	vadd.f32 v23, v22;
	v23 =	vadd.f32 v28, v27;
	v43 =	vld [tilespmem:s9+$0xF130]  }
.Ltmp2:
0x20b: {  	v21 =	vadd.f32 v30, v29;
	v19 =	vadd.f32 v33, v32;
	v22 =	vld [tilespmem:s9+$0x11960];
	(pc) =	sbr.rel @p0 .LBB2_7-.Ltmp2, $4  }
0x20c: {  	v27 =	vadd.f32 v17, v38;
	v17 =	vadd.f32 v35, v34;
	v20 =	vld [tilespmem:s9+$0x11970]  }
0x20d: {  	v18 =	vadd.f32 v37, v36;
	v30 =	vadd.f32 v25, v39;
	v25 =	vld [tilespmem:s9+$0xF140]  }
0x20e: {  	v28 =	vadd.f32 v40, v27;
	v29 =	vadd.f32 v26, v42;
	v27 =	vld [tilespmem:s9+$0xF150]  }
0x20f: {  	s18 =	sadd.s32 $0x200, s18;
	v30 =	vadd.f32 v41, v30;
	v31 =	vadd.f32 v31, v43;
	v26 =	vld [tilespmem:s9+$0xF160]  }
0x210: {  	v32 =	vld [tilespmem:s9+$0xF170];
	v14 =	vadd.f32 v28, v14;
	v24 =	vadd.f32 v24, v29  }
0x211: {  	v52 =	vld [tilespmem:s9+$0x19140];
	v13 =	vadd.f32 v30, v13;
	v23 =	vadd.f32 v23, v31  }
0x212: {  	v53 =	vld [tilespmem:s9+$0x19150];
	v12 =	vadd.f32 v24, v12;
	v15 =	vadd.f32 v15, v25  }
0x213: {  	v54 =	vld [tilespmem:s9+$0x19160];
	v11 =	vadd.f32 v23, v11;
	v16 =	vadd.f32 v16, v27  }
0x214: {  	v57 =	vld [tilespmem:s9+$0x19170];
	[tilespmem:s9+$0xF100] =	vst v14;
	v55 =	vadd.f32 v21, v15;
	v56 =	vadd.f32 v22, v26  }
0x215: {  	[tilespmem:s9+$0xF110] =	vst v13;
	v58 =	vadd.f32 v19, v16;
	v59 =	vadd.f32 v20, v32  }
0x216: {  	[tilespmem:s9+$0xF120] =	vst v12;
	v60 =	vadd.f32 v55, v52;
	v61 =	vadd.f32 v17, v56  }
0x217: {  	[tilespmem:s9+$0xF130] =	vst v11;
	v11 =	vadd.f32 v58, v53;
	v62 =	vadd.f32 v18, v59  }
0x218: {  	[tilespmem:s9+$0xF140] =	vst v60;
	v63 =	vadd.f32 v61, v54  }
0x219: {  	s10 =	sadd.s32 $0x1, s10;
	[tilespmem:s9+$0xF150] =	vst v11;
	v11 =	vadd.f32 v62, v57  }
0x21a: {  	s11 =	sshll.u32 s11, $0x4;
	p0 =	sne.s32 s10, $0xC;
	[tilespmem:s9+$0xF160] =	vst v63  }
.Ltmp3:
0x21b: {  	s21 =	sadd.s32 s5, s11;
	[tilespmem:s9+$0xF170] =	vst v11;
	(pc) =	sbr.rel @p0 .LBB2_2-.Ltmp3, $4  }
0x21c: {  	[hbm4b:s21+s3] =	stream.linear.scatter [tilespmem:s30], [sflag:$0x3], $0x2800, $0x38;
	[tilespmem:$0x1B900] =	vst v63  }
0x21d: {  	_ =	swait.ge [sflag:s12], $0x2800  }
0x21e: {  	[sflag:s12] =	ssyncset.done $0x0  }
0x21f: {  	[sflag:s12] =	ssyncadd.s32 $0xFFFFD800  }
0x220: {  	s10 =	rddreg [dreg:$0x9]  }
0x221: {  	s9 =	rddreg [dreg:$0x8];
	s10 =	sadd.s32 $0x1, s10  }
0x222: {  	p0 =	sne.s32 s10, s9  }
.Ltmp4:
0x223: {  	_ = 	snop;
	(pc) =	sbr.rel @p0 .LBB2_1-.Ltmp4, $1  }
0x224: {  	_ =	sdelay $0x3  }
0x225: {  	_ =	sfence.sel $0x180000  }
0x226: {  	[bflag:$0x0] =	sbarrier.arrive $0xFFFF  }
0x227: {  	_ =	strace $0x90000047  }
0x228: {  	s0 =	stileid.u32;
	[bflag:$0x2] =	sbarrier.arrive $0xFFFF  }
0x229: {  	p0 =	sne.s32 s0, $0x0;
	s0 =	rddreg [dreg:$0x2]  }
0x22a: {  	s0 =	sadd.s32 @!p0 $0x100000, s0  }
0x22b: {  	[sflag:s0] =	ssyncadd.tile.s32 @!p0 $0x1;
	_ =	shalt  }
.Lfunc_end2:
_tile_overlayer_lowered:
.L_overlay_start_2:
0x22c: {  	(tag) =	ssettag $0x2  }
0x22d: {  	s0 =	rddreg [dreg:$0x0];
	s2 =	stileid.u32  }
0x22e: {  	s1 =	rddreg [dreg:$0x1];
	p0 =	sne.s32 s2, $0x0  }
0x22f: {  	s3 =	rddreg [dreg:$0x2];
	[bflag:$0x3] =	sbarrier.arrive $0xFFFF;
	s2 =	simm.s32 @!p0 $0x1C03  }
0x230: {  	[timem:s3], [sflag:s2] =	dma.local @!p0 [hbm:s0], s1  }
0x231: {  	s0 =	simm.s32 @!p0 $0x3  }
0x232: {  	_ =	swait.ge @!p0 [sflag:s0], s1  }
0x233: {  	s1 =	ssub.s32 @!p0 $0x0, s1;
	[sflag:s0] =	ssyncset.done @!p0 $0x0  }
0x234: {  	[sflag:s0] =	ssyncadd.s32 @!p0 s1  }
0x235: {  	[bflag:$0x3] =	sbarrier.arrive $0xFFFF  }
0x236: {  	_ =	shalt  }

</sc_bundles>
